<compile_context>
chip_gen: v7x
topology: tpu7x:2x2x1
jax: 0.10.2.dev20260603
libtpu: 0.0.44.dev20260713+nightly
codegen_flags: <defaults>
</compile_context>

<pallas_src>
import jax
import jax.numpy as jnp
from jax import lax
from jax.experimental import pallas as pl
from jax.experimental.pallas import tpu as pltpu
from jax.experimental.pallas import tpu_sc as plsc

N = 10000
DIM = 128
HID = 8
HEADS = 8
NCLS = 2
F1 = HEADS * HID

NC = 2
NS = 16
NW = NC * NS
LANES = 16

ROW1 = 80
ROW2 = 16
SROW2 = 32
CHK = 125
NCHK = 80
PADN = 10240




def _l1_prologue_body(x_ref, w1_ref, msrc_ref, mdst_ref, st_ref, dt_ref, c_ref):
    h = jnp.dot(x_ref[...], w1_ref[...], preferred_element_type=jnp.float32)
    as1 = jnp.dot(h, msrc_ref[...], preferred_element_type=jnp.float32)
    ad1 = jnp.dot(h, mdst_ref[...], preferred_element_type=jnp.float32)
    st_ref[...] = jnp.concatenate([h, as1, as1], axis=1)
    dt_ref[...] = jnp.concatenate([ad1, ad1], axis=1)
    c8 = (jnp.max(as1, axis=0, keepdims=True)
          + jnp.max(ad1, axis=0, keepdims=True))
    c_ref[...] = jnp.concatenate([c8, c8], axis=1)


def _head_expand(m):
    row = lax.broadcasted_iota(jnp.int32, (HEADS, F1), 0)
    col = lax.broadcasted_iota(jnp.int32, (HEADS, F1), 1)
    r = (col % HID == row).astype(jnp.float32)
    return jnp.dot(m, r, preferred_element_type=jnp.float32)


def _l1_finalize_body(acc_ref, st_ref, dt_ref, c_ref, b1_ref, w2_ref,
                      asv_ref, adv_ref, st2_ref, dt2_ref, c2_ref):
    a = acc_ref[0, 0:N, :] + acc_ref[1, 0:N, :]
    u = a[:, 0:F1]
    se = a[:, F1:F1 + HEADS]
    h1 = st_ref[:, 0:F1]
    as1 = st_ref[:, F1:F1 + HEADS]
    ad1 = dt_ref[:, 0:HEADS]
    c = c_ref[:, 0:HEADS]
    t = as1 + ad1
    e = jnp.maximum(t, 0.2 * t)
    exl = jnp.exp(e - c)
    s = se + exl + 1e-16
    out1 = ((u + _head_expand(exl) * h1) * _head_expand(1.0 / s)
            + b1_ref[...])
    h1e = jnp.where(out1 > 0, out1, jnp.exp(jnp.minimum(out1, 0.0)) - 1.0)
    h2 = jnp.dot(h1e, w2_ref[...], preferred_element_type=jnp.float32)
    as2 = jnp.dot(h2, asv_ref[...], preferred_element_type=jnp.float32)
    ad2 = jnp.dot(h2, adv_ref[...], preferred_element_type=jnp.float32)
    ones = jnp.ones((N, 1), jnp.float32)
    as2b = jnp.broadcast_to(as2, (N, LANES))
    ad2b = jnp.broadcast_to(ad2, (N, LANES))
    st2_ref[...] = jnp.concatenate(
        [h2, ones, jnp.zeros((N, 13), jnp.float32), as2b], axis=1)
    dt2_ref[...] = ad2b
    c2 = (jnp.max(as2, axis=0, keepdims=True)
          + jnp.max(ad2, axis=0, keepdims=True))
    c2_ref[...] = jnp.broadcast_to(c2, (1, LANES))


def _l2_finalize_body(acc_ref, st2_ref, dt2_ref, c2_ref, b2_ref, out_ref):
    a = acc_ref[0, 0:N, :] + acc_ref[1, 0:N, :]
    u = a[:, 0:NCLS]
    se = a[:, NCLS:NCLS + 1]
    h2 = st2_ref[:, 0:NCLS]
    as2 = st2_ref[:, LANES:LANES + 1]
    ad2 = dt2_ref[:, 3:4]
    c2 = c2_ref[:, 3:4]
    t = as2 + ad2
    e = jnp.maximum(t, 0.2 * t)
    exl = jnp.exp(e - c2)
    s = se + exl + 1e-16
    out_ref[...] = (u + exl * h2) / s + b2_ref[...]




def _sc_edges_l1(src_hbm, dst_hbm, st_hbm, dt_hbm, c_hbm, out_hbm,
                 acc, sidx_v, didx_v, srows_v, drows_v, stage_v,
                 cvec_v, semg0, semg1, semc0, semc1):
    cid = lax.axis_index("c")
    sid = lax.axis_index("s")
    wid = cid * NS + sid
    rows = PADN // NS
    r0 = sid * rows

    def zrow(i):
        for j in range(ROW1 // LANES):
            stage_v[0, i, pl.ds(LANES * j, LANES)] = jnp.zeros(
                (LANES,), jnp.float32)

    plsc.parallel_loop(0, CHK, unroll=8)(zrow)
    for k in range(rows // 80):
        pltpu.sync_copy(stage_v.at[0, pl.ds(0, 80)],
                        acc.at[pl.ds(r0 + 80 * k, 80)])
    pltpu.sync_copy(c_hbm, cvec_v)
    pltpu.sync_copy(src_hbm.at[wid], sidx_v)
    pltpu.sync_copy(dst_hbm.at[wid], didx_v)
    plsc.subcore_barrier()

    cv = cvec_v[0, :]
    semg = (semg0, semg1)
    semc = (semc0, semc1)

    def gathers(t, p):
        return (
            pltpu.make_async_copy(st_hbm.at[sidx_v.at[t]], srows_v.at[p],
                                  semg[p]),
            pltpu.make_async_copy(dt_hbm.at[didx_v.at[t]], drows_v.at[p],
                                  semg[p]),
        )

    def scatter(t, p):
        return pltpu.make_async_copy(stage_v.at[p], acc.at[didx_v.at[t]],
                                     semc[p])

    for g in gathers(0, 0):
        g.start()
    for g in gathers(1, 1):
        g.start()

    def pair(t2, carry):
        for p in (0, 1):
            t = 2 * t2 + p
            for g in gathers(t, p):
                g.wait()

            @pl.when(t2 > 0)
            def _():
                scatter(t - 2, p).wait()

            def edge(i):
                va = srows_v[p, i, pl.ds(F1, LANES)]
                vd = drows_v[p, i, pl.ds(0, LANES)]
                tt = va + vd
                e = jnp.maximum(tt, 0.2 * tt)
                exd = jnp.exp(e - cv)
                stage_v[p, i, pl.ds(F1, LANES)] = exd
                for j in range(4):
                    hv = srows_v[p, i, pl.ds(LANES * j, LANES)]
                    stage_v[p, i, pl.ds(LANES * j, LANES)] = hv * exd

            plsc.parallel_loop(0, CHK, unroll=8)(edge)

            @pl.when(t + 2 < NCHK)
            def _():
                for g in gathers(t + 2, p):
                    g.start()

            scatter(t, p).start(add=True)
        return carry

    lax.fori_loop(0, NCHK // 2, pair, 0)
    scatter(NCHK - 2, 0).wait()
    scatter(NCHK - 1, 1).wait()
    plsc.subcore_barrier()
    pltpu.sync_copy(acc.at[pl.ds(r0, rows)],
                    out_hbm.at[cid, pl.ds(r0, rows)])


def _sc_edges_l2(src_hbm, dst_hbm, st_hbm, dt_hbm, c_hbm, out_hbm,
                 acc, sidx_v, didx_v, srows_v, drows_v, stage_v,
                 cvec_v, semg0, semg1, semc0, semc1):
    cid = lax.axis_index("c")
    sid = lax.axis_index("s")
    wid = cid * NS + sid
    rows = PADN // NS
    r0 = sid * rows

    def zrow(i):
        stage_v[0, i, pl.ds(0, LANES)] = jnp.zeros((LANES,), jnp.float32)

    plsc.parallel_loop(0, CHK, unroll=8)(zrow)
    for k in range(rows // 80):
        pltpu.sync_copy(stage_v.at[0, pl.ds(0, 80)],
                        acc.at[pl.ds(r0 + 80 * k, 80)])
    pltpu.sync_copy(c_hbm, cvec_v)
    pltpu.sync_copy(src_hbm.at[wid], sidx_v)
    pltpu.sync_copy(dst_hbm.at[wid], didx_v)
    plsc.subcore_barrier()

    cv = cvec_v[0, :]
    semg = (semg0, semg1)
    semc = (semc0, semc1)

    def gathers(t, p):
        return (
            pltpu.make_async_copy(st_hbm.at[sidx_v.at[t]], srows_v.at[p],
                                  semg[p]),
            pltpu.make_async_copy(dt_hbm.at[didx_v.at[t]], drows_v.at[p],
                                  semg[p]),
        )

    def scatter(t, p):
        return pltpu.make_async_copy(stage_v.at[p], acc.at[didx_v.at[t]],
                                     semc[p])

    for g in gathers(0, 0):
        g.start()
    for g in gathers(1, 1):
        g.start()

    def pair(t2, carry):
        for p in (0, 1):
            t = 2 * t2 + p
            for g in gathers(t, p):
                g.wait()

            @pl.when(t2 > 0)
            def _():
                scatter(t - 2, p).wait()

            def edge(i):
                va = srows_v[p, i, pl.ds(LANES, LANES)]
                vd = drows_v[p, i, pl.ds(0, LANES)]
                w = va + vd
                e = jnp.maximum(w, 0.2 * w)
                exd = jnp.exp(e - cv)
                vm = srows_v[p, i, pl.ds(0, LANES)]
                stage_v[p, i, pl.ds(0, LANES)] = vm * exd

            plsc.parallel_loop(0, CHK, unroll=16)(edge)

            @pl.when(t + 2 < NCHK)
            def _():
                for g in gathers(t + 2, p):
                    g.start()

            scatter(t, p).start(add=True)
        return carry

    lax.fori_loop(0, NCHK // 2, pair, 0)
    scatter(NCHK - 2, 0).wait()
    scatter(NCHK - 1, 1).wait()
    plsc.subcore_barrier()
    pltpu.sync_copy(acc.at[pl.ds(r0, rows)],
                    out_hbm.at[cid, pl.ds(r0, rows)])




def kernel(x, edge_index, W1, a_src1, a_dst1, b1, W2, a_src2, a_dst2, b2):
    f32 = jnp.float32
    src = edge_index[0].reshape(NW, NCHK, CHK)
    dst = edge_index[1].reshape(NW, NCHK, CHK)

    eye = jnp.eye(HEADS, dtype=f32)
    msrc = (a_src1[:, :, None] * eye[:, None, :]).reshape(F1, HEADS)
    mdst = (a_dst1[:, :, None] * eye[:, None, :]).reshape(F1, HEADS)
    pidx = 8 * (jnp.arange(F1) % HEADS) + jnp.arange(F1) // HEADS
    W1p = W1[:, pidx]
    msrcp = msrc[pidx, :]
    mdstp = mdst[pidx, :]
    b1p = b1.reshape(HEADS, HID).T.reshape(F1)
    W2p = W2.reshape(HEADS, HID, NCLS).transpose(1, 0, 2).reshape(F1, NCLS)

    st1, dt1, c1 = pl.pallas_call(
        _l1_prologue_body,
        out_shape=[
            jax.ShapeDtypeStruct((N, ROW1), f32),
            jax.ShapeDtypeStruct((N, 16), f32),
            jax.ShapeDtypeStruct((1, 16), f32),
        ],
    )(x, W1p, msrcp, mdstp)

    mesh = plsc.VectorSubcoreMesh(core_axis_name="c", subcore_axis_name="s")
    sc_params = pltpu.CompilerParams(needs_layout_passes=False,
                                     use_tc_tiling_on_sc=False)
    acc1 = pl.kernel(
        _sc_edges_l1,
        out_type=jax.ShapeDtypeStruct((NC, PADN, ROW1), f32),
        mesh=mesh,
        compiler_params=sc_params,
        scratch_types=[
            pltpu.VMEM_SHARED((PADN, ROW1), f32),
            pltpu.VMEM((NCHK, CHK), jnp.int32),
            pltpu.VMEM((NCHK, CHK), jnp.int32),
            pltpu.VMEM((2, CHK, ROW1), f32),
            pltpu.VMEM((2, CHK, 16), f32),
            pltpu.VMEM((2, CHK, ROW1), f32),
            pltpu.VMEM((1, 16), f32),
            pltpu.SemaphoreType.DMA,
            pltpu.SemaphoreType.DMA,
            pltpu.SemaphoreType.DMA,
            pltpu.SemaphoreType.DMA,
        ],
    )(src, dst, st1, dt1, c1)

    st2, dt2, c2 = pl.pallas_call(
        _l1_finalize_body,
        out_shape=[
            jax.ShapeDtypeStruct((N, SROW2), f32),
            jax.ShapeDtypeStruct((N, ROW2), f32),
            jax.ShapeDtypeStruct((1, 16), f32),
        ],
    )(acc1, st1, dt1, c1, b1p, W2p, a_src2.reshape(NCLS, 1),
      a_dst2.reshape(NCLS, 1))

    acc2 = pl.kernel(
        _sc_edges_l2,
        out_type=jax.ShapeDtypeStruct((NC, PADN, ROW2), f32),
        mesh=mesh,
        compiler_params=sc_params,
        scratch_types=[
            pltpu.VMEM_SHARED((PADN, ROW2), f32),
            pltpu.VMEM((NCHK, CHK), jnp.int32),
            pltpu.VMEM((NCHK, CHK), jnp.int32),
            pltpu.VMEM((2, CHK, SROW2), f32),
            pltpu.VMEM((2, CHK, ROW2), f32),
            pltpu.VMEM((2, CHK, ROW2), f32),
            pltpu.VMEM((1, 16), f32),
            pltpu.SemaphoreType.DMA,
            pltpu.SemaphoreType.DMA,
            pltpu.SemaphoreType.DMA,
            pltpu.SemaphoreType.DMA,
        ],
    )(src, dst, st2, dt2, c2)

    out = pl.pallas_call(
        _l2_finalize_body,
        out_shape=jax.ShapeDtypeStruct((N, NCLS), f32),
    )(acc2, st2, dt2, c2, b2)
    return out

# --- scband reference (transcript-rebuilt; emitter-appended) ---
"""Pipeline reference for scband-gat-17892833755184 (READ-ONLY COPY).

The authoritative reference and input builder live on the scoring server;
editing this copy changes nothing except your own understanding.
"""

import jax, jax.numpy as jnp
import numpy as np

N = 10000
E = 320000
DIM = 128
HID = 8
HEADS = 8
NCLS = 2


def setup_inputs(seed: int = 0) -> dict:
    key = jax.random.key(seed)
    ks = jax.random.split(key, 12)
    x = jax.random.normal(ks[0], (N, DIM), dtype=jnp.float32)
    edge_index = jax.random.randint(ks[1], (2, E), 0, N, dtype=jnp.int32)
    # conv1: GATConv(DIM, HID, heads=HEADS), concat=True -> out dim HEADS*HID
    W1 = jax.random.normal(ks[2], (DIM, HEADS * HID), dtype=jnp.float32) * (1.0 / np.sqrt(DIM))
    a_src1 = jax.random.normal(ks[3], (HEADS, HID), dtype=jnp.float32) * 0.1
    a_dst1 = jax.random.normal(ks[4], (HEADS, HID), dtype=jnp.float32) * 0.1
    b1 = jnp.zeros((HEADS * HID,), dtype=jnp.float32)
    # conv2: GATConv(HEADS*HID, NCLS), heads=1 default
    W2 = jax.random.normal(ks[5], (HEADS * HID, 1 * NCLS), dtype=jnp.float32) * (1.0 / np.sqrt(HEADS * HID))
    a_src2 = jax.random.normal(ks[6], (1, NCLS), dtype=jnp.float32) * 0.1
    a_dst2 = jax.random.normal(ks[7], (1, NCLS), dtype=jnp.float32) * 0.1
    b2 = jnp.zeros((NCLS,), dtype=jnp.float32)
    return {"x": x, "edge_index": edge_index, "W1": W1, "a_src1": a_src1, "a_dst1": a_dst1, "b1": b1, "W2": W2, "a_src2": a_src2, "a_dst2": a_dst2, "b2": b2}


def gat_conv(x, edge_index, W, a_src, a_dst, b, heads, out_ch):
    n = x.shape[0]
    loop = jnp.arange(n, dtype=edge_index.dtype)
    src = jnp.concatenate([edge_index[0], loop])  # PyG adds self-loops by default
    dst = jnp.concatenate([edge_index[1], loop])
    h = (x @ W).reshape(n, heads, out_ch)
    alpha_src = jnp.sum(h * a_src[None, :, :], axis=-1)  # [N, H]
    alpha_dst = jnp.sum(h * a_dst[None, :, :], axis=-1)  # [N, H]
    e = alpha_src[src] + alpha_dst[dst]                  # [Etot, H]
    e = jax.nn.leaky_relu(e, negative_slope=0.2)
    m = jax.ops.segment_max(e, dst, num_segments=n)
    m = jnp.where(jnp.isfinite(m), m, 0.0)
    ex = jnp.exp(e - m[dst])
    s = jax.ops.segment_sum(ex, dst, num_segments=n)
    alpha = ex / (s[dst] + 1e-16)                        # per-dst softmax
    msg = h[src] * alpha[:, :, None]
    out = jax.ops.segment_sum(msg, dst, num_segments=n)  # [N, H, C]
    return out.reshape(n, heads * out_ch) + b


def reference(x, edge_index, W1, a_src1, a_dst1, b1, W2, a_src2, a_dst2, b2):
    # eval mode: dropout(p=0.6, training=False) is identity
    h = gat_conv(x, edge_index, W1, a_src1, a_dst1, b1, HEADS, HID)
    h = jax.nn.elu(h)
    out = gat_conv(h, edge_index, W2, a_src2, a_dst2, b2, 1, NCLS)
    return out

if __name__ == "__main__":
    import jax
    _d = setup_inputs()
    print(jax.jit(kernel)(*tuple(_d.values())))

</pallas_src>

<mosaic_0001>
#map = affine_map<(d0, d1) -> (0, 0, 0)>
#map1 = affine_map<(d0, d1) -> (0, 0)>
module attributes {stable_mosaic.version = 14 : i64} {
  func.func @_sc_edges_l1(%arg0: i32, %arg1: i32, %arg2: memref<32x80x125xi32, #tpu.memory_space<hbm>>, %arg3: memref<32x80x125xi32, #tpu.memory_space<hbm>>, %arg4: memref<10000x80xf32, #tpu.memory_space<hbm>>, %arg5: memref<10000x16xf32, #tpu.memory_space<hbm>>, %arg6: memref<1x16xf32, #tpu.memory_space<hbm>>, %arg7: memref<2x10240x80xf32, #tpu.memory_space<hbm>>, %arg8: memref<10240x80xf32, #tpu.memory_space<vmem_shared>>, %arg9: memref<80x125xi32, #tpu.memory_space<vmem>>, %arg10: memref<80x125xi32, #tpu.memory_space<vmem>>, %arg11: memref<2x125x80xf32, #tpu.memory_space<vmem>>, %arg12: memref<2x125x16xf32, #tpu.memory_space<vmem>>, %arg13: memref<2x125x80xf32, #tpu.memory_space<vmem>>, %arg14: memref<1x16xf32, #tpu.memory_space<vmem>>, %arg15: memref<!tpu.dma_semaphore, #tpu.memory_space<semaphore_mem>>, %arg16: memref<!tpu.dma_semaphore, #tpu.memory_space<semaphore_mem>>, %arg17: memref<!tpu.dma_semaphore, #tpu.memory_space<semaphore_mem>>, %arg18: memref<!tpu.dma_semaphore, #tpu.memory_space<semaphore_mem>>) attributes {dimension_semantics = [#tpu.dimension_semantics<core_parallel>, #tpu.dimension_semantics<subcore_parallel>], iteration_bounds = array<i64: 2, 16>, scalar_prefetch = 0 : i64, scratch_operands = 11 : i64, tpu.core_type = #tpu.core_type<sc_vector_subcore>, window_params = [{transform_indices = #map}, {transform_indices = #map}, {transform_indices = #map1}, {transform_indices = #map1}, {transform_indices = #map1}, {transform_indices = #map}]} {
    %mul3A = arith.constant 16 : i32
    %mul3A_0 = arith.muli %arg0, %mul3A : i32
    %add3A = arith.addi %mul3A_0, %arg1 : i32
    %mul3A_1 = arith.constant 640 : i32
    %mul3A_2 = arith.muli %arg1, %mul3A_1 : i32
    %parallel_loop3A = arith.constant 0 : i32
    %parallel_loop3A_3 = arith.constant 125 : i32
    %parallel_loop3A_4 = arith.constant 1 : i32
    scf.for %parallel_loop3A_107 = %parallel_loop3A to %parallel_loop3A_3 step %parallel_loop3A_4  : i32 {
      %parallel_loop3A_108 = arith.constant 0.000000e+00 : f32
      %parallel_loop3A_109 = vector.broadcast %parallel_loop3A_108 : f32 to vector<16xf32>
      %parallel_loop3A_110 = arith.constant 0 : i32
      %parallel_loop3A_111 = arith.index_cast %parallel_loop3A_110 : i32 to index
      %parallel_loop3A_112 = arith.index_cast %parallel_loop3A_107 : i32 to index
      %parallel_loop3A_113 = arith.constant 0 : index
      %parallel_loop3A_114 = tpu.vector_load %arg13[%parallel_loop3A_111, %parallel_loop3A_112, %parallel_loop3A_113] {strides = array<i32>} : memref<2x125x80xf32, #tpu.memory_space<vmem>>, vector<16xf32>,
      tpu.vector_store %arg13[%parallel_loop3A_111, %parallel_loop3A_112, %parallel_loop3A_113], %parallel_loop3A_109 {strides = array<i32>} : memref<2x125x80xf32, #tpu.memory_space<vmem>>, vector<16xf32>,
      %parallel_loop3A_115 = arith.constant 0.000000e+00 : f32
      %parallel_loop3A_116 = vector.broadcast %parallel_loop3A_115 : f32 to vector<16xf32>
      %parallel_loop3A_117 = arith.constant 0 : i32
      %parallel_loop3A_118 = arith.index_cast %parallel_loop3A_117 : i32 to index
      %parallel_loop3A_119 = arith.index_cast %parallel_loop3A_107 : i32 to index
      %parallel_loop3A_120 = arith.constant 16 : index
      %parallel_loop3A_121 = tpu.vector_load %arg13[%parallel_loop3A_118, %parallel_loop3A_119, %parallel_loop3A_120] {strides = array<i32>} : memref<2x125x80xf32, #tpu.memory_space<vmem>>, vector<16xf32>,
      tpu.vector_store %arg13[%parallel_loop3A_118, %parallel_loop3A_119, %parallel_loop3A_120], %parallel_loop3A_116 {strides = array<i32>} : memref<2x125x80xf32, #tpu.memory_space<vmem>>, vector<16xf32>,
      %parallel_loop3A_122 = arith.constant 0.000000e+00 : f32
      %parallel_loop3A_123 = vector.broadcast %parallel_loop3A_122 : f32 to vector<16xf32>
      %parallel_loop3A_124 = arith.constant 0 : i32
      %parallel_loop3A_125 = arith.index_cast %parallel_loop3A_124 : i32 to index
      %parallel_loop3A_126 = arith.index_cast %parallel_loop3A_107 : i32 to index
      %parallel_loop3A_127 = arith.constant 32 : index
      %parallel_loop3A_128 = tpu.vector_load %arg13[%parallel_loop3A_125, %parallel_loop3A_126, %parallel_loop3A_127] {strides = array<i32>} : memref<2x125x80xf32, #tpu.memory_space<vmem>>, vector<16xf32>,
      tpu.vector_store %arg13[%parallel_loop3A_125, %parallel_loop3A_126, %parallel_loop3A_127], %parallel_loop3A_123 {strides = array<i32>} : memref<2x125x80xf32, #tpu.memory_space<vmem>>, vector<16xf32>,
      %parallel_loop3A_129 = arith.constant 0.000000e+00 : f32
      %parallel_loop3A_130 = vector.broadcast %parallel_loop3A_129 : f32 to vector<16xf32>
      %parallel_loop3A_131 = arith.constant 0 : i32
      %parallel_loop3A_132 = arith.index_cast %parallel_loop3A_131 : i32 to index
      %parallel_loop3A_133 = arith.index_cast %parallel_loop3A_107 : i32 to index
      %parallel_loop3A_134 = arith.constant 48 : index
      %parallel_loop3A_135 = tpu.vector_load %arg13[%parallel_loop3A_132, %parallel_loop3A_133, %parallel_loop3A_134] {strides = array<i32>} : memref<2x125x80xf32, #tpu.memory_space<vmem>>, vector<16xf32>,
      tpu.vector_store %arg13[%parallel_loop3A_132, %parallel_loop3A_133, %parallel_loop3A_134], %parallel_loop3A_130 {strides = array<i32>} : memref<2x125x80xf32, #tpu.memory_space<vmem>>, vector<16xf32>,
      %parallel_loop3A_136 = arith.constant 0.000000e+00 : f32
      %parallel_loop3A_137 = vector.broadcast %parallel_loop3A_136 : f32 to vector<16xf32>
      %parallel_loop3A_138 = arith.constant 0 : i32
      %parallel_loop3A_139 = arith.index_cast %parallel_loop3A_138 : i32 to index
      %parallel_loop3A_140 = arith.index_cast %parallel_loop3A_107 : i32 to index
      %parallel_loop3A_141 = arith.constant 64 : index
      %parallel_loop3A_142 = tpu.vector_load %arg13[%parallel_loop3A_139, %parallel_loop3A_140, %parallel_loop3A_141] {strides = array<i32>} : memref<2x125x80xf32, #tpu.memory_space<vmem>>, vector<16xf32>,
      tpu.vector_store %arg13[%parallel_loop3A_139, %parallel_loop3A_140, %parallel_loop3A_141], %parallel_loop3A_137 {strides = array<i32>} : memref<2x125x80xf32, #tpu.memory_space<vmem>>, vector<16xf32>,
    } {sc.loop_unroll_factor = 8 : i64, sc.parallel_access}
    %add3A_5 = arith.constant 0 : i32
    %add3A_6 = arith.addi %mul3A_2, %add3A_5 : i32
    %run_scoped3A = arith.constant 0 : i32
    "tpu.region"() ({
      %run_scoped3A_107 = tpu.sem_alloc : memref<!tpu.dma_semaphore, #tpu.memory_space<semaphore_mem>>
      %dma_start3A_108 = arith.constant 0 : i32
      %dma_start3A_109 = arith.constant 0 : i32
      %dma_start3A_110 = tpu.memref_slice %arg13[%run_scoped3A, %dma_start3A_108, %dma_start3A_109] : memref<2x125x80xf32, #tpu.memory_space<vmem>> -> memref<1x80x80xf32, #tpu.memory_space<vmem>>
      %dma_start3A_111 = tpu.memref_squeeze %dma_start3A_110 : memref<1x80x80xf32, #tpu.memory_space<vmem>> -> memref<80x80xf32, #tpu.memory_space<vmem>>
      %dma_start3A_112 = arith.constant 0 : i32
      %dma_start3A_113 = tpu.memref_slice %arg8[%add3A_6, %dma_start3A_112] : memref<10240x80xf32, #tpu.memory_space<vmem_shared>> -> memref<80x80xf32, #tpu.memory_space<vmem_shared>>
      %dma_start3A_114 = arith.constant 0 : i32
      %dma_start3A_115 = tpu.memref_slice %arg8[%add3A_6, %dma_start3A_114] : memref<10240x80xf32, #tpu.memory_space<vmem_shared>> -> memref<80x80xf32, #tpu.memory_space<vmem_shared>>
      %dma_start3A_116 = arith.constant 0 : i32
      %dma_start3A_117 = arith.constant 0 : i32
      %dma_start3A_118 = tpu.memref_slice %arg13[%run_scoped3A, %dma_start3A_116, %dma_start3A_117] : memref<2x125x80xf32, #tpu.memory_space<vmem>> -> memref<1x80x80xf32, #tpu.memory_space<vmem>>
      %dma_start3A_119 = tpu.memref_squeeze %dma_start3A_118 : memref<1x80x80xf32, #tpu.memory_space<vmem>> -> memref<80x80xf32, #tpu.memory_space<vmem>>
      tpu.enqueue_dma source(%dma_start3A_119 : memref<80x80xf32, #tpu.memory_space<vmem>>) target(%dma_start3A_115 : memref<80x80xf32, #tpu.memory_space<vmem_shared>>) target_semaphore(%run_scoped3A_107 : memref<!tpu.dma_semaphore, #tpu.memory_space<semaphore_mem>>)
      %dma_wait3A_120 = arith.constant 0 : i32
      %dma_wait3A_121 = arith.constant 0 : i32
      %dma_wait3A_122 = tpu.memref_slice %arg13[%run_scoped3A, %dma_wait3A_120, %dma_wait3A_121] : memref<2x125x80xf32, #tpu.memory_space<vmem>> -> memref<1x80x80xf32, #tpu.memory_space<vmem>>
      %dma_wait3A_123 = tpu.memref_squeeze %dma_wait3A_122 : memref<1x80x80xf32, #tpu.memory_space<vmem>> -> memref<80x80xf32, #tpu.memory_space<vmem>>
      %dma_wait3A_124 = arith.constant 0 : i32
      %dma_wait3A_125 = tpu.memref_slice %arg8[%add3A_6, %dma_wait3A_124] : memref<10240x80xf32, #tpu.memory_space<vmem_shared>> -> memref<80x80xf32, #tpu.memory_space<vmem_shared>>
      %dma_wait3A_126 = arith.constant 0 : i32
      %dma_wait3A_127 = tpu.memref_slice %arg8[%add3A_6, %dma_wait3A_126] : memref<10240x80xf32, #tpu.memory_space<vmem_shared>> -> memref<80x80xf32, #tpu.memory_space<vmem_shared>>
      %dma_wait3A_128 = arith.constant 0 : i32
      %dma_wait3A_129 = arith.constant 0 : i32
      %dma_wait3A_130 = tpu.memref_slice %arg13[%run_scoped3A, %dma_wait3A_128, %dma_wait3A_129] : memref<2x125x80xf32, #tpu.memory_space<vmem>> -> memref<1x80x80xf32, #tpu.memory_space<vmem>>
      %dma_wait3A_131 = tpu.memref_squeeze %dma_wait3A_130 : memref<1x80x80xf32, #tpu.memory_space<vmem>> -> memref<80x80xf32, #tpu.memory_space<vmem>>
      tpu.wait_dma2 semaphore(%run_scoped3A_107 : memref<!tpu.dma_semaphore, #tpu.memory_space<semaphore_mem>>) src(%dma_wait3A_131 : memref<80x80xf32, #tpu.memory_space<vmem>>) dst(%dma_wait3A_127 : memref<80x80xf32, #tpu.memory_space<vmem_shared>>)
      tpu.yield
    }) : () -> ()
    %add3A_7 = arith.constant 80 : i32
    %add3A_8 = arith.addi %mul3A_2, %add3A_7 : i32
    %run_scoped3A_9 = arith.constant 0 : i32
    "tpu.region"() ({
      %run_scoped3A_107 = tpu.sem_alloc : memref<!tpu.dma_semaphore, #tpu.memory_space<semaphore_mem>>
      %dma_start3A_108 = arith.constant 0 : i32
      %dma_start3A_109 = arith.constant 0 : i32
      %dma_start3A_110 = tpu.memref_slice %arg13[%run_scoped3A_9, %dma_start3A_108, %dma_start3A_109] : memref<2x125x80xf32, #tpu.memory_space<vmem>> -> memref<1x80x80xf32, #tpu.memory_space<vmem>>
      %dma_start3A_111 = tpu.memref_squeeze %dma_start3A_110 : memref<1x80x80xf32, #tpu.memory_space<vmem>> -> memref<80x80xf32, #tpu.memory_space<vmem>>
      %dma_start3A_112 = arith.constant 0 : i32
      %dma_start3A_113 = tpu.memref_slice %arg8[%add3A_8, %dma_start3A_112] : memref<10240x80xf32, #tpu.memory_space<vmem_shared>> -> memref<80x80xf32, #tpu.memory_space<vmem_shared>>
      %dma_start3A_114 = arith.constant 0 : i32
      %dma_start3A_115 = tpu.memref_slice %arg8[%add3A_8, %dma_start3A_114] : memref<10240x80xf32, #tpu.memory_space<vmem_shared>> -> memref<80x80xf32, #tpu.memory_space<vmem_shared>>
      %dma_start3A_116 = arith.constant 0 : i32
      %dma_start3A_117 = arith.constant 0 : i32
      %dma_start3A_118 = tpu.memref_slice %arg13[%run_scoped3A_9, %dma_start3A_116, %dma_start3A_117] : memref<2x125x80xf32, #tpu.memory_space<vmem>> -> memref<1x80x80xf32, #tpu.memory_space<vmem>>
      %dma_start3A_119 = tpu.memref_squeeze %dma_start3A_118 : memref<1x80x80xf32, #tpu.memory_space<vmem>> -> memref<80x80xf32, #tpu.memory_space<vmem>>
      tpu.enqueue_dma source(%dma_start3A_119 : memref<80x80xf32, #tpu.memory_space<vmem>>) target(%dma_start3A_115 : memref<80x80xf32, #tpu.memory_space<vmem_shared>>) target_semaphore(%run_scoped3A_107 : memref<!tpu.dma_semaphore, #tpu.memory_space<semaphore_mem>>)
      %dma_wait3A_120 = arith.constant 0 : i32
      %dma_wait3A_121 = arith.constant 0 : i32
      %dma_wait3A_122 = tpu.memref_slice %arg13[%run_scoped3A_9, %dma_wait3A_120, %dma_wait3A_121] : memref<2x125x80xf32, #tpu.memory_space<vmem>> -> memref<1x80x80xf32, #tpu.memory_space<vmem>>
      %dma_wait3A_123 = tpu.memref_squeeze %dma_wait3A_122 : memref<1x80x80xf32, #tpu.memory_space<vmem>> -> memref<80x80xf32, #tpu.memory_space<vmem>>
      %dma_wait3A_124 = arith.constant 0 : i32
      %dma_wait3A_125 = tpu.memref_slice %arg8[%add3A_8, %dma_wait3A_124] : memref<10240x80xf32, #tpu.memory_space<vmem_shared>> -> memref<80x80xf32, #tpu.memory_space<vmem_shared>>
      %dma_wait3A_126 = arith.constant 0 : i32
      %dma_wait3A_127 = tpu.memref_slice %arg8[%add3A_8, %dma_wait3A_126] : memref<10240x80xf32, #tpu.memory_space<vmem_shared>> -> memref<80x80xf32, #tpu.memory_space<vmem_shared>>
      %dma_wait3A_128 = arith.constant 0 : i32
      %dma_wait3A_129 = arith.constant 0 : i32
      %dma_wait3A_130 = tpu.memref_slice %arg13[%run_scoped3A_9, %dma_wait3A_128, %dma_wait3A_129] : memref<2x125x80xf32, #tpu.memory_space<vmem>> -> memref<1x80x80xf32, #tpu.memory_space<vmem>>
      %dma_wait3A_131 = tpu.memref_squeeze %dma_wait3A_130 : memref<1x80x80xf32, #tpu.memory_space<vmem>> -> memref<80x80xf32, #tpu.memory_space<vmem>>
      tpu.wait_dma2 semaphore(%run_scoped3A_107 : memref<!tpu.dma_semaphore, #tpu.memory_space<semaphore_mem>>) src(%dma_wait3A_131 : memref<80x80xf32, #tpu.memory_space<vmem>>) dst(%dma_wait3A_127 : memref<80x80xf32, #tpu.memory_space<vmem_shared>>)
      tpu.yield
    }) : () -> ()
    %add3A_10 = arith.constant 160 : i32
    %add3A_11 = arith.addi %mul3A_2, %add3A_10 : i32
    %run_scoped3A_12 = arith.constant 0 : i32
    "tpu.region"() ({
      %run_scoped3A_107 = tpu.sem_alloc : memref<!tpu.dma_semaphore, #tpu.memory_space<semaphore_mem>>
      %dma_start3A_108 = arith.constant 0 : i32
      %dma_start3A_109 = arith.constant 0 : i32
      %dma_start3A_110 = tpu.memref_slice %arg13[%run_scoped3A_12, %dma_start3A_108, %dma_start3A_109] : memref<2x125x80xf32, #tpu.memory_space<vmem>> -> memref<1x80x80xf32, #tpu.memory_space<vmem>>
      %dma_start3A_111 = tpu.memref_squeeze %dma_start3A_110 : memref<1x80x80xf32, #tpu.memory_space<vmem>> -> memref<80x80xf32, #tpu.memory_space<vmem>>
      %dma_start3A_112 = arith.constant 0 : i32
      %dma_start3A_113 = tpu.memref_slice %arg8[%add3A_11, %dma_start3A_112] : memref<10240x80xf32, #tpu.memory_space<vmem_shared>> -> memref<80x80xf32, #tpu.memory_space<vmem_shared>>
      %dma_start3A_114 = arith.constant 0 : i32
      %dma_start3A_115 = tpu.memref_slice %arg8[%add3A_11, %dma_start3A_114] : memref<10240x80xf32, #tpu.memory_space<vmem_shared>> -> memref<80x80xf32, #tpu.memory_space<vmem_shared>>
      %dma_start3A_116 = arith.constant 0 : i32
      %dma_start3A_117 = arith.constant 0 : i32
      %dma_start3A_118 = tpu.memref_slice %arg13[%run_scoped3A_12, %dma_start3A_116, %dma_start3A_117] : memref<2x125x80xf32, #tpu.memory_space<vmem>> -> memref<1x80x80xf32, #tpu.memory_space<vmem>>
      %dma_start3A_119 = tpu.memref_squeeze %dma_start3A_118 : memref<1x80x80xf32, #tpu.memory_space<vmem>> -> memref<80x80xf32, #tpu.memory_space<vmem>>
      tpu.enqueue_dma source(%dma_start3A_119 : memref<80x80xf32, #tpu.memory_space<vmem>>) target(%dma_start3A_115 : memref<80x80xf32, #tpu.memory_space<vmem_shared>>) target_semaphore(%run_scoped3A_107 : memref<!tpu.dma_semaphore, #tpu.memory_space<semaphore_mem>>)
      %dma_wait3A_120 = arith.constant 0 : i32
      %dma_wait3A_121 = arith.constant 0 : i32
      %dma_wait3A_122 = tpu.memref_slice %arg13[%run_scoped3A_12, %dma_wait3A_120, %dma_wait3A_121] : memref<2x125x80xf32, #tpu.memory_space<vmem>> -> memref<1x80x80xf32, #tpu.memory_space<vmem>>
      %dma_wait3A_123 = tpu.memref_squeeze %dma_wait3A_122 : memref<1x80x80xf32, #tpu.memory_space<vmem>> -> memref<80x80xf32, #tpu.memory_space<vmem>>
      %dma_wait3A_124 = arith.constant 0 : i32
      %dma_wait3A_125 = tpu.memref_slice %arg8[%add3A_11, %dma_wait3A_124] : memref<10240x80xf32, #tpu.memory_space<vmem_shared>> -> memref<80x80xf32, #tpu.memory_space<vmem_shared>>
      %dma_wait3A_126 = arith.constant 0 : i32
      %dma_wait3A_127 = tpu.memref_slice %arg8[%add3A_11, %dma_wait3A_126] : memref<10240x80xf32, #tpu.memory_space<vmem_shared>> -> memref<80x80xf32, #tpu.memory_space<vmem_shared>>
      %dma_wait3A_128 = arith.constant 0 : i32
      %dma_wait3A_129 = arith.constant 0 : i32
      %dma_wait3A_130 = tpu.memref_slice %arg13[%run_scoped3A_12, %dma_wait3A_128, %dma_wait3A_129] : memref<2x125x80xf32, #tpu.memory_space<vmem>> -> memref<1x80x80xf32, #tpu.memory_space<vmem>>
      %dma_wait3A_131 = tpu.memref_squeeze %dma_wait3A_130 : memref<1x80x80xf32, #tpu.memory_space<vmem>> -> memref<80x80xf32, #tpu.memory_space<vmem>>
      tpu.wait_dma2 semaphore(%run_scoped3A_107 : memref<!tpu.dma_semaphore, #tpu.memory_space<semaphore_mem>>) src(%dma_wait3A_131 : memref<80x80xf32, #tpu.memory_space<vmem>>) dst(%dma_wait3A_127 : memref<80x80xf32, #tpu.memory_space<vmem_shared>>)
      tpu.yield
    }) : () -> ()
    %add3A_13 = arith.constant 240 : i32
    %add3A_14 = arith.addi %mul3A_2, %add3A_13 : i32
    %run_scoped3A_15 = arith.constant 0 : i32
    "tpu.region"() ({
      %run_scoped3A_107 = tpu.sem_alloc : memref<!tpu.dma_semaphore, #tpu.memory_space<semaphore_mem>>
      %dma_start3A_108 = arith.constant 0 : i32
      %dma_start3A_109 = arith.constant 0 : i32
      %dma_start3A_110 = tpu.memref_slice %arg13[%run_scoped3A_15, %dma_start3A_108, %dma_start3A_109] : memref<2x125x80xf32, #tpu.memory_space<vmem>> -> memref<1x80x80xf32, #tpu.memory_space<vmem>>
      %dma_start3A_111 = tpu.memref_squeeze %dma_start3A_110 : memref<1x80x80xf32, #tpu.memory_space<vmem>> -> memref<80x80xf32, #tpu.memory_space<vmem>>
      %dma_start3A_112 = arith.constant 0 : i32
      %dma_start3A_113 = tpu.memref_slice %arg8[%add3A_14, %dma_start3A_112] : memref<10240x80xf32, #tpu.memory_space<vmem_shared>> -> memref<80x80xf32, #tpu.memory_space<vmem_shared>>
      %dma_start3A_114 = arith.constant 0 : i32
      %dma_start3A_115 = tpu.memref_slice %arg8[%add3A_14, %dma_start3A_114] : memref<10240x80xf32, #tpu.memory_space<vmem_shared>> -> memref<80x80xf32, #tpu.memory_space<vmem_shared>>
      %dma_start3A_116 = arith.constant 0 : i32
      %dma_start3A_117 = arith.constant 0 : i32
      %dma_start3A_118 = tpu.memref_slice %arg13[%run_scoped3A_15, %dma_start3A_116, %dma_start3A_117] : memref<2x125x80xf32, #tpu.memory_space<vmem>> -> memref<1x80x80xf32, #tpu.memory_space<vmem>>
      %dma_start3A_119 = tpu.memref_squeeze %dma_start3A_118 : memref<1x80x80xf32, #tpu.memory_space<vmem>> -> memref<80x80xf32, #tpu.memory_space<vmem>>
      tpu.enqueue_dma source(%dma_start3A_119 : memref<80x80xf32, #tpu.memory_space<vmem>>) target(%dma_start3A_115 : memref<80x80xf32, #tpu.memory_space<vmem_shared>>) target_semaphore(%run_scoped3A_107 : memref<!tpu.dma_semaphore, #tpu.memory_space<semaphore_mem>>)
      %dma_wait3A_120 = arith.constant 0 : i32
      %dma_wait3A_121 = arith.constant 0 : i32
      %dma_wait3A_122 = tpu.memref_slice %arg13[%run_scoped3A_15, %dma_wait3A_120, %dma_wait3A_121] : memref<2x125x80xf32, #tpu.memory_space<vmem>> -> memref<1x80x80xf32, #tpu.memory_space<vmem>>
      %dma_wait3A_123 = tpu.memref_squeeze %dma_wait3A_122 : memref<1x80x80xf32, #tpu.memory_space<vmem>> -> memref<80x80xf32, #tpu.memory_space<vmem>>
      %dma_wait3A_124 = arith.constant 0 : i32
      %dma_wait3A_125 = tpu.memref_slice %arg8[%add3A_14, %dma_wait3A_124] : memref<10240x80xf32, #tpu.memory_space<vmem_shared>> -> memref<80x80xf32, #tpu.memory_space<vmem_shared>>
      %dma_wait3A_126 = arith.constant 0 : i32
      %dma_wait3A_127 = tpu.memref_slice %arg8[%add3A_14, %dma_wait3A_126] : memref<10240x80xf32, #tpu.memory_space<vmem_shared>> -> memref<80x80xf32, #tpu.memory_space<vmem_shared>>
      %dma_wait3A_128 = arith.constant 0 : i32
      %dma_wait3A_129 = arith.constant 0 : i32
      %dma_wait3A_130 = tpu.memref_slice %arg13[%run_scoped3A_15, %dma_wait3A_128, %dma_wait3A_129] : memref<2x125x80xf32, #tpu.memory_space<vmem>> -> memref<1x80x80xf32, #tpu.memory_space<vmem>>
      %dma_wait3A_131 = tpu.memref_squeeze %dma_wait3A_130 : memref<1x80x80xf32, #tpu.memory_space<vmem>> -> memref<80x80xf32, #tpu.memory_space<vmem>>
      tpu.wait_dma2 semaphore(%run_scoped3A_107 : memref<!tpu.dma_semaphore, #tpu.memory_space<semaphore_mem>>) src(%dma_wait3A_131 : memref<80x80xf32, #tpu.memory_space<vmem>>) dst(%dma_wait3A_127 : memref<80x80xf32, #tpu.memory_space<vmem_shared>>)
      tpu.yield
    }) : () -> ()
    %add3A_16 = arith.constant 320 : i32
    %add3A_17 = arith.addi %mul3A_2, %add3A_16 : i32
    %run_scoped3A_18 = arith.constant 0 : i32
    "tpu.region"() ({
      %run_scoped3A_107 = tpu.sem_alloc : memref<!tpu.dma_semaphore, #tpu.memory_space<semaphore_mem>>
      %dma_start3A_108 = arith.constant 0 : i32
      %dma_start3A_109 = arith.constant 0 : i32
      %dma_start3A_110 = tpu.memref_slice %arg13[%run_scoped3A_18, %dma_start3A_108, %dma_start3A_109] : memref<2x125x80xf32, #tpu.memory_space<vmem>> -> memref<1x80x80xf32, #tpu.memory_space<vmem>>
      %dma_start3A_111 = tpu.memref_squeeze %dma_start3A_110 : memref<1x80x80xf32, #tpu.memory_space<vmem>> -> memref<80x80xf32, #tpu.memory_space<vmem>>
      %dma_start3A_112 = arith.constant 0 : i32
      %dma_start3A_113 = tpu.memref_slice %arg8[%add3A_17, %dma_start3A_112] : memref<10240x80xf32, #tpu.memory_space<vmem_shared>> -> memref<80x80xf32, #tpu.memory_space<vmem_shared>>
      %dma_start3A_114 = arith.constant 0 : i32
      %dma_start3A_115 = tpu.memref_slice %arg8[%add3A_17, %dma_start3A_114] : memref<10240x80xf32, #tpu.memory_space<vmem_shared>> -> memref<80x80xf32, #tpu.memory_space<vmem_shared>>
      %dma_start3A_116 = arith.constant 0 : i32
      %dma_start3A_117 = arith.constant 0 : i32
      %dma_start3A_118 = tpu.memref_slice %arg13[%run_scoped3A_18, %dma_start3A_116, %dma_start3A_117] : memref<2x125x80xf32, #tpu.memory_space<vmem>> -> memref<1x80x80xf32, #tpu.memory_space<vmem>>
      %dma_start3A_119 = tpu.memref_squeeze %dma_start3A_118 : memref<1x80x80xf32, #tpu.memory_space<vmem>> -> memref<80x80xf32, #tpu.memory_space<vmem>>
      tpu.enqueue_dma source(%dma_start3A_119 : memref<80x80xf32, #tpu.memory_space<vmem>>) target(%dma_start3A_115 : memref<80x80xf32, #tpu.memory_space<vmem_shared>>) target_semaphore(%run_scoped3A_107 : memref<!tpu.dma_semaphore, #tpu.memory_space<semaphore_mem>>)
      %dma_wait3A_120 = arith.constant 0 : i32
      %dma_wait3A_121 = arith.constant 0 : i32
      %dma_wait3A_122 = tpu.memref_slice %arg13[%run_scoped3A_18, %dma_wait3A_120, %dma_wait3A_121] : memref<2x125x80xf32, #tpu.memory_space<vmem>> -> memref<1x80x80xf32, #tpu.memory_space<vmem>>
      %dma_wait3A_123 = tpu.memref_squeeze %dma_wait3A_122 : memref<1x80x80xf32, #tpu.memory_space<vmem>> -> memref<80x80xf32, #tpu.memory_space<vmem>>
      %dma_wait3A_124 = arith.constant 0 : i32
      %dma_wait3A_125 = tpu.memref_slice %arg8[%add3A_17, %dma_wait3A_124] : memref<10240x80xf32, #tpu.memory_space<vmem_shared>> -> memref<80x80xf32, #tpu.memory_space<vmem_shared>>
      %dma_wait3A_126 = arith.constant 0 : i32
      %dma_wait3A_127 = tpu.memref_slice %arg8[%add3A_17, %dma_wait3A_126] : memref<10240x80xf32, #tpu.memory_space<vmem_shared>> -> memref<80x80xf32, #tpu.memory_space<vmem_shared>>
      %dma_wait3A_128 = arith.constant 0 : i32
      %dma_wait3A_129 = arith.constant 0 : i32
      %dma_wait3A_130 = tpu.memref_slice %arg13[%run_scoped3A_18, %dma_wait3A_128, %dma_wait3A_129] : memref<2x125x80xf32, #tpu.memory_space<vmem>> -> memref<1x80x80xf32, #tpu.memory_space<vmem>>
      %dma_wait3A_131 = tpu.memref_squeeze %dma_wait3A_130 : memref<1x80x80xf32, #tpu.memory_space<vmem>> -> memref<80x80xf32, #tpu.memory_space<vmem>>
      tpu.wait_dma2 semaphore(%run_scoped3A_107 : memref<!tpu.dma_semaphore, #tpu.memory_space<semaphore_mem>>) src(%dma_wait3A_131 : memref<80x80xf32, #tpu.memory_space<vmem>>) dst(%dma_wait3A_127 : memref<80x80xf32, #tpu.memory_space<vmem_shared>>)
      tpu.yield
    }) : () -> ()
    %add3A_19 = arith.constant 400 : i32
    %add3A_20 = arith.addi %mul3A_2, %add3A_19 : i32
    %run_scoped3A_21 = arith.constant 0 : i32
    "tpu.region"() ({
      %run_scoped3A_107 = tpu.sem_alloc : memref<!tpu.dma_semaphore, #tpu.memory_space<semaphore_mem>>
      %dma_start3A_108 = arith.constant 0 : i32
      %dma_start3A_109 = arith.constant 0 : i32
      %dma_start3A_110 = tpu.memref_slice %arg13[%run_scoped3A_21, %dma_start3A_108, %dma_start3A_109] : memref<2x125x80xf32, #tpu.memory_space<vmem>> -> memref<1x80x80xf32, #tpu.memory_space<vmem>>
      %dma_start3A_111 = tpu.memref_squeeze %dma_start3A_110 : memref<1x80x80xf32, #tpu.memory_space<vmem>> -> memref<80x80xf32, #tpu.memory_space<vmem>>
      %dma_start3A_112 = arith.constant 0 : i32
      %dma_start3A_113 = tpu.memref_slice %arg8[%add3A_20, %dma_start3A_112] : memref<10240x80xf32, #tpu.memory_space<vmem_shared>> -> memref<80x80xf32, #tpu.memory_space<vmem_shared>>
      %dma_start3A_114 = arith.constant 0 : i32
      %dma_start3A_115 = tpu.memref_slice %arg8[%add3A_20, %dma_start3A_114] : memref<10240x80xf32, #tpu.memory_space<vmem_shared>> -> memref<80x80xf32, #tpu.memory_space<vmem_shared>>
      %dma_start3A_116 = arith.constant 0 : i32
      %dma_start3A_117 = arith.constant 0 : i32
      %dma_start3A_118 = tpu.memref_slice %arg13[%run_scoped3A_21, %dma_start3A_116, %dma_start3A_117] : memref<2x125x80xf32, #tpu.memory_space<vmem>> -> memref<1x80x80xf32, #tpu.memory_space<vmem>>
      %dma_start3A_119 = tpu.memref_squeeze %dma_start3A_118 : memref<1x80x80xf32, #tpu.memory_space<vmem>> -> memref<80x80xf32, #tpu.memory_space<vmem>>
      tpu.enqueue_dma source(%dma_start3A_119 : memref<80x80xf32, #tpu.memory_space<vmem>>) target(%dma_start3A_115 : memref<80x80xf32, #tpu.memory_space<vmem_shared>>) target_semaphore(%run_scoped3A_107 : memref<!tpu.dma_semaphore, #tpu.memory_space<semaphore_mem>>)
      %dma_wait3A_120 = arith.constant 0 : i32
      %dma_wait3A_121 = arith.constant 0 : i32
      %dma_wait3A_122 = tpu.memref_slice %arg13[%run_scoped3A_21, %dma_wait3A_120, %dma_wait3A_121] : memref<2x125x80xf32, #tpu.memory_space<vmem>> -> memref<1x80x80xf32, #tpu.memory_space<vmem>>
      %dma_wait3A_123 = tpu.memref_squeeze %dma_wait3A_122 : memref<1x80x80xf32, #tpu.memory_space<vmem>> -> memref<80x80xf32, #tpu.memory_space<vmem>>
      %dma_wait3A_124 = arith.constant 0 : i32
      %dma_wait3A_125 = tpu.memref_slice %arg8[%add3A_20, %dma_wait3A_124] : memref<10240x80xf32, #tpu.memory_space<vmem_shared>> -> memref<80x80xf32, #tpu.memory_space<vmem_shared>>
      %dma_wait3A_126 = arith.constant 0 : i32
      %dma_wait3A_127 = tpu.memref_slice %arg8[%add3A_20, %dma_wait3A_126] : memref<10240x80xf32, #tpu.memory_space<vmem_shared>> -> memref<80x80xf32, #tpu.memory_space<vmem_shared>>
      %dma_wait3A_128 = arith.constant 0 : i32
      %dma_wait3A_129 = arith.constant 0 : i32
      %dma_wait3A_130 = tpu.memref_slice %arg13[%run_scoped3A_21, %dma_wait3A_128, %dma_wait3A_129] : memref<2x125x80xf32, #tpu.memory_space<vmem>> -> memref<1x80x80xf32, #tpu.memory_space<vmem>>
      %dma_wait3A_131 = tpu.memref_squeeze %dma_wait3A_130 : memref<1x80x80xf32, #tpu.memory_space<vmem>> -> memref<80x80xf32, #tpu.memory_space<vmem>>
      tpu.wait_dma2 semaphore(%run_scoped3A_107 : memref<!tpu.dma_semaphore, #tpu.memory_space<semaphore_mem>>) src(%dma_wait3A_131 : memref<80x80xf32, #tpu.memory_space<vmem>>) dst(%dma_wait3A_127 : memref<80x80xf32, #tpu.memory_space<vmem_shared>>)
      tpu.yield
    }) : () -> ()
    %add3A_22 = arith.constant 480 : i32
    %add3A_23 = arith.addi %mul3A_2, %add3A_22 : i32
    %run_scoped3A_24 = arith.constant 0 : i32
    "tpu.region"() ({
      %run_scoped3A_107 = tpu.sem_alloc : memref<!tpu.dma_semaphore, #tpu.memory_space<semaphore_mem>>
      %dma_start3A_108 = arith.constant 0 : i32
      %dma_start3A_109 = arith.constant 0 : i32
      %dma_start3A_110 = tpu.memref_slice %arg13[%run_scoped3A_24, %dma_start3A_108, %dma_start3A_109] : memref<2x125x80xf32, #tpu.memory_space<vmem>> -> memref<1x80x80xf32, #tpu.memory_space<vmem>>
      %dma_start3A_111 = tpu.memref_squeeze %dma_start3A_110 : memref<1x80x80xf32, #tpu.memory_space<vmem>> -> memref<80x80xf32, #tpu.memory_space<vmem>>
      %dma_start3A_112 = arith.constant 0 : i32
      %dma_start3A_113 = tpu.memref_slice %arg8[%add3A_23, %dma_start3A_112] : memref<10240x80xf32, #tpu.memory_space<vmem_shared>> -> memref<80x80xf32, #tpu.memory_space<vmem_shared>>
      %dma_start3A_114 = arith.constant 0 : i32
      %dma_start3A_115 = tpu.memref_slice %arg8[%add3A_23, %dma_start3A_114] : memref<10240x80xf32, #tpu.memory_space<vmem_shared>> -> memref<80x80xf32, #tpu.memory_space<vmem_shared>>
      %dma_start3A_116 = arith.constant 0 : i32
      %dma_start3A_117 = arith.constant 0 : i32
      %dma_start3A_118 = tpu.memref_slice %arg13[%run_scoped3A_24, %dma_start3A_116, %dma_start3A_117] : memref<2x125x80xf32, #tpu.memory_space<vmem>> -> memref<1x80x80xf32, #tpu.memory_space<vmem>>
      %dma_start3A_119 = tpu.memref_squeeze %dma_start3A_118 : memref<1x80x80xf32, #tpu.memory_space<vmem>> -> memref<80x80xf32, #tpu.memory_space<vmem>>
      tpu.enqueue_dma source(%dma_start3A_119 : memref<80x80xf32, #tpu.memory_space<vmem>>) target(%dma_start3A_115 : memref<80x80xf32, #tpu.memory_space<vmem_shared>>) target_semaphore(%run_scoped3A_107 : memref<!tpu.dma_semaphore, #tpu.memory_space<semaphore_mem>>)
      %dma_wait3A_120 = arith.constant 0 : i32
      %dma_wait3A_121 = arith.constant 0 : i32
      %dma_wait3A_122 = tpu.memref_slice %arg13[%run_scoped3A_24, %dma_wait3A_120, %dma_wait3A_121] : memref<2x125x80xf32, #tpu.memory_space<vmem>> -> memref<1x80x80xf32, #tpu.memory_space<vmem>>
      %dma_wait3A_123 = tpu.memref_squeeze %dma_wait3A_122 : memref<1x80x80xf32, #tpu.memory_space<vmem>> -> memref<80x80xf32, #tpu.memory_space<vmem>>
      %dma_wait3A_124 = arith.constant 0 : i32
      %dma_wait3A_125 = tpu.memref_slice %arg8[%add3A_23, %dma_wait3A_124] : memref<10240x80xf32, #tpu.memory_space<vmem_shared>> -> memref<80x80xf32, #tpu.memory_space<vmem_shared>>
      %dma_wait3A_126 = arith.constant 0 : i32
      %dma_wait3A_127 = tpu.memref_slice %arg8[%add3A_23, %dma_wait3A_126] : memref<10240x80xf32, #tpu.memory_space<vmem_shared>> -> memref<80x80xf32, #tpu.memory_space<vmem_shared>>
      %dma_wait3A_128 = arith.constant 0 : i32
      %dma_wait3A_129 = arith.constant 0 : i32
      %dma_wait3A_130 = tpu.memref_slice %arg13[%run_scoped3A_24, %dma_wait3A_128, %dma_wait3A_129] : memref<2x125x80xf32, #tpu.memory_space<vmem>> -> memref<1x80x80xf32, #tpu.memory_space<vmem>>
      %dma_wait3A_131 = tpu.memref_squeeze %dma_wait3A_130 : memref<1x80x80xf32, #tpu.memory_space<vmem>> -> memref<80x80xf32, #tpu.memory_space<vmem>>
      tpu.wait_dma2 semaphore(%run_scoped3A_107 : memref<!tpu.dma_semaphore, #tpu.memory_space<semaphore_mem>>) src(%dma_wait3A_131 : memref<80x80xf32, #tpu.memory_space<vmem>>) dst(%dma_wait3A_127 : memref<80x80xf32, #tpu.memory_space<vmem_shared>>)
      tpu.yield
    }) : () -> ()
    %add3A_25 = arith.constant 560 : i32
    %add3A_26 = arith.addi %mul3A_2, %add3A_25 : i32
    %run_scoped3A_27 = arith.constant 0 : i32
    "tpu.region"() ({
      %run_scoped3A_107 = tpu.sem_alloc : memref<!tpu.dma_semaphore, #tpu.memory_space<semaphore_mem>>
      %dma_start3A_108 = arith.constant 0 : i32
      %dma_start3A_109 = arith.constant 0 : i32
      %dma_start3A_110 = tpu.memref_slice %arg13[%run_scoped3A_27, %dma_start3A_108, %dma_start3A_109] : memref<2x125x80xf32, #tpu.memory_space<vmem>> -> memref<1x80x80xf32, #tpu.memory_space<vmem>>
      %dma_start3A_111 = tpu.memref_squeeze %dma_start3A_110 : memref<1x80x80xf32, #tpu.memory_space<vmem>> -> memref<80x80xf32, #tpu.memory_space<vmem>>
      %dma_start3A_112 = arith.constant 0 : i32
      %dma_start3A_113 = tpu.memref_slice %arg8[%add3A_26, %dma_start3A_112] : memref<10240x80xf32, #tpu.memory_space<vmem_shared>> -> memref<80x80xf32, #tpu.memory_space<vmem_shared>>
      %dma_start3A_114 = arith.constant 0 : i32
      %dma_start3A_115 = tpu.memref_slice %arg8[%add3A_26, %dma_start3A_114] : memref<10240x80xf32, #tpu.memory_space<vmem_shared>> -> memref<80x80xf32, #tpu.memory_space<vmem_shared>>
      %dma_start3A_116 = arith.constant 0 : i32
      %dma_start3A_117 = arith.constant 0 : i32
      %dma_start3A_118 = tpu.memref_slice %arg13[%run_scoped3A_27, %dma_start3A_116, %dma_start3A_117] : memref<2x125x80xf32, #tpu.memory_space<vmem>> -> memref<1x80x80xf32, #tpu.memory_space<vmem>>
      %dma_start3A_119 = tpu.memref_squeeze %dma_start3A_118 : memref<1x80x80xf32, #tpu.memory_space<vmem>> -> memref<80x80xf32, #tpu.memory_space<vmem>>
      tpu.enqueue_dma source(%dma_start3A_119 : memref<80x80xf32, #tpu.memory_space<vmem>>) target(%dma_start3A_115 : memref<80x80xf32, #tpu.memory_space<vmem_shared>>) target_semaphore(%run_scoped3A_107 : memref<!tpu.dma_semaphore, #tpu.memory_space<semaphore_mem>>)
      %dma_wait3A_120 = arith.constant 0 : i32
      %dma_wait3A_121 = arith.constant 0 : i32
      %dma_wait3A_122 = tpu.memref_slice %arg13[%run_scoped3A_27, %dma_wait3A_120, %dma_wait3A_121] : memref<2x125x80xf32, #tpu.memory_space<vmem>> -> memref<1x80x80xf32, #tpu.memory_space<vmem>>
      %dma_wait3A_123 = tpu.memref_squeeze %dma_wait3A_122 : memref<1x80x80xf32, #tpu.memory_space<vmem>> -> memref<80x80xf32, #tpu.memory_space<vmem>>
      %dma_wait3A_124 = arith.constant 0 : i32
      %dma_wait3A_125 = tpu.memref_slice %arg8[%add3A_26, %dma_wait3A_124] : memref<10240x80xf32, #tpu.memory_space<vmem_shared>> -> memref<80x80xf32, #tpu.memory_space<vmem_shared>>
      %dma_wait3A_126 = arith.constant 0 : i32
      %dma_wait3A_127 = tpu.memref_slice %arg8[%add3A_26, %dma_wait3A_126] : memref<10240x80xf32, #tpu.memory_space<vmem_shared>> -> memref<80x80xf32, #tpu.memory_space<vmem_shared>>
      %dma_wait3A_128 = arith.constant 0 : i32
      %dma_wait3A_129 = arith.constant 0 : i32
      %dma_wait3A_130 = tpu.memref_slice %arg13[%run_scoped3A_27, %dma_wait3A_128, %dma_wait3A_129] : memref<2x125x80xf32, #tpu.memory_space<vmem>> -> memref<1x80x80xf32, #tpu.memory_space<vmem>>
      %dma_wait3A_131 = tpu.memref_squeeze %dma_wait3A_130 : memref<1x80x80xf32, #tpu.memory_space<vmem>> -> memref<80x80xf32, #tpu.memory_space<vmem>>
      tpu.wait_dma2 semaphore(%run_scoped3A_107 : memref<!tpu.dma_semaphore, #tpu.memory_space<semaphore_mem>>) src(%dma_wait3A_131 : memref<80x80xf32, #tpu.memory_space<vmem>>) dst(%dma_wait3A_127 : memref<80x80xf32, #tpu.memory_space<vmem_shared>>)
      tpu.yield
    }) : () -> ()
    "tpu.region"() ({
      %run_scoped3A_107 = tpu.sem_alloc : memref<!tpu.dma_semaphore, #tpu.memory_space<semaphore_mem>>
      tpu.enqueue_dma source(%arg6 : memref<1x16xf32, #tpu.memory_space<hbm>>) target(%arg14 : memref<1x16xf32, #tpu.memory_space<vmem>>) target_semaphore(%run_scoped3A_107 : memref<!tpu.dma_semaphore, #tpu.memory_space<semaphore_mem>>)
      tpu.wait_dma2 semaphore(%run_scoped3A_107 : memref<!tpu.dma_semaphore, #tpu.memory_space<semaphore_mem>>) src(%arg6 : memref<1x16xf32, #tpu.memory_space<hbm>>) dst(%arg14 : memref<1x16xf32, #tpu.memory_space<vmem>>)
      tpu.yield
    }) : () -> ()
    "tpu.region"() ({
      %run_scoped3A_107 = tpu.sem_alloc : memref<!tpu.dma_semaphore, #tpu.memory_space<semaphore_mem>>
      %dma_start3A_108 = arith.constant 0 : i32
      %dma_start3A_109 = arith.constant 0 : i32
      %dma_start3A_110 = tpu.memref_slice %arg2[%add3A, %dma_start3A_108, %dma_start3A_109] : memref<32x80x125xi32, #tpu.memory_space<hbm>> -> memref<1x80x125xi32, #tpu.memory_space<hbm>>
      %dma_start3A_111 = tpu.memref_squeeze %dma_start3A_110 : memref<1x80x125xi32, #tpu.memory_space<hbm>> -> memref<80x125xi32, #tpu.memory_space<hbm>>
      %dma_start3A_112 = arith.constant 0 : i32
      %dma_start3A_113 = arith.constant 0 : i32
      %dma_start3A_114 = tpu.memref_slice %arg2[%add3A, %dma_start3A_112, %dma_start3A_113] : memref<32x80x125xi32, #tpu.memory_space<hbm>> -> memref<1x80x125xi32, #tpu.memory_space<hbm>>
      %dma_start3A_115 = tpu.memref_squeeze %dma_start3A_114 : memref<1x80x125xi32, #tpu.memory_space<hbm>> -> memref<80x125xi32, #tpu.memory_space<hbm>>
      tpu.enqueue_dma source(%dma_start3A_115 : memref<80x125xi32, #tpu.memory_space<hbm>>) target(%arg9 : memref<80x125xi32, #tpu.memory_space<vmem>>) target_semaphore(%run_scoped3A_107 : memref<!tpu.dma_semaphore, #tpu.memory_space<semaphore_mem>>)
      %dma_wait3A_116 = arith.constant 0 : i32
      %dma_wait3A_117 = arith.constant 0 : i32
      %dma_wait3A_118 = tpu.memref_slice %arg2[%add3A, %dma_wait3A_116, %dma_wait3A_117] : memref<32x80x125xi32, #tpu.memory_space<hbm>> -> memref<1x80x125xi32, #tpu.memory_space<hbm>>
      %dma_wait3A_119 = tpu.memref_squeeze %dma_wait3A_118 : memref<1x80x125xi32, #tpu.memory_space<hbm>> -> memref<80x125xi32, #tpu.memory_space<hbm>>
      %dma_wait3A_120 = arith.constant 0 : i32
      %dma_wait3A_121 = arith.constant 0 : i32
      %dma_wait3A_122 = tpu.memref_slice %arg2[%add3A, %dma_wait3A_120, %dma_wait3A_121] : memref<32x80x125xi32, #tpu.memory_space<hbm>> -> memref<1x80x125xi32, #tpu.memory_space<hbm>>
      %dma_wait3A_123 = tpu.memref_squeeze %dma_wait3A_122 : memref<1x80x125xi32, #tpu.memory_space<hbm>> -> memref<80x125xi32, #tpu.memory_space<hbm>>
      tpu.wait_dma2 semaphore(%run_scoped3A_107 : memref<!tpu.dma_semaphore, #tpu.memory_space<semaphore_mem>>) src(%dma_wait3A_123 : memref<80x125xi32, #tpu.memory_space<hbm>>) dst(%arg9 : memref<80x125xi32, #tpu.memory_space<vmem>>)
      tpu.yield
    }) : () -> ()
    "tpu.region"() ({
      %run_scoped3A_107 = tpu.sem_alloc : memref<!tpu.dma_semaphore, #tpu.memory_space<semaphore_mem>>
      %dma_start3A_108 = arith.constant 0 : i32
      %dma_start3A_109 = arith.constant 0 : i32
      %dma_start3A_110 = tpu.memref_slice %arg3[%add3A, %dma_start3A_108, %dma_start3A_109] : memref<32x80x125xi32, #tpu.memory_space<hbm>> -> memref<1x80x125xi32, #tpu.memory_space<hbm>>
      %dma_start3A_111 = tpu.memref_squeeze %dma_start3A_110 : memref<1x80x125xi32, #tpu.memory_space<hbm>> -> memref<80x125xi32, #tpu.memory_space<hbm>>
      %dma_start3A_112 = arith.constant 0 : i32
      %dma_start3A_113 = arith.constant 0 : i32
      %dma_start3A_114 = tpu.memref_slice %arg3[%add3A, %dma_start3A_112, %dma_start3A_113] : memref<32x80x125xi32, #tpu.memory_space<hbm>> -> memref<1x80x125xi32, #tpu.memory_space<hbm>>
      %dma_start3A_115 = tpu.memref_squeeze %dma_start3A_114 : memref<1x80x125xi32, #tpu.memory_space<hbm>> -> memref<80x125xi32, #tpu.memory_space<hbm>>
      tpu.enqueue_dma source(%dma_start3A_115 : memref<80x125xi32, #tpu.memory_space<hbm>>) target(%arg10 : memref<80x125xi32, #tpu.memory_space<vmem>>) target_semaphore(%run_scoped3A_107 : memref<!tpu.dma_semaphore, #tpu.memory_space<semaphore_mem>>)
      %dma_wait3A_116 = arith.constant 0 : i32
      %dma_wait3A_117 = arith.constant 0 : i32
      %dma_wait3A_118 = tpu.memref_slice %arg3[%add3A, %dma_wait3A_116, %dma_wait3A_117] : memref<32x80x125xi32, #tpu.memory_space<hbm>> -> memref<1x80x125xi32, #tpu.memory_space<hbm>>
      %dma_wait3A_119 = tpu.memref_squeeze %dma_wait3A_118 : memref<1x80x125xi32, #tpu.memory_space<hbm>> -> memref<80x125xi32, #tpu.memory_space<hbm>>
      %dma_wait3A_120 = arith.constant 0 : i32
      %dma_wait3A_121 = arith.constant 0 : i32
      %dma_wait3A_122 = tpu.memref_slice %arg3[%add3A, %dma_wait3A_120, %dma_wait3A_121] : memref<32x80x125xi32, #tpu.memory_space<hbm>> -> memref<1x80x125xi32, #tpu.memory_space<hbm>>
      %dma_wait3A_123 = tpu.memref_squeeze %dma_wait3A_122 : memref<1x80x125xi32, #tpu.memory_space<hbm>> -> memref<80x125xi32, #tpu.memory_space<hbm>>
      tpu.wait_dma2 semaphore(%run_scoped3A_107 : memref<!tpu.dma_semaphore, #tpu.memory_space<semaphore_mem>>) src(%dma_wait3A_123 : memref<80x125xi32, #tpu.memory_space<hbm>>) dst(%arg10 : memref<80x125xi32, #tpu.memory_space<vmem>>)
      tpu.yield
    }) : () -> ()
    %barrier3A = arith.constant 0 : index
    tpu.barrier barrier_id(%barrier3A)
    %get3A = arith.constant 0 : i32
    %get3A_28 = arith.index_cast %get3A : i32 to index
    %get3A_29 = arith.constant 0 : index
    %get3A_30 = tpu.vector_load %arg14[%get3A_28, %get3A_29] {strides = array<i32>} : memref<1x16xf32, #tpu.memory_space<vmem>>, vector<16xf32>,
    %dma_start3A = arith.constant 0 : i32
    %dma_start3A_31 = arith.constant 0 : i32
    %dma_start3A_32 = arith.constant 0 : i32
    %dma_start3A_33 = arith.constant 0 : i32
    %dma_start3A_34 = tpu.memref_slice %arg11[%dma_start3A_31, %dma_start3A_32, %dma_start3A_33] : memref<2x125x80xf32, #tpu.memory_space<vmem>> -> memref<1x125x80xf32, #tpu.memory_space<vmem>>
    %dma_start3A_35 = tpu.memref_squeeze %dma_start3A_34 : memref<1x125x80xf32, #tpu.memory_space<vmem>> -> memref<125x80xf32, #tpu.memory_space<vmem>>
    %dma_start3A_36 = arith.constant 0 : i32
    %dma_start3A_37 = tpu.memref_slice %arg9[%dma_start3A, %dma_start3A_36] : memref<80x125xi32, #tpu.memory_space<vmem>> -> memref<1x125xi32, #tpu.memory_space<vmem>>
    %dma_start3A_38 = tpu.memref_squeeze %dma_start3A_37 : memref<1x125xi32, #tpu.memory_space<vmem>> -> memref<125xi32, #tpu.memory_space<vmem>>
    %dma_start3A_39 = arith.constant 0 : i32
    %dma_start3A_40 = arith.constant 0 : i32
    %dma_start3A_41 = tpu.memref_slice %arg4[%dma_start3A_39, %dma_start3A_40] : memref<10000x80xf32, #tpu.memory_space<hbm>> -> memref<10000x80xf32, #tpu.memory_space<hbm>>
    tpu.enqueue_indirect_dma source(%dma_start3A_41 : memref<10000x80xf32, #tpu.memory_space<hbm>>) target(%dma_start3A_35 : memref<125x80xf32, #tpu.memory_space<vmem>>) offsets(%dma_start3A_38 : memref<125xi32, #tpu.memory_space<vmem>>) semaphore(%arg15 : memref<!tpu.dma_semaphore, #tpu.memory_space<semaphore_mem>>)
    %dma_start3A_42 = arith.constant 0 : i32
    %dma_start3A_43 = arith.constant 0 : i32
    %dma_start3A_44 = arith.constant 0 : i32
    %dma_start3A_45 = arith.constant 0 : i32
    %dma_start3A_46 = tpu.memref_slice %arg12[%dma_start3A_43, %dma_start3A_44, %dma_start3A_45] : memref<2x125x16xf32, #tpu.memory_space<vmem>> -> memref<1x125x16xf32, #tpu.memory_space<vmem>>
    %dma_start3A_47 = tpu.memref_squeeze %dma_start3A_46 : memref<1x125x16xf32, #tpu.memory_space<vmem>> -> memref<125x16xf32, #tpu.memory_space<vmem>>
    %dma_start3A_48 = arith.constant 0 : i32
    %dma_start3A_49 = tpu.memref_slice %arg10[%dma_start3A_42, %dma_start3A_48] : memref<80x125xi32, #tpu.memory_space<vmem>> -> memref<1x125xi32, #tpu.memory_space<vmem>>
    %dma_start3A_50 = tpu.memref_squeeze %dma_start3A_49 : memref<1x125xi32, #tpu.memory_space<vmem>> -> memref<125xi32, #tpu.memory_space<vmem>>
    %dma_start3A_51 = arith.constant 0 : i32
    %dma_start3A_52 = arith.constant 0 : i32
    %dma_start3A_53 = tpu.memref_slice %arg5[%dma_start3A_51, %dma_start3A_52] : memref<10000x16xf32, #tpu.memory_space<hbm>> -> memref<10000x16xf32, #tpu.memory_space<hbm>>
    tpu.enqueue_indirect_dma source(%dma_start3A_53 : memref<10000x16xf32, #tpu.memory_space<hbm>>) target(%dma_start3A_47 : memref<125x16xf32, #tpu.memory_space<vmem>>) offsets(%dma_start3A_50 : memref<125xi32, #tpu.memory_space<vmem>>) semaphore(%arg15 : memref<!tpu.dma_semaphore, #tpu.memory_space<semaphore_mem>>)
    %dma_start3A_54 = arith.constant 1 : i32
    %dma_start3A_55 = arith.constant 1 : i32
    %dma_start3A_56 = arith.constant 0 : i32
    %dma_start3A_57 = arith.constant 0 : i32
    %dma_start3A_58 = tpu.memref_slice %arg11[%dma_start3A_55, %dma_start3A_56, %dma_start3A_57] : memref<2x125x80xf32, #tpu.memory_space<vmem>> -> memref<1x125x80xf32, #tpu.memory_space<vmem>>
    %dma_start3A_59 = tpu.memref_squeeze %dma_start3A_58 : memref<1x125x80xf32, #tpu.memory_space<vmem>> -> memref<125x80xf32, #tpu.memory_space<vmem>>
    %dma_start3A_60 = arith.constant 0 : i32
    %dma_start3A_61 = tpu.memref_slice %arg9[%dma_start3A_54, %dma_start3A_60] : memref<80x125xi32, #tpu.memory_space<vmem>> -> memref<1x125xi32, #tpu.memory_space<vmem>>
    %dma_start3A_62 = tpu.memref_squeeze %dma_start3A_61 : memref<1x125xi32, #tpu.memory_space<vmem>> -> memref<125xi32, #tpu.memory_space<vmem>>
    %dma_start3A_63 = arith.constant 0 : i32
    %dma_start3A_64 = arith.constant 0 : i32
    %dma_start3A_65 = tpu.memref_slice %arg4[%dma_start3A_63, %dma_start3A_64] : memref<10000x80xf32, #tpu.memory_space<hbm>> -> memref<10000x80xf32, #tpu.memory_space<hbm>>
    tpu.enqueue_indirect_dma source(%dma_start3A_65 : memref<10000x80xf32, #tpu.memory_space<hbm>>) target(%dma_start3A_59 : memref<125x80xf32, #tpu.memory_space<vmem>>) offsets(%dma_start3A_62 : memref<125xi32, #tpu.memory_space<vmem>>) semaphore(%arg16 : memref<!tpu.dma_semaphore, #tpu.memory_space<semaphore_mem>>)
    %dma_start3A_66 = arith.constant 1 : i32
    %dma_start3A_67 = arith.constant 1 : i32
    %dma_start3A_68 = arith.constant 0 : i32
    %dma_start3A_69 = arith.constant 0 : i32
    %dma_start3A_70 = tpu.memref_slice %arg12[%dma_start3A_67, %dma_start3A_68, %dma_start3A_69] : memref<2x125x16xf32, #tpu.memory_space<vmem>> -> memref<1x125x16xf32, #tpu.memory_space<vmem>>
    %dma_start3A_71 = tpu.memref_squeeze %dma_start3A_70 : memref<1x125x16xf32, #tpu.memory_space<vmem>> -> memref<125x16xf32, #tpu.memory_space<vmem>>
    %dma_start3A_72 = arith.constant 0 : i32
    %dma_start3A_73 = tpu.memref_slice %arg10[%dma_start3A_66, %dma_start3A_72] : memref<80x125xi32, #tpu.memory_space<vmem>> -> memref<1x125xi32, #tpu.memory_space<vmem>>
    %dma_start3A_74 = tpu.memref_squeeze %dma_start3A_73 : memref<1x125xi32, #tpu.memory_space<vmem>> -> memref<125xi32, #tpu.memory_space<vmem>>
    %dma_start3A_75 = arith.constant 0 : i32
    %dma_start3A_76 = arith.constant 0 : i32
    %dma_start3A_77 = tpu.memref_slice %arg5[%dma_start3A_75, %dma_start3A_76] : memref<10000x16xf32, #tpu.memory_space<hbm>> -> memref<10000x16xf32, #tpu.memory_space<hbm>>
    tpu.enqueue_indirect_dma source(%dma_start3A_77 : memref<10000x16xf32, #tpu.memory_space<hbm>>) target(%dma_start3A_71 : memref<125x16xf32, #tpu.memory_space<vmem>>) offsets(%dma_start3A_74 : memref<125xi32, #tpu.memory_space<vmem>>) semaphore(%arg16 : memref<!tpu.dma_semaphore, #tpu.memory_space<semaphore_mem>>)
    %scan3A = arith.constant 0 : i32
    %scan3A_78 = arith.constant 0 : i32
    %scan3A_79 = arith.constant 40 : i32
    %scan3A_80 = arith.addi %scan3A_78, %scan3A_79 : i32
    %scan3A_81 = arith.constant 1 : i32
    scf.for %scan3A_107 = %scan3A_78 to %scan3A_80 step %scan3A_81  : i32 {
      %mul3A_108 = arith.constant 2 : i32
      %mul3A_109 = arith.muli %mul3A_108, %scan3A_107 : i32
      %add3A_110 = arith.constant 0 : i32
      %add3A_111 = arith.addi %mul3A_109, %add3A_110 : i32
      %dma_wait3A_112 = arith.constant 0 : i32
      %dma_wait3A_113 = arith.constant 0 : i32
      %dma_wait3A_114 = arith.constant 0 : i32
      %dma_wait3A_115 = tpu.memref_slice %arg11[%dma_wait3A_112, %dma_wait3A_113, %dma_wait3A_114] : memref<2x125x80xf32, #tpu.memory_space<vmem>> -> memref<1x125x80xf32, #tpu.memory_space<vmem>>
      %dma_wait3A_116 = tpu.memref_squeeze %dma_wait3A_115 : memref<1x125x80xf32, #tpu.memory_space<vmem>> -> memref<125x80xf32, #tpu.memory_space<vmem>>
      %dma_wait3A_117 = arith.constant 0 : i32
      %dma_wait3A_118 = tpu.memref_slice %arg9[%add3A_111, %dma_wait3A_117] : memref<80x125xi32, #tpu.memory_space<vmem>> -> memref<1x125xi32, #tpu.memory_space<vmem>>
      %dma_wait3A_119 = tpu.memref_squeeze %dma_wait3A_118 : memref<1x125xi32, #tpu.memory_space<vmem>> -> memref<125xi32, #tpu.memory_space<vmem>>
      %dma_wait3A_120 = arith.constant 0 : i32
      %dma_wait3A_121 = arith.constant 0 : i32
      %dma_wait3A_122 = tpu.memref_slice %arg4[%dma_wait3A_120, %dma_wait3A_121] : memref<10000x80xf32, #tpu.memory_space<hbm>> -> memref<10000x80xf32, #tpu.memory_space<hbm>>
      tpu.wait_indirect_dma semaphore(%arg15 : memref<!tpu.dma_semaphore, #tpu.memory_space<semaphore_mem>>) src(%dma_wait3A_122 : memref<10000x80xf32, #tpu.memory_space<hbm>>) dst(%dma_wait3A_116 : memref<125x80xf32, #tpu.memory_space<vmem>>)
      %dma_wait3A_123 = arith.constant 0 : i32
      %dma_wait3A_124 = arith.constant 0 : i32
      %dma_wait3A_125 = arith.constant 0 : i32
      %dma_wait3A_126 = tpu.memref_slice %arg12[%dma_wait3A_123, %dma_wait3A_124, %dma_wait3A_125] : memref<2x125x16xf32, #tpu.memory_space<vmem>> -> memref<1x125x16xf32, #tpu.memory_space<vmem>>
      %dma_wait3A_127 = tpu.memref_squeeze %dma_wait3A_126 : memref<1x125x16xf32, #tpu.memory_space<vmem>> -> memref<125x16xf32, #tpu.memory_space<vmem>>
      %dma_wait3A_128 = arith.constant 0 : i32
      %dma_wait3A_129 = tpu.memref_slice %arg10[%add3A_111, %dma_wait3A_128] : memref<80x125xi32, #tpu.memory_space<vmem>> -> memref<1x125xi32, #tpu.memory_space<vmem>>
      %dma_wait3A_130 = tpu.memref_squeeze %dma_wait3A_129 : memref<1x125xi32, #tpu.memory_space<vmem>> -> memref<125xi32, #tpu.memory_space<vmem>>
      %dma_wait3A_131 = arith.constant 0 : i32
      %dma_wait3A_132 = arith.constant 0 : i32
      %dma_wait3A_133 = tpu.memref_slice %arg5[%dma_wait3A_131, %dma_wait3A_132] : memref<10000x16xf32, #tpu.memory_space<hbm>> -> memref<10000x16xf32, #tpu.memory_space<hbm>>
      tpu.wait_indirect_dma semaphore(%arg15 : memref<!tpu.dma_semaphore, #tpu.memory_space<semaphore_mem>>) src(%dma_wait3A_133 : memref<10000x16xf32, #tpu.memory_space<hbm>>) dst(%dma_wait3A_127 : memref<125x16xf32, #tpu.memory_space<vmem>>)
      %gt3A = arith.constant 0 : i32
      %gt3A_134 = arith.cmpi sgt, %scan3A_107, %gt3A : i32
      %convert_element_type3A = arith.extui %gt3A_134 : i1 to i32
      %cond3A = arith.constant 0 : i32
      %cond3A_135 = arith.cmpi ne, %convert_element_type3A, %cond3A : i32
      scf.if %cond3A_135 {
        %sub3A = arith.constant 2 : i32
        %sub3A_208 = arith.subi %add3A_111, %sub3A : i32
        %dma_wait3A_209 = arith.constant 0 : i32
        %dma_wait3A_210 = arith.constant 0 : i32
        %dma_wait3A_211 = arith.constant 0 : i32
        %dma_wait3A_212 = tpu.memref_slice %arg13[%dma_wait3A_209, %dma_wait3A_210, %dma_wait3A_211] : memref<2x125x80xf32, #tpu.memory_space<vmem>> -> memref<1x125x80xf32, #tpu.memory_space<vmem>>
        %dma_wait3A_213 = tpu.memref_squeeze %dma_wait3A_212 : memref<1x125x80xf32, #tpu.memory_space<vmem>> -> memref<125x80xf32, #tpu.memory_space<vmem>>
        %dma_wait3A_214 = arith.constant 0 : i32
        %dma_wait3A_215 = tpu.memref_slice %arg10[%sub3A_208, %dma_wait3A_214] : memref<80x125xi32, #tpu.memory_space<vmem>> -> memref<1x125xi32, #tpu.memory_space<vmem>>
        %dma_wait3A_216 = tpu.memref_squeeze %dma_wait3A_215 : memref<1x125xi32, #tpu.memory_space<vmem>> -> memref<125xi32, #tpu.memory_space<vmem>>
        %dma_wait3A_217 = arith.constant 0 : i32
        %dma_wait3A_218 = arith.constant 0 : i32
        %dma_wait3A_219 = tpu.memref_slice %arg8[%dma_wait3A_217, %dma_wait3A_218] : memref<10240x80xf32, #tpu.memory_space<vmem_shared>> -> memref<10240x80xf32, #tpu.memory_space<vmem_shared>>
        tpu.wait_indirect_dma semaphore(%arg17 : memref<!tpu.dma_semaphore, #tpu.memory_space<semaphore_mem>>) src(%dma_wait3A_213 : memref<125x80xf32, #tpu.memory_space<vmem>>) dst(%dma_wait3A_219 : memref<10240x80xf32, #tpu.memory_space<vmem_shared>>)
      } else {
      }
      %parallel_loop3A_136 = arith.constant 0 : i32
      %parallel_loop3A_137 = arith.constant 125 : i32
      %parallel_loop3A_138 = arith.constant 1 : i32
      scf.for %parallel_loop3A_208 = %parallel_loop3A_136 to %parallel_loop3A_137 step %parallel_loop3A_138  : i32 {
        %parallel_loop3A_209 = arith.constant 0 : i32
        %parallel_loop3A_210 = arith.index_cast %parallel_loop3A_209 : i32 to index
        %parallel_loop3A_211 = arith.index_cast %parallel_loop3A_208 : i32 to index
        %parallel_loop3A_212 = arith.constant 64 : index
        %parallel_loop3A_213 = tpu.vector_load %arg11[%parallel_loop3A_210, %parallel_loop3A_211, %parallel_loop3A_212] {strides = array<i32>} : memref<2x125x80xf32, #tpu.memory_space<vmem>>, vector<16xf32>,
        %parallel_loop3A_214 = arith.constant 0 : i32
        %parallel_loop3A_215 = arith.index_cast %parallel_loop3A_214 : i32 to index
        %parallel_loop3A_216 = arith.index_cast %parallel_loop3A_208 : i32 to index
        %parallel_loop3A_217 = arith.constant 0 : index
        %parallel_loop3A_218 = tpu.vector_load %arg12[%parallel_loop3A_215, %parallel_loop3A_216, %parallel_loop3A_217] {strides = array<i32>} : memref<2x125x16xf32, #tpu.memory_space<vmem>>, vector<16xf32>,
        %parallel_loop3A_219 = arith.addf %parallel_loop3A_213, %parallel_loop3A_218 : vector<16xf32>
        %parallel_loop3A_220 = arith.constant 2.000000e-01 : f32
        %parallel_loop3A_221 = vector.broadcast %parallel_loop3A_220 : f32 to vector<16xf32>
        %parallel_loop3A_222 = arith.mulf %parallel_loop3A_221, %parallel_loop3A_219 : vector<16xf32>
        %parallel_loop3A_223 = arith.maximumf %parallel_loop3A_219, %parallel_loop3A_222 : vector<16xf32>
        %parallel_loop3A_224 = arith.subf %parallel_loop3A_223, %get3A_30 : vector<16xf32>
        %parallel_loop3A_225 = math.exp %parallel_loop3A_224 : vector<16xf32>
        %parallel_loop3A_226 = arith.constant 0 : i32
        %parallel_loop3A_227 = arith.index_cast %parallel_loop3A_226 : i32 to index
        %parallel_loop3A_228 = arith.index_cast %parallel_loop3A_208 : i32 to index
        %parallel_loop3A_229 = arith.constant 64 : index
        %parallel_loop3A_230 = tpu.vector_load %arg13[%parallel_loop3A_227, %parallel_loop3A_228, %parallel_loop3A_229] {strides = array<i32>} : memref<2x125x80xf32, #tpu.memory_space<vmem>>, vector<16xf32>,
        tpu.vector_store %arg13[%parallel_loop3A_227, %parallel_loop3A_228, %parallel_loop3A_229], %parallel_loop3A_225 {strides = array<i32>} : memref<2x125x80xf32, #tpu.memory_space<vmem>>, vector<16xf32>,
        %parallel_loop3A_231 = arith.constant 0 : i32
        %parallel_loop3A_232 = arith.index_cast %parallel_loop3A_231 : i32 to index
        %parallel_loop3A_233 = arith.index_cast %parallel_loop3A_208 : i32 to index
        %parallel_loop3A_234 = arith.constant 0 : index
        %parallel_loop3A_235 = tpu.vector_load %arg11[%parallel_loop3A_232, %parallel_loop3A_233, %parallel_loop3A_234] {strides = array<i32>} : memref<2x125x80xf32, #tpu.memory_space<vmem>>, vector<16xf32>,
        %parallel_loop3A_236 = arith.mulf %parallel_loop3A_235, %parallel_loop3A_225 : vector<16xf32>
        %parallel_loop3A_237 = arith.constant 0 : i32
        %parallel_loop3A_238 = arith.index_cast %parallel_loop3A_237 : i32 to index
        %parallel_loop3A_239 = arith.index_cast %parallel_loop3A_208 : i32 to index
        %parallel_loop3A_240 = arith.constant 0 : index
        %parallel_loop3A_241 = tpu.vector_load %arg13[%parallel_loop3A_238, %parallel_loop3A_239, %parallel_loop3A_240] {strides = array<i32>} : memref<2x125x80xf32, #tpu.memory_space<vmem>>, vector<16xf32>,
        tpu.vector_store %arg13[%parallel_loop3A_238, %parallel_loop3A_239, %parallel_loop3A_240], %parallel_loop3A_236 {strides = array<i32>} : memref<2x125x80xf32, #tpu.memory_space<vmem>>, vector<16xf32>,
        %parallel_loop3A_242 = arith.constant 0 : i32
        %parallel_loop3A_243 = arith.index_cast %parallel_loop3A_242 : i32 to index
        %parallel_loop3A_244 = arith.index_cast %parallel_loop3A_208 : i32 to index
        %parallel_loop3A_245 = arith.constant 16 : index
        %parallel_loop3A_246 = tpu.vector_load %arg11[%parallel_loop3A_243, %parallel_loop3A_244, %parallel_loop3A_245] {strides = array<i32>} : memref<2x125x80xf32, #tpu.memory_space<vmem>>, vector<16xf32>,
        %parallel_loop3A_247 = arith.mulf %parallel_loop3A_246, %parallel_loop3A_225 : vector<16xf32>
        %parallel_loop3A_248 = arith.constant 0 : i32
        %parallel_loop3A_249 = arith.index_cast %parallel_loop3A_248 : i32 to index
        %parallel_loop3A_250 = arith.index_cast %parallel_loop3A_208 : i32 to index
        %parallel_loop3A_251 = arith.constant 16 : index
        %parallel_loop3A_252 = tpu.vector_load %arg13[%parallel_loop3A_249, %parallel_loop3A_250, %parallel_loop3A_251] {strides = array<i32>} : memref<2x125x80xf32, #tpu.memory_space<vmem>>, vector<16xf32>,
        tpu.vector_store %arg13[%parallel_loop3A_249, %parallel_loop3A_250, %parallel_loop3A_251], %parallel_loop3A_247 {strides = array<i32>} : memref<2x125x80xf32, #tpu.memory_space<vmem>>, vector<16xf32>,
        %parallel_loop3A_253 = arith.constant 0 : i32
        %parallel_loop3A_254 = arith.index_cast %parallel_loop3A_253 : i32 to index
        %parallel_loop3A_255 = arith.index_cast %parallel_loop3A_208 : i32 to index
        %parallel_loop3A_256 = arith.constant 32 : index
        %parallel_loop3A_257 = tpu.vector_load %arg11[%parallel_loop3A_254, %parallel_loop3A_255, %parallel_loop3A_256] {strides = array<i32>} : memref<2x125x80xf32, #tpu.memory_space<vmem>>, vector<16xf32>,
        %parallel_loop3A_258 = arith.mulf %parallel_loop3A_257, %parallel_loop3A_225 : vector<16xf32>
        %parallel_loop3A_259 = arith.constant 0 : i32
        %parallel_loop3A_260 = arith.index_cast %parallel_loop3A_259 : i32 to index
        %parallel_loop3A_261 = arith.index_cast %parallel_loop3A_208 : i32 to index
        %parallel_loop3A_262 = arith.constant 32 : index
        %parallel_loop3A_263 = tpu.vector_load %arg13[%parallel_loop3A_260, %parallel_loop3A_261, %parallel_loop3A_262] {strides = array<i32>} : memref<2x125x80xf32, #tpu.memory_space<vmem>>, vector<16xf32>,
        tpu.vector_store %arg13[%parallel_loop3A_260, %parallel_loop3A_261, %parallel_loop3A_262], %parallel_loop3A_258 {strides = array<i32>} : memref<2x125x80xf32, #tpu.memory_space<vmem>>, vector<16xf32>,
        %parallel_loop3A_264 = arith.constant 0 : i32
        %parallel_loop3A_265 = arith.index_cast %parallel_loop3A_264 : i32 to index
        %parallel_loop3A_266 = arith.index_cast %parallel_loop3A_208 : i32 to index
        %parallel_loop3A_267 = arith.constant 48 : index
        %parallel_loop3A_268 = tpu.vector_load %arg11[%parallel_loop3A_265, %parallel_loop3A_266, %parallel_loop3A_267] {strides = array<i32>} : memref<2x125x80xf32, #tpu.memory_space<vmem>>, vector<16xf32>,
        %parallel_loop3A_269 = arith.mulf %parallel_loop3A_268, %parallel_loop3A_225 : vector<16xf32>
        %parallel_loop3A_270 = arith.constant 0 : i32
        %parallel_loop3A_271 = arith.index_cast %parallel_loop3A_270 : i32 to index
        %parallel_loop3A_272 = arith.index_cast %parallel_loop3A_208 : i32 to index
        %parallel_loop3A_273 = arith.constant 48 : index
        %parallel_loop3A_274 = tpu.vector_load %arg13[%parallel_loop3A_271, %parallel_loop3A_272, %parallel_loop3A_273] {strides = array<i32>} : memref<2x125x80xf32, #tpu.memory_space<vmem>>, vector<16xf32>,
        tpu.vector_store %arg13[%parallel_loop3A_271, %parallel_loop3A_272, %parallel_loop3A_273], %parallel_loop3A_269 {strides = array<i32>} : memref<2x125x80xf32, #tpu.memory_space<vmem>>, vector<16xf32>,
      } {sc.loop_unroll_factor = 8 : i64, sc.parallel_access}
      %add3A_139 = arith.constant 2 : i32
      %add3A_140 = arith.addi %add3A_111, %add3A_139 : i32
      %lt3A = arith.constant 80 : i32
      %lt3A_141 = arith.cmpi slt, %add3A_140, %lt3A : i32
      %convert_element_type3A_142 = arith.extui %lt3A_141 : i1 to i32
      %cond3A_143 = arith.constant 0 : i32
      %cond3A_144 = arith.cmpi ne, %convert_element_type3A_142, %cond3A_143 : i32
      scf.if %cond3A_144 {
        %add3A_208 = arith.constant 2 : i32
        %add3A_209 = arith.addi %add3A_111, %add3A_208 : i32
        %dma_start3A_210 = arith.constant 0 : i32
        %dma_start3A_211 = arith.constant 0 : i32
        %dma_start3A_212 = arith.constant 0 : i32
        %dma_start3A_213 = tpu.memref_slice %arg11[%dma_start3A_210, %dma_start3A_211, %dma_start3A_212] : memref<2x125x80xf32, #tpu.memory_space<vmem>> -> memref<1x125x80xf32, #tpu.memory_space<vmem>>
        %dma_start3A_214 = tpu.memref_squeeze %dma_start3A_213 : memref<1x125x80xf32, #tpu.memory_space<vmem>> -> memref<125x80xf32, #tpu.memory_space<vmem>>
        %dma_start3A_215 = arith.constant 0 : i32
        %dma_start3A_216 = tpu.memref_slice %arg9[%add3A_209, %dma_start3A_215] : memref<80x125xi32, #tpu.memory_space<vmem>> -> memref<1x125xi32, #tpu.memory_space<vmem>>
        %dma_start3A_217 = tpu.memref_squeeze %dma_start3A_216 : memref<1x125xi32, #tpu.memory_space<vmem>> -> memref<125xi32, #tpu.memory_space<vmem>>
        %dma_start3A_218 = arith.constant 0 : i32
        %dma_start3A_219 = arith.constant 0 : i32
        %dma_start3A_220 = tpu.memref_slice %arg4[%dma_start3A_218, %dma_start3A_219] : memref<10000x80xf32, #tpu.memory_space<hbm>> -> memref<10000x80xf32, #tpu.memory_space<hbm>>
        tpu.enqueue_indirect_dma source(%dma_start3A_220 : memref<10000x80xf32, #tpu.memory_space<hbm>>) target(%dma_start3A_214 : memref<125x80xf32, #tpu.memory_space<vmem>>) offsets(%dma_start3A_217 : memref<125xi32, #tpu.memory_space<vmem>>) semaphore(%arg15 : memref<!tpu.dma_semaphore, #tpu.memory_space<semaphore_mem>>)
        %dma_start3A_221 = arith.constant 0 : i32
        %dma_start3A_222 = arith.constant 0 : i32
        %dma_start3A_223 = arith.constant 0 : i32
        %dma_start3A_224 = tpu.memref_slice %arg12[%dma_start3A_221, %dma_start3A_222, %dma_start3A_223] : memref<2x125x16xf32, #tpu.memory_space<vmem>> -> memref<1x125x16xf32, #tpu.memory_space<vmem>>
        %dma_start3A_225 = tpu.memref_squeeze %dma_start3A_224 : memref<1x125x16xf32, #tpu.memory_space<vmem>> -> memref<125x16xf32, #tpu.memory_space<vmem>>
        %dma_start3A_226 = arith.constant 0 : i32
        %dma_start3A_227 = tpu.memref_slice %arg10[%add3A_209, %dma_start3A_226] : memref<80x125xi32, #tpu.memory_space<vmem>> -> memref<1x125xi32, #tpu.memory_space<vmem>>
        %dma_start3A_228 = tpu.memref_squeeze %dma_start3A_227 : memref<1x125xi32, #tpu.memory_space<vmem>> -> memref<125xi32, #tpu.memory_space<vmem>>
        %dma_start3A_229 = arith.constant 0 : i32
        %dma_start3A_230 = arith.constant 0 : i32
        %dma_start3A_231 = tpu.memref_slice %arg5[%dma_start3A_229, %dma_start3A_230] : memref<10000x16xf32, #tpu.memory_space<hbm>> -> memref<10000x16xf32, #tpu.memory_space<hbm>>
        tpu.enqueue_indirect_dma source(%dma_start3A_231 : memref<10000x16xf32, #tpu.memory_space<hbm>>) target(%dma_start3A_225 : memref<125x16xf32, #tpu.memory_space<vmem>>) offsets(%dma_start3A_228 : memref<125xi32, #tpu.memory_space<vmem>>) semaphore(%arg15 : memref<!tpu.dma_semaphore, #tpu.memory_space<semaphore_mem>>)
      } else {
      }
      %dma_start3A_145 = arith.constant 0 : i32
      %dma_start3A_146 = arith.constant 0 : i32
      %dma_start3A_147 = arith.constant 0 : i32
      %dma_start3A_148 = tpu.memref_slice %arg13[%dma_start3A_145, %dma_start3A_146, %dma_start3A_147] : memref<2x125x80xf32, #tpu.memory_space<vmem>> -> memref<1x125x80xf32, #tpu.memory_space<vmem>>
      %dma_start3A_149 = tpu.memref_squeeze %dma_start3A_148 : memref<1x125x80xf32, #tpu.memory_space<vmem>> -> memref<125x80xf32, #tpu.memory_space<vmem>>
      %dma_start3A_150 = arith.constant 0 : i32
      %dma_start3A_151 = tpu.memref_slice %arg10[%add3A_111, %dma_start3A_150] : memref<80x125xi32, #tpu.memory_space<vmem>> -> memref<1x125xi32, #tpu.memory_space<vmem>>
      %dma_start3A_152 = tpu.memref_squeeze %dma_start3A_151 : memref<1x125xi32, #tpu.memory_space<vmem>> -> memref<125xi32, #tpu.memory_space<vmem>>
      %dma_start3A_153 = arith.constant 0 : i32
      %dma_start3A_154 = arith.constant 0 : i32
      %dma_start3A_155 = tpu.memref_slice %arg8[%dma_start3A_153, %dma_start3A_154] : memref<10240x80xf32, #tpu.memory_space<vmem_shared>> -> memref<10240x80xf32, #tpu.memory_space<vmem_shared>>
      tpu.enqueue_indirect_dma source(%dma_start3A_149 : memref<125x80xf32, #tpu.memory_space<vmem>>) target(%dma_start3A_155 : memref<10240x80xf32, #tpu.memory_space<vmem_shared>>) offsets(%dma_start3A_152 : memref<125xi32, #tpu.memory_space<vmem>>) semaphore(%arg17 : memref<!tpu.dma_semaphore, #tpu.memory_space<semaphore_mem>>) {add = true}
      %mul3A_156 = arith.constant 2 : i32
      %mul3A_157 = arith.muli %mul3A_156, %scan3A_107 : i32
      %add3A_158 = arith.constant 1 : i32
      %add3A_159 = arith.addi %mul3A_157, %add3A_158 : i32
      %dma_wait3A_160 = arith.constant 1 : i32
      %dma_wait3A_161 = arith.constant 0 : i32
      %dma_wait3A_162 = arith.constant 0 : i32
      %dma_wait3A_163 = tpu.memref_slice %arg11[%dma_wait3A_160, %dma_wait3A_161, %dma_wait3A_162] : memref<2x125x80xf32, #tpu.memory_space<vmem>> -> memref<1x125x80xf32, #tpu.memory_space<vmem>>
      %dma_wait3A_164 = tpu.memref_squeeze %dma_wait3A_163 : memref<1x125x80xf32, #tpu.memory_space<vmem>> -> memref<125x80xf32, #tpu.memory_space<vmem>>
      %dma_wait3A_165 = arith.constant 0 : i32
      %dma_wait3A_166 = tpu.memref_slice %arg9[%add3A_159, %dma_wait3A_165] : memref<80x125xi32, #tpu.memory_space<vmem>> -> memref<1x125xi32, #tpu.memory_space<vmem>>
      %dma_wait3A_167 = tpu.memref_squeeze %dma_wait3A_166 : memref<1x125xi32, #tpu.memory_space<vmem>> -> memref<125xi32, #tpu.memory_space<vmem>>
      %dma_wait3A_168 = arith.constant 0 : i32
      %dma_wait3A_169 = arith.constant 0 : i32
      %dma_wait3A_170 = tpu.memref_slice %arg4[%dma_wait3A_168, %dma_wait3A_169] : memref<10000x80xf32, #tpu.memory_space<hbm>> -> memref<10000x80xf32, #tpu.memory_space<hbm>>
      tpu.wait_indirect_dma semaphore(%arg16 : memref<!tpu.dma_semaphore, #tpu.memory_space<semaphore_mem>>) src(%dma_wait3A_170 : memref<10000x80xf32, #tpu.memory_space<hbm>>) dst(%dma_wait3A_164 : memref<125x80xf32, #tpu.memory_space<vmem>>)
      %dma_wait3A_171 = arith.constant 1 : i32
      %dma_wait3A_172 = arith.constant 0 : i32
      %dma_wait3A_173 = arith.constant 0 : i32
      %dma_wait3A_174 = tpu.memref_slice %arg12[%dma_wait3A_171, %dma_wait3A_172, %dma_wait3A_173] : memref<2x125x16xf32, #tpu.memory_space<vmem>> -> memref<1x125x16xf32, #tpu.memory_space<vmem>>
      %dma_wait3A_175 = tpu.memref_squeeze %dma_wait3A_174 : memref<1x125x16xf32, #tpu.memory_space<vmem>> -> memref<125x16xf32, #tpu.memory_space<vmem>>
      %dma_wait3A_176 = arith.constant 0 : i32
      %dma_wait3A_177 = tpu.memref_slice %arg10[%add3A_159, %dma_wait3A_176] : memref<80x125xi32, #tpu.memory_space<vmem>> -> memref<1x125xi32, #tpu.memory_space<vmem>>
      %dma_wait3A_178 = tpu.memref_squeeze %dma_wait3A_177 : memref<1x125xi32, #tpu.memory_space<vmem>> -> memref<125xi32, #tpu.memory_space<vmem>>
      %dma_wait3A_179 = arith.constant 0 : i32
      %dma_wait3A_180 = arith.constant 0 : i32
      %dma_wait3A_181 = tpu.memref_slice %arg5[%dma_wait3A_179, %dma_wait3A_180] : memref<10000x16xf32, #tpu.memory_space<hbm>> -> memref<10000x16xf32, #tpu.memory_space<hbm>>
      tpu.wait_indirect_dma semaphore(%arg16 : memref<!tpu.dma_semaphore, #tpu.memory_space<semaphore_mem>>) src(%dma_wait3A_181 : memref<10000x16xf32, #tpu.memory_space<hbm>>) dst(%dma_wait3A_175 : memref<125x16xf32, #tpu.memory_space<vmem>>)
      %gt3A_182 = arith.constant 0 : i32
      %gt3A_183 = arith.cmpi sgt, %scan3A_107, %gt3A_182 : i32
      %convert_element_type3A_184 = arith.extui %gt3A_183 : i1 to i32
      %cond3A_185 = arith.constant 0 : i32
      %cond3A_186 = arith.cmpi ne, %convert_element_type3A_184, %cond3A_185 : i32
      scf.if %cond3A_186 {
        %sub3A = arith.constant 2 : i32
        %sub3A_208 = arith.subi %add3A_159, %sub3A : i32
        %dma_wait3A_209 = arith.constant 1 : i32
        %dma_wait3A_210 = arith.constant 0 : i32
        %dma_wait3A_211 = arith.constant 0 : i32
        %dma_wait3A_212 = tpu.memref_slice %arg13[%dma_wait3A_209, %dma_wait3A_210, %dma_wait3A_211] : memref<2x125x80xf32, #tpu.memory_space<vmem>> -> memref<1x125x80xf32, #tpu.memory_space<vmem>>
        %dma_wait3A_213 = tpu.memref_squeeze %dma_wait3A_212 : memref<1x125x80xf32, #tpu.memory_space<vmem>> -> memref<125x80xf32, #tpu.memory_space<vmem>>
        %dma_wait3A_214 = arith.constant 0 : i32
        %dma_wait3A_215 = tpu.memref_slice %arg10[%sub3A_208, %dma_wait3A_214] : memref<80x125xi32, #tpu.memory_space<vmem>> -> memref<1x125xi32, #tpu.memory_space<vmem>>
        %dma_wait3A_216 = tpu.memref_squeeze %dma_wait3A_215 : memref<1x125xi32, #tpu.memory_space<vmem>> -> memref<125xi32, #tpu.memory_space<vmem>>
        %dma_wait3A_217 = arith.constant 0 : i32
        %dma_wait3A_218 = arith.constant 0 : i32
        %dma_wait3A_219 = tpu.memref_slice %arg8[%dma_wait3A_217, %dma_wait3A_218] : memref<10240x80xf32, #tpu.memory_space<vmem_shared>> -> memref<10240x80xf32, #tpu.memory_space<vmem_shared>>
        tpu.wait_indirect_dma semaphore(%arg18 : memref<!tpu.dma_semaphore, #tpu.memory_space<semaphore_mem>>) src(%dma_wait3A_213 : memref<125x80xf32, #tpu.memory_space<vmem>>) dst(%dma_wait3A_219 : memref<10240x80xf32, #tpu.memory_space<vmem_shared>>)
      } else {
      }
      %parallel_loop3A_187 = arith.constant 0 : i32
      %parallel_loop3A_188 = arith.constant 125 : i32
      %parallel_loop3A_189 = arith.constant 1 : i32
      scf.for %parallel_loop3A_208 = %parallel_loop3A_187 to %parallel_loop3A_188 step %parallel_loop3A_189  : i32 {
        %parallel_loop3A_209 = arith.constant 1 : i32
        %parallel_loop3A_210 = arith.index_cast %parallel_loop3A_209 : i32 to index
        %parallel_loop3A_211 = arith.index_cast %parallel_loop3A_208 : i32 to index
        %parallel_loop3A_212 = arith.constant 64 : index
        %parallel_loop3A_213 = tpu.vector_load %arg11[%parallel_loop3A_210, %parallel_loop3A_211, %parallel_loop3A_212] {strides = array<i32>} : memref<2x125x80xf32, #tpu.memory_space<vmem>>, vector<16xf32>,
        %parallel_loop3A_214 = arith.constant 1 : i32
        %parallel_loop3A_215 = arith.index_cast %parallel_loop3A_214 : i32 to index
        %parallel_loop3A_216 = arith.index_cast %parallel_loop3A_208 : i32 to index
        %parallel_loop3A_217 = arith.constant 0 : index
        %parallel_loop3A_218 = tpu.vector_load %arg12[%parallel_loop3A_215, %parallel_loop3A_216, %parallel_loop3A_217] {strides = array<i32>} : memref<2x125x16xf32, #tpu.memory_space<vmem>>, vector<16xf32>,
        %parallel_loop3A_219 = arith.addf %parallel_loop3A_213, %parallel_loop3A_218 : vector<16xf32>
        %parallel_loop3A_220 = arith.constant 2.000000e-01 : f32
        %parallel_loop3A_221 = vector.broadcast %parallel_loop3A_220 : f32 to vector<16xf32>
        %parallel_loop3A_222 = arith.mulf %parallel_loop3A_221, %parallel_loop3A_219 : vector<16xf32>
        %parallel_loop3A_223 = arith.maximumf %parallel_loop3A_219, %parallel_loop3A_222 : vector<16xf32>
        %parallel_loop3A_224 = arith.subf %parallel_loop3A_223, %get3A_30 : vector<16xf32>
        %parallel_loop3A_225 = math.exp %parallel_loop3A_224 : vector<16xf32>
        %parallel_loop3A_226 = arith.constant 1 : i32
        %parallel_loop3A_227 = arith.index_cast %parallel_loop3A_226 : i32 to index
        %parallel_loop3A_228 = arith.index_cast %parallel_loop3A_208 : i32 to index
        %parallel_loop3A_229 = arith.constant 64 : index
        %parallel_loop3A_230 = tpu.vector_load %arg13[%parallel_loop3A_227, %parallel_loop3A_228, %parallel_loop3A_229] {strides = array<i32>} : memref<2x125x80xf32, #tpu.memory_space<vmem>>, vector<16xf32>,
        tpu.vector_store %arg13[%parallel_loop3A_227, %parallel_loop3A_228, %parallel_loop3A_229], %parallel_loop3A_225 {strides = array<i32>} : memref<2x125x80xf32, #tpu.memory_space<vmem>>, vector<16xf32>,
        %parallel_loop3A_231 = arith.constant 1 : i32
        %parallel_loop3A_232 = arith.index_cast %parallel_loop3A_231 : i32 to index
        %parallel_loop3A_233 = arith.index_cast %parallel_loop3A_208 : i32 to index
        %parallel_loop3A_234 = arith.constant 0 : index
        %parallel_loop3A_235 = tpu.vector_load %arg11[%parallel_loop3A_232, %parallel_loop3A_233, %parallel_loop3A_234] {strides = array<i32>} : memref<2x125x80xf32, #tpu.memory_space<vmem>>, vector<16xf32>,
        %parallel_loop3A_236 = arith.mulf %parallel_loop3A_235, %parallel_loop3A_225 : vector<16xf32>
        %parallel_loop3A_237 = arith.constant 1 : i32
        %parallel_loop3A_238 = arith.index_cast %parallel_loop3A_237 : i32 to index
        %parallel_loop3A_239 = arith.index_cast %parallel_loop3A_208 : i32 to index
        %parallel_loop3A_240 = arith.constant 0 : index
        %parallel_loop3A_241 = tpu.vector_load %arg13[%parallel_loop3A_238, %parallel_loop3A_239, %parallel_loop3A_240] {strides = array<i32>} : memref<2x125x80xf32, #tpu.memory_space<vmem>>, vector<16xf32>,
        tpu.vector_store %arg13[%parallel_loop3A_238, %parallel_loop3A_239, %parallel_loop3A_240], %parallel_loop3A_236 {strides = array<i32>} : memref<2x125x80xf32, #tpu.memory_space<vmem>>, vector<16xf32>,
        %parallel_loop3A_242 = arith.constant 1 : i32
        %parallel_loop3A_243 = arith.index_cast %parallel_loop3A_242 : i32 to index
        %parallel_loop3A_244 = arith.index_cast %parallel_loop3A_208 : i32 to index
        %parallel_loop3A_245 = arith.constant 16 : index
        %parallel_loop3A_246 = tpu.vector_load %arg11[%parallel_loop3A_243, %parallel_loop3A_244, %parallel_loop3A_245] {strides = array<i32>} : memref<2x125x80xf32, #tpu.memory_space<vmem>>, vector<16xf32>,
        %parallel_loop3A_247 = arith.mulf %parallel_loop3A_246, %parallel_loop3A_225 : vector<16xf32>
        %parallel_loop3A_248 = arith.constant 1 : i32
        %parallel_loop3A_249 = arith.index_cast %parallel_loop3A_248 : i32 to index
        %parallel_loop3A_250 = arith.index_cast %parallel_loop3A_208 : i32 to index
        %parallel_loop3A_251 = arith.constant 16 : index
        %parallel_loop3A_252 = tpu.vector_load %arg13[%parallel_loop3A_249, %parallel_loop3A_250, %parallel_loop3A_251] {strides = array<i32>} : memref<2x125x80xf32, #tpu.memory_space<vmem>>, vector<16xf32>,
        tpu.vector_store %arg13[%parallel_loop3A_249, %parallel_loop3A_250, %parallel_loop3A_251], %parallel_loop3A_247 {strides = array<i32>} : memref<2x125x80xf32, #tpu.memory_space<vmem>>, vector<16xf32>,
        %parallel_loop3A_253 = arith.constant 1 : i32
        %parallel_loop3A_254 = arith.index_cast %parallel_loop3A_253 : i32 to index
        %parallel_loop3A_255 = arith.index_cast %parallel_loop3A_208 : i32 to index
        %parallel_loop3A_256 = arith.constant 32 : index
        %parallel_loop3A_257 = tpu.vector_load %arg11[%parallel_loop3A_254, %parallel_loop3A_255, %parallel_loop3A_256] {strides = array<i32>} : memref<2x125x80xf32, #tpu.memory_space<vmem>>, vector<16xf32>,
        %parallel_loop3A_258 = arith.mulf %parallel_loop3A_257, %parallel_loop3A_225 : vector<16xf32>
        %parallel_loop3A_259 = arith.constant 1 : i32
        %parallel_loop3A_260 = arith.index_cast %parallel_loop3A_259 : i32 to index
        %parallel_loop3A_261 = arith.index_cast %parallel_loop3A_208 : i32 to index
        %parallel_loop3A_262 = arith.constant 32 : index
        %parallel_loop3A_263 = tpu.vector_load %arg13[%parallel_loop3A_260, %parallel_loop3A_261, %parallel_loop3A_262] {strides = array<i32>} : memref<2x125x80xf32, #tpu.memory_space<vmem>>, vector<16xf32>,
        tpu.vector_store %arg13[%parallel_loop3A_260, %parallel_loop3A_261, %parallel_loop3A_262], %parallel_loop3A_258 {strides = array<i32>} : memref<2x125x80xf32, #tpu.memory_space<vmem>>, vector<16xf32>,
        %parallel_loop3A_264 = arith.constant 1 : i32
        %parallel_loop3A_265 = arith.index_cast %parallel_loop3A_264 : i32 to index
        %parallel_loop3A_266 = arith.index_cast %parallel_loop3A_208 : i32 to index
        %parallel_loop3A_267 = arith.constant 48 : index
        %parallel_loop3A_268 = tpu.vector_load %arg11[%parallel_loop3A_265, %parallel_loop3A_266, %parallel_loop3A_267] {strides = array<i32>} : memref<2x125x80xf32, #tpu.memory_space<vmem>>, vector<16xf32>,
        %parallel_loop3A_269 = arith.mulf %parallel_loop3A_268, %parallel_loop3A_225 : vector<16xf32>
        %parallel_loop3A_270 = arith.constant 1 : i32
        %parallel_loop3A_271 = arith.index_cast %parallel_loop3A_270 : i32 to index
        %parallel_loop3A_272 = arith.index_cast %parallel_loop3A_208 : i32 to index
        %parallel_loop3A_273 = arith.constant 48 : index
        %parallel_loop3A_274 = tpu.vector_load %arg13[%parallel_loop3A_271, %parallel_loop3A_272, %parallel_loop3A_273] {strides = array<i32>} : memref<2x125x80xf32, #tpu.memory_space<vmem>>, vector<16xf32>,
        tpu.vector_store %arg13[%parallel_loop3A_271, %parallel_loop3A_272, %parallel_loop3A_273], %parallel_loop3A_269 {strides = array<i32>} : memref<2x125x80xf32, #tpu.memory_space<vmem>>, vector<16xf32>,
      } {sc.loop_unroll_factor = 8 : i64, sc.parallel_access}
      %add3A_190 = arith.constant 2 : i32
      %add3A_191 = arith.addi %add3A_159, %add3A_190 : i32
      %lt3A_192 = arith.constant 80 : i32
      %lt3A_193 = arith.cmpi slt, %add3A_191, %lt3A_192 : i32
      %convert_element_type3A_194 = arith.extui %lt3A_193 : i1 to i32
      %cond3A_195 = arith.constant 0 : i32
      %cond3A_196 = arith.cmpi ne, %convert_element_type3A_194, %cond3A_195 : i32
      scf.if %cond3A_196 {
        %add3A_208 = arith.constant 2 : i32
        %add3A_209 = arith.addi %add3A_159, %add3A_208 : i32
        %dma_start3A_210 = arith.constant 1 : i32
        %dma_start3A_211 = arith.constant 0 : i32
        %dma_start3A_212 = arith.constant 0 : i32
        %dma_start3A_213 = tpu.memref_slice %arg11[%dma_start3A_210, %dma_start3A_211, %dma_start3A_212] : memref<2x125x80xf32, #tpu.memory_space<vmem>> -> memref<1x125x80xf32, #tpu.memory_space<vmem>>
        %dma_start3A_214 = tpu.memref_squeeze %dma_start3A_213 : memref<1x125x80xf32, #tpu.memory_space<vmem>> -> memref<125x80xf32, #tpu.memory_space<vmem>>
        %dma_start3A_215 = arith.constant 0 : i32
        %dma_start3A_216 = tpu.memref_slice %arg9[%add3A_209, %dma_start3A_215] : memref<80x125xi32, #tpu.memory_space<vmem>> -> memref<1x125xi32, #tpu.memory_space<vmem>>
        %dma_start3A_217 = tpu.memref_squeeze %dma_start3A_216 : memref<1x125xi32, #tpu.memory_space<vmem>> -> memref<125xi32, #tpu.memory_space<vmem>>
        %dma_start3A_218 = arith.constant 0 : i32
        %dma_start3A_219 = arith.constant 0 : i32
        %dma_start3A_220 = tpu.memref_slice %arg4[%dma_start3A_218, %dma_start3A_219] : memref<10000x80xf32, #tpu.memory_space<hbm>> -> memref<10000x80xf32, #tpu.memory_space<hbm>>
        tpu.enqueue_indirect_dma source(%dma_start3A_220 : memref<10000x80xf32, #tpu.memory_space<hbm>>) target(%dma_start3A_214 : memref<125x80xf32, #tpu.memory_space<vmem>>) offsets(%dma_start3A_217 : memref<125xi32, #tpu.memory_space<vmem>>) semaphore(%arg16 : memref<!tpu.dma_semaphore, #tpu.memory_space<semaphore_mem>>)
        %dma_start3A_221 = arith.constant 1 : i32
        %dma_start3A_222 = arith.constant 0 : i32
        %dma_start3A_223 = arith.constant 0 : i32
        %dma_start3A_224 = tpu.memref_slice %arg12[%dma_start3A_221, %dma_start3A_222, %dma_start3A_223] : memref<2x125x16xf32, #tpu.memory_space<vmem>> -> memref<1x125x16xf32, #tpu.memory_space<vmem>>
        %dma_start3A_225 = tpu.memref_squeeze %dma_start3A_224 : memref<1x125x16xf32, #tpu.memory_space<vmem>> -> memref<125x16xf32, #tpu.memory_space<vmem>>
        %dma_start3A_226 = arith.constant 0 : i32
        %dma_start3A_227 = tpu.memref_slice %arg10[%add3A_209, %dma_start3A_226] : memref<80x125xi32, #tpu.memory_space<vmem>> -> memref<1x125xi32, #tpu.memory_space<vmem>>
        %dma_start3A_228 = tpu.memref_squeeze %dma_start3A_227 : memref<1x125xi32, #tpu.memory_space<vmem>> -> memref<125xi32, #tpu.memory_space<vmem>>
        %dma_start3A_229 = arith.constant 0 : i32
        %dma_start3A_230 = arith.constant 0 : i32
        %dma_start3A_231 = tpu.memref_slice %arg5[%dma_start3A_229, %dma_start3A_230] : memref<10000x16xf32, #tpu.memory_space<hbm>> -> memref<10000x16xf32, #tpu.memory_space<hbm>>
        tpu.enqueue_indirect_dma source(%dma_start3A_231 : memref<10000x16xf32, #tpu.memory_space<hbm>>) target(%dma_start3A_225 : memref<125x16xf32, #tpu.memory_space<vmem>>) offsets(%dma_start3A_228 : memref<125xi32, #tpu.memory_space<vmem>>) semaphore(%arg16 : memref<!tpu.dma_semaphore, #tpu.memory_space<semaphore_mem>>)
      } else {
      }
      %dma_start3A_197 = arith.constant 1 : i32
      %dma_start3A_198 = arith.constant 0 : i32
      %dma_start3A_199 = arith.constant 0 : i32
      %dma_start3A_200 = tpu.memref_slice %arg13[%dma_start3A_197, %dma_start3A_198, %dma_start3A_199] : memref<2x125x80xf32, #tpu.memory_space<vmem>> -> memref<1x125x80xf32, #tpu.memory_space<vmem>>
      %dma_start3A_201 = tpu.memref_squeeze %dma_start3A_200 : memref<1x125x80xf32, #tpu.memory_space<vmem>> -> memref<125x80xf32, #tpu.memory_space<vmem>>
      %dma_start3A_202 = arith.constant 0 : i32
      %dma_start3A_203 = tpu.memref_slice %arg10[%add3A_159, %dma_start3A_202] : memref<80x125xi32, #tpu.memory_space<vmem>> -> memref<1x125xi32, #tpu.memory_space<vmem>>
      %dma_start3A_204 = tpu.memref_squeeze %dma_start3A_203 : memref<1x125xi32, #tpu.memory_space<vmem>> -> memref<125xi32, #tpu.memory_space<vmem>>
      %dma_start3A_205 = arith.constant 0 : i32
      %dma_start3A_206 = arith.constant 0 : i32
      %dma_start3A_207 = tpu.memref_slice %arg8[%dma_start3A_205, %dma_start3A_206] : memref<10240x80xf32, #tpu.memory_space<vmem_shared>> -> memref<10240x80xf32, #tpu.memory_space<vmem_shared>>
      tpu.enqueue_indirect_dma source(%dma_start3A_201 : memref<125x80xf32, #tpu.memory_space<vmem>>) target(%dma_start3A_207 : memref<10240x80xf32, #tpu.memory_space<vmem_shared>>) offsets(%dma_start3A_204 : memref<125xi32, #tpu.memory_space<vmem>>) semaphore(%arg18 : memref<!tpu.dma_semaphore, #tpu.memory_space<semaphore_mem>>) {add = true}
    }
    %scan3A_82 = arith.constant 40 : i32
    %dma_wait3A = arith.constant 0 : i32
    %dma_wait3A_83 = arith.constant 78 : i32
    %dma_wait3A_84 = arith.constant 0 : i32
    %dma_wait3A_85 = arith.constant 0 : i32
    %dma_wait3A_86 = tpu.memref_slice %arg13[%dma_wait3A, %dma_wait3A_84, %dma_wait3A_85] : memref<2x125x80xf32, #tpu.memory_space<vmem>> -> memref<1x125x80xf32, #tpu.memory_space<vmem>>
    %dma_wait3A_87 = tpu.memref_squeeze %dma_wait3A_86 : memref<1x125x80xf32, #tpu.memory_space<vmem>> -> memref<125x80xf32, #tpu.memory_space<vmem>>
    %dma_wait3A_88 = arith.constant 0 : i32
    %dma_wait3A_89 = tpu.memref_slice %arg10[%dma_wait3A_83, %dma_wait3A_88] : memref<80x125xi32, #tpu.memory_space<vmem>> -> memref<1x125xi32, #tpu.memory_space<vmem>>
    %dma_wait3A_90 = tpu.memref_squeeze %dma_wait3A_89 : memref<1x125xi32, #tpu.memory_space<vmem>> -> memref<125xi32, #tpu.memory_space<vmem>>
    %dma_wait3A_91 = arith.constant 0 : i32
    %dma_wait3A_92 = arith.constant 0 : i32
    %dma_wait3A_93 = tpu.memref_slice %arg8[%dma_wait3A_91, %dma_wait3A_92] : memref<10240x80xf32, #tpu.memory_space<vmem_shared>> -> memref<10240x80xf32, #tpu.memory_space<vmem_shared>>
    tpu.wait_indirect_dma semaphore(%arg17 : memref<!tpu.dma_semaphore, #tpu.memory_space<semaphore_mem>>) src(%dma_wait3A_87 : memref<125x80xf32, #tpu.memory_space<vmem>>) dst(%dma_wait3A_93 : memref<10240x80xf32, #tpu.memory_space<vmem_shared>>)
    %dma_wait3A_94 = arith.constant 1 : i32
    %dma_wait3A_95 = arith.constant 79 : i32
    %dma_wait3A_96 = arith.constant 0 : i32
    %dma_wait3A_97 = arith.constant 0 : i32
    %dma_wait3A_98 = tpu.memref_slice %arg13[%dma_wait3A_94, %dma_wait3A_96, %dma_wait3A_97] : memref<2x125x80xf32, #tpu.memory_space<vmem>> -> memref<1x125x80xf32, #tpu.memory_space<vmem>>
    %dma_wait3A_99 = tpu.memref_squeeze %dma_wait3A_98 : memref<1x125x80xf32, #tpu.memory_space<vmem>> -> memref<125x80xf32, #tpu.memory_space<vmem>>
    %dma_wait3A_100 = arith.constant 0 : i32
    %dma_wait3A_101 = tpu.memref_slice %arg10[%dma_wait3A_95, %dma_wait3A_100] : memref<80x125xi32, #tpu.memory_space<vmem>> -> memref<1x125xi32, #tpu.memory_space<vmem>>
    %dma_wait3A_102 = tpu.memref_squeeze %dma_wait3A_101 : memref<1x125xi32, #tpu.memory_space<vmem>> -> memref<125xi32, #tpu.memory_space<vmem>>
    %dma_wait3A_103 = arith.constant 0 : i32
    %dma_wait3A_104 = arith.constant 0 : i32
    %dma_wait3A_105 = tpu.memref_slice %arg8[%dma_wait3A_103, %dma_wait3A_104] : memref<10240x80xf32, #tpu.memory_space<vmem_shared>> -> memref<10240x80xf32, #tpu.memory_space<vmem_shared>>
    tpu.wait_indirect_dma semaphore(%arg18 : memref<!tpu.dma_semaphore, #tpu.memory_space<semaphore_mem>>) src(%dma_wait3A_99 : memref<125x80xf32, #tpu.memory_space<vmem>>) dst(%dma_wait3A_105 : memref<10240x80xf32, #tpu.memory_space<vmem_shared>>)
    %barrier3A_106 = arith.constant 0 : index
    tpu.barrier barrier_id(%barrier3A_106)
    "tpu.region"() ({
      %run_scoped3A_107 = tpu.sem_alloc : memref<!tpu.dma_semaphore, #tpu.memory_space<semaphore_mem>>
      %dma_start3A_108 = arith.constant 0 : i32
      %dma_start3A_109 = tpu.memref_slice %arg7[%arg0, %mul3A_2, %dma_start3A_108] : memref<2x10240x80xf32, #tpu.memory_space<hbm>> -> memref<1x640x80xf32, #tpu.memory_space<hbm>>
      %dma_start3A_110 = tpu.memref_squeeze %dma_start3A_109 : memref<1x640x80xf32, #tpu.memory_space<hbm>> -> memref<640x80xf32, #tpu.memory_space<hbm>>
      %dma_start3A_111 = arith.constant 0 : i32
      %dma_start3A_112 = tpu.memref_slice %arg8[%mul3A_2, %dma_start3A_111] : memref<10240x80xf32, #tpu.memory_space<vmem_shared>> -> memref<640x80xf32, #tpu.memory_space<vmem_shared>>
      tpu.enqueue_dma source(%dma_start3A_112 : memref<640x80xf32, #tpu.memory_space<vmem_shared>>) target(%dma_start3A_110 : memref<640x80xf32, #tpu.memory_space<hbm>>) target_semaphore(%run_scoped3A_107 : memref<!tpu.dma_semaphore, #tpu.memory_space<semaphore_mem>>)
      %dma_wait3A_113 = arith.constant 0 : i32
      %dma_wait3A_114 = tpu.memref_slice %arg7[%arg0, %mul3A_2, %dma_wait3A_113] : memref<2x10240x80xf32, #tpu.memory_space<hbm>> -> memref<1x640x80xf32, #tpu.memory_space<hbm>>
      %dma_wait3A_115 = tpu.memref_squeeze %dma_wait3A_114 : memref<1x640x80xf32, #tpu.memory_space<hbm>> -> memref<640x80xf32, #tpu.memory_space<hbm>>
      %dma_wait3A_116 = arith.constant 0 : i32
      %dma_wait3A_117 = tpu.memref_slice %arg8[%mul3A_2, %dma_wait3A_116] : memref<10240x80xf32, #tpu.memory_space<vmem_shared>> -> memref<640x80xf32, #tpu.memory_space<vmem_shared>>
      tpu.wait_dma2 semaphore(%run_scoped3A_107 : memref<!tpu.dma_semaphore, #tpu.memory_space<semaphore_mem>>) src(%dma_wait3A_117 : memref<640x80xf32, #tpu.memory_space<vmem_shared>>) dst(%dma_wait3A_115 : memref<640x80xf32, #tpu.memory_space<hbm>>)
      tpu.yield
    }) : () -> ()
    return
  }
}

#map = affine_map<(d0, d1) -> (0, 0, 0)>
#map1 = affine_map<(d0, d1) -> (0, 0)>
module attributes {stable_mosaic.version = 14 : i64} {
  func.func @_sc_edges_l2(%arg0: i32, %arg1: i32, %arg2: memref<32x80x125xi32, #tpu.memory_space<hbm>>, %arg3: memref<32x80x125xi32, #tpu.memory_space<hbm>>, %arg4: memref<10000x32xf32, #tpu.memory_space<hbm>>, %arg5: memref<10000x16xf32, #tpu.memory_space<hbm>>, %arg6: memref<1x16xf32, #tpu.memory_space<hbm>>, %arg7: memref<2x10240x16xf32, #tpu.memory_space<hbm>>, %arg8: memref<10240x16xf32, #tpu.memory_space<vmem_shared>>, %arg9: memref<80x125xi32, #tpu.memory_space<vmem>>, %arg10: memref<80x125xi32, #tpu.memory_space<vmem>>, %arg11: memref<2x125x32xf32, #tpu.memory_space<vmem>>, %arg12: memref<2x125x16xf32, #tpu.memory_space<vmem>>, %arg13: memref<2x125x16xf32, #tpu.memory_space<vmem>>, %arg14: memref<1x16xf32, #tpu.memory_space<vmem>>, %arg15: memref<!tpu.dma_semaphore, #tpu.memory_space<semaphore_mem>>, %arg16: memref<!tpu.dma_semaphore, #tpu.memory_space<semaphore_mem>>, %arg17: memref<!tpu.dma_semaphore, #tpu.memory_space<semaphore_mem>>, %arg18: memref<!tpu.dma_semaphore, #tpu.memory_space<semaphore_mem>>) attributes {dimension_semantics = [#tpu.dimension_semantics<core_parallel>, #tpu.dimension_semantics<subcore_parallel>], iteration_bounds = array<i64: 2, 16>, scalar_prefetch = 0 : i64, scratch_operands = 11 : i64, tpu.core_type = #tpu.core_type<sc_vector_subcore>, window_params = [{transform_indices = #map}, {transform_indices = #map}, {transform_indices = #map1}, {transform_indices = #map1}, {transform_indices = #map1}, {transform_indices = #map}]} {
    %mul3A = arith.constant 16 : i32
    %mul3A_0 = arith.muli %arg0, %mul3A : i32
    %add3A = arith.addi %mul3A_0, %arg1 : i32
    %mul3A_1 = arith.constant 640 : i32
    %mul3A_2 = arith.muli %arg1, %mul3A_1 : i32
    %parallel_loop3A = arith.constant 0 : i32
    %parallel_loop3A_3 = arith.constant 125 : i32
    %parallel_loop3A_4 = arith.constant 1 : i32
    scf.for %parallel_loop3A_107 = %parallel_loop3A to %parallel_loop3A_3 step %parallel_loop3A_4  : i32 {
      %parallel_loop3A_108 = arith.constant 0.000000e+00 : f32
      %parallel_loop3A_109 = vector.broadcast %parallel_loop3A_108 : f32 to vector<16xf32>
      %parallel_loop3A_110 = arith.constant 0 : i32
      %parallel_loop3A_111 = arith.index_cast %parallel_loop3A_110 : i32 to index
      %parallel_loop3A_112 = arith.index_cast %parallel_loop3A_107 : i32 to index
      %parallel_loop3A_113 = arith.constant 0 : index
      %parallel_loop3A_114 = tpu.vector_load %arg13[%parallel_loop3A_111, %parallel_loop3A_112, %parallel_loop3A_113] {strides = array<i32>} : memref<2x125x16xf32, #tpu.memory_space<vmem>>, vector<16xf32>,
      tpu.vector_store %arg13[%parallel_loop3A_111, %parallel_loop3A_112, %parallel_loop3A_113], %parallel_loop3A_109 {strides = array<i32>} : memref<2x125x16xf32, #tpu.memory_space<vmem>>, vector<16xf32>,
    } {sc.loop_unroll_factor = 8 : i64, sc.parallel_access}
    %add3A_5 = arith.constant 0 : i32
    %add3A_6 = arith.addi %mul3A_2, %add3A_5 : i32
    %run_scoped3A = arith.constant 0 : i32
    "tpu.region"() ({
      %run_scoped3A_107 = tpu.sem_alloc : memref<!tpu.dma_semaphore, #tpu.memory_space<semaphore_mem>>
      %dma_start3A_108 = arith.constant 0 : i32
      %dma_start3A_109 = arith.constant 0 : i32
      %dma_start3A_110 = tpu.memref_slice %arg13[%run_scoped3A, %dma_start3A_108, %dma_start3A_109] : memref<2x125x16xf32, #tpu.memory_space<vmem>> -> memref<1x80x16xf32, #tpu.memory_space<vmem>>
      %dma_start3A_111 = tpu.memref_squeeze %dma_start3A_110 : memref<1x80x16xf32, #tpu.memory_space<vmem>> -> memref<80x16xf32, #tpu.memory_space<vmem>>
      %dma_start3A_112 = arith.constant 0 : i32
      %dma_start3A_113 = tpu.memref_slice %arg8[%add3A_6, %dma_start3A_112] : memref<10240x16xf32, #tpu.memory_space<vmem_shared>> -> memref<80x16xf32, #tpu.memory_space<vmem_shared>>
      %dma_start3A_114 = arith.constant 0 : i32
      %dma_start3A_115 = tpu.memref_slice %arg8[%add3A_6, %dma_start3A_114] : memref<10240x16xf32, #tpu.memory_space<vmem_shared>> -> memref<80x16xf32, #tpu.memory_space<vmem_shared>>
      %dma_start3A_116 = arith.constant 0 : i32
      %dma_start3A_117 = arith.constant 0 : i32
      %dma_start3A_118 = tpu.memref_slice %arg13[%run_scoped3A, %dma_start3A_116, %dma_start3A_117] : memref<2x125x16xf32, #tpu.memory_space<vmem>> -> memref<1x80x16xf32, #tpu.memory_space<vmem>>
      %dma_start3A_119 = tpu.memref_squeeze %dma_start3A_118 : memref<1x80x16xf32, #tpu.memory_space<vmem>> -> memref<80x16xf32, #tpu.memory_space<vmem>>
      tpu.enqueue_dma source(%dma_start3A_119 : memref<80x16xf32, #tpu.memory_space<vmem>>) target(%dma_start3A_115 : memref<80x16xf32, #tpu.memory_space<vmem_shared>>) target_semaphore(%run_scoped3A_107 : memref<!tpu.dma_semaphore, #tpu.memory_space<semaphore_mem>>)
      %dma_wait3A_120 = arith.constant 0 : i32
      %dma_wait3A_121 = arith.constant 0 : i32
      %dma_wait3A_122 = tpu.memref_slice %arg13[%run_scoped3A, %dma_wait3A_120, %dma_wait3A_121] : memref<2x125x16xf32, #tpu.memory_space<vmem>> -> memref<1x80x16xf32, #tpu.memory_space<vmem>>
      %dma_wait3A_123 = tpu.memref_squeeze %dma_wait3A_122 : memref<1x80x16xf32, #tpu.memory_space<vmem>> -> memref<80x16xf32, #tpu.memory_space<vmem>>
      %dma_wait3A_124 = arith.constant 0 : i32
      %dma_wait3A_125 = tpu.memref_slice %arg8[%add3A_6, %dma_wait3A_124] : memref<10240x16xf32, #tpu.memory_space<vmem_shared>> -> memref<80x16xf32, #tpu.memory_space<vmem_shared>>
      %dma_wait3A_126 = arith.constant 0 : i32
      %dma_wait3A_127 = tpu.memref_slice %arg8[%add3A_6, %dma_wait3A_126] : memref<10240x16xf32, #tpu.memory_space<vmem_shared>> -> memref<80x16xf32, #tpu.memory_space<vmem_shared>>
      %dma_wait3A_128 = arith.constant 0 : i32
      %dma_wait3A_129 = arith.constant 0 : i32
      %dma_wait3A_130 = tpu.memref_slice %arg13[%run_scoped3A, %dma_wait3A_128, %dma_wait3A_129] : memref<2x125x16xf32, #tpu.memory_space<vmem>> -> memref<1x80x16xf32, #tpu.memory_space<vmem>>
      %dma_wait3A_131 = tpu.memref_squeeze %dma_wait3A_130 : memref<1x80x16xf32, #tpu.memory_space<vmem>> -> memref<80x16xf32, #tpu.memory_space<vmem>>
      tpu.wait_dma2 semaphore(%run_scoped3A_107 : memref<!tpu.dma_semaphore, #tpu.memory_space<semaphore_mem>>) src(%dma_wait3A_131 : memref<80x16xf32, #tpu.memory_space<vmem>>) dst(%dma_wait3A_127 : memref<80x16xf32, #tpu.memory_space<vmem_shared>>)
      tpu.yield
    }) : () -> ()
    %add3A_7 = arith.constant 80 : i32
    %add3A_8 = arith.addi %mul3A_2, %add3A_7 : i32
    %run_scoped3A_9 = arith.constant 0 : i32
    "tpu.region"() ({
      %run_scoped3A_107 = tpu.sem_alloc : memref<!tpu.dma_semaphore, #tpu.memory_space<semaphore_mem>>
      %dma_start3A_108 = arith.constant 0 : i32
      %dma_start3A_109 = arith.constant 0 : i32
      %dma_start3A_110 = tpu.memref_slice %arg13[%run_scoped3A_9, %dma_start3A_108, %dma_start3A_109] : memref<2x125x16xf32, #tpu.memory_space<vmem>> -> memref<1x80x16xf32, #tpu.memory_space<vmem>>
      %dma_start3A_111 = tpu.memref_squeeze %dma_start3A_110 : memref<1x80x16xf32, #tpu.memory_space<vmem>> -> memref<80x16xf32, #tpu.memory_space<vmem>>
      %dma_start3A_112 = arith.constant 0 : i32
      %dma_start3A_113 = tpu.memref_slice %arg8[%add3A_8, %dma_start3A_112] : memref<10240x16xf32, #tpu.memory_space<vmem_shared>> -> memref<80x16xf32, #tpu.memory_space<vmem_shared>>
      %dma_start3A_114 = arith.constant 0 : i32
      %dma_start3A_115 = tpu.memref_slice %arg8[%add3A_8, %dma_start3A_114] : memref<10240x16xf32, #tpu.memory_space<vmem_shared>> -> memref<80x16xf32, #tpu.memory_space<vmem_shared>>
      %dma_start3A_116 = arith.constant 0 : i32
      %dma_start3A_117 = arith.constant 0 : i32
      %dma_start3A_118 = tpu.memref_slice %arg13[%run_scoped3A_9, %dma_start3A_116, %dma_start3A_117] : memref<2x125x16xf32, #tpu.memory_space<vmem>> -> memref<1x80x16xf32, #tpu.memory_space<vmem>>
      %dma_start3A_119 = tpu.memref_squeeze %dma_start3A_118 : memref<1x80x16xf32, #tpu.memory_space<vmem>> -> memref<80x16xf32, #tpu.memory_space<vmem>>
      tpu.enqueue_dma source(%dma_start3A_119 : memref<80x16xf32, #tpu.memory_space<vmem>>) target(%dma_start3A_115 : memref<80x16xf32, #tpu.memory_space<vmem_shared>>) target_semaphore(%run_scoped3A_107 : memref<!tpu.dma_semaphore, #tpu.memory_space<semaphore_mem>>)
      %dma_wait3A_120 = arith.constant 0 : i32
      %dma_wait3A_121 = arith.constant 0 : i32
      %dma_wait3A_122 = tpu.memref_slice %arg13[%run_scoped3A_9, %dma_wait3A_120, %dma_wait3A_121] : memref<2x125x16xf32, #tpu.memory_space<vmem>> -> memref<1x80x16xf32, #tpu.memory_space<vmem>>
      %dma_wait3A_123 = tpu.memref_squeeze %dma_wait3A_122 : memref<1x80x16xf32, #tpu.memory_space<vmem>> -> memref<80x16xf32, #tpu.memory_space<vmem>>
      %dma_wait3A_124 = arith.constant 0 : i32
      %dma_wait3A_125 = tpu.memref_slice %arg8[%add3A_8, %dma_wait3A_124] : memref<10240x16xf32, #tpu.memory_space<vmem_shared>> -> memref<80x16xf32, #tpu.memory_space<vmem_shared>>
      %dma_wait3A_126 = arith.constant 0 : i32
      %dma_wait3A_127 = tpu.memref_slice %arg8[%add3A_8, %dma_wait3A_126] : memref<10240x16xf32, #tpu.memory_space<vmem_shared>> -> memref<80x16xf32, #tpu.memory_space<vmem_shared>>
      %dma_wait3A_128 = arith.constant 0 : i32
      %dma_wait3A_129 = arith.constant 0 : i32
      %dma_wait3A_130 = tpu.memref_slice %arg13[%run_scoped3A_9, %dma_wait3A_128, %dma_wait3A_129] : memref<2x125x16xf32, #tpu.memory_space<vmem>> -> memref<1x80x16xf32, #tpu.memory_space<vmem>>
      %dma_wait3A_131 = tpu.memref_squeeze %dma_wait3A_130 : memref<1x80x16xf32, #tpu.memory_space<vmem>> -> memref<80x16xf32, #tpu.memory_space<vmem>>
      tpu.wait_dma2 semaphore(%run_scoped3A_107 : memref<!tpu.dma_semaphore, #tpu.memory_space<semaphore_mem>>) src(%dma_wait3A_131 : memref<80x16xf32, #tpu.memory_space<vmem>>) dst(%dma_wait3A_127 : memref<80x16xf32, #tpu.memory_space<vmem_shared>>)
      tpu.yield
    }) : () -> ()
    %add3A_10 = arith.constant 160 : i32
    %add3A_11 = arith.addi %mul3A_2, %add3A_10 : i32
    %run_scoped3A_12 = arith.constant 0 : i32
    "tpu.region"() ({
      %run_scoped3A_107 = tpu.sem_alloc : memref<!tpu.dma_semaphore, #tpu.memory_space<semaphore_mem>>
      %dma_start3A_108 = arith.constant 0 : i32
      %dma_start3A_109 = arith.constant 0 : i32
      %dma_start3A_110 = tpu.memref_slice %arg13[%run_scoped3A_12, %dma_start3A_108, %dma_start3A_109] : memref<2x125x16xf32, #tpu.memory_space<vmem>> -> memref<1x80x16xf32, #tpu.memory_space<vmem>>
      %dma_start3A_111 = tpu.memref_squeeze %dma_start3A_110 : memref<1x80x16xf32, #tpu.memory_space<vmem>> -> memref<80x16xf32, #tpu.memory_space<vmem>>
      %dma_start3A_112 = arith.constant 0 : i32
      %dma_start3A_113 = tpu.memref_slice %arg8[%add3A_11, %dma_start3A_112] : memref<10240x16xf32, #tpu.memory_space<vmem_shared>> -> memref<80x16xf32, #tpu.memory_space<vmem_shared>>
      %dma_start3A_114 = arith.constant 0 : i32
      %dma_start3A_115 = tpu.memref_slice %arg8[%add3A_11, %dma_start3A_114] : memref<10240x16xf32, #tpu.memory_space<vmem_shared>> -> memref<80x16xf32, #tpu.memory_space<vmem_shared>>
      %dma_start3A_116 = arith.constant 0 : i32
      %dma_start3A_117 = arith.constant 0 : i32
      %dma_start3A_118 = tpu.memref_slice %arg13[%run_scoped3A_12, %dma_start3A_116, %dma_start3A_117] : memref<2x125x16xf32, #tpu.memory_space<vmem>> -> memref<1x80x16xf32, #tpu.memory_space<vmem>>
      %dma_start3A_119 = tpu.memref_squeeze %dma_start3A_118 : memref<1x80x16xf32, #tpu.memory_space<vmem>> -> memref<80x16xf32, #tpu.memory_space<vmem>>
      tpu.enqueue_dma source(%dma_start3A_119 : memref<80x16xf32, #tpu.memory_space<vmem>>) target(%dma_start3A_115 : memref<80x16xf32, #tpu.memory_space<vmem_shared>>) target_semaphore(%run_scoped3A_107 : memref<!tpu.dma_semaphore, #tpu.memory_space<semaphore_mem>>)
      %dma_wait3A_120 = arith.constant 0 : i32
      %dma_wait3A_121 = arith.constant 0 : i32
      %dma_wait3A_122 = tpu.memref_slice %arg13[%run_scoped3A_12, %dma_wait3A_120, %dma_wait3A_121] : memref<2x125x16xf32, #tpu.memory_space<vmem>> -> memref<1x80x16xf32, #tpu.memory_space<vmem>>
      %dma_wait3A_123 = tpu.memref_squeeze %dma_wait3A_122 : memref<1x80x16xf32, #tpu.memory_space<vmem>> -> memref<80x16xf32, #tpu.memory_space<vmem>>
      %dma_wait3A_124 = arith.constant 0 : i32
      %dma_wait3A_125 = tpu.memref_slice %arg8[%add3A_11, %dma_wait3A_124] : memref<10240x16xf32, #tpu.memory_space<vmem_shared>> -> memref<80x16xf32, #tpu.memory_space<vmem_shared>>
      %dma_wait3A_126 = arith.constant 0 : i32
      %dma_wait3A_127 = tpu.memref_slice %arg8[%add3A_11, %dma_wait3A_126] : memref<10240x16xf32, #tpu.memory_space<vmem_shared>> -> memref<80x16xf32, #tpu.memory_space<vmem_shared>>
      %dma_wait3A_128 = arith.constant 0 : i32
      %dma_wait3A_129 = arith.constant 0 : i32
      %dma_wait3A_130 = tpu.memref_slice %arg13[%run_scoped3A_12, %dma_wait3A_128, %dma_wait3A_129] : memref<2x125x16xf32, #tpu.memory_space<vmem>> -> memref<1x80x16xf32, #tpu.memory_space<vmem>>
      %dma_wait3A_131 = tpu.memref_squeeze %dma_wait3A_130 : memref<1x80x16xf32, #tpu.memory_space<vmem>> -> memref<80x16xf32, #tpu.memory_space<vmem>>
      tpu.wait_dma2 semaphore(%run_scoped3A_107 : memref<!tpu.dma_semaphore, #tpu.memory_space<semaphore_mem>>) src(%dma_wait3A_131 : memref<80x16xf32, #tpu.memory_space<vmem>>) dst(%dma_wait3A_127 : memref<80x16xf32, #tpu.memory_space<vmem_shared>>)
      tpu.yield
    }) : () -> ()
    %add3A_13 = arith.constant 240 : i32
    %add3A_14 = arith.addi %mul3A_2, %add3A_13 : i32
    %run_scoped3A_15 = arith.constant 0 : i32
    "tpu.region"() ({
      %run_scoped3A_107 = tpu.sem_alloc : memref<!tpu.dma_semaphore, #tpu.memory_space<semaphore_mem>>
      %dma_start3A_108 = arith.constant 0 : i32
      %dma_start3A_109 = arith.constant 0 : i32
      %dma_start3A_110 = tpu.memref_slice %arg13[%run_scoped3A_15, %dma_start3A_108, %dma_start3A_109] : memref<2x125x16xf32, #tpu.memory_space<vmem>> -> memref<1x80x16xf32, #tpu.memory_space<vmem>>
      %dma_start3A_111 = tpu.memref_squeeze %dma_start3A_110 : memref<1x80x16xf32, #tpu.memory_space<vmem>> -> memref<80x16xf32, #tpu.memory_space<vmem>>
      %dma_start3A_112 = arith.constant 0 : i32
      %dma_start3A_113 = tpu.memref_slice %arg8[%add3A_14, %dma_start3A_112] : memref<10240x16xf32, #tpu.memory_space<vmem_shared>> -> memref<80x16xf32, #tpu.memory_space<vmem_shared>>
      %dma_start3A_114 = arith.constant 0 : i32
      %dma_start3A_115 = tpu.memref_slice %arg8[%add3A_14, %dma_start3A_114] : memref<10240x16xf32, #tpu.memory_space<vmem_shared>> -> memref<80x16xf32, #tpu.memory_space<vmem_shared>>
      %dma_start3A_116 = arith.constant 0 : i32
      %dma_start3A_117 = arith.constant 0 : i32
      %dma_start3A_118 = tpu.memref_slice %arg13[%run_scoped3A_15, %dma_start3A_116, %dma_start3A_117] : memref<2x125x16xf32, #tpu.memory_space<vmem>> -> memref<1x80x16xf32, #tpu.memory_space<vmem>>
      %dma_start3A_119 = tpu.memref_squeeze %dma_start3A_118 : memref<1x80x16xf32, #tpu.memory_space<vmem>> -> memref<80x16xf32, #tpu.memory_space<vmem>>
      tpu.enqueue_dma source(%dma_start3A_119 : memref<80x16xf32, #tpu.memory_space<vmem>>) target(%dma_start3A_115 : memref<80x16xf32, #tpu.memory_space<vmem_shared>>) target_semaphore(%run_scoped3A_107 : memref<!tpu.dma_semaphore, #tpu.memory_space<semaphore_mem>>)
      %dma_wait3A_120 = arith.constant 0 : i32
      %dma_wait3A_121 = arith.constant 0 : i32
      %dma_wait3A_122 = tpu.memref_slice %arg13[%run_scoped3A_15, %dma_wait3A_120, %dma_wait3A_121] : memref<2x125x16xf32, #tpu.memory_space<vmem>> -> memref<1x80x16xf32, #tpu.memory_space<vmem>>
      %dma_wait3A_123 = tpu.memref_squeeze %dma_wait3A_122 : memref<1x80x16xf32, #tpu.memory_space<vmem>> -> memref<80x16xf32, #tpu.memory_space<vmem>>
      %dma_wait3A_124 = arith.constant 0 : i32
      %dma_wait3A_125 = tpu.memref_slice %arg8[%add3A_14, %dma_wait3A_124] : memref<10240x16xf32, #tpu.memory_space<vmem_shared>> -> memref<80x16xf32, #tpu.memory_space<vmem_shared>>
      %dma_wait3A_126 = arith.constant 0 : i32
      %dma_wait3A_127 = tpu.memref_slice %arg8[%add3A_14, %dma_wait3A_126] : memref<10240x16xf32, #tpu.memory_space<vmem_shared>> -> memref<80x16xf32, #tpu.memory_space<vmem_shared>>
      %dma_wait3A_128 = arith.constant 0 : i32
      %dma_wait3A_129 = arith.constant 0 : i32
      %dma_wait3A_130 = tpu.memref_slice %arg13[%run_scoped3A_15, %dma_wait3A_128, %dma_wait3A_129] : memref<2x125x16xf32, #tpu.memory_space<vmem>> -> memref<1x80x16xf32, #tpu.memory_space<vmem>>
      %dma_wait3A_131 = tpu.memref_squeeze %dma_wait3A_130 : memref<1x80x16xf32, #tpu.memory_space<vmem>> -> memref<80x16xf32, #tpu.memory_space<vmem>>
      tpu.wait_dma2 semaphore(%run_scoped3A_107 : memref<!tpu.dma_semaphore, #tpu.memory_space<semaphore_mem>>) src(%dma_wait3A_131 : memref<80x16xf32, #tpu.memory_space<vmem>>) dst(%dma_wait3A_127 : memref<80x16xf32, #tpu.memory_space<vmem_shared>>)
      tpu.yield
    }) : () -> ()
    %add3A_16 = arith.constant 320 : i32
    %add3A_17 = arith.addi %mul3A_2, %add3A_16 : i32
    %run_scoped3A_18 = arith.constant 0 : i32
    "tpu.region"() ({
      %run_scoped3A_107 = tpu.sem_alloc : memref<!tpu.dma_semaphore, #tpu.memory_space<semaphore_mem>>
      %dma_start3A_108 = arith.constant 0 : i32
      %dma_start3A_109 = arith.constant 0 : i32
      %dma_start3A_110 = tpu.memref_slice %arg13[%run_scoped3A_18, %dma_start3A_108, %dma_start3A_109] : memref<2x125x16xf32, #tpu.memory_space<vmem>> -> memref<1x80x16xf32, #tpu.memory_space<vmem>>
      %dma_start3A_111 = tpu.memref_squeeze %dma_start3A_110 : memref<1x80x16xf32, #tpu.memory_space<vmem>> -> memref<80x16xf32, #tpu.memory_space<vmem>>
      %dma_start3A_112 = arith.constant 0 : i32
      %dma_start3A_113 = tpu.memref_slice %arg8[%add3A_17, %dma_start3A_112] : memref<10240x16xf32, #tpu.memory_space<vmem_shared>> -> memref<80x16xf32, #tpu.memory_space<vmem_shared>>
      %dma_start3A_114 = arith.constant 0 : i32
      %dma_start3A_115 = tpu.memref_slice %arg8[%add3A_17, %dma_start3A_114] : memref<10240x16xf32, #tpu.memory_space<vmem_shared>> -> memref<80x16xf32, #tpu.memory_space<vmem_shared>>
      %dma_start3A_116 = arith.constant 0 : i32
      %dma_start3A_117 = arith.constant 0 : i32
      %dma_start3A_118 = tpu.memref_slice %arg13[%run_scoped3A_18, %dma_start3A_116, %dma_start3A_117] : memref<2x125x16xf32, #tpu.memory_space<vmem>> -> memref<1x80x16xf32, #tpu.memory_space<vmem>>
      %dma_start3A_119 = tpu.memref_squeeze %dma_start3A_118 : memref<1x80x16xf32, #tpu.memory_space<vmem>> -> memref<80x16xf32, #tpu.memory_space<vmem>>
      tpu.enqueue_dma source(%dma_start3A_119 : memref<80x16xf32, #tpu.memory_space<vmem>>) target(%dma_start3A_115 : memref<80x16xf32, #tpu.memory_space<vmem_shared>>) target_semaphore(%run_scoped3A_107 : memref<!tpu.dma_semaphore, #tpu.memory_space<semaphore_mem>>)
      %dma_wait3A_120 = arith.constant 0 : i32
      %dma_wait3A_121 = arith.constant 0 : i32
      %dma_wait3A_122 = tpu.memref_slice %arg13[%run_scoped3A_18, %dma_wait3A_120, %dma_wait3A_121] : memref<2x125x16xf32, #tpu.memory_space<vmem>> -> memref<1x80x16xf32, #tpu.memory_space<vmem>>
      %dma_wait3A_123 = tpu.memref_squeeze %dma_wait3A_122 : memref<1x80x16xf32, #tpu.memory_space<vmem>> -> memref<80x16xf32, #tpu.memory_space<vmem>>
      %dma_wait3A_124 = arith.constant 0 : i32
      %dma_wait3A_125 = tpu.memref_slice %arg8[%add3A_17, %dma_wait3A_124] : memref<10240x16xf32, #tpu.memory_space<vmem_shared>> -> memref<80x16xf32, #tpu.memory_space<vmem_shared>>
      %dma_wait3A_126 = arith.constant 0 : i32
      %dma_wait3A_127 = tpu.memref_slice %arg8[%add3A_17, %dma_wait3A_126] : memref<10240x16xf32, #tpu.memory_space<vmem_shared>> -> memref<80x16xf32, #tpu.memory_space<vmem_shared>>
      %dma_wait3A_128 = arith.constant 0 : i32
      %dma_wait3A_129 = arith.constant 0 : i32
      %dma_wait3A_130 = tpu.memref_slice %arg13[%run_scoped3A_18, %dma_wait3A_128, %dma_wait3A_129] : memref<2x125x16xf32, #tpu.memory_space<vmem>> -> memref<1x80x16xf32, #tpu.memory_space<vmem>>
      %dma_wait3A_131 = tpu.memref_squeeze %dma_wait3A_130 : memref<1x80x16xf32, #tpu.memory_space<vmem>> -> memref<80x16xf32, #tpu.memory_space<vmem>>
      tpu.wait_dma2 semaphore(%run_scoped3A_107 : memref<!tpu.dma_semaphore, #tpu.memory_space<semaphore_mem>>) src(%dma_wait3A_131 : memref<80x16xf32, #tpu.memory_space<vmem>>) dst(%dma_wait3A_127 : memref<80x16xf32, #tpu.memory_space<vmem_shared>>)
      tpu.yield
    }) : () -> ()
    %add3A_19 = arith.constant 400 : i32
    %add3A_20 = arith.addi %mul3A_2, %add3A_19 : i32
    %run_scoped3A_21 = arith.constant 0 : i32
    "tpu.region"() ({
      %run_scoped3A_107 = tpu.sem_alloc : memref<!tpu.dma_semaphore, #tpu.memory_space<semaphore_mem>>
      %dma_start3A_108 = arith.constant 0 : i32
      %dma_start3A_109 = arith.constant 0 : i32
      %dma_start3A_110 = tpu.memref_slice %arg13[%run_scoped3A_21, %dma_start3A_108, %dma_start3A_109] : memref<2x125x16xf32, #tpu.memory_space<vmem>> -> memref<1x80x16xf32, #tpu.memory_space<vmem>>
      %dma_start3A_111 = tpu.memref_squeeze %dma_start3A_110 : memref<1x80x16xf32, #tpu.memory_space<vmem>> -> memref<80x16xf32, #tpu.memory_space<vmem>>
      %dma_start3A_112 = arith.constant 0 : i32
      %dma_start3A_113 = tpu.memref_slice %arg8[%add3A_20, %dma_start3A_112] : memref<10240x16xf32, #tpu.memory_space<vmem_shared>> -> memref<80x16xf32, #tpu.memory_space<vmem_shared>>
      %dma_start3A_114 = arith.constant 0 : i32
      %dma_start3A_115 = tpu.memref_slice %arg8[%add3A_20, %dma_start3A_114] : memref<10240x16xf32, #tpu.memory_space<vmem_shared>> -> memref<80x16xf32, #tpu.memory_space<vmem_shared>>
      %dma_start3A_116 = arith.constant 0 : i32
      %dma_start3A_117 = arith.constant 0 : i32
      %dma_start3A_118 = tpu.memref_slice %arg13[%run_scoped3A_21, %dma_start3A_116, %dma_start3A_117] : memref<2x125x16xf32, #tpu.memory_space<vmem>> -> memref<1x80x16xf32, #tpu.memory_space<vmem>>
      %dma_start3A_119 = tpu.memref_squeeze %dma_start3A_118 : memref<1x80x16xf32, #tpu.memory_space<vmem>> -> memref<80x16xf32, #tpu.memory_space<vmem>>
      tpu.enqueue_dma source(%dma_start3A_119 : memref<80x16xf32, #tpu.memory_space<vmem>>) target(%dma_start3A_115 : memref<80x16xf32, #tpu.memory_space<vmem_shared>>) target_semaphore(%run_scoped3A_107 : memref<!tpu.dma_semaphore, #tpu.memory_space<semaphore_mem>>)
      %dma_wait3A_120 = arith.constant 0 : i32
      %dma_wait3A_121 = arith.constant 0 : i32
      %dma_wait3A_122 = tpu.memref_slice %arg13[%run_scoped3A_21, %dma_wait3A_120, %dma_wait3A_121] : memref<2x125x16xf32, #tpu.memory_space<vmem>> -> memref<1x80x16xf32, #tpu.memory_space<vmem>>
      %dma_wait3A_123 = tpu.memref_squeeze %dma_wait3A_122 : memref<1x80x16xf32, #tpu.memory_space<vmem>> -> memref<80x16xf32, #tpu.memory_space<vmem>>
      %dma_wait3A_124 = arith.constant 0 : i32
      %dma_wait3A_125 = tpu.memref_slice %arg8[%add3A_20, %dma_wait3A_124] : memref<10240x16xf32, #tpu.memory_space<vmem_shared>> -> memref<80x16xf32, #tpu.memory_space<vmem_shared>>
      %dma_wait3A_126 = arith.constant 0 : i32
      %dma_wait3A_127 = tpu.memref_slice %arg8[%add3A_20, %dma_wait3A_126] : memref<10240x16xf32, #tpu.memory_space<vmem_shared>> -> memref<80x16xf32, #tpu.memory_space<vmem_shared>>
      %dma_wait3A_128 = arith.constant 0 : i32
      %dma_wait3A_129 = arith.constant 0 : i32
      %dma_wait3A_130 = tpu.memref_slice %arg13[%run_scoped3A_21, %dma_wait3A_128, %dma_wait3A_129] : memref<2x125x16xf32, #tpu.memory_space<vmem>> -> memref<1x80x16xf32, #tpu.memory_space<vmem>>
      %dma_wait3A_131 = tpu.memref_squeeze %dma_wait3A_130 : memref<1x80x16xf32, #tpu.memory_space<vmem>> -> memref<80x16xf32, #tpu.memory_space<vmem>>
      tpu.wait_dma2 semaphore(%run_scoped3A_107 : memref<!tpu.dma_semaphore, #tpu.memory_space<semaphore_mem>>) src(%dma_wait3A_131 : memref<80x16xf32, #tpu.memory_space<vmem>>) dst(%dma_wait3A_127 : memref<80x16xf32, #tpu.memory_space<vmem_shared>>)
      tpu.yield
    }) : () -> ()
    %add3A_22 = arith.constant 480 : i32
    %add3A_23 = arith.addi %mul3A_2, %add3A_22 : i32
    %run_scoped3A_24 = arith.constant 0 : i32
    "tpu.region"() ({
      %run_scoped3A_107 = tpu.sem_alloc : memref<!tpu.dma_semaphore, #tpu.memory_space<semaphore_mem>>
      %dma_start3A_108 = arith.constant 0 : i32
      %dma_start3A_109 = arith.constant 0 : i32
      %dma_start3A_110 = tpu.memref_slice %arg13[%run_scoped3A_24, %dma_start3A_108, %dma_start3A_109] : memref<2x125x16xf32, #tpu.memory_space<vmem>> -> memref<1x80x16xf32, #tpu.memory_space<vmem>>
      %dma_start3A_111 = tpu.memref_squeeze %dma_start3A_110 : memref<1x80x16xf32, #tpu.memory_space<vmem>> -> memref<80x16xf32, #tpu.memory_space<vmem>>
      %dma_start3A_112 = arith.constant 0 : i32
      %dma_start3A_113 = tpu.memref_slice %arg8[%add3A_23, %dma_start3A_112] : memref<10240x16xf32, #tpu.memory_space<vmem_shared>> -> memref<80x16xf32, #tpu.memory_space<vmem_shared>>
      %dma_start3A_114 = arith.constant 0 : i32
      %dma_start3A_115 = tpu.memref_slice %arg8[%add3A_23, %dma_start3A_114] : memref<10240x16xf32, #tpu.memory_space<vmem_shared>> -> memref<80x16xf32, #tpu.memory_space<vmem_shared>>
      %dma_start3A_116 = arith.constant 0 : i32
      %dma_start3A_117 = arith.constant 0 : i32
      %dma_start3A_118 = tpu.memref_slice %arg13[%run_scoped3A_24, %dma_start3A_116, %dma_start3A_117] : memref<2x125x16xf32, #tpu.memory_space<vmem>> -> memref<1x80x16xf32, #tpu.memory_space<vmem>>
      %dma_start3A_119 = tpu.memref_squeeze %dma_start3A_118 : memref<1x80x16xf32, #tpu.memory_space<vmem>> -> memref<80x16xf32, #tpu.memory_space<vmem>>
      tpu.enqueue_dma source(%dma_start3A_119 : memref<80x16xf32, #tpu.memory_space<vmem>>) target(%dma_start3A_115 : memref<80x16xf32, #tpu.memory_space<vmem_shared>>) target_semaphore(%run_scoped3A_107 : memref<!tpu.dma_semaphore, #tpu.memory_space<semaphore_mem>>)
      %dma_wait3A_120 = arith.constant 0 : i32
      %dma_wait3A_121 = arith.constant 0 : i32
      %dma_wait3A_122 = tpu.memref_slice %arg13[%run_scoped3A_24, %dma_wait3A_120, %dma_wait3A_121] : memref<2x125x16xf32, #tpu.memory_space<vmem>> -> memref<1x80x16xf32, #tpu.memory_space<vmem>>
      %dma_wait3A_123 = tpu.memref_squeeze %dma_wait3A_122 : memref<1x80x16xf32, #tpu.memory_space<vmem>> -> memref<80x16xf32, #tpu.memory_space<vmem>>
      %dma_wait3A_124 = arith.constant 0 : i32
      %dma_wait3A_125 = tpu.memref_slice %arg8[%add3A_23, %dma_wait3A_124] : memref<10240x16xf32, #tpu.memory_space<vmem_shared>> -> memref<80x16xf32, #tpu.memory_space<vmem_shared>>
      %dma_wait3A_126 = arith.constant 0 : i32
      %dma_wait3A_127 = tpu.memref_slice %arg8[%add3A_23, %dma_wait3A_126] : memref<10240x16xf32, #tpu.memory_space<vmem_shared>> -> memref<80x16xf32, #tpu.memory_space<vmem_shared>>
      %dma_wait3A_128 = arith.constant 0 : i32
      %dma_wait3A_129 = arith.constant 0 : i32
      %dma_wait3A_130 = tpu.memref_slice %arg13[%run_scoped3A_24, %dma_wait3A_128, %dma_wait3A_129] : memref<2x125x16xf32, #tpu.memory_space<vmem>> -> memref<1x80x16xf32, #tpu.memory_space<vmem>>
      %dma_wait3A_131 = tpu.memref_squeeze %dma_wait3A_130 : memref<1x80x16xf32, #tpu.memory_space<vmem>> -> memref<80x16xf32, #tpu.memory_space<vmem>>
      tpu.wait_dma2 semaphore(%run_scoped3A_107 : memref<!tpu.dma_semaphore, #tpu.memory_space<semaphore_mem>>) src(%dma_wait3A_131 : memref<80x16xf32, #tpu.memory_space<vmem>>) dst(%dma_wait3A_127 : memref<80x16xf32, #tpu.memory_space<vmem_shared>>)
      tpu.yield
    }) : () -> ()
    %add3A_25 = arith.constant 560 : i32
    %add3A_26 = arith.addi %mul3A_2, %add3A_25 : i32
    %run_scoped3A_27 = arith.constant 0 : i32
    "tpu.region"() ({
      %run_scoped3A_107 = tpu.sem_alloc : memref<!tpu.dma_semaphore, #tpu.memory_space<semaphore_mem>>
      %dma_start3A_108 = arith.constant 0 : i32
      %dma_start3A_109 = arith.constant 0 : i32
      %dma_start3A_110 = tpu.memref_slice %arg13[%run_scoped3A_27, %dma_start3A_108, %dma_start3A_109] : memref<2x125x16xf32, #tpu.memory_space<vmem>> -> memref<1x80x16xf32, #tpu.memory_space<vmem>>
      %dma_start3A_111 = tpu.memref_squeeze %dma_start3A_110 : memref<1x80x16xf32, #tpu.memory_space<vmem>> -> memref<80x16xf32, #tpu.memory_space<vmem>>
      %dma_start3A_112 = arith.constant 0 : i32
      %dma_start3A_113 = tpu.memref_slice %arg8[%add3A_26, %dma_start3A_112] : memref<10240x16xf32, #tpu.memory_space<vmem_shared>> -> memref<80x16xf32, #tpu.memory_space<vmem_shared>>
      %dma_start3A_114 = arith.constant 0 : i32
      %dma_start3A_115 = tpu.memref_slice %arg8[%add3A_26, %dma_start3A_114] : memref<10240x16xf32, #tpu.memory_space<vmem_shared>> -> memref<80x16xf32, #tpu.memory_space<vmem_shared>>
      %dma_start3A_116 = arith.constant 0 : i32
      %dma_start3A_117 = arith.constant 0 : i32
      %dma_start3A_118 = tpu.memref_slice %arg13[%run_scoped3A_27, %dma_start3A_116, %dma_start3A_117] : memref<2x125x16xf32, #tpu.memory_space<vmem>> -> memref<1x80x16xf32, #tpu.memory_space<vmem>>
      %dma_start3A_119 = tpu.memref_squeeze %dma_start3A_118 : memref<1x80x16xf32, #tpu.memory_space<vmem>> -> memref<80x16xf32, #tpu.memory_space<vmem>>
      tpu.enqueue_dma source(%dma_start3A_119 : memref<80x16xf32, #tpu.memory_space<vmem>>) target(%dma_start3A_115 : memref<80x16xf32, #tpu.memory_space<vmem_shared>>) target_semaphore(%run_scoped3A_107 : memref<!tpu.dma_semaphore, #tpu.memory_space<semaphore_mem>>)
      %dma_wait3A_120 = arith.constant 0 : i32
      %dma_wait3A_121 = arith.constant 0 : i32
      %dma_wait3A_122 = tpu.memref_slice %arg13[%run_scoped3A_27, %dma_wait3A_120, %dma_wait3A_121] : memref<2x125x16xf32, #tpu.memory_space<vmem>> -> memref<1x80x16xf32, #tpu.memory_space<vmem>>
      %dma_wait3A_123 = tpu.memref_squeeze %dma_wait3A_122 : memref<1x80x16xf32, #tpu.memory_space<vmem>> -> memref<80x16xf32, #tpu.memory_space<vmem>>
      %dma_wait3A_124 = arith.constant 0 : i32
      %dma_wait3A_125 = tpu.memref_slice %arg8[%add3A_26, %dma_wait3A_124] : memref<10240x16xf32, #tpu.memory_space<vmem_shared>> -> memref<80x16xf32, #tpu.memory_space<vmem_shared>>
      %dma_wait3A_126 = arith.constant 0 : i32
      %dma_wait3A_127 = tpu.memref_slice %arg8[%add3A_26, %dma_wait3A_126] : memref<10240x16xf32, #tpu.memory_space<vmem_shared>> -> memref<80x16xf32, #tpu.memory_space<vmem_shared>>
      %dma_wait3A_128 = arith.constant 0 : i32
      %dma_wait3A_129 = arith.constant 0 : i32
      %dma_wait3A_130 = tpu.memref_slice %arg13[%run_scoped3A_27, %dma_wait3A_128, %dma_wait3A_129] : memref<2x125x16xf32, #tpu.memory_space<vmem>> -> memref<1x80x16xf32, #tpu.memory_space<vmem>>
      %dma_wait3A_131 = tpu.memref_squeeze %dma_wait3A_130 : memref<1x80x16xf32, #tpu.memory_space<vmem>> -> memref<80x16xf32, #tpu.memory_space<vmem>>
      tpu.wait_dma2 semaphore(%run_scoped3A_107 : memref<!tpu.dma_semaphore, #tpu.memory_space<semaphore_mem>>) src(%dma_wait3A_131 : memref<80x16xf32, #tpu.memory_space<vmem>>) dst(%dma_wait3A_127 : memref<80x16xf32, #tpu.memory_space<vmem_shared>>)
      tpu.yield
    }) : () -> ()
    "tpu.region"() ({
      %run_scoped3A_107 = tpu.sem_alloc : memref<!tpu.dma_semaphore, #tpu.memory_space<semaphore_mem>>
      tpu.enqueue_dma source(%arg6 : memref<1x16xf32, #tpu.memory_space<hbm>>) target(%arg14 : memref<1x16xf32, #tpu.memory_space<vmem>>) target_semaphore(%run_scoped3A_107 : memref<!tpu.dma_semaphore, #tpu.memory_space<semaphore_mem>>)
      tpu.wait_dma2 semaphore(%run_scoped3A_107 : memref<!tpu.dma_semaphore, #tpu.memory_space<semaphore_mem>>) src(%arg6 : memref<1x16xf32, #tpu.memory_space<hbm>>) dst(%arg14 : memref<1x16xf32, #tpu.memory_space<vmem>>)
      tpu.yield
    }) : () -> ()
    "tpu.region"() ({
      %run_scoped3A_107 = tpu.sem_alloc : memref<!tpu.dma_semaphore, #tpu.memory_space<semaphore_mem>>
      %dma_start3A_108 = arith.constant 0 : i32
      %dma_start3A_109 = arith.constant 0 : i32
      %dma_start3A_110 = tpu.memref_slice %arg2[%add3A, %dma_start3A_108, %dma_start3A_109] : memref<32x80x125xi32, #tpu.memory_space<hbm>> -> memref<1x80x125xi32, #tpu.memory_space<hbm>>
      %dma_start3A_111 = tpu.memref_squeeze %dma_start3A_110 : memref<1x80x125xi32, #tpu.memory_space<hbm>> -> memref<80x125xi32, #tpu.memory_space<hbm>>
      %dma_start3A_112 = arith.constant 0 : i32
      %dma_start3A_113 = arith.constant 0 : i32
      %dma_start3A_114 = tpu.memref_slice %arg2[%add3A, %dma_start3A_112, %dma_start3A_113] : memref<32x80x125xi32, #tpu.memory_space<hbm>> -> memref<1x80x125xi32, #tpu.memory_space<hbm>>
      %dma_start3A_115 = tpu.memref_squeeze %dma_start3A_114 : memref<1x80x125xi32, #tpu.memory_space<hbm>> -> memref<80x125xi32, #tpu.memory_space<hbm>>
      tpu.enqueue_dma source(%dma_start3A_115 : memref<80x125xi32, #tpu.memory_space<hbm>>) target(%arg9 : memref<80x125xi32, #tpu.memory_space<vmem>>) target_semaphore(%run_scoped3A_107 : memref<!tpu.dma_semaphore, #tpu.memory_space<semaphore_mem>>)
      %dma_wait3A_116 = arith.constant 0 : i32
      %dma_wait3A_117 = arith.constant 0 : i32
      %dma_wait3A_118 = tpu.memref_slice %arg2[%add3A, %dma_wait3A_116, %dma_wait3A_117] : memref<32x80x125xi32, #tpu.memory_space<hbm>> -> memref<1x80x125xi32, #tpu.memory_space<hbm>>
      %dma_wait3A_119 = tpu.memref_squeeze %dma_wait3A_118 : memref<1x80x125xi32, #tpu.memory_space<hbm>> -> memref<80x125xi32, #tpu.memory_space<hbm>>
      %dma_wait3A_120 = arith.constant 0 : i32
      %dma_wait3A_121 = arith.constant 0 : i32
      %dma_wait3A_122 = tpu.memref_slice %arg2[%add3A, %dma_wait3A_120, %dma_wait3A_121] : memref<32x80x125xi32, #tpu.memory_space<hbm>> -> memref<1x80x125xi32, #tpu.memory_space<hbm>>
      %dma_wait3A_123 = tpu.memref_squeeze %dma_wait3A_122 : memref<1x80x125xi32, #tpu.memory_space<hbm>> -> memref<80x125xi32, #tpu.memory_space<hbm>>
      tpu.wait_dma2 semaphore(%run_scoped3A_107 : memref<!tpu.dma_semaphore, #tpu.memory_space<semaphore_mem>>) src(%dma_wait3A_123 : memref<80x125xi32, #tpu.memory_space<hbm>>) dst(%arg9 : memref<80x125xi32, #tpu.memory_space<vmem>>)
      tpu.yield
    }) : () -> ()
    "tpu.region"() ({
      %run_scoped3A_107 = tpu.sem_alloc : memref<!tpu.dma_semaphore, #tpu.memory_space<semaphore_mem>>
      %dma_start3A_108 = arith.constant 0 : i32
      %dma_start3A_109 = arith.constant 0 : i32
      %dma_start3A_110 = tpu.memref_slice %arg3[%add3A, %dma_start3A_108, %dma_start3A_109] : memref<32x80x125xi32, #tpu.memory_space<hbm>> -> memref<1x80x125xi32, #tpu.memory_space<hbm>>
      %dma_start3A_111 = tpu.memref_squeeze %dma_start3A_110 : memref<1x80x125xi32, #tpu.memory_space<hbm>> -> memref<80x125xi32, #tpu.memory_space<hbm>>
      %dma_start3A_112 = arith.constant 0 : i32
      %dma_start3A_113 = arith.constant 0 : i32
      %dma_start3A_114 = tpu.memref_slice %arg3[%add3A, %dma_start3A_112, %dma_start3A_113] : memref<32x80x125xi32, #tpu.memory_space<hbm>> -> memref<1x80x125xi32, #tpu.memory_space<hbm>>
      %dma_start3A_115 = tpu.memref_squeeze %dma_start3A_114 : memref<1x80x125xi32, #tpu.memory_space<hbm>> -> memref<80x125xi32, #tpu.memory_space<hbm>>
      tpu.enqueue_dma source(%dma_start3A_115 : memref<80x125xi32, #tpu.memory_space<hbm>>) target(%arg10 : memref<80x125xi32, #tpu.memory_space<vmem>>) target_semaphore(%run_scoped3A_107 : memref<!tpu.dma_semaphore, #tpu.memory_space<semaphore_mem>>)
      %dma_wait3A_116 = arith.constant 0 : i32
      %dma_wait3A_117 = arith.constant 0 : i32
      %dma_wait3A_118 = tpu.memref_slice %arg3[%add3A, %dma_wait3A_116, %dma_wait3A_117] : memref<32x80x125xi32, #tpu.memory_space<hbm>> -> memref<1x80x125xi32, #tpu.memory_space<hbm>>
      %dma_wait3A_119 = tpu.memref_squeeze %dma_wait3A_118 : memref<1x80x125xi32, #tpu.memory_space<hbm>> -> memref<80x125xi32, #tpu.memory_space<hbm>>
      %dma_wait3A_120 = arith.constant 0 : i32
      %dma_wait3A_121 = arith.constant 0 : i32
      %dma_wait3A_122 = tpu.memref_slice %arg3[%add3A, %dma_wait3A_120, %dma_wait3A_121] : memref<32x80x125xi32, #tpu.memory_space<hbm>> -> memref<1x80x125xi32, #tpu.memory_space<hbm>>
      %dma_wait3A_123 = tpu.memref_squeeze %dma_wait3A_122 : memref<1x80x125xi32, #tpu.memory_space<hbm>> -> memref<80x125xi32, #tpu.memory_space<hbm>>
      tpu.wait_dma2 semaphore(%run_scoped3A_107 : memref<!tpu.dma_semaphore, #tpu.memory_space<semaphore_mem>>) src(%dma_wait3A_123 : memref<80x125xi32, #tpu.memory_space<hbm>>) dst(%arg10 : memref<80x125xi32, #tpu.memory_space<vmem>>)
      tpu.yield
    }) : () -> ()
    %barrier3A = arith.constant 0 : index
    tpu.barrier barrier_id(%barrier3A)
    %get3A = arith.constant 0 : i32
    %get3A_28 = arith.index_cast %get3A : i32 to index
    %get3A_29 = arith.constant 0 : index
    %get3A_30 = tpu.vector_load %arg14[%get3A_28, %get3A_29] {strides = array<i32>} : memref<1x16xf32, #tpu.memory_space<vmem>>, vector<16xf32>,
    %dma_start3A = arith.constant 0 : i32
    %dma_start3A_31 = arith.constant 0 : i32
    %dma_start3A_32 = arith.constant 0 : i32
    %dma_start3A_33 = arith.constant 0 : i32
    %dma_start3A_34 = tpu.memref_slice %arg11[%dma_start3A_31, %dma_start3A_32, %dma_start3A_33] : memref<2x125x32xf32, #tpu.memory_space<vmem>> -> memref<1x125x32xf32, #tpu.memory_space<vmem>>
    %dma_start3A_35 = tpu.memref_squeeze %dma_start3A_34 : memref<1x125x32xf32, #tpu.memory_space<vmem>> -> memref<125x32xf32, #tpu.memory_space<vmem>>
    %dma_start3A_36 = arith.constant 0 : i32
    %dma_start3A_37 = tpu.memref_slice %arg9[%dma_start3A, %dma_start3A_36] : memref<80x125xi32, #tpu.memory_space<vmem>> -> memref<1x125xi32, #tpu.memory_space<vmem>>
    %dma_start3A_38 = tpu.memref_squeeze %dma_start3A_37 : memref<1x125xi32, #tpu.memory_space<vmem>> -> memref<125xi32, #tpu.memory_space<vmem>>
    %dma_start3A_39 = arith.constant 0 : i32
    %dma_start3A_40 = arith.constant 0 : i32
    %dma_start3A_41 = tpu.memref_slice %arg4[%dma_start3A_39, %dma_start3A_40] : memref<10000x32xf32, #tpu.memory_space<hbm>> -> memref<10000x32xf32, #tpu.memory_space<hbm>>
    tpu.enqueue_indirect_dma source(%dma_start3A_41 : memref<10000x32xf32, #tpu.memory_space<hbm>>) target(%dma_start3A_35 : memref<125x32xf32, #tpu.memory_space<vmem>>) offsets(%dma_start3A_38 : memref<125xi32, #tpu.memory_space<vmem>>) semaphore(%arg15 : memref<!tpu.dma_semaphore, #tpu.memory_space<semaphore_mem>>)
    %dma_start3A_42 = arith.constant 0 : i32
    %dma_start3A_43 = arith.constant 0 : i32
    %dma_start3A_44 = arith.constant 0 : i32
    %dma_start3A_45 = arith.constant 0 : i32
    %dma_start3A_46 = tpu.memref_slice %arg12[%dma_start3A_43, %dma_start3A_44, %dma_start3A_45] : memref<2x125x16xf32, #tpu.memory_space<vmem>> -> memref<1x125x16xf32, #tpu.memory_space<vmem>>
    %dma_start3A_47 = tpu.memref_squeeze %dma_start3A_46 : memref<1x125x16xf32, #tpu.memory_space<vmem>> -> memref<125x16xf32, #tpu.memory_space<vmem>>
    %dma_start3A_48 = arith.constant 0 : i32
    %dma_start3A_49 = tpu.memref_slice %arg10[%dma_start3A_42, %dma_start3A_48] : memref<80x125xi32, #tpu.memory_space<vmem>> -> memref<1x125xi32, #tpu.memory_space<vmem>>
    %dma_start3A_50 = tpu.memref_squeeze %dma_start3A_49 : memref<1x125xi32, #tpu.memory_space<vmem>> -> memref<125xi32, #tpu.memory_space<vmem>>
    %dma_start3A_51 = arith.constant 0 : i32
    %dma_start3A_52 = arith.constant 0 : i32
    %dma_start3A_53 = tpu.memref_slice %arg5[%dma_start3A_51, %dma_start3A_52] : memref<10000x16xf32, #tpu.memory_space<hbm>> -> memref<10000x16xf32, #tpu.memory_space<hbm>>
    tpu.enqueue_indirect_dma source(%dma_start3A_53 : memref<10000x16xf32, #tpu.memory_space<hbm>>) target(%dma_start3A_47 : memref<125x16xf32, #tpu.memory_space<vmem>>) offsets(%dma_start3A_50 : memref<125xi32, #tpu.memory_space<vmem>>) semaphore(%arg15 : memref<!tpu.dma_semaphore, #tpu.memory_space<semaphore_mem>>)
    %dma_start3A_54 = arith.constant 1 : i32
    %dma_start3A_55 = arith.constant 1 : i32
    %dma_start3A_56 = arith.constant 0 : i32
    %dma_start3A_57 = arith.constant 0 : i32
    %dma_start3A_58 = tpu.memref_slice %arg11[%dma_start3A_55, %dma_start3A_56, %dma_start3A_57] : memref<2x125x32xf32, #tpu.memory_space<vmem>> -> memref<1x125x32xf32, #tpu.memory_space<vmem>>
    %dma_start3A_59 = tpu.memref_squeeze %dma_start3A_58 : memref<1x125x32xf32, #tpu.memory_space<vmem>> -> memref<125x32xf32, #tpu.memory_space<vmem>>
    %dma_start3A_60 = arith.constant 0 : i32
    %dma_start3A_61 = tpu.memref_slice %arg9[%dma_start3A_54, %dma_start3A_60] : memref<80x125xi32, #tpu.memory_space<vmem>> -> memref<1x125xi32, #tpu.memory_space<vmem>>
    %dma_start3A_62 = tpu.memref_squeeze %dma_start3A_61 : memref<1x125xi32, #tpu.memory_space<vmem>> -> memref<125xi32, #tpu.memory_space<vmem>>
    %dma_start3A_63 = arith.constant 0 : i32
    %dma_start3A_64 = arith.constant 0 : i32
    %dma_start3A_65 = tpu.memref_slice %arg4[%dma_start3A_63, %dma_start3A_64] : memref<10000x32xf32, #tpu.memory_space<hbm>> -> memref<10000x32xf32, #tpu.memory_space<hbm>>
    tpu.enqueue_indirect_dma source(%dma_start3A_65 : memref<10000x32xf32, #tpu.memory_space<hbm>>) target(%dma_start3A_59 : memref<125x32xf32, #tpu.memory_space<vmem>>) offsets(%dma_start3A_62 : memref<125xi32, #tpu.memory_space<vmem>>) semaphore(%arg16 : memref<!tpu.dma_semaphore, #tpu.memory_space<semaphore_mem>>)
    %dma_start3A_66 = arith.constant 1 : i32
    %dma_start3A_67 = arith.constant 1 : i32
    %dma_start3A_68 = arith.constant 0 : i32
    %dma_start3A_69 = arith.constant 0 : i32
    %dma_start3A_70 = tpu.memref_slice %arg12[%dma_start3A_67, %dma_start3A_68, %dma_start3A_69] : memref<2x125x16xf32, #tpu.memory_space<vmem>> -> memref<1x125x16xf32, #tpu.memory_space<vmem>>
    %dma_start3A_71 = tpu.memref_squeeze %dma_start3A_70 : memref<1x125x16xf32, #tpu.memory_space<vmem>> -> memref<125x16xf32, #tpu.memory_space<vmem>>
    %dma_start3A_72 = arith.constant 0 : i32
    %dma_start3A_73 = tpu.memref_slice %arg10[%dma_start3A_66, %dma_start3A_72] : memref<80x125xi32, #tpu.memory_space<vmem>> -> memref<1x125xi32, #tpu.memory_space<vmem>>
    %dma_start3A_74 = tpu.memref_squeeze %dma_start3A_73 : memref<1x125xi32, #tpu.memory_space<vmem>> -> memref<125xi32, #tpu.memory_space<vmem>>
    %dma_start3A_75 = arith.constant 0 : i32
    %dma_start3A_76 = arith.constant 0 : i32
    %dma_start3A_77 = tpu.memref_slice %arg5[%dma_start3A_75, %dma_start3A_76] : memref<10000x16xf32, #tpu.memory_space<hbm>> -> memref<10000x16xf32, #tpu.memory_space<hbm>>
    tpu.enqueue_indirect_dma source(%dma_start3A_77 : memref<10000x16xf32, #tpu.memory_space<hbm>>) target(%dma_start3A_71 : memref<125x16xf32, #tpu.memory_space<vmem>>) offsets(%dma_start3A_74 : memref<125xi32, #tpu.memory_space<vmem>>) semaphore(%arg16 : memref<!tpu.dma_semaphore, #tpu.memory_space<semaphore_mem>>)
    %scan3A = arith.constant 0 : i32
    %scan3A_78 = arith.constant 0 : i32
    %scan3A_79 = arith.constant 40 : i32
    %scan3A_80 = arith.addi %scan3A_78, %scan3A_79 : i32
    %scan3A_81 = arith.constant 1 : i32
    scf.for %scan3A_107 = %scan3A_78 to %scan3A_80 step %scan3A_81  : i32 {
      %mul3A_108 = arith.constant 2 : i32
      %mul3A_109 = arith.muli %mul3A_108, %scan3A_107 : i32
      %add3A_110 = arith.constant 0 : i32
      %add3A_111 = arith.addi %mul3A_109, %add3A_110 : i32
      %dma_wait3A_112 = arith.constant 0 : i32
      %dma_wait3A_113 = arith.constant 0 : i32
      %dma_wait3A_114 = arith.constant 0 : i32
      %dma_wait3A_115 = tpu.memref_slice %arg11[%dma_wait3A_112, %dma_wait3A_113, %dma_wait3A_114] : memref<2x125x32xf32, #tpu.memory_space<vmem>> -> memref<1x125x32xf32, #tpu.memory_space<vmem>>
      %dma_wait3A_116 = tpu.memref_squeeze %dma_wait3A_115 : memref<1x125x32xf32, #tpu.memory_space<vmem>> -> memref<125x32xf32, #tpu.memory_space<vmem>>
      %dma_wait3A_117 = arith.constant 0 : i32
      %dma_wait3A_118 = tpu.memref_slice %arg9[%add3A_111, %dma_wait3A_117] : memref<80x125xi32, #tpu.memory_space<vmem>> -> memref<1x125xi32, #tpu.memory_space<vmem>>
      %dma_wait3A_119 = tpu.memref_squeeze %dma_wait3A_118 : memref<1x125xi32, #tpu.memory_space<vmem>> -> memref<125xi32, #tpu.memory_space<vmem>>
      %dma_wait3A_120 = arith.constant 0 : i32
      %dma_wait3A_121 = arith.constant 0 : i32
      %dma_wait3A_122 = tpu.memref_slice %arg4[%dma_wait3A_120, %dma_wait3A_121] : memref<10000x32xf32, #tpu.memory_space<hbm>> -> memref<10000x32xf32, #tpu.memory_space<hbm>>
      tpu.wait_indirect_dma semaphore(%arg15 : memref<!tpu.dma_semaphore, #tpu.memory_space<semaphore_mem>>) src(%dma_wait3A_122 : memref<10000x32xf32, #tpu.memory_space<hbm>>) dst(%dma_wait3A_116 : memref<125x32xf32, #tpu.memory_space<vmem>>)
      %dma_wait3A_123 = arith.constant 0 : i32
      %dma_wait3A_124 = arith.constant 0 : i32
      %dma_wait3A_125 = arith.constant 0 : i32
      %dma_wait3A_126 = tpu.memref_slice %arg12[%dma_wait3A_123, %dma_wait3A_124, %dma_wait3A_125] : memref<2x125x16xf32, #tpu.memory_space<vmem>> -> memref<1x125x16xf32, #tpu.memory_space<vmem>>
      %dma_wait3A_127 = tpu.memref_squeeze %dma_wait3A_126 : memref<1x125x16xf32, #tpu.memory_space<vmem>> -> memref<125x16xf32, #tpu.memory_space<vmem>>
      %dma_wait3A_128 = arith.constant 0 : i32
      %dma_wait3A_129 = tpu.memref_slice %arg10[%add3A_111, %dma_wait3A_128] : memref<80x125xi32, #tpu.memory_space<vmem>> -> memref<1x125xi32, #tpu.memory_space<vmem>>
      %dma_wait3A_130 = tpu.memref_squeeze %dma_wait3A_129 : memref<1x125xi32, #tpu.memory_space<vmem>> -> memref<125xi32, #tpu.memory_space<vmem>>
      %dma_wait3A_131 = arith.constant 0 : i32
      %dma_wait3A_132 = arith.constant 0 : i32
      %dma_wait3A_133 = tpu.memref_slice %arg5[%dma_wait3A_131, %dma_wait3A_132] : memref<10000x16xf32, #tpu.memory_space<hbm>> -> memref<10000x16xf32, #tpu.memory_space<hbm>>
      tpu.wait_indirect_dma semaphore(%arg15 : memref<!tpu.dma_semaphore, #tpu.memory_space<semaphore_mem>>) src(%dma_wait3A_133 : memref<10000x16xf32, #tpu.memory_space<hbm>>) dst(%dma_wait3A_127 : memref<125x16xf32, #tpu.memory_space<vmem>>)
      %gt3A = arith.constant 0 : i32
      %gt3A_134 = arith.cmpi sgt, %scan3A_107, %gt3A : i32
      %convert_element_type3A = arith.extui %gt3A_134 : i1 to i32
      %cond3A = arith.constant 0 : i32
      %cond3A_135 = arith.cmpi ne, %convert_element_type3A, %cond3A : i32
      scf.if %cond3A_135 {
        %sub3A = arith.constant 2 : i32
        %sub3A_208 = arith.subi %add3A_111, %sub3A : i32
        %dma_wait3A_209 = arith.constant 0 : i32
        %dma_wait3A_210 = arith.constant 0 : i32
        %dma_wait3A_211 = arith.constant 0 : i32
        %dma_wait3A_212 = tpu.memref_slice %arg13[%dma_wait3A_209, %dma_wait3A_210, %dma_wait3A_211] : memref<2x125x16xf32, #tpu.memory_space<vmem>> -> memref<1x125x16xf32, #tpu.memory_space<vmem>>
        %dma_wait3A_213 = tpu.memref_squeeze %dma_wait3A_212 : memref<1x125x16xf32, #tpu.memory_space<vmem>> -> memref<125x16xf32, #tpu.memory_space<vmem>>
        %dma_wait3A_214 = arith.constant 0 : i32
        %dma_wait3A_215 = tpu.memref_slice %arg10[%sub3A_208, %dma_wait3A_214] : memref<80x125xi32, #tpu.memory_space<vmem>> -> memref<1x125xi32, #tpu.memory_space<vmem>>
        %dma_wait3A_216 = tpu.memref_squeeze %dma_wait3A_215 : memref<1x125xi32, #tpu.memory_space<vmem>> -> memref<125xi32, #tpu.memory_space<vmem>>
        %dma_wait3A_217 = arith.constant 0 : i32
        %dma_wait3A_218 = arith.constant 0 : i32
        %dma_wait3A_219 = tpu.memref_slice %arg8[%dma_wait3A_217, %dma_wait3A_218] : memref<10240x16xf32, #tpu.memory_space<vmem_shared>> -> memref<10240x16xf32, #tpu.memory_space<vmem_shared>>
        tpu.wait_indirect_dma semaphore(%arg17 : memref<!tpu.dma_semaphore, #tpu.memory_space<semaphore_mem>>) src(%dma_wait3A_213 : memref<125x16xf32, #tpu.memory_space<vmem>>) dst(%dma_wait3A_219 : memref<10240x16xf32, #tpu.memory_space<vmem_shared>>)
      } else {
      }
      %parallel_loop3A_136 = arith.constant 0 : i32
      %parallel_loop3A_137 = arith.constant 125 : i32
      %parallel_loop3A_138 = arith.constant 1 : i32
      scf.for %parallel_loop3A_208 = %parallel_loop3A_136 to %parallel_loop3A_137 step %parallel_loop3A_138  : i32 {
        %parallel_loop3A_209 = arith.constant 0 : i32
        %parallel_loop3A_210 = arith.index_cast %parallel_loop3A_209 : i32 to index
        %parallel_loop3A_211 = arith.index_cast %parallel_loop3A_208 : i32 to index
        %parallel_loop3A_212 = arith.constant 16 : index
        %parallel_loop3A_213 = tpu.vector_load %arg11[%parallel_loop3A_210, %parallel_loop3A_211, %parallel_loop3A_212] {strides = array<i32>} : memref<2x125x32xf32, #tpu.memory_space<vmem>>, vector<16xf32>,
        %parallel_loop3A_214 = arith.constant 0 : i32
        %parallel_loop3A_215 = arith.index_cast %parallel_loop3A_214 : i32 to index
        %parallel_loop3A_216 = arith.index_cast %parallel_loop3A_208 : i32 to index
        %parallel_loop3A_217 = arith.constant 0 : index
        %parallel_loop3A_218 = tpu.vector_load %arg12[%parallel_loop3A_215, %parallel_loop3A_216, %parallel_loop3A_217] {strides = array<i32>} : memref<2x125x16xf32, #tpu.memory_space<vmem>>, vector<16xf32>,
        %parallel_loop3A_219 = arith.addf %parallel_loop3A_213, %parallel_loop3A_218 : vector<16xf32>
        %parallel_loop3A_220 = arith.constant 2.000000e-01 : f32
        %parallel_loop3A_221 = vector.broadcast %parallel_loop3A_220 : f32 to vector<16xf32>
        %parallel_loop3A_222 = arith.mulf %parallel_loop3A_221, %parallel_loop3A_219 : vector<16xf32>
        %parallel_loop3A_223 = arith.maximumf %parallel_loop3A_219, %parallel_loop3A_222 : vector<16xf32>
        %parallel_loop3A_224 = arith.subf %parallel_loop3A_223, %get3A_30 : vector<16xf32>
        %parallel_loop3A_225 = math.exp %parallel_loop3A_224 : vector<16xf32>
        %parallel_loop3A_226 = arith.constant 0 : i32
        %parallel_loop3A_227 = arith.index_cast %parallel_loop3A_226 : i32 to index
        %parallel_loop3A_228 = arith.index_cast %parallel_loop3A_208 : i32 to index
        %parallel_loop3A_229 = arith.constant 0 : index
        %parallel_loop3A_230 = tpu.vector_load %arg11[%parallel_loop3A_227, %parallel_loop3A_228, %parallel_loop3A_229] {strides = array<i32>} : memref<2x125x32xf32, #tpu.memory_space<vmem>>, vector<16xf32>,
        %parallel_loop3A_231 = arith.mulf %parallel_loop3A_230, %parallel_loop3A_225 : vector<16xf32>
        %parallel_loop3A_232 = arith.constant 0 : i32
        %parallel_loop3A_233 = arith.index_cast %parallel_loop3A_232 : i32 to index
        %parallel_loop3A_234 = arith.index_cast %parallel_loop3A_208 : i32 to index
        %parallel_loop3A_235 = arith.constant 0 : index
        %parallel_loop3A_236 = tpu.vector_load %arg13[%parallel_loop3A_233, %parallel_loop3A_234, %parallel_loop3A_235] {strides = array<i32>} : memref<2x125x16xf32, #tpu.memory_space<vmem>>, vector<16xf32>,
        tpu.vector_store %arg13[%parallel_loop3A_233, %parallel_loop3A_234, %parallel_loop3A_235], %parallel_loop3A_231 {strides = array<i32>} : memref<2x125x16xf32, #tpu.memory_space<vmem>>, vector<16xf32>,
      } {sc.loop_unroll_factor = 16 : i64, sc.parallel_access}
      %add3A_139 = arith.constant 2 : i32
      %add3A_140 = arith.addi %add3A_111, %add3A_139 : i32
      %lt3A = arith.constant 80 : i32
      %lt3A_141 = arith.cmpi slt, %add3A_140, %lt3A : i32
      %convert_element_type3A_142 = arith.extui %lt3A_141 : i1 to i32
      %cond3A_143 = arith.constant 0 : i32
      %cond3A_144 = arith.cmpi ne, %convert_element_type3A_142, %cond3A_143 : i32
      scf.if %cond3A_144 {
        %add3A_208 = arith.constant 2 : i32
        %add3A_209 = arith.addi %add3A_111, %add3A_208 : i32
        %dma_start3A_210 = arith.constant 0 : i32
        %dma_start3A_211 = arith.constant 0 : i32
        %dma_start3A_212 = arith.constant 0 : i32
        %dma_start3A_213 = tpu.memref_slice %arg11[%dma_start3A_210, %dma_start3A_211, %dma_start3A_212] : memref<2x125x32xf32, #tpu.memory_space<vmem>> -> memref<1x125x32xf32, #tpu.memory_space<vmem>>
        %dma_start3A_214 = tpu.memref_squeeze %dma_start3A_213 : memref<1x125x32xf32, #tpu.memory_space<vmem>> -> memref<125x32xf32, #tpu.memory_space<vmem>>
        %dma_start3A_215 = arith.constant 0 : i32
        %dma_start3A_216 = tpu.memref_slice %arg9[%add3A_209, %dma_start3A_215] : memref<80x125xi32, #tpu.memory_space<vmem>> -> memref<1x125xi32, #tpu.memory_space<vmem>>
        %dma_start3A_217 = tpu.memref_squeeze %dma_start3A_216 : memref<1x125xi32, #tpu.memory_space<vmem>> -> memref<125xi32, #tpu.memory_space<vmem>>
        %dma_start3A_218 = arith.constant 0 : i32
        %dma_start3A_219 = arith.constant 0 : i32
        %dma_start3A_220 = tpu.memref_slice %arg4[%dma_start3A_218, %dma_start3A_219] : memref<10000x32xf32, #tpu.memory_space<hbm>> -> memref<10000x32xf32, #tpu.memory_space<hbm>>
        tpu.enqueue_indirect_dma source(%dma_start3A_220 : memref<10000x32xf32, #tpu.memory_space<hbm>>) target(%dma_start3A_214 : memref<125x32xf32, #tpu.memory_space<vmem>>) offsets(%dma_start3A_217 : memref<125xi32, #tpu.memory_space<vmem>>) semaphore(%arg15 : memref<!tpu.dma_semaphore, #tpu.memory_space<semaphore_mem>>)
        %dma_start3A_221 = arith.constant 0 : i32
        %dma_start3A_222 = arith.constant 0 : i32
        %dma_start3A_223 = arith.constant 0 : i32
        %dma_start3A_224 = tpu.memref_slice %arg12[%dma_start3A_221, %dma_start3A_222, %dma_start3A_223] : memref<2x125x16xf32, #tpu.memory_space<vmem>> -> memref<1x125x16xf32, #tpu.memory_space<vmem>>
        %dma_start3A_225 = tpu.memref_squeeze %dma_start3A_224 : memref<1x125x16xf32, #tpu.memory_space<vmem>> -> memref<125x16xf32, #tpu.memory_space<vmem>>
        %dma_start3A_226 = arith.constant 0 : i32
        %dma_start3A_227 = tpu.memref_slice %arg10[%add3A_209, %dma_start3A_226] : memref<80x125xi32, #tpu.memory_space<vmem>> -> memref<1x125xi32, #tpu.memory_space<vmem>>
        %dma_start3A_228 = tpu.memref_squeeze %dma_start3A_227 : memref<1x125xi32, #tpu.memory_space<vmem>> -> memref<125xi32, #tpu.memory_space<vmem>>
        %dma_start3A_229 = arith.constant 0 : i32
        %dma_start3A_230 = arith.constant 0 : i32
        %dma_start3A_231 = tpu.memref_slice %arg5[%dma_start3A_229, %dma_start3A_230] : memref<10000x16xf32, #tpu.memory_space<hbm>> -> memref<10000x16xf32, #tpu.memory_space<hbm>>
        tpu.enqueue_indirect_dma source(%dma_start3A_231 : memref<10000x16xf32, #tpu.memory_space<hbm>>) target(%dma_start3A_225 : memref<125x16xf32, #tpu.memory_space<vmem>>) offsets(%dma_start3A_228 : memref<125xi32, #tpu.memory_space<vmem>>) semaphore(%arg15 : memref<!tpu.dma_semaphore, #tpu.memory_space<semaphore_mem>>)
      } else {
      }
      %dma_start3A_145 = arith.constant 0 : i32
      %dma_start3A_146 = arith.constant 0 : i32
      %dma_start3A_147 = arith.constant 0 : i32
      %dma_start3A_148 = tpu.memref_slice %arg13[%dma_start3A_145, %dma_start3A_146, %dma_start3A_147] : memref<2x125x16xf32, #tpu.memory_space<vmem>> -> memref<1x125x16xf32, #tpu.memory_space<vmem>>
      %dma_start3A_149 = tpu.memref_squeeze %dma_start3A_148 : memref<1x125x16xf32, #tpu.memory_space<vmem>> -> memref<125x16xf32, #tpu.memory_space<vmem>>
      %dma_start3A_150 = arith.constant 0 : i32
      %dma_start3A_151 = tpu.memref_slice %arg10[%add3A_111, %dma_start3A_150] : memref<80x125xi32, #tpu.memory_space<vmem>> -> memref<1x125xi32, #tpu.memory_space<vmem>>
      %dma_start3A_152 = tpu.memref_squeeze %dma_start3A_151 : memref<1x125xi32, #tpu.memory_space<vmem>> -> memref<125xi32, #tpu.memory_space<vmem>>
      %dma_start3A_153 = arith.constant 0 : i32
      %dma_start3A_154 = arith.constant 0 : i32
      %dma_start3A_155 = tpu.memref_slice %arg8[%dma_start3A_153, %dma_start3A_154] : memref<10240x16xf32, #tpu.memory_space<vmem_shared>> -> memref<10240x16xf32, #tpu.memory_space<vmem_shared>>
      tpu.enqueue_indirect_dma source(%dma_start3A_149 : memref<125x16xf32, #tpu.memory_space<vmem>>) target(%dma_start3A_155 : memref<10240x16xf32, #tpu.memory_space<vmem_shared>>) offsets(%dma_start3A_152 : memref<125xi32, #tpu.memory_space<vmem>>) semaphore(%arg17 : memref<!tpu.dma_semaphore, #tpu.memory_space<semaphore_mem>>) {add = true}
      %mul3A_156 = arith.constant 2 : i32
      %mul3A_157 = arith.muli %mul3A_156, %scan3A_107 : i32
      %add3A_158 = arith.constant 1 : i32
      %add3A_159 = arith.addi %mul3A_157, %add3A_158 : i32
      %dma_wait3A_160 = arith.constant 1 : i32
      %dma_wait3A_161 = arith.constant 0 : i32
      %dma_wait3A_162 = arith.constant 0 : i32
      %dma_wait3A_163 = tpu.memref_slice %arg11[%dma_wait3A_160, %dma_wait3A_161, %dma_wait3A_162] : memref<2x125x32xf32, #tpu.memory_space<vmem>> -> memref<1x125x32xf32, #tpu.memory_space<vmem>>
      %dma_wait3A_164 = tpu.memref_squeeze %dma_wait3A_163 : memref<1x125x32xf32, #tpu.memory_space<vmem>> -> memref<125x32xf32, #tpu.memory_space<vmem>>
      %dma_wait3A_165 = arith.constant 0 : i32
      %dma_wait3A_166 = tpu.memref_slice %arg9[%add3A_159, %dma_wait3A_165] : memref<80x125xi32, #tpu.memory_space<vmem>> -> memref<1x125xi32, #tpu.memory_space<vmem>>
      %dma_wait3A_167 = tpu.memref_squeeze %dma_wait3A_166 : memref<1x125xi32, #tpu.memory_space<vmem>> -> memref<125xi32, #tpu.memory_space<vmem>>
      %dma_wait3A_168 = arith.constant 0 : i32
      %dma_wait3A_169 = arith.constant 0 : i32
      %dma_wait3A_170 = tpu.memref_slice %arg4[%dma_wait3A_168, %dma_wait3A_169] : memref<10000x32xf32, #tpu.memory_space<hbm>> -> memref<10000x32xf32, #tpu.memory_space<hbm>>
      tpu.wait_indirect_dma semaphore(%arg16 : memref<!tpu.dma_semaphore, #tpu.memory_space<semaphore_mem>>) src(%dma_wait3A_170 : memref<10000x32xf32, #tpu.memory_space<hbm>>) dst(%dma_wait3A_164 : memref<125x32xf32, #tpu.memory_space<vmem>>)
      %dma_wait3A_171 = arith.constant 1 : i32
      %dma_wait3A_172 = arith.constant 0 : i32
      %dma_wait3A_173 = arith.constant 0 : i32
      %dma_wait3A_174 = tpu.memref_slice %arg12[%dma_wait3A_171, %dma_wait3A_172, %dma_wait3A_173] : memref<2x125x16xf32, #tpu.memory_space<vmem>> -> memref<1x125x16xf32, #tpu.memory_space<vmem>>
      %dma_wait3A_175 = tpu.memref_squeeze %dma_wait3A_174 : memref<1x125x16xf32, #tpu.memory_space<vmem>> -> memref<125x16xf32, #tpu.memory_space<vmem>>
      %dma_wait3A_176 = arith.constant 0 : i32
      %dma_wait3A_177 = tpu.memref_slice %arg10[%add3A_159, %dma_wait3A_176] : memref<80x125xi32, #tpu.memory_space<vmem>> -> memref<1x125xi32, #tpu.memory_space<vmem>>
      %dma_wait3A_178 = tpu.memref_squeeze %dma_wait3A_177 : memref<1x125xi32, #tpu.memory_space<vmem>> -> memref<125xi32, #tpu.memory_space<vmem>>
      %dma_wait3A_179 = arith.constant 0 : i32
      %dma_wait3A_180 = arith.constant 0 : i32
      %dma_wait3A_181 = tpu.memref_slice %arg5[%dma_wait3A_179, %dma_wait3A_180] : memref<10000x16xf32, #tpu.memory_space<hbm>> -> memref<10000x16xf32, #tpu.memory_space<hbm>>
      tpu.wait_indirect_dma semaphore(%arg16 : memref<!tpu.dma_semaphore, #tpu.memory_space<semaphore_mem>>) src(%dma_wait3A_181 : memref<10000x16xf32, #tpu.memory_space<hbm>>) dst(%dma_wait3A_175 : memref<125x16xf32, #tpu.memory_space<vmem>>)
      %gt3A_182 = arith.constant 0 : i32
      %gt3A_183 = arith.cmpi sgt, %scan3A_107, %gt3A_182 : i32
      %convert_element_type3A_184 = arith.extui %gt3A_183 : i1 to i32
      %cond3A_185 = arith.constant 0 : i32
      %cond3A_186 = arith.cmpi ne, %convert_element_type3A_184, %cond3A_185 : i32
      scf.if %cond3A_186 {
        %sub3A = arith.constant 2 : i32
        %sub3A_208 = arith.subi %add3A_159, %sub3A : i32
        %dma_wait3A_209 = arith.constant 1 : i32
        %dma_wait3A_210 = arith.constant 0 : i32
        %dma_wait3A_211 = arith.constant 0 : i32
        %dma_wait3A_212 = tpu.memref_slice %arg13[%dma_wait3A_209, %dma_wait3A_210, %dma_wait3A_211] : memref<2x125x16xf32, #tpu.memory_space<vmem>> -> memref<1x125x16xf32, #tpu.memory_space<vmem>>
        %dma_wait3A_213 = tpu.memref_squeeze %dma_wait3A_212 : memref<1x125x16xf32, #tpu.memory_space<vmem>> -> memref<125x16xf32, #tpu.memory_space<vmem>>
        %dma_wait3A_214 = arith.constant 0 : i32
        %dma_wait3A_215 = tpu.memref_slice %arg10[%sub3A_208, %dma_wait3A_214] : memref<80x125xi32, #tpu.memory_space<vmem>> -> memref<1x125xi32, #tpu.memory_space<vmem>>
        %dma_wait3A_216 = tpu.memref_squeeze %dma_wait3A_215 : memref<1x125xi32, #tpu.memory_space<vmem>> -> memref<125xi32, #tpu.memory_space<vmem>>
        %dma_wait3A_217 = arith.constant 0 : i32
        %dma_wait3A_218 = arith.constant 0 : i32
        %dma_wait3A_219 = tpu.memref_slice %arg8[%dma_wait3A_217, %dma_wait3A_218] : memref<10240x16xf32, #tpu.memory_space<vmem_shared>> -> memref<10240x16xf32, #tpu.memory_space<vmem_shared>>
        tpu.wait_indirect_dma semaphore(%arg18 : memref<!tpu.dma_semaphore, #tpu.memory_space<semaphore_mem>>) src(%dma_wait3A_213 : memref<125x16xf32, #tpu.memory_space<vmem>>) dst(%dma_wait3A_219 : memref<10240x16xf32, #tpu.memory_space<vmem_shared>>)
      } else {
      }
      %parallel_loop3A_187 = arith.constant 0 : i32
      %parallel_loop3A_188 = arith.constant 125 : i32
      %parallel_loop3A_189 = arith.constant 1 : i32
      scf.for %parallel_loop3A_208 = %parallel_loop3A_187 to %parallel_loop3A_188 step %parallel_loop3A_189  : i32 {
        %parallel_loop3A_209 = arith.constant 1 : i32
        %parallel_loop3A_210 = arith.index_cast %parallel_loop3A_209 : i32 to index
        %parallel_loop3A_211 = arith.index_cast %parallel_loop3A_208 : i32 to index
        %parallel_loop3A_212 = arith.constant 16 : index
        %parallel_loop3A_213 = tpu.vector_load %arg11[%parallel_loop3A_210, %parallel_loop3A_211, %parallel_loop3A_212] {strides = array<i32>} : memref<2x125x32xf32, #tpu.memory_space<vmem>>, vector<16xf32>,
        %parallel_loop3A_214 = arith.constant 1 : i32
        %parallel_loop3A_215 = arith.index_cast %parallel_loop3A_214 : i32 to index
        %parallel_loop3A_216 = arith.index_cast %parallel_loop3A_208 : i32 to index
        %parallel_loop3A_217 = arith.constant 0 : index
        %parallel_loop3A_218 = tpu.vector_load %arg12[%parallel_loop3A_215, %parallel_loop3A_216, %parallel_loop3A_217] {strides = array<i32>} : memref<2x125x16xf32, #tpu.memory_space<vmem>>, vector<16xf32>,
        %parallel_loop3A_219 = arith.addf %parallel_loop3A_213, %parallel_loop3A_218 : vector<16xf32>
        %parallel_loop3A_220 = arith.constant 2.000000e-01 : f32
        %parallel_loop3A_221 = vector.broadcast %parallel_loop3A_220 : f32 to vector<16xf32>
        %parallel_loop3A_222 = arith.mulf %parallel_loop3A_221, %parallel_loop3A_219 : vector<16xf32>
        %parallel_loop3A_223 = arith.maximumf %parallel_loop3A_219, %parallel_loop3A_222 : vector<16xf32>
        %parallel_loop3A_224 = arith.subf %parallel_loop3A_223, %get3A_30 : vector<16xf32>
        %parallel_loop3A_225 = math.exp %parallel_loop3A_224 : vector<16xf32>
        %parallel_loop3A_226 = arith.constant 1 : i32
        %parallel_loop3A_227 = arith.index_cast %parallel_loop3A_226 : i32 to index
        %parallel_loop3A_228 = arith.index_cast %parallel_loop3A_208 : i32 to index
        %parallel_loop3A_229 = arith.constant 0 : index
        %parallel_loop3A_230 = tpu.vector_load %arg11[%parallel_loop3A_227, %parallel_loop3A_228, %parallel_loop3A_229] {strides = array<i32>} : memref<2x125x32xf32, #tpu.memory_space<vmem>>, vector<16xf32>,
        %parallel_loop3A_231 = arith.mulf %parallel_loop3A_230, %parallel_loop3A_225 : vector<16xf32>
        %parallel_loop3A_232 = arith.constant 1 : i32
        %parallel_loop3A_233 = arith.index_cast %parallel_loop3A_232 : i32 to index
        %parallel_loop3A_234 = arith.index_cast %parallel_loop3A_208 : i32 to index
        %parallel_loop3A_235 = arith.constant 0 : index
        %parallel_loop3A_236 = tpu.vector_load %arg13[%parallel_loop3A_233, %parallel_loop3A_234, %parallel_loop3A_235] {strides = array<i32>} : memref<2x125x16xf32, #tpu.memory_space<vmem>>, vector<16xf32>,
        tpu.vector_store %arg13[%parallel_loop3A_233, %parallel_loop3A_234, %parallel_loop3A_235], %parallel_loop3A_231 {strides = array<i32>} : memref<2x125x16xf32, #tpu.memory_space<vmem>>, vector<16xf32>,
      } {sc.loop_unroll_factor = 16 : i64, sc.parallel_access}
      %add3A_190 = arith.constant 2 : i32
      %add3A_191 = arith.addi %add3A_159, %add3A_190 : i32
      %lt3A_192 = arith.constant 80 : i32
      %lt3A_193 = arith.cmpi slt, %add3A_191, %lt3A_192 : i32
      %convert_element_type3A_194 = arith.extui %lt3A_193 : i1 to i32
      %cond3A_195 = arith.constant 0 : i32
      %cond3A_196 = arith.cmpi ne, %convert_element_type3A_194, %cond3A_195 : i32
      scf.if %cond3A_196 {
        %add3A_208 = arith.constant 2 : i32
        %add3A_209 = arith.addi %add3A_159, %add3A_208 : i32
        %dma_start3A_210 = arith.constant 1 : i32
        %dma_start3A_211 = arith.constant 0 : i32
        %dma_start3A_212 = arith.constant 0 : i32
        %dma_start3A_213 = tpu.memref_slice %arg11[%dma_start3A_210, %dma_start3A_211, %dma_start3A_212] : memref<2x125x32xf32, #tpu.memory_space<vmem>> -> memref<1x125x32xf32, #tpu.memory_space<vmem>>
        %dma_start3A_214 = tpu.memref_squeeze %dma_start3A_213 : memref<1x125x32xf32, #tpu.memory_space<vmem>> -> memref<125x32xf32, #tpu.memory_space<vmem>>
        %dma_start3A_215 = arith.constant 0 : i32
        %dma_start3A_216 = tpu.memref_slice %arg9[%add3A_209, %dma_start3A_215] : memref<80x125xi32, #tpu.memory_space<vmem>> -> memref<1x125xi32, #tpu.memory_space<vmem>>
        %dma_start3A_217 = tpu.memref_squeeze %dma_start3A_216 : memref<1x125xi32, #tpu.memory_space<vmem>> -> memref<125xi32, #tpu.memory_space<vmem>>
        %dma_start3A_218 = arith.constant 0 : i32
        %dma_start3A_219 = arith.constant 0 : i32
        %dma_start3A_220 = tpu.memref_slice %arg4[%dma_start3A_218, %dma_start3A_219] : memref<10000x32xf32, #tpu.memory_space<hbm>> -> memref<10000x32xf32, #tpu.memory_space<hbm>>
        tpu.enqueue_indirect_dma source(%dma_start3A_220 : memref<10000x32xf32, #tpu.memory_space<hbm>>) target(%dma_start3A_214 : memref<125x32xf32, #tpu.memory_space<vmem>>) offsets(%dma_start3A_217 : memref<125xi32, #tpu.memory_space<vmem>>) semaphore(%arg16 : memref<!tpu.dma_semaphore, #tpu.memory_space<semaphore_mem>>)
        %dma_start3A_221 = arith.constant 1 : i32
        %dma_start3A_222 = arith.constant 0 : i32
        %dma_start3A_223 = arith.constant 0 : i32
        %dma_start3A_224 = tpu.memref_slice %arg12[%dma_start3A_221, %dma_start3A_222, %dma_start3A_223] : memref<2x125x16xf32, #tpu.memory_space<vmem>> -> memref<1x125x16xf32, #tpu.memory_space<vmem>>
        %dma_start3A_225 = tpu.memref_squeeze %dma_start3A_224 : memref<1x125x16xf32, #tpu.memory_space<vmem>> -> memref<125x16xf32, #tpu.memory_space<vmem>>
        %dma_start3A_226 = arith.constant 0 : i32
        %dma_start3A_227 = tpu.memref_slice %arg10[%add3A_209, %dma_start3A_226] : memref<80x125xi32, #tpu.memory_space<vmem>> -> memref<1x125xi32, #tpu.memory_space<vmem>>
        %dma_start3A_228 = tpu.memref_squeeze %dma_start3A_227 : memref<1x125xi32, #tpu.memory_space<vmem>> -> memref<125xi32, #tpu.memory_space<vmem>>
        %dma_start3A_229 = arith.constant 0 : i32
        %dma_start3A_230 = arith.constant 0 : i32
        %dma_start3A_231 = tpu.memref_slice %arg5[%dma_start3A_229, %dma_start3A_230] : memref<10000x16xf32, #tpu.memory_space<hbm>> -> memref<10000x16xf32, #tpu.memory_space<hbm>>
        tpu.enqueue_indirect_dma source(%dma_start3A_231 : memref<10000x16xf32, #tpu.memory_space<hbm>>) target(%dma_start3A_225 : memref<125x16xf32, #tpu.memory_space<vmem>>) offsets(%dma_start3A_228 : memref<125xi32, #tpu.memory_space<vmem>>) semaphore(%arg16 : memref<!tpu.dma_semaphore, #tpu.memory_space<semaphore_mem>>)
      } else {
      }
      %dma_start3A_197 = arith.constant 1 : i32
      %dma_start3A_198 = arith.constant 0 : i32
      %dma_start3A_199 = arith.constant 0 : i32
      %dma_start3A_200 = tpu.memref_slice %arg13[%dma_start3A_197, %dma_start3A_198, %dma_start3A_199] : memref<2x125x16xf32, #tpu.memory_space<vmem>> -> memref<1x125x16xf32, #tpu.memory_space<vmem>>
      %dma_start3A_201 = tpu.memref_squeeze %dma_start3A_200 : memref<1x125x16xf32, #tpu.memory_space<vmem>> -> memref<125x16xf32, #tpu.memory_space<vmem>>
      %dma_start3A_202 = arith.constant 0 : i32
      %dma_start3A_203 = tpu.memref_slice %arg10[%add3A_159, %dma_start3A_202] : memref<80x125xi32, #tpu.memory_space<vmem>> -> memref<1x125xi32, #tpu.memory_space<vmem>>
      %dma_start3A_204 = tpu.memref_squeeze %dma_start3A_203 : memref<1x125xi32, #tpu.memory_space<vmem>> -> memref<125xi32, #tpu.memory_space<vmem>>
      %dma_start3A_205 = arith.constant 0 : i32
      %dma_start3A_206 = arith.constant 0 : i32
      %dma_start3A_207 = tpu.memref_slice %arg8[%dma_start3A_205, %dma_start3A_206] : memref<10240x16xf32, #tpu.memory_space<vmem_shared>> -> memref<10240x16xf32, #tpu.memory_space<vmem_shared>>
      tpu.enqueue_indirect_dma source(%dma_start3A_201 : memref<125x16xf32, #tpu.memory_space<vmem>>) target(%dma_start3A_207 : memref<10240x16xf32, #tpu.memory_space<vmem_shared>>) offsets(%dma_start3A_204 : memref<125xi32, #tpu.memory_space<vmem>>) semaphore(%arg18 : memref<!tpu.dma_semaphore, #tpu.memory_space<semaphore_mem>>) {add = true}
    }
    %scan3A_82 = arith.constant 40 : i32
    %dma_wait3A = arith.constant 0 : i32
    %dma_wait3A_83 = arith.constant 78 : i32
    %dma_wait3A_84 = arith.constant 0 : i32
    %dma_wait3A_85 = arith.constant 0 : i32
    %dma_wait3A_86 = tpu.memref_slice %arg13[%dma_wait3A, %dma_wait3A_84, %dma_wait3A_85] : memref<2x125x16xf32, #tpu.memory_space<vmem>> -> memref<1x125x16xf32, #tpu.memory_space<vmem>>
    %dma_wait3A_87 = tpu.memref_squeeze %dma_wait3A_86 : memref<1x125x16xf32, #tpu.memory_space<vmem>> -> memref<125x16xf32, #tpu.memory_space<vmem>>
    %dma_wait3A_88 = arith.constant 0 : i32
    %dma_wait3A_89 = tpu.memref_slice %arg10[%dma_wait3A_83, %dma_wait3A_88] : memref<80x125xi32, #tpu.memory_space<vmem>> -> memref<1x125xi32, #tpu.memory_space<vmem>>
    %dma_wait3A_90 = tpu.memref_squeeze %dma_wait3A_89 : memref<1x125xi32, #tpu.memory_space<vmem>> -> memref<125xi32, #tpu.memory_space<vmem>>
    %dma_wait3A_91 = arith.constant 0 : i32
    %dma_wait3A_92 = arith.constant 0 : i32
    %dma_wait3A_93 = tpu.memref_slice %arg8[%dma_wait3A_91, %dma_wait3A_92] : memref<10240x16xf32, #tpu.memory_space<vmem_shared>> -> memref<10240x16xf32, #tpu.memory_space<vmem_shared>>
    tpu.wait_indirect_dma semaphore(%arg17 : memref<!tpu.dma_semaphore, #tpu.memory_space<semaphore_mem>>) src(%dma_wait3A_87 : memref<125x16xf32, #tpu.memory_space<vmem>>) dst(%dma_wait3A_93 : memref<10240x16xf32, #tpu.memory_space<vmem_shared>>)
    %dma_wait3A_94 = arith.constant 1 : i32
    %dma_wait3A_95 = arith.constant 79 : i32
    %dma_wait3A_96 = arith.constant 0 : i32
    %dma_wait3A_97 = arith.constant 0 : i32
    %dma_wait3A_98 = tpu.memref_slice %arg13[%dma_wait3A_94, %dma_wait3A_96, %dma_wait3A_97] : memref<2x125x16xf32, #tpu.memory_space<vmem>> -> memref<1x125x16xf32, #tpu.memory_space<vmem>>
    %dma_wait3A_99 = tpu.memref_squeeze %dma_wait3A_98 : memref<1x125x16xf32, #tpu.memory_space<vmem>> -> memref<125x16xf32, #tpu.memory_space<vmem>>
    %dma_wait3A_100 = arith.constant 0 : i32
    %dma_wait3A_101 = tpu.memref_slice %arg10[%dma_wait3A_95, %dma_wait3A_100] : memref<80x125xi32, #tpu.memory_space<vmem>> -> memref<1x125xi32, #tpu.memory_space<vmem>>
    %dma_wait3A_102 = tpu.memref_squeeze %dma_wait3A_101 : memref<1x125xi32, #tpu.memory_space<vmem>> -> memref<125xi32, #tpu.memory_space<vmem>>
    %dma_wait3A_103 = arith.constant 0 : i32
    %dma_wait3A_104 = arith.constant 0 : i32
    %dma_wait3A_105 = tpu.memref_slice %arg8[%dma_wait3A_103, %dma_wait3A_104] : memref<10240x16xf32, #tpu.memory_space<vmem_shared>> -> memref<10240x16xf32, #tpu.memory_space<vmem_shared>>
    tpu.wait_indirect_dma semaphore(%arg18 : memref<!tpu.dma_semaphore, #tpu.memory_space<semaphore_mem>>) src(%dma_wait3A_99 : memref<125x16xf32, #tpu.memory_space<vmem>>) dst(%dma_wait3A_105 : memref<10240x16xf32, #tpu.memory_space<vmem_shared>>)
    %barrier3A_106 = arith.constant 0 : index
    tpu.barrier barrier_id(%barrier3A_106)
    "tpu.region"() ({
      %run_scoped3A_107 = tpu.sem_alloc : memref<!tpu.dma_semaphore, #tpu.memory_space<semaphore_mem>>
      %dma_start3A_108 = arith.constant 0 : i32
      %dma_start3A_109 = tpu.memref_slice %arg7[%arg0, %mul3A_2, %dma_start3A_108] : memref<2x10240x16xf32, #tpu.memory_space<hbm>> -> memref<1x640x16xf32, #tpu.memory_space<hbm>>
      %dma_start3A_110 = tpu.memref_squeeze %dma_start3A_109 : memref<1x640x16xf32, #tpu.memory_space<hbm>> -> memref<640x16xf32, #tpu.memory_space<hbm>>
      %dma_start3A_111 = arith.constant 0 : i32
      %dma_start3A_112 = tpu.memref_slice %arg8[%mul3A_2, %dma_start3A_111] : memref<10240x16xf32, #tpu.memory_space<vmem_shared>> -> memref<640x16xf32, #tpu.memory_space<vmem_shared>>
      tpu.enqueue_dma source(%dma_start3A_112 : memref<640x16xf32, #tpu.memory_space<vmem_shared>>) target(%dma_start3A_110 : memref<640x16xf32, #tpu.memory_space<hbm>>) target_semaphore(%run_scoped3A_107 : memref<!tpu.dma_semaphore, #tpu.memory_space<semaphore_mem>>)
      %dma_wait3A_113 = arith.constant 0 : i32
      %dma_wait3A_114 = tpu.memref_slice %arg7[%arg0, %mul3A_2, %dma_wait3A_113] : memref<2x10240x16xf32, #tpu.memory_space<hbm>> -> memref<1x640x16xf32, #tpu.memory_space<hbm>>
      %dma_wait3A_115 = tpu.memref_squeeze %dma_wait3A_114 : memref<1x640x16xf32, #tpu.memory_space<hbm>> -> memref<640x16xf32, #tpu.memory_space<hbm>>
      %dma_wait3A_116 = arith.constant 0 : i32
      %dma_wait3A_117 = tpu.memref_slice %arg8[%mul3A_2, %dma_wait3A_116] : memref<10240x16xf32, #tpu.memory_space<vmem_shared>> -> memref<640x16xf32, #tpu.memory_space<vmem_shared>>
      tpu.wait_dma2 semaphore(%run_scoped3A_107 : memref<!tpu.dma_semaphore, #tpu.memory_space<semaphore_mem>>) src(%dma_wait3A_117 : memref<640x16xf32, #tpu.memory_space<vmem_shared>>) dst(%dma_wait3A_115 : memref<640x16xf32, #tpu.memory_space<hbm>>)
      tpu.yield
    }) : () -> ()
    return
  }
}

module attributes {stable_mosaic.version = 14 : i64} {
  func.func @_l1_prologue_body(%arg0: memref<10000x128xf32, #tpu.memory_space<vmem>>, %arg1: memref<128x64xf32, #tpu.memory_space<vmem>>, %arg2: memref<64x8xf32, #tpu.memory_space<vmem>>, %arg3: memref<64x8xf32, #tpu.memory_space<vmem>>, %arg4: memref<10000x80xf32, #tpu.memory_space<vmem>>, %arg5: memref<10000x16xf32, #tpu.memory_space<vmem>>, %arg6: memref<1x16xf32, #tpu.memory_space<vmem>>) attributes {dimension_semantics = [], scalar_prefetch = 0 : i64, scratch_operands = 0 : i64, tpu.core_type = #tpu.core_type<tc>} {
    %get3A = arith.constant 0 : index
    %get3A_0 = arith.constant 0 : index
    %get3A_1 = vector.load %arg0[%get3A, %get3A_0] : memref<10000x128xf32, #tpu.memory_space<vmem>>, vector<10000x128xf32>
    %get3A_2 = arith.constant 0 : index
    %get3A_3 = arith.constant 0 : index
    %get3A_4 = vector.load %arg1[%get3A_2, %get3A_3] : memref<128x64xf32, #tpu.memory_space<vmem>>, vector<128x64xf32>
    %dot_general3A = arith.constant dense<0.000000e+00> : vector<10000x64xf32>
    %dot_general3A_5 = tpu.matmul %get3A_1, %get3A_4, %dot_general3A {dimension_numbers = #tpu.dot_dimension_numbers<[1], [0], [0], [1], [0, 0, 1, 1], [], []>, transpose_lhs_hint = false} : vector<10000x128xf32>, vector<128x64xf32>, vector<10000x64xf32> -> vector<10000x64xf32>
    %get3A_6 = arith.constant 0 : index
    %get3A_7 = arith.constant 0 : index
    %get3A_8 = vector.load %arg2[%get3A_6, %get3A_7] : memref<64x8xf32, #tpu.memory_space<vmem>>, vector<64x8xf32>
    %dot_general3A_9 = arith.constant dense<0.000000e+00> : vector<10000x8xf32>
    %dot_general3A_10 = tpu.matmul %dot_general3A_5, %get3A_8, %dot_general3A_9 {dimension_numbers = #tpu.dot_dimension_numbers<[1], [0], [0], [1], [0, 0, 1, 1], [], []>, transpose_lhs_hint = false} : vector<10000x64xf32>, vector<64x8xf32>, vector<10000x8xf32> -> vector<10000x8xf32>
    %get3A_11 = arith.constant 0 : index
    %get3A_12 = arith.constant 0 : index
    %get3A_13 = vector.load %arg3[%get3A_11, %get3A_12] : memref<64x8xf32, #tpu.memory_space<vmem>>, vector<64x8xf32>
    %dot_general3A_14 = arith.constant dense<0.000000e+00> : vector<10000x8xf32>
    %dot_general3A_15 = tpu.matmul %dot_general3A_5, %get3A_13, %dot_general3A_14 {dimension_numbers = #tpu.dot_dimension_numbers<[1], [0], [0], [1], [0, 0, 1, 1], [], []>, transpose_lhs_hint = false} : vector<10000x64xf32>, vector<64x8xf32>, vector<10000x8xf32> -> vector<10000x8xf32>
    %concatenate3A = tpu.concatenate %dot_general3A_5, %dot_general3A_10, %dot_general3A_10 in 1 : vector<10000x64xf32>, vector<10000x8xf32>, vector<10000x8xf32> -> vector<10000x80xf32>
    %swap3A = arith.constant 0 : index
    %swap3A_16 = arith.constant 0 : index
    %swap3A_17 = vector.load %arg4[%swap3A, %swap3A_16] : memref<10000x80xf32, #tpu.memory_space<vmem>>, vector<10000x80xf32>
    tpu.vector_store %arg4[%swap3A, %swap3A_16], %concatenate3A {strides = array<i32>} : memref<10000x80xf32, #tpu.memory_space<vmem>>, vector<10000x80xf32>,
    %concatenate3A_18 = tpu.concatenate %dot_general3A_15, %dot_general3A_15 in 1 : vector<10000x8xf32>, vector<10000x8xf32> -> vector<10000x16xf32>
    %swap3A_19 = arith.constant 0 : index
    %swap3A_20 = arith.constant 0 : index
    %swap3A_21 = vector.load %arg5[%swap3A_19, %swap3A_20] : memref<10000x16xf32, #tpu.memory_space<vmem>>, vector<10000x16xf32>
    tpu.vector_store %arg5[%swap3A_19, %swap3A_20], %concatenate3A_18 {strides = array<i32>} : memref<10000x16xf32, #tpu.memory_space<vmem>>, vector<10000x16xf32>,
    %reduce_max3A = arith.constant dense<0xFF800000> : vector<8xf32>
    %reduce_max3A_22 = vector.multi_reduction <maximumf>, %dot_general3A_10, %reduce_max3A [0] : vector<10000x8xf32> to vector<8xf32>
    %broadcast_in_dim3A = vector.shape_cast %reduce_max3A_22 : vector<8xf32> to vector<1x8xf32>
    %reduce_max3A_23 = arith.constant dense<0xFF800000> : vector<8xf32>
    %reduce_max3A_24 = vector.multi_reduction <maximumf>, %dot_general3A_15, %reduce_max3A_23 [0] : vector<10000x8xf32> to vector<8xf32>
    %broadcast_in_dim3A_25 = vector.shape_cast %reduce_max3A_24 : vector<8xf32> to vector<1x8xf32>
    %add3A = arith.addf %broadcast_in_dim3A, %broadcast_in_dim3A_25 : vector<1x8xf32>
    %concatenate3A_26 = tpu.concatenate %add3A, %add3A in 1 : vector<1x8xf32>, vector<1x8xf32> -> vector<1x16xf32>
    %swap3A_27 = arith.constant 0 : index
    %swap3A_28 = arith.constant 0 : index
    %swap3A_29 = vector.load %arg6[%swap3A_27, %swap3A_28] : memref<1x16xf32, #tpu.memory_space<vmem>>, vector<1x16xf32>
    tpu.vector_store %arg6[%swap3A_27, %swap3A_28], %concatenate3A_26 {strides = array<i32>} : memref<1x16xf32, #tpu.memory_space<vmem>>, vector<1x16xf32>,
    return
  }
}

module attributes {stable_mosaic.version = 14 : i64} {
  func.func @_l1_finalize_body(%arg0: memref<2x10240x80xf32, #tpu.memory_space<vmem>>, %arg1: memref<10000x80xf32, #tpu.memory_space<vmem>>, %arg2: memref<10000x16xf32, #tpu.memory_space<vmem>>, %arg3: memref<1x16xf32, #tpu.memory_space<vmem>>, %arg4: memref<64xf32, #tpu.memory_space<vmem>>, %arg5: memref<64x2xf32, #tpu.memory_space<vmem>>, %arg6: memref<2x1xf32, #tpu.memory_space<vmem>>, %arg7: memref<2x1xf32, #tpu.memory_space<vmem>>, %arg8: memref<10000x32xf32, #tpu.memory_space<vmem>>, %arg9: memref<10000x16xf32, #tpu.memory_space<vmem>>, %arg10: memref<1x16xf32, #tpu.memory_space<vmem>>) attributes {dimension_semantics = [], scalar_prefetch = 0 : i64, scratch_operands = 0 : i64, tpu.core_type = #tpu.core_type<tc>} {
    %get3A = arith.constant 0 : index
    %get3A_0 = arith.constant 0 : index
    %get3A_1 = arith.constant 0 : index
    %get3A_2 = vector.load %arg0[%get3A, %get3A_0, %get3A_1] : memref<2x10240x80xf32, #tpu.memory_space<vmem>>, vector<1x10000x80xf32>
    %get3A_3 = vector.shape_cast %get3A_2 : vector<1x10000x80xf32> to vector<10000x80xf32>
    %get3A_4 = arith.constant 1 : index
    %get3A_5 = arith.constant 0 : index
    %get3A_6 = arith.constant 0 : index
    %get3A_7 = vector.load %arg0[%get3A_4, %get3A_5, %get3A_6] : memref<2x10240x80xf32, #tpu.memory_space<vmem>>, vector<1x10000x80xf32>
    %get3A_8 = vector.shape_cast %get3A_7 : vector<1x10000x80xf32> to vector<10000x80xf32>
    %add3A = arith.addf %get3A_3, %get3A_8 : vector<10000x80xf32>
    %slice3A = vector.extract_strided_slice %add3A {offsets = [0, 0], sizes = [10000, 64], strides = [1, 1]} : vector<10000x80xf32> to vector<10000x64xf32>
    %slice3A_9 = vector.extract_strided_slice %add3A {offsets = [0, 64], sizes = [10000, 8], strides = [1, 1]} : vector<10000x80xf32> to vector<10000x8xf32>
    %get3A_10 = arith.constant 0 : index
    %get3A_11 = arith.constant 0 : index
    %get3A_12 = vector.load %arg1[%get3A_10, %get3A_11] : memref<10000x80xf32, #tpu.memory_space<vmem>>, vector<10000x64xf32>
    %get3A_13 = arith.constant 0 : index
    %get3A_14 = arith.constant 64 : index
    %get3A_15 = vector.load %arg1[%get3A_13, %get3A_14] : memref<10000x80xf32, #tpu.memory_space<vmem>>, vector<10000x8xf32>
    %get3A_16 = arith.constant 0 : index
    %get3A_17 = arith.constant 0 : index
    %get3A_18 = vector.load %arg2[%get3A_16, %get3A_17] : memref<10000x16xf32, #tpu.memory_space<vmem>>, vector<10000x8xf32>
    %get3A_19 = arith.constant 0 : index
    %get3A_20 = arith.constant 0 : index
    %get3A_21 = vector.load %arg3[%get3A_19, %get3A_20] : memref<1x16xf32, #tpu.memory_space<vmem>>, vector<1x8xf32>
    %add3A_22 = arith.addf %get3A_15, %get3A_18 : vector<10000x8xf32>
    %mul3A = arith.constant 2.000000e-01 : f32
    %mul3A_23 = vector.broadcast %mul3A : f32 to vector<10000x8xf32>
    %mul3A_24 = arith.mulf %mul3A_23, %add3A_22 : vector<10000x8xf32>
    %max3A = arith.maximumf %add3A_22, %mul3A_24 : vector<10000x8xf32>
    %sub3A = vector.broadcast %get3A_21 : vector<1x8xf32> to vector<10000x8xf32>
    %sub3A_25 = arith.subf %max3A, %sub3A : vector<10000x8xf32>
    %exp3A = math.exp %sub3A_25 : vector<10000x8xf32>
    %add3A_26 = arith.addf %slice3A_9, %exp3A : vector<10000x8xf32>
    %add3A_27 = arith.constant 1.000000e-16 : f32
    %add3A_28 = vector.broadcast %add3A_27 : f32 to vector<10000x8xf32>
    %add3A_29 = arith.addf %add3A_26, %add3A_28 : vector<10000x8xf32>
    %iota3A = tpu.iota {dimensions = array<i32: 0>} : vector<8x64xi32>
    %iota3A_30 = tpu.iota {dimensions = array<i32: 1>} : vector<8x64xi32>
    %jit3A = arith.constant 8 : i32
    %eq3A = arith.constant 0 : i32
    %eq3A_31 = arith.cmpi eq, %jit3A, %eq3A : i32
    %jit3A_32 = arith.constant 1 : i32
    %select_n3A = arith.select %eq3A_31, %jit3A_32, %jit3A : i32
    %rem3A = vector.broadcast %select_n3A : i32 to vector<8x64xi32>
    %rem3A_33 = arith.remsi %iota3A_30, %rem3A : vector<8x64xi32>
    %ne3A = arith.constant 0 : i32
    %ne3A_34 = vector.broadcast %ne3A : i32 to vector<8x64xi32>
    %ne3A_35 = arith.cmpi ne, %rem3A_33, %ne3A_34 : vector<8x64xi32>
    %lt3A = arith.constant 0 : i32
    %lt3A_36 = vector.broadcast %lt3A : i32 to vector<8x64xi32>
    %lt3A_37 = arith.cmpi slt, %rem3A_33, %lt3A_36 : vector<8x64xi32>
    %lt3A_38 = arith.constant 0 : i32
    %lt3A_39 = arith.cmpi slt, %select_n3A, %lt3A_38 : i32
    %ne3A_40 = vector.broadcast %lt3A_39 : i1 to vector<8x64xi1>
    %ne3A_41 = vector.broadcast %ne3A_40 : vector<8x64xi1> to vector<8x64xi1>
    %ne3A_42 = arith.xori %lt3A_37, %ne3A_41 : vector<8x64xi1>
    %and3A = arith.andi %ne3A_42, %ne3A_35 : vector<8x64xi1>
    %add3A_43 = vector.broadcast %select_n3A : i32 to vector<8x64xi32>
    %add3A_44 = arith.addi %rem3A_33, %add3A_43 : vector<8x64xi32>
    %select_n3A_45 = arith.select %and3A, %add3A_44, %rem3A_33 : vector<8x64xi1>, vector<8x64xi32>
    %eq3A_46 = arith.cmpi eq, %select_n3A_45, %iota3A : vector<8x64xi32>
    %convert_element_type3A = arith.extui %eq3A_46 : vector<8x64xi1> to vector<8x64xi32>
    %convert_element_type3A_47 = arith.sitofp %convert_element_type3A : vector<8x64xi32> to vector<8x64xf32>
    %dot_general3A = arith.constant dense<0.000000e+00> : vector<10000x64xf32>
    %dot_general3A_48 = tpu.matmul %exp3A, %convert_element_type3A_47, %dot_general3A {dimension_numbers = #tpu.dot_dimension_numbers<[1], [0], [0], [1], [0, 0, 1, 1], [], []>, transpose_lhs_hint = false} : vector<10000x8xf32>, vector<8x64xf32>, vector<10000x64xf32> -> vector<10000x64xf32>
    %mul3A_49 = arith.mulf %dot_general3A_48, %get3A_12 : vector<10000x64xf32>
    %add3A_50 = arith.addf %slice3A, %mul3A_49 : vector<10000x64xf32>
    %div3A = arith.constant 1.000000e+00 : f32
    %div3A_51 = vector.broadcast %div3A : f32 to vector<10000x8xf32>
    %div3A_52 = arith.divf %div3A_51, %add3A_29 : vector<10000x8xf32>
    %iota3A_53 = tpu.iota {dimensions = array<i32: 0>} : vector<8x64xi32>
    %iota3A_54 = tpu.iota {dimensions = array<i32: 1>} : vector<8x64xi32>
    %jit3A_55 = arith.constant 8 : i32
    %eq3A_56 = arith.constant 0 : i32
    %eq3A_57 = arith.cmpi eq, %jit3A_55, %eq3A_56 : i32
    %jit3A_58 = arith.constant 1 : i32
    %select_n3A_59 = arith.select %eq3A_57, %jit3A_58, %jit3A_55 : i32
    %rem3A_60 = vector.broadcast %select_n3A_59 : i32 to vector<8x64xi32>
    %rem3A_61 = arith.remsi %iota3A_54, %rem3A_60 : vector<8x64xi32>
    %ne3A_62 = arith.constant 0 : i32
    %ne3A_63 = vector.broadcast %ne3A_62 : i32 to vector<8x64xi32>
    %ne3A_64 = arith.cmpi ne, %rem3A_61, %ne3A_63 : vector<8x64xi32>
    %lt3A_65 = arith.constant 0 : i32
    %lt3A_66 = vector.broadcast %lt3A_65 : i32 to vector<8x64xi32>
    %lt3A_67 = arith.cmpi slt, %rem3A_61, %lt3A_66 : vector<8x64xi32>
    %lt3A_68 = arith.constant 0 : i32
    %lt3A_69 = arith.cmpi slt, %select_n3A_59, %lt3A_68 : i32
    %ne3A_70 = vector.broadcast %lt3A_69 : i1 to vector<8x64xi1>
    %ne3A_71 = vector.broadcast %ne3A_70 : vector<8x64xi1> to vector<8x64xi1>
    %ne3A_72 = arith.xori %lt3A_67, %ne3A_71 : vector<8x64xi1>
    %and3A_73 = arith.andi %ne3A_72, %ne3A_64 : vector<8x64xi1>
    %add3A_74 = vector.broadcast %select_n3A_59 : i32 to vector<8x64xi32>
    %add3A_75 = arith.addi %rem3A_61, %add3A_74 : vector<8x64xi32>
    %select_n3A_76 = arith.select %and3A_73, %add3A_75, %rem3A_61 : vector<8x64xi1>, vector<8x64xi32>
    %eq3A_77 = arith.cmpi eq, %select_n3A_76, %iota3A_53 : vector<8x64xi32>
    %convert_element_type3A_78 = arith.extui %eq3A_77 : vector<8x64xi1> to vector<8x64xi32>
    %convert_element_type3A_79 = arith.sitofp %convert_element_type3A_78 : vector<8x64xi32> to vector<8x64xf32>
    %dot_general3A_80 = arith.constant dense<0.000000e+00> : vector<10000x64xf32>
    %dot_general3A_81 = tpu.matmul %div3A_52, %convert_element_type3A_79, %dot_general3A_80 {dimension_numbers = #tpu.dot_dimension_numbers<[1], [0], [0], [1], [0, 0, 1, 1], [], []>, transpose_lhs_hint = false} : vector<10000x8xf32>, vector<8x64xf32>, vector<10000x64xf32> -> vector<10000x64xf32>
    %mul3A_82 = arith.mulf %add3A_50, %dot_general3A_81 : vector<10000x64xf32>
    %get3A_83 = arith.constant 0 : index
    %get3A_84 = vector.load %arg4[%get3A_83] : memref<64xf32, #tpu.memory_space<vmem>>, vector<64xf32>
    %broadcast_in_dim3A = vector.shape_cast %get3A_84 : vector<64xf32> to vector<1x64xf32>
    %add3A_85 = vector.broadcast %broadcast_in_dim3A : vector<1x64xf32> to vector<10000x64xf32>
    %add3A_86 = arith.addf %mul3A_82, %add3A_85 : vector<10000x64xf32>
    %gt3A = arith.constant 0.000000e+00 : f32
    %gt3A_87 = vector.broadcast %gt3A : f32 to vector<10000x64xf32>
    %gt3A_88 = arith.cmpf ogt, %add3A_86, %gt3A_87 : vector<10000x64xf32>
    %min3A = arith.constant 0.000000e+00 : f32
    %min3A_89 = vector.broadcast %min3A : f32 to vector<10000x64xf32>
    %min3A_90 = arith.minimumf %add3A_86, %min3A_89 : vector<10000x64xf32>
    %exp3A_91 = math.exp %min3A_90 : vector<10000x64xf32>
    %sub3A_92 = arith.constant 1.000000e+00 : f32
    %sub3A_93 = vector.broadcast %sub3A_92 : f32 to vector<10000x64xf32>
    %sub3A_94 = arith.subf %exp3A_91, %sub3A_93 : vector<10000x64xf32>
    %select_n3A_95 = arith.select %gt3A_88, %add3A_86, %sub3A_94 : vector<10000x64xi1>, vector<10000x64xf32>
    %get3A_96 = arith.constant 0 : index
    %get3A_97 = arith.constant 0 : index
    %get3A_98 = vector.load %arg5[%get3A_96, %get3A_97] : memref<64x2xf32, #tpu.memory_space<vmem>>, vector<64x2xf32>
    %dot_general3A_99 = arith.constant dense<0.000000e+00> : vector<10000x2xf32>
    %dot_general3A_100 = tpu.matmul %select_n3A_95, %get3A_98, %dot_general3A_99 {dimension_numbers = #tpu.dot_dimension_numbers<[1], [0], [0], [1], [0, 0, 1, 1], [], []>, transpose_lhs_hint = false} : vector<10000x64xf32>, vector<64x2xf32>, vector<10000x2xf32> -> vector<10000x2xf32>
    %get3A_101 = arith.constant 0 : index
    %get3A_102 = arith.constant 0 : index
    %get3A_103 = vector.load %arg6[%get3A_101, %get3A_102] : memref<2x1xf32, #tpu.memory_space<vmem>>, vector<2x1xf32>
    %dot_general3A_104 = arith.constant dense<0.000000e+00> : vector<10000x1xf32>
    %dot_general3A_105 = tpu.matmul %dot_general3A_100, %get3A_103, %dot_general3A_104 {dimension_numbers = #tpu.dot_dimension_numbers<[1], [0], [0], [1], [0, 0, 1, 1], [], []>, transpose_lhs_hint = false} : vector<10000x2xf32>, vector<2x1xf32>, vector<10000x1xf32> -> vector<10000x1xf32>
    %get3A_106 = arith.constant 0 : index
    %get3A_107 = arith.constant 0 : index
    %get3A_108 = vector.load %arg7[%get3A_106, %get3A_107] : memref<2x1xf32, #tpu.memory_space<vmem>>, vector<2x1xf32>
    %dot_general3A_109 = arith.constant dense<0.000000e+00> : vector<10000x1xf32>
    %dot_general3A_110 = tpu.matmul %dot_general3A_100, %get3A_108, %dot_general3A_109 {dimension_numbers = #tpu.dot_dimension_numbers<[1], [0], [0], [1], [0, 0, 1, 1], [], []>, transpose_lhs_hint = false} : vector<10000x2xf32>, vector<2x1xf32>, vector<10000x1xf32> -> vector<10000x1xf32>
    %broadcast_in_dim3A_111 = arith.constant 1.000000e+00 : f32
    %broadcast_in_dim3A_112 = vector.broadcast %broadcast_in_dim3A_111 : f32 to vector<10000x1xf32>
    %broadcast_in_dim3A_113 = vector.shape_cast %dot_general3A_105 : vector<10000x1xf32> to vector<10000x1xf32>
    %broadcast_in_dim3A_114 = vector.broadcast %broadcast_in_dim3A_113 : vector<10000x1xf32> to vector<10000x16xf32>
    %broadcast_in_dim3A_115 = vector.shape_cast %dot_general3A_110 : vector<10000x1xf32> to vector<10000x1xf32>
    %broadcast_in_dim3A_116 = vector.broadcast %broadcast_in_dim3A_115 : vector<10000x1xf32> to vector<10000x16xf32>
    %broadcast_in_dim3A_117 = arith.constant 0.000000e+00 : f32
    %broadcast_in_dim3A_118 = vector.broadcast %broadcast_in_dim3A_117 : f32 to vector<10000x13xf32>
    %concatenate3A = tpu.concatenate %dot_general3A_100, %broadcast_in_dim3A_112, %broadcast_in_dim3A_118, %broadcast_in_dim3A_114 in 1 : vector<10000x2xf32>, vector<10000x1xf32>, vector<10000x13xf32>, vector<10000x16xf32> -> vector<10000x32xf32>
    %swap3A = arith.constant 0 : index
    %swap3A_119 = arith.constant 0 : index
    %swap3A_120 = vector.load %arg8[%swap3A, %swap3A_119] : memref<10000x32xf32, #tpu.memory_space<vmem>>, vector<10000x32xf32>
    tpu.vector_store %arg8[%swap3A, %swap3A_119], %concatenate3A {strides = array<i32>} : memref<10000x32xf32, #tpu.memory_space<vmem>>, vector<10000x32xf32>,
    %swap3A_121 = arith.constant 0 : index
    %swap3A_122 = arith.constant 0 : index
    %swap3A_123 = vector.load %arg9[%swap3A_121, %swap3A_122] : memref<10000x16xf32, #tpu.memory_space<vmem>>, vector<10000x16xf32>
    tpu.vector_store %arg9[%swap3A_121, %swap3A_122], %broadcast_in_dim3A_116 {strides = array<i32>} : memref<10000x16xf32, #tpu.memory_space<vmem>>, vector<10000x16xf32>,
    %reduce_max3A = arith.constant dense<0xFF800000> : vector<1xf32>
    %reduce_max3A_124 = vector.multi_reduction <maximumf>, %dot_general3A_105, %reduce_max3A [0] : vector<10000x1xf32> to vector<1xf32>
    %broadcast_in_dim3A_125 = vector.shape_cast %reduce_max3A_124 : vector<1xf32> to vector<1x1xf32>
    %reduce_max3A_126 = arith.constant dense<0xFF800000> : vector<1xf32>
    %reduce_max3A_127 = vector.multi_reduction <maximumf>, %dot_general3A_110, %reduce_max3A_126 [0] : vector<10000x1xf32> to vector<1xf32>
    %broadcast_in_dim3A_128 = vector.shape_cast %reduce_max3A_127 : vector<1xf32> to vector<1x1xf32>
    %add3A_129 = arith.addf %broadcast_in_dim3A_125, %broadcast_in_dim3A_128 : vector<1x1xf32>
    %broadcast_in_dim3A_130 = vector.shape_cast %add3A_129 : vector<1x1xf32> to vector<1x1xf32>
    %broadcast_in_dim3A_131 = vector.broadcast %broadcast_in_dim3A_130 : vector<1x1xf32> to vector<1x16xf32>
    %swap3A_132 = arith.constant 0 : index
    %swap3A_133 = arith.constant 0 : index
    %swap3A_134 = vector.load %arg10[%swap3A_132, %swap3A_133] : memref<1x16xf32, #tpu.memory_space<vmem>>, vector<1x16xf32>
    tpu.vector_store %arg10[%swap3A_132, %swap3A_133], %broadcast_in_dim3A_131 {strides = array<i32>} : memref<1x16xf32, #tpu.memory_space<vmem>>, vector<1x16xf32>,
    return
  }
}

module attributes {stable_mosaic.version = 14 : i64} {
  func.func @_l2_finalize_body(%arg0: memref<2x10240x16xf32, #tpu.memory_space<vmem>>, %arg1: memref<10000x32xf32, #tpu.memory_space<vmem>>, %arg2: memref<10000x16xf32, #tpu.memory_space<vmem>>, %arg3: memref<1x16xf32, #tpu.memory_space<vmem>>, %arg4: memref<2xf32, #tpu.memory_space<vmem>>, %arg5: memref<10000x2xf32, #tpu.memory_space<vmem>>) attributes {dimension_semantics = [], scalar_prefetch = 0 : i64, scratch_operands = 0 : i64, tpu.core_type = #tpu.core_type<tc>} {
    %get3A = arith.constant 0 : index
    %get3A_0 = arith.constant 0 : index
    %get3A_1 = arith.constant 0 : index
    %get3A_2 = vector.load %arg0[%get3A, %get3A_0, %get3A_1] : memref<2x10240x16xf32, #tpu.memory_space<vmem>>, vector<1x10000x16xf32>
    %get3A_3 = vector.shape_cast %get3A_2 : vector<1x10000x16xf32> to vector<10000x16xf32>
    %get3A_4 = arith.constant 1 : index
    %get3A_5 = arith.constant 0 : index
    %get3A_6 = arith.constant 0 : index
    %get3A_7 = vector.load %arg0[%get3A_4, %get3A_5, %get3A_6] : memref<2x10240x16xf32, #tpu.memory_space<vmem>>, vector<1x10000x16xf32>
    %get3A_8 = vector.shape_cast %get3A_7 : vector<1x10000x16xf32> to vector<10000x16xf32>
    %add3A = arith.addf %get3A_3, %get3A_8 : vector<10000x16xf32>
    %slice3A = vector.extract_strided_slice %add3A {offsets = [0, 0], sizes = [10000, 2], strides = [1, 1]} : vector<10000x16xf32> to vector<10000x2xf32>
    %slice3A_9 = vector.extract_strided_slice %add3A {offsets = [0, 2], sizes = [10000, 1], strides = [1, 1]} : vector<10000x16xf32> to vector<10000x1xf32>
    %get3A_10 = arith.constant 0 : index
    %get3A_11 = arith.constant 0 : index
    %get3A_12 = vector.load %arg1[%get3A_10, %get3A_11] : memref<10000x32xf32, #tpu.memory_space<vmem>>, vector<10000x2xf32>
    %get3A_13 = arith.constant 0 : index
    %get3A_14 = arith.constant 16 : index
    %get3A_15 = vector.load %arg1[%get3A_13, %get3A_14] : memref<10000x32xf32, #tpu.memory_space<vmem>>, vector<10000x1xf32>
    %get3A_16 = arith.constant 0 : index
    %get3A_17 = arith.constant 3 : index
    %get3A_18 = vector.load %arg2[%get3A_16, %get3A_17] : memref<10000x16xf32, #tpu.memory_space<vmem>>, vector<10000x1xf32>
    %get3A_19 = arith.constant 0 : index
    %get3A_20 = arith.constant 3 : index
    %get3A_21 = vector.load %arg3[%get3A_19, %get3A_20] : memref<1x16xf32, #tpu.memory_space<vmem>>, vector<1x1xf32>
    %add3A_22 = arith.addf %get3A_15, %get3A_18 : vector<10000x1xf32>
    %mul3A = arith.constant 2.000000e-01 : f32
    %mul3A_23 = vector.broadcast %mul3A : f32 to vector<10000x1xf32>
    %mul3A_24 = arith.mulf %mul3A_23, %add3A_22 : vector<10000x1xf32>
    %max3A = arith.maximumf %add3A_22, %mul3A_24 : vector<10000x1xf32>
    %sub3A = vector.broadcast %get3A_21 : vector<1x1xf32> to vector<10000x1xf32>
    %sub3A_25 = arith.subf %max3A, %sub3A : vector<10000x1xf32>
    %exp3A = math.exp %sub3A_25 : vector<10000x1xf32>
    %add3A_26 = arith.addf %slice3A_9, %exp3A : vector<10000x1xf32>
    %add3A_27 = arith.constant 1.000000e-16 : f32
    %add3A_28 = vector.broadcast %add3A_27 : f32 to vector<10000x1xf32>
    %add3A_29 = arith.addf %add3A_26, %add3A_28 : vector<10000x1xf32>
    %mul3A_30 = vector.broadcast %exp3A : vector<10000x1xf32> to vector<10000x2xf32>
    %mul3A_31 = arith.mulf %mul3A_30, %get3A_12 : vector<10000x2xf32>
    %add3A_32 = arith.addf %slice3A, %mul3A_31 : vector<10000x2xf32>
    %div3A = vector.broadcast %add3A_29 : vector<10000x1xf32> to vector<10000x2xf32>
    %div3A_33 = arith.divf %add3A_32, %div3A : vector<10000x2xf32>
    %get3A_34 = arith.constant 0 : index
    %get3A_35 = vector.load %arg4[%get3A_34] : memref<2xf32, #tpu.memory_space<vmem>>, vector<2xf32>
    %broadcast_in_dim3A = vector.shape_cast %get3A_35 : vector<2xf32> to vector<1x2xf32>
    %add3A_36 = vector.broadcast %broadcast_in_dim3A : vector<1x2xf32> to vector<10000x2xf32>
    %add3A_37 = arith.addf %div3A_33, %add3A_36 : vector<10000x2xf32>
    %swap3A = arith.constant 0 : index
    %swap3A_38 = arith.constant 0 : index
    %swap3A_39 = vector.load %arg5[%swap3A, %swap3A_38] : memref<10000x2xf32, #tpu.memory_space<vmem>>, vector<10000x2xf32>
    tpu.vector_store %arg5[%swap3A, %swap3A_38], %add3A_37 {strides = array<i32>} : memref<10000x2xf32, #tpu.memory_space<vmem>>, vector<10000x2xf32>,
    return
  }
}

</mosaic_0001>

<sc_bundles>
// kernel: kernel.10.cloned.1.call-start
scs
__scs_entry_jumppad:
0x0: {  	(pc) =	sbr.rel $0x88, $3  }
0x1: {  	(tag) =	ssettag $0x0;
	lr =	simm.s32 $0x1  }
0x2: {  	[smem:$0x3F97] =	sst lr;
	_ =	strace $0xD0000000  }
0x3: {  	_ = 	snop  }
0x4: {  	_ = 	snop  }
0x5: {  	_ = 	snop  }
0x6: {  	_ = 	snop  }
0x7: {  	_ = 	snop  }
__scs_overlays_trampoline_lowered:
0x8: {  	[smem:$0x3FA6] =	sst s0  }
0x9: {  	[smem:$0x3FA7] =	sst s1  }
0xa: {  	[smem:$0x3FA8] =	sst s2  }
0xb: {  	[smem:$0x3FA9] =	sst s3  }
0xc: {  	[smem:$0x3FAA] =	sst s4  }
0xd: {  	[smem:$0x3FAB] =	sst s5  }
0xe: {  	[smem:$0x3FAC] =	sst s6  }
0xf: {  	[smem:$0x3FAD] =	sst s7  }
0x10: {  	[smem:$0x3FAE] =	sst s8  }
0x11: {  	[smem:$0x3FAF] =	sst s9;
	s0 =	simm.s32 @!p0 $0x0  }
0x12: {  	s1 =	sld [smem:$0x3F95];
	s0 =	simm.s32 @p0 $0x1  }
0x13: {  	[smem:$0x3FB0] =	sst s0;
	s0 =	simm.s32 @!p1 $0x0  }
0x14: {  	s2 =	sld [smem:$0x3F94];
	s0 =	simm.s32 @p1 $0x1  }
0x15: {  	[smem:$0x3FB1] =	sst s0;
	s0 =	simm.s32 @!p2 $0x0  }
0x16: {  	s3 =	sld [smem:$0x3FDB];
	s0 =	simm.s32 @p2 $0x1  }
0x17: {  	s4 =	simm.s32 $0x1BF5;
	[smem:$0x3FB3] =	sst s0  }
0x18: {  	s0 =	sld [smem:$0x3F96];
	_ =	swait.ge [sflag:s4], $0x0  }
0x19: {  	s7 =	sld [smem:$0x3F97]  }
0x1a: {  	s8 =	sadd.s32 $0xFFFFE003, lr  }
0x1b: {  	s9 =	sadd.s32 $0xFFFFFEF7, lr;
	s5 =	simm.s32 $0xFFFFFFFF;
	p2 =	slt.u32 s8, $0xFFFFF086  }
0x1c: {  	p1 =	slt.u32 s9, $0xF7A;
	s5 =	simm.s32 @!p2 $0x0  }
0x1d: {  	s5 =	simm.s32 @p1 $0x1;
	p0 =	seq.s32 s7, s2  }
0x1e: {  	s7 =	smul.u32 @!p0 $0xF7A, s2;
	p2 =	seq.s32 @!p0 s5, $0x0  }
0x1f: {  	s9 =	smul.u32 $0xF7A, s1;
	s8 =	simm.s32 @!p0 $0x1BF5;
	p2 =	por !p2, p0  }
0x20: {  	[sflag:s8] =	ssyncset.s32 @!p0 $0xFFFFF086;
	s6 =	sadd.s32 @!p0 s3, s7;
	s7 =	simm.s32 @!p0 $0x108  }
0x21: {  	s3 =	sadd.s32 s3, s9;
	s6 =	sadd.s32 @!p0 $0x88, s6;
	s7 =	simm.s32 @p2 $0x1082  }
0x22: {  	[simem:s7], [sflag:s8] =	dma.local @!p0 [hbm:s6], $0xF7A  }
0x23: {  	s9 =	sor.u32 $0xD0000000, s2;
	s6 =	simm.s32 $0x108;
	_ =	swait.ge @!p0 [sflag:s8], $0x0  }
0x24: {  	s3 =	sadd.s32 $0x88, s3;
	s6 =	simm.s32 @!p1 $0x1082;
	[sflag:s4] =	ssyncset.s32 $0xFFFFF086  }
0x25: {  	[simem:s6], [sflag:s4] =	dma.local [hbm:s3], $0xF7A  }
0x26: {  	[smem:$0x3F97] =	sst s1;
	(tag) =	ssettag s2;
	_ =	strace s9  }
0x27: {  	s1 =	sld [smem:$0x3FA7]  }
0x28: {  	s2 =	sld [smem:$0x3FA8]  }
0x29: {  	s4 =	sld [smem:$0x3FAA]  }
0x2a: {  	p0 =	seq.s32 s5, $0x0;
	s5 =	sld [smem:$0x3FAB]  }
0x2b: {  	s6 =	sld [smem:$0x3FAC]  }
0x2c: {  	s7 =	sld [smem:$0x3FAD]  }
0x2d: {  	s3 =	simm.s32 $0x108;
	s8 =	sld [smem:$0x3FAE]  }
0x2e: {  	s3 =	simm.s32 @!p0 $0x1082;
	s9 =	sld [smem:$0x3FAF]  }
0x2f: {  	lr =	sadd.s32 s0, s3;
	s0 =	sld [smem:$0x3FA6]  }
0x30: {  	s3 =	sld [smem:$0x3FA9]  }
0x31: {  	[smem:$0x3FB2] =	sst s10  }
0x32: {  	s10 =	sld [smem:$0x3FB0];
	_ =	sdelay $0x3  }
0x33: {  	p0 =	seq.s32 s10, $0x1;
	s10 =	sld [smem:$0x3FB2];
	_ =	sdelay $0x3  }
0x34: {  	[smem:$0x3FB2] =	sst s10  }
0x35: {  	s10 =	sld [smem:$0x3FB1];
	_ =	sdelay $0x3  }
0x36: {  	p1 =	seq.s32 s10, $0x1;
	s10 =	sld [smem:$0x3FB2];
	_ =	sdelay $0x3  }
0x37: {  	[smem:$0x3FB2] =	sst s10  }
0x38: {  	s10 =	sld [smem:$0x3FB3]  }
0x39: {  	_ = 	snop;
	(pc) =	sbr.ind lr, $3  }
0x3a: {  	_ = 	snop  }
0x3b: {  	_ = 	snop  }
0x3c: {  	p2 =	seq.s32 s10, $0x1;
	s10 =	sld [smem:$0x3FB2]  }
0x3d: {  	_ =	shalt  }
0x3e: {  	_ =	shalt  }
0x3f: {  	_ =	shalt  }
0x40: {  	_ =	shalt  }
0x41: {  	_ =	shalt  }
0x42: {  	_ =	shalt  }
0x43: {  	_ =	shalt  }
0x44: {  	_ =	shalt  }
0x45: {  	_ =	shalt  }
0x46: {  	_ =	shalt  }
0x47: {  	_ =	shalt  }
0x48: {  	_ =	shalt  }
0x49: {  	_ =	shalt  }
0x4a: {  	_ =	shalt  }
0x4b: {  	_ =	shalt  }
0x4c: {  	_ =	shalt  }
0x4d: {  	_ =	shalt  }
0x4e: {  	_ =	shalt  }
0x4f: {  	_ =	shalt  }
0x50: {  	_ =	shalt  }
0x51: {  	_ =	shalt  }
0x52: {  	_ =	shalt  }
0x53: {  	_ =	shalt  }
0x54: {  	_ =	shalt  }
0x55: {  	_ =	shalt  }
0x56: {  	_ =	shalt  }
0x57: {  	_ =	shalt  }
0x58: {  	_ =	shalt  }
0x59: {  	_ =	shalt  }
0x5a: {  	_ =	shalt  }
0x5b: {  	_ =	shalt  }
0x5c: {  	_ =	shalt  }
0x5d: {  	_ =	shalt  }
0x5e: {  	_ =	shalt  }
0x5f: {  	_ =	shalt  }
0x60: {  	_ =	shalt  }
0x61: {  	_ =	shalt  }
0x62: {  	_ =	shalt  }
0x63: {  	_ =	shalt  }
0x64: {  	_ =	shalt  }
0x65: {  	_ =	shalt  }
0x66: {  	_ =	shalt  }
0x67: {  	_ =	shalt  }
0x68: {  	_ =	shalt  }
0x69: {  	_ =	shalt  }
0x6a: {  	_ =	shalt  }
0x6b: {  	_ =	shalt  }
0x6c: {  	_ =	shalt  }
0x6d: {  	_ =	shalt  }
0x6e: {  	_ =	shalt  }
0x6f: {  	_ =	shalt  }
0x70: {  	_ =	shalt  }
0x71: {  	_ =	shalt  }
0x72: {  	_ =	shalt  }
0x73: {  	_ =	shalt  }
0x74: {  	_ =	shalt  }
0x75: {  	_ =	shalt  }
0x76: {  	_ =	shalt  }
0x77: {  	_ =	shalt  }
0x78: {  	_ =	shalt  }
0x79: {  	_ =	shalt  }
0x7a: {  	_ =	shalt  }
0x7b: {  	_ =	shalt  }
0x7c: {  	_ =	shalt  }
0x7d: {  	_ =	shalt  }
0x7e: {  	_ =	shalt  }
0x7f: {  	_ =	shalt  }
0x80: {  	_ =	shalt  }
0x81: {  	_ =	shalt  }
0x82: {  	_ =	shalt  }
0x83: {  	_ =	shalt  }
0x84: {  	_ =	shalt  }
0x85: {  	_ =	shalt  }
0x86: {  	_ =	shalt  }
0x87: {  	_ =	shalt  }
.Lfunc_end0:
.L_simem_size_0:
called_computation.1_lowered:
.L_overlay_start_0:
0x88: {  	s2 =	sld [smem:$0x3FD9]  }
0x89: {  	s3 =	sld [smem:$0x3FFE];
	_ =	sdelay $0x1  }
0x8a: {  	s1 =	srdreg.scid  }
0x8b: {  	s0 =	sand.u32 $0x1, s1  }
0x8c: {  	s17 =	sshll.u32 s0, $0xA;
	s2 =	sadd.s32 s3, s2  }
0x8d: {  	s2 =	sadd.s32 s2, s17  }
0x8e: {  	[smem:$0x3FBE] =	sst s2  }
0x8f: {  	_ = 	snop  }
0x90: {  	s2 =	sld [smem:$0x3FD0];
	(tm) =	ssettm $0x1  }
0x91: {  	s18 =	sld [smem:$0x3FFB];
	_ =	sdelay $0x3  }
0x92: {  	_ =	strace s18  }
0x93: {  	s3 =	sld [smem:$0x3FFC];
	_ =	sdelay $0x3  }
0x94: {  	_ =	strace s3  }
0x95: {  	s3 =	sld [smem:$0x3FFD];
	_ =	sdelay $0x3  }
0x96: {  	_ =	strace s3  }
0x97: {  	_ =	strace $0x8FFFFFFF  }
0x98: {  	s19 =	sld [smem:$0x3FDB];
	_ =	sdelay $0x1  }
0x99: {  	s4 =	simm.s32 $_scs_section_size  }
0x9a: {  	s5 =	simm.s32 $_size__tile_overlayer_lowered;
	s6 =	simm.s32 $_tile_overlayer_lowered  }
0x9b: {  	s22 =	simm.s32 $0x1BFF;
	s21 =	sshll.u32 s6, $0x1;
	s3 =	sadd.s32 s4, s19  }
0x9c: {  	s7 =	simm.s32 $0x0;
	s20 =	sshll.u32 s5, $0x1;
	s5 =	sadd.s32 s21, s3  }
0x9d: {  	[timem:s7], [sflag:s22] =	dma.local [hbm:s5], s20  }
0x9e: {  	_ =	swait.ge [sflag:s22], s20  }
0x9f: {  	s4 =	ssub.s32 $0x0, s20;
	[sflag:s22] =	ssyncset.done $0x0  }
0xa0: {  	[sflag:s22] =	ssyncadd.s32 s4;
	_ =	sdelay $0x1  }
0xa1: {  	s23 =	simm.s32 $0x1B8B  }
0xa2: {  	_ =	swait.ge [sflag:s23], $0x1  }
0xa3: {  	[sflag:s23] =	ssyncset.done $0x0  }
0xa4: {  	s25 =	simm.s32 $0x1B8E;
	s24 =	sld [smem:$0x3FFE];
	[sflag:s23] =	ssyncadd.s32 $0xFFFFFFFF  }
0xa5: {  	s26 =	simm.s32 $execute0_lowered;
	[smem:$0x3FD2] =	sst s25  }
0xa6: {  	s5 =	sshll.u32 s26, $0x1;
	_ =	strace $0x80000049;
	[dreg:$0x1] =	wrdreg $0xFFFFFFFF  }
0xa7: {  	s28 =	simm.s32 $_size_execute0_lowered;
	s3 =	sadd.s32 s3, s5;
	[dreg:$0x0] =	wrdreg $0x0  }
0xa8: {  	s5 =	sshll.u32 s28, $0x1;
	[dreg:$0x2] =	wrdreg s3  }
0xa9: {  	[dreg:$0x3] =	wrdreg s5  }
0xaa: {  	[dreg:$0x4] =	wrdreg $0xC0  }
0xab: {  	_ =	task [dreg:s7], $0x5FFFF  }
0xac: {  	[dreg:$0x1] =	wrdreg $0xFFFFFFFF  }
0xad: {  	[dreg:$0x0] =	wrdreg $0x60  }
0xae: {  	[dreg:$0x2] =	wrdreg s24  }
0xaf: {  	[dreg:$0x3] =	wrdreg s2  }
0xb0: {  	[dreg:$0x4] =	wrdreg $0x0  }
0xb1: {  	[dreg:$0x5] =	wrdreg $0x9  }
0xb2: {  	_ =	task.clear_ibuf [dreg:s7], $0x6FFFF;
	_ =	strace $0x90000049  }
0xb3: {  	s29 =	simm.s32 $0x9;
	_ =	strace $0x8000004B  }
0xb4: {  	_ =	swait.ge [sflag:s29], $0x1  }
0xb5: {  	[sflag:s29] =	ssyncadd.s32 $0xFFFFFFFF  }
0xb6: {  	_ =	strace $0x9000004B  }
0xb7: {  	_ =	sfence  }
0xb8: {  	s30 =	sld [smem:$0x0];
	_ =	sdelay $0x2  }
0xb9: {  	s31 =	sshll.u32 s1, $0xD;
	s1 =	sshrl.u32 s1, $0x2  }
0xba: {  	s3 =	sand.u32 $0x4000, s31;
	s1 =	sadd.s32 s1, s30  }
0xbb: {  	s0 =	sor.u32 s3, s0;
	s1 =	sshll.u32 s1, $0x11  }
0xbc: {  	s0 =	sor.u32 s1, s0  }
0xbd: {  	s0 =	sadd.s32 $0x8F2B, s0  }
0xbe: {  	[sflag:s0] =	ssyncadd.remote.s32 $0x1  }
0xbf: {  	_ =	sfence.sel $0xFFFF  }
0xc0: {  	[dreg:$0x0] =	wrdreg $0xFFFFFFFF;
	(pc) =	sbr.abs _section_cstart, $3  }
0xc1: {  	[dreg:$0x1] =	wrdreg $0xFFFFFFFF  }
0xc2: {  	_ =	task.clear_ibuf [dreg:s7], $0x2FFFF;
	_ =	strace $0x9FFFFFFF  }
0xc3: {  	(tm) =	ssettm $0x7FFFFFFF  }
tec
execute0_lowered:
.L_overlay_start_1:
0x0: {  	(tag) =	ssettag $0x1  }
0x1: {  	s0 =	srdreg.scid;
	s1 =	rddreg [dreg:$0x0]  }
0x2: {  	s5 =	stileid.u32;
	s3 =	rddreg [dreg:$0x2]  }
0x3: {  	s4 =	simm.s32 $0x0;
	s19 =	simm.s32 $0xA6E0;
	s20 =	simm.s32 $0x5  }
0x4: {  	s29 =	simm.s32 $0x87A0;
	s31 =	simm.s32 $0x9F10;
	s21 =	simm.s32 $0xAEB0  }
0x5: {  	s0 =	sand.u32 $0x1, s0;
	s7 =	smul.u32 $0x2800, s5;
	[smem:$0x7FF] =	sst s4  }
0x6: {  	s9 =	smul.u32 $0xA000, s5;
	s6 =	sadd.s32 $0x16400, s1;
	s2 =	sshll.u32 s0, $0x4  }
0x7: {  	s8 =	smul.u32 $0x28000, s0;
	_ =	strace $0x8000004A;
	s0 =	ssub.s32 $0x2, s0  }
0x8: {  	s2 =	sor.u32 s5, s2;
	s5 =	sadd.s32 $0x1B400, s1;
	s9 =	sshrl.u32 s9, $0x2  }
0x9: {  	s24 =	sshrl.u32 s0, $0x1;
	s2 =	smul.u32 $0x500, s2;
	s8 =	sadd.s32 s7, s8  }
0xa: {  	s9 =	sadd.s32 s9, s3;
	s0 =	ssub.s32 s0, s24;
	s7 =	sadd.s32 s7, s3  }
0xb: {  	s24 =	simm.s32 $0x7D;
	s8 =	sshrl.u32 s8, $0x3;
	s25 =	sadd.s32 $0x500, s9  }
0xc: {  	s26 =	sadd.s32 $0xA00, s9;
	s28 =	sadd.s32 $0xF00, s9;
	s30 =	sadd.s32 $0x1400, s9  }
0xd: {  	s12 =	sadd.s32 $0x1900, s9;
	s13 =	sadd.s32 $0x1E00, s9;
	[dreg:$0x4] =	wrdreg s25  }
.Ltmp0:
0xe: {  	s14 =	sadd.s32 $0x2300, s9;
	[dreg:$0x5] =	wrdreg s26;
	(pc) =	sbr.rel .LBB2_1-.Ltmp0, $4  }
0xf: {  	s18 =	smax.u32 s0, $0x1;
	s2 =	sadd.s32 s2, s1;
	[dreg:$0x6] =	wrdreg s28  }
0x10: {  	s1 =	sadd.s32 s8, s1;
	[dreg:$0x7] =	wrdreg s30;
	s25 =	simm.s32 $0x3  }
0x11: {  	s26 =	simm.s32 $0x4;
	s15 =	sadd.s32 $0xC400, s2;
	s16 =	sadd.s32 $0x2400, s2  }
0x12: {  	v0 =	vimm.f32 $0.0e+00;
	s17 =	sadd.s32 $0x25200, s1;
	s1 =	simm.s32 $0x1;
	s2 =	simm.s32 $0x2  }
.LBB2_16:
0x13: {  	[spmem:s3] =	stream.indirect.scatter.add.f32 [tilespmem:s21], [sflag:$0x4], $0x10, s0, s24, $0xb8;
	[tilespmem:$0xB690] =	vst v63  }
0x14: {  	_ =	swait.ge [sflag:s25], $0x7D0  }
0x15: {  	[sflag:s25] =	ssyncset.done $0x0  }
0x16: {  	[sflag:s25] =	ssyncadd.s32 $0xFFFFF830  }
0x17: {  	s30 =	stileid.u32;
	_ =	swait.ge [sflag:s26], $0x7D0  }
0x18: {  	s8 =	sshrl.u32 s7, $0x3;
	s4 =	sadd.s32 $0x1, s4;
	[sflag:s26] =	ssyncset.done $0x0  }
0x19: {  	s0 =	sshll.u32 s30, $0x6;
	p0 =	sne.s32 s4, s18;
	[sflag:s26] =	ssyncadd.s32 $0xFFFFF830  }
.Ltmp1:
0x1a: {  	s0 =	sor.u32 $0x1C05, s0;
	[bflag:$0x0] =	sbarrier.arrive $0xFFFF;
	(pc) =	sbr.rel @!p0 .LBB2_17-.Ltmp1, $4  }
0x1b: {  	[hbm:s17], [sflag:s0] =	dma.local [spmem:s8], $0x500  }
0x1c: {  	_ =	swait.ge [sflag:s20], $0x500  }
0x1d: {  	[sflag:s20] =	ssyncset.done $0x0  }
0x1e: {  	[sflag:s20] =	ssyncadd.s32 $0xFFFFFB00  }
.LBB2_1:
0x1f: {  	s0 =	simm.s32 $0xA720  }
0x20: {  	[tilespmem:s0+$0xFFFFFFC0] =	vst v0  }
0x21: {  	[tilespmem:s0+$0x30] =	vst v0  }
0x22: {  	[tilespmem:s0+$0x20] =	vst v0  }
0x23: {  	[tilespmem:s0+$0x10] =	vst v0  }
0x24: {  	[tilespmem:s0+$0x0] =	vst v0  }
0x25: {  	[tilespmem:s0+$0xFFFFFFF0] =	vst v0  }
0x26: {  	s8 =	simm.s32 $0x0;
	[tilespmem:s0+$0xFFFFFFE0] =	vst v0  }
.LBB2_2:
0x27: {  	s8 =	sadd.s32 $0x8, s8;
	[tilespmem:s0+$0xFFFFFFD0] =	vst v0;
	s0 =	sadd.s32 $0x80, s0  }
0x28: {  	[tilespmem:s0+$0xFFFFFFC0] =	vst v0;
	p0 =	slt.u32 s8, $0x70  }
0x29: {  	[tilespmem:s0+$0x30] =	vst v0  }
.Ltmp2:
0x2a: {  	[tilespmem:s0+$0x20] =	vst v0;
	(pc) =	sbr.rel @p0 .LBB2_2-.Ltmp2, $4  }
0x2b: {  	[tilespmem:s0+$0x10] =	vst v0  }
0x2c: {  	[tilespmem:s0+$0x0] =	vst v0  }
0x2d: {  	[tilespmem:s0+$0xFFFFFFF0] =	vst v0  }
0x2e: {  	[tilespmem:s0+$0xFFFFFFE0] =	vst v0  }
0x2f: {  	[tilespmem:s0+$0xFFFFFFD0] =	vst v0;
	s0 =	simm.s32 $0x0  }
.LBB2_4:
0x30: {  	p0 =	sne.s32 s0, $0x100  }
.Ltmp3:
0x31: {  	_ = 	snop;
	(pc) =	sbr.rel @p0 .LBB2_4-.Ltmp3, $3  }
0x32: {  	_ =	sdelay $0x1  }
0x33: {  	s8 =	sshra.s32 s0, $0x2  }
0x34: {  	s0 =	sadd.s32 $0x40, s0;
	[tilespmem:s8+$0xAE60] =	vst v0  }
0x35: {  	[spmem:s7] =	stream.linear.scatter [tilespmem:s19], [sflag:$0x5], $0x500, $0x38;
	[tilespmem:$0xB690] =	vst v63  }
0x36: {  	_ =	swait.ge [sflag:s20], $0x500  }
0x37: {  	[sflag:s20] =	ssyncset.done $0x0  }
0x38: {  	s0 =	rddreg [dreg:$0x4];
	[sflag:s20] =	ssyncadd.s32 $0xFFFFFB00  }
0x39: {  	[spmem:s0] =	stream.linear.scatter [tilespmem:s19], [sflag:$0x5], $0x500, $0x38;
	[tilespmem:$0xB690] =	vst v63  }
0x3a: {  	_ =	swait.ge [sflag:s20], $0x500  }
0x3b: {  	[sflag:s20] =	ssyncset.done $0x0  }
0x3c: {  	s23 =	rddreg [dreg:$0x5];
	[sflag:s20] =	ssyncadd.s32 $0xFFFFFB00  }
0x3d: {  	[spmem:s23] =	stream.linear.scatter [tilespmem:s19], [sflag:$0x5], $0x500, $0x38;
	[tilespmem:$0xB690] =	vst v63  }
0x3e: {  	_ =	swait.ge [sflag:s20], $0x500  }
0x3f: {  	[sflag:s20] =	ssyncset.done $0x0  }
0x40: {  	s30 =	rddreg [dreg:$0x6];
	[sflag:s20] =	ssyncadd.s32 $0xFFFFFB00  }
0x41: {  	[spmem:s30] =	stream.linear.scatter [tilespmem:s19], [sflag:$0x5], $0x500, $0x38;
	[tilespmem:$0xB690] =	vst v63  }
0x42: {  	_ =	swait.ge [sflag:s20], $0x500  }
0x43: {  	[sflag:s20] =	ssyncset.done $0x0  }
0x44: {  	s8 =	rddreg [dreg:$0x7];
	[sflag:s20] =	ssyncadd.s32 $0xFFFFFB00  }
0x45: {  	[spmem:s8] =	stream.linear.scatter [tilespmem:s19], [sflag:$0x5], $0x500, $0x38;
	[tilespmem:$0xB690] =	vst v63  }
0x46: {  	_ =	swait.ge [sflag:s20], $0x500  }
0x47: {  	[sflag:s20] =	ssyncset.done $0x0  }
0x48: {  	[sflag:s20] =	ssyncadd.s32 $0xFFFFFB00  }
0x49: {  	[spmem:s12] =	stream.linear.scatter [tilespmem:s19], [sflag:$0x5], $0x500, $0x38;
	[tilespmem:$0xB690] =	vst v63  }
0x4a: {  	_ =	swait.ge [sflag:s20], $0x500  }
0x4b: {  	[sflag:s20] =	ssyncset.done $0x0  }
0x4c: {  	[sflag:s20] =	ssyncadd.s32 $0xFFFFFB00  }
0x4d: {  	[spmem:s13] =	stream.linear.scatter [tilespmem:s19], [sflag:$0x5], $0x500, $0x38;
	[tilespmem:$0xB690] =	vst v63  }
0x4e: {  	_ =	swait.ge [sflag:s20], $0x500  }
0x4f: {  	[sflag:s20] =	ssyncset.done $0x0  }
0x50: {  	[sflag:s20] =	ssyncadd.s32 $0xFFFFFB00  }
0x51: {  	[spmem:s14] =	stream.linear.scatter [tilespmem:s19], [sflag:$0x5], $0x500, $0x38;
	[tilespmem:$0xB690] =	vst v63  }
0x52: {  	_ =	swait.ge [sflag:s20], $0x500  }
0x53: {  	[sflag:s20] =	ssyncset.done $0x0  }
0x54: {  	[sflag:s20] =	ssyncadd.s32 $0xFFFFFB00  }
0x55: {  	s28 =	simm.s32 $0x0;
	s8 =	simm.s32 $0xB680;
	s9 =	rddreg [dreg:$0x1]  }
0x56: {  	[tilespmem:s8], [sflag:$0x5] =	stream.linear.gather [hbm4b:s9+s28], $0x10, $0x38;
	[tilespmem:$0xB690] =	vst v63  }
0x57: {  	_ =	swait.ge [sflag:s20], $0x10  }
0x58: {  	[sflag:s20] =	ssyncset.done $0x0  }
0x59: {  	s10 =	simm.s32 $0x2800;
	[sflag:s20] =	ssyncadd.s32 $0xFFFFFFF0  }
0x5a: {  	[tilespmem:s10], [sflag:$0x5] =	stream.linear.gather [hbm4b:s15+s28], $0x2800, $0x38;
	[tilespmem:$0xB690] =	vst v63  }
0x5b: {  	_ =	swait.ge [sflag:s20], $0x2800  }
0x5c: {  	[sflag:s20] =	ssyncset.done $0x0  }
0x5d: {  	s11 =	simm.s32 $0x5000;
	[sflag:s20] =	ssyncadd.s32 $0xFFFFD800  }
0x5e: {  	[tilespmem:s11], [sflag:$0x5] =	stream.linear.gather [hbm4b:s16+s28], $0x2800, $0x38;
	[tilespmem:$0xB690] =	vst v63  }
0x5f: {  	_ =	swait.ge [sflag:s20], $0x2800  }
0x60: {  	[sflag:s20] =	ssyncset.done $0x0  }
0x61: {  	[sflag:s20] =	ssyncadd.s32 $0xFFFFD800  }
0x62: {  	s9 =	simm.s32 $0x7800;
	[bflag:$0x0] =	sbarrier.arrive $0xFFFF  }
0x63: {  	v1 =	vld [tilespmem:$0xB680];
	[tilespmem:s9], [sflag:$0x1] =	stream.indirect.gather [hbm4b:s5+s24], $0x20, s10, s24, $0xb8  }
0x64: {  	s22 =	simm.s32 $0x9740  }
0x65: {  	[tilespmem:s22], [sflag:$0x1] =	stream.indirect.gather [hbm4b:s6+s24], $0x10, s11, s24, $0xb8;
	[tilespmem:$0xB690] =	vst v63  }
0x66: {  	s23 =	simm.s32 $0x2880  }
0x67: {  	[tilespmem:s29], [sflag:$0x2] =	stream.indirect.gather [hbm4b:s5+s24], $0x20, s23, s24, $0xb8;
	[tilespmem:$0xB690] =	vst v63  }
0x68: {  	s30 =	simm.s32 $0x5080  }
0x69: {  	[tilespmem:s31], [sflag:$0x2] =	stream.indirect.gather [hbm4b:s6+s24], $0x10, s30, s24, $0xb8;
	[tilespmem:$0xB690] =	vst v63  }
.LBB2_6:
0x6a: {  	_ =	swait.ge [sflag:s1], $0xFA0  }
0x6b: {  	[sflag:s1] =	ssyncset.done $0x0  }
0x6c: {  	[sflag:s1] =	ssyncadd.s32 $0xFFFFF060  }
0x6d: {  	_ =	swait.ge [sflag:s1], $0x7D0  }
0x6e: {  	p0 =	seq.s32 s28, $0x0;
	[sflag:s1] =	ssyncset.done $0x0  }
0x6f: {  	s0 =	simm.s32 @!p0 $0x3;
	[sflag:s1] =	ssyncadd.s32 $0xFFFFF830  }
0x70: {  	_ =	swait.ge @!p0 [sflag:s0], $0x7D0  }
0x71: {  	[sflag:s0] =	ssyncset.done @!p0 $0x0  }
0x72: {  	s9 =	simm.s32 $0x7900;
	[sflag:s0] =	ssyncadd.s32 @!p0 $0xFFFFF830  }
0x73: {  	s0 =	simm.s32 $0x97C0;
	v2 =	vld [tilespmem:s9+$0xF0]  }
0x74: {  	v3 =	vld [tilespmem:s0+$0x70]  }
0x75: {  	v5 =	vld [tilespmem:s9+$0xFFFFFF30]  }
0x76: {  	v6 =	vld [tilespmem:s0+$0xFFFFFF90]  }
0x77: {  	v7 =	vld [tilespmem:s9+$0xFFFFFF50]  }
0x78: {  	v8 =	vld [tilespmem:s0+$0xFFFFFFA0]  }
0x79: {  	v9 =	vld [tilespmem:s0+$0xFFFFFFB0]  }
0x7a: {  	v11 =	vld [tilespmem:s9+$0xFFFFFF90];
	v2 =	vadd.f32 v3, v2  }
0x7b: {  	v12 =	vld [tilespmem:s0+$0xFFFFFFC0]  }
0x7c: {  	v3 =	vld [tilespmem:s9+$0xFFFFFF70];
	v10 =	vmul.f32 $2.000000030e-01, v2  }
0x7d: {  	v4 =	vld [tilespmem:s0+$0xFFFFFF80]  }
0x7e: {  	v5 =	vadd.f32 v6, v5;
	v6 =	vld [tilespmem:s9+$0xFFFFFFB0];
	v2 =	vmax.f32 v2, v10  }
0x7f: {  	v7 =	vadd.f32 v8, v7;
	v10 =	vld [tilespmem:s0+$0xFFFFFFD0];
	v2 =	vsub.f32 v2, v1  }
0x80: {  	v8 =	vld [tilespmem:s9+$0xFFFFFFD0];
	v11 =	vadd.f32 v12, v11;
	v13 =	vmul.f32 $2.000000030e-01, v5  }
0x81: {  	v14 =	vmul.f32 $2.000000030e-01, v7;
	v3 =	vadd.f32 v9, v3;
	v9 =	vld [tilespmem:s0+$0xFFFFFFE0];
	v2 =	vmul.f32 $1.442695020e+00, v2  }
0x82: {  	v12 =	vmul.f32 $2.000000030e-01, v11;
	v5 =	vmax.f32 v5, v13;
	v13 =	vld [tilespmem:s9+$0xFFFFFFF0]  }
0x83: {  	v7 =	vmax.f32 v7, v14;
	v5 =	vsub.f32 v5, v1;
	(erf) = vpow2.f32 v2;
	v2 =	vld [tilespmem:s0+$0xFFFFFFF0]  }
0x84: {  	v14 =	vld [tilespmem:s0+$0x0];
	v11 =	vmax.f32 v11, v12;
	v15 =	vmul.f32 $2.000000030e-01, v3;
	v6 =	vadd.f32 v10, v6  }
0x85: {  	v7 =	vsub.f32 v7, v1;
	v11 =	vsub.f32 v11, v1;
	v5 =	vmul.f32 $1.442695020e+00, v5;
	v10 =	vld [tilespmem:s9+$0x10]  }
0x86: {  	v16 =	vld [tilespmem:s9+$0x30];
	v3 =	vmax.f32 v3, v15;
	v8 =	vadd.f32 v9, v8;
	v15 =	vmul.f32 $2.000000030e-01, v6  }
0x87: {  	v12 =	vld [tilespmem:s0+$0x10];
	v7 =	vmul.f32 $1.442695020e+00, v7;
	v11 =	vmul.f32 $1.442695020e+00, v11  }
0x88: {  	v9 =	vld [tilespmem:s9+$0xE0];
	v6 =	vmax.f32 v6, v15;
	v15 =	vmul.f32 $2.000000030e-01, v8;
	v2 =	vadd.f32 v2, v13  }
0x89: {  	v3 =	vsub.f32 v3, v1;
	(erf) = vpow2.f32 v5;
	v6 =	vsub.f32 v6, v1;
	v13 =	vld [tilespmem:s9+$0x50]  }
0x8a: {  	v5 =	vadd.f32 v14, v10;
	v10 =	vld [tilespmem:s0+$0x20];
	v8 =	vmax.f32 v8, v15;
	v14 =	vmul.f32 $2.000000030e-01, v2  }
0x8b: {  	v18 =	vld [tilespmem:s0+$0x30];
	(erf) = vpow2.f32 v7;
	v3 =	vmul.f32 $1.442695020e+00, v3;
	v8 =	vsub.f32 v8, v1  }
0x8c: {  	v15 =	vld [tilespmem:s9+$0x70];
	v6 =	vmul.f32 $1.442695020e+00, v6;
	v17 =	vmul.f32 $2.000000030e-01, v5;
	v7 =	vpop (erf);
	v2 =	vmax.f32 v2, v14  }
0x8d: {  	v8 =	vmul.f32 $1.442695020e+00, v8;
	v14 =	vld [tilespmem:s0+$0x40];
	v7 =	vmul.f32 v7, v9;
	v9 =	vadd.f32 v12, v16  }
0x8e: {  	v5 =	vmax.f32 v5, v17;
	(erf) = vpow2.f32 v3;
	v12 =	vld [tilespmem:s9+$0x90];
	v2 =	vsub.f32 v2, v1  }
0x8f: {  	v17 =	vld [tilespmem:s0+$0x50];
	v10 =	vadd.f32 v10, v13;
	(erf) = vpow2.f32 v11;
	v3 =	vmul.f32 $2.000000030e-01, v9  }
0x90: {  	v13 =	vld [tilespmem:s9+$0xB0];
	(erf) = vpow2.f32 v6;
	v16 =	vmul.f32 $1.442695020e+00, v2  }
0x91: {  	v11 =	vld [tilespmem:s9+$0xD0];
	v2 =	vmax.f32 v9, v3;
	v3 =	vmul.f32 $2.000000030e-01, v10;
	v9 =	vadd.f32 v18, v15  }
0x92: {  	v5 =	vsub.f32 v5, v1;
	(erf) = vpow2.f32 v8;
	v18 =	vld [tilespmem:s0+$0x60]  }
0x93: {  	v6 =	vld [tilespmem:s9+$0xFFFFFF10];
	v12 =	vadd.f32 v14, v12;
	v3 =	vmax.f32 v10, v3;
	v10 =	vmul.f32 $2.000000030e-01, v9  }
0x94: {  	v5 =	vmul.f32 $1.442695020e+00, v5;
	(erf) = vpow2.f32 v16;
	v3 =	vsub.f32 v3, v1  }
0x95: {  	v8 =	vld [tilespmem:s9+$0xFFFFFF20];
	v13 =	vadd.f32 v17, v13;
	v9 =	vmax.f32 v9, v10;
	v10 =	vmul.f32 $2.000000030e-01, v12  }
0x96: {  	v19 =	vld [tilespmem:s9+$0xFFFFFFA0];
	v15 =	vsub.f32 v2, v1;
	v17 =	vmul.f32 $1.442695020e+00, v3;
	v3 =	vsub.f32 v9, v1  }
0x97: {  	v16 =	vld [tilespmem:s9+$0xFFFFFF60];
	v11 =	vadd.f32 v18, v11;
	v9 =	vmax.f32 v12, v10;
	v10 =	vmul.f32 $2.000000030e-01, v13  }
0x98: {  	v2 =	vld [tilespmem:s9+$0xFFFFFF00];
	(erf) = vpow2.f32 v5;
	v6 =	vadd.f32 v4, v6;
	v14 =	vmul.f32 $1.442695020e+00, v15  }
0x99: {  	v5 =	vpop (erf);
	v15 =	vld [tilespmem:s9+$0xFFFFFF40];
	v4 =	vsub.f32 v9, v1;
	v9 =	vmax.f32 v13, v10;
	v10 =	vmul.f32 $2.000000030e-01, v11  }
0x9a: {  	v21 =	vmul.f32 v5, v8;
	v5 =	vld [tilespmem:s9+$0x0];
	v13 =	vmul.f32 $2.000000030e-01, v6;
	v9 =	vsub.f32 v9, v1  }
0x9b: {  	v18 =	vld [tilespmem:s9+$0xFFFFFF80];
	(erf) = vpow2.f32 v14;
	v8 =	vmax.f32 v11, v10  }
0x9c: {  	v12 =	vmul.f32 $1.442695020e+00, v3;
	v3 =	vld [tilespmem:s9+$0xFFFFFFC0];
	v11 =	vmul.f32 $1.442695020e+00, v9;
	v9 =	vsub.f32 v8, v1  }
0x9d: {  	v20 =	vmul.f32 $1.442695020e+00, v4;
	v4 =	vld [tilespmem:s9+$0xFFFFFFE0];
	v6 =	vmax.f32 v6, v13;
	v10 =	vpop (erf);
	(erf) = vpow2.f32 v17  }
0x9e: {  	v14 =	vsub.f32 v6, v1;
	v8 =	vld [tilespmem:s9+$0x20];
	v13 =	vpop (erf);
	v15 =	vmul.f32 v10, v15;
	v22 =	vmul.f32 $1.442695020e+00, v9  }
0x9f: {  	s22 =	simm.s32 $0xA760;
	v6 =	vld [tilespmem:s9+$0x40];
	(erf) = vpow2.f32 v12;
	v17 =	vpop (erf);
	v16 =	vmul.f32 v13, v16  }
0xa0: {  	[tilespmem:s22+$0x70] =	vst v7;
	v23 =	vmul.f32 $1.442695020e+00, v14;
	v9 =	vld [tilespmem:s9+$0x60];
	(erf) = vpow2.f32 v20;
	v7 =	vpop (erf)  }
0xa1: {  	[tilespmem:s22+$0xFFFFFF90] =	vst v21;
	v10 =	vld [tilespmem:s9+$0x80];
	(erf) = vpow2.f32 v11;
	v12 =	vpop (erf)  }
0xa2: {  	s30 =	sshll.u32 s28, $0x8;
	[tilespmem:s22+$0xFFFFFFA0] =	vst v15;
	v14 =	vmul.f32 v17, v18;
	v11 =	vld [tilespmem:s9+$0xA0];
	(erf) = vpow2.f32 v23;
	v13 =	vpop (erf)  }
0xa3: {  	s8 =	simm.s32 $0x0;
	s23 =	simm.s32 $0x8610;
	[tilespmem:s22+$0xFFFFFFB0] =	vst v16;
	v15 =	vmul.f32 v7, v19;
	v7 =	vld [tilespmem:s9+$0xC0];
	s9 =	simm.s32 $0x7B00;
	(erf) = vpow2.f32 v22;
	v16 =	vpop (erf)  }
.LBB2_7:
0xa4: {  	v17 =	vld [tilespmem:s9+$0xF0];
	[tilespmem:s22+$0xFFFFFFC0] =	vst v14;
	v12 =	vmul.f32 v12, v3;
	v18 =	vmul.f32 v13, v4;
	s0 =	sadd.s32 $0x100, s0  }
0xa5: {  	s8 =	sadd.s32 $0x10, s8;
	v13 =	vld [tilespmem:s0+$0x70];
	[tilespmem:s22+$0xFFFFFFD0] =	vst v15;
	v15 =	vmul.f32 v16, v5;
	v14 =	vpop (erf)  }
0xa6: {  	p1 =	slt.u32 s8, $0x60;
	v3 =	vld [tilespmem:s0+$0xFFFFFF80];
	[tilespmem:s22+$0xFFFFFFE0] =	vst v12;
	v16 =	vmul.f32 v14, v8  }
0xa7: {  	v12 =	vld [tilespmem:s9+$0xFFFFFF30];
	[tilespmem:s22+$0xFFFFFFF0] =	vst v18;
	v4 =	vpop (erf)  }
0xa8: {  	v14 =	vld [tilespmem:s0+$0xFFFFFF90];
	[tilespmem:s22+$0x0] =	vst v15;
	v4 =	vmul.f32 v4, v6;
	v5 =	vpop (erf)  }
0xa9: {  	v6 =	vld [tilespmem:s9+$0xFFFFFF50];
	[tilespmem:s22+$0x10] =	vst v16;
	v5 =	vmul.f32 v5, v9;
	v8 =	vpop (erf)  }
0xaa: {  	v9 =	vld [tilespmem:s0+$0xFFFFFFA0];
	v13 =	vadd.f32 v13, v17;
	[tilespmem:s22+$0x20] =	vst v4;
	v16 =	vmul.f32 v8, v10;
	v8 =	vpop (erf)  }
0xab: {  	v10 =	vld [tilespmem:s9+$0xFFFFFF70];
	[tilespmem:s22+$0x30] =	vst v5;
	v5 =	vmul.f32 v8, v11;
	v8 =	vpop (erf)  }
0xac: {  	v11 =	vld [tilespmem:s0+$0xFFFFFFB0];
	v15 =	vmul.f32 $2.000000030e-01, v13;
	v2 =	vmul.f32 v8, v2;
	[tilespmem:s22+$0x40] =	vst v16;
	v4 =	vpop (erf)  }
0xad: {  	v8 =	vadd.f32 v14, v12;
	v12 =	vld [tilespmem:s9+$0xFFFFFF90];
	[tilespmem:s22+$0x50] =	vst v5;
	v4 =	vmul.f32 v4, v7  }
0xae: {  	v5 =	vld [tilespmem:s0+$0xFFFFFFC0];
	v7 =	vmax.f32 v13, v15;
	[tilespmem:s22+$0xFFFFFF80] =	vst v2  }
0xaf: {  	v2 =	vmul.f32 $2.000000030e-01, v8;
	v6 =	vadd.f32 v9, v6;
	v9 =	vld [tilespmem:s9+$0xFFFFFFB0];
	v7 =	vsub.f32 v7, v1;
	[tilespmem:s22+$0x60] =	vst v4  }
0xb0: {  	v4 =	vld [tilespmem:s0+$0xFFFFFFD0]  }
0xb1: {  	v13 =	vmul.f32 $2.000000030e-01, v6;
	v10 =	vadd.f32 v11, v10;
	v11 =	vld [tilespmem:s9+$0xFFFFFFD0];
	v7 =	vmul.f32 $1.442695020e+00, v7  }
0xb2: {  	v2 =	vmax.f32 v8, v2;
	v8 =	vld [tilespmem:s0+$0xFFFFFFE0]  }
0xb3: {  	v14 =	vmul.f32 $2.000000030e-01, v10;
	v5 =	vadd.f32 v5, v12;
	v12 =	vld [tilespmem:s9+$0xFFFFFFF0];
	(erf) = vpow2.f32 v7  }
0xb4: {  	v2 =	vsub.f32 v2, v1;
	v6 =	vmax.f32 v6, v13;
	v7 =	vld [tilespmem:s0+$0xFFFFFFF0]  }
0xb5: {  	v10 =	vmax.f32 v10, v14;
	v13 =	vmul.f32 $2.000000030e-01, v5;
	v4 =	vadd.f32 v4, v9;
	v9 =	vld [tilespmem:s9+$0x10]  }
0xb6: {  	v2 =	vmul.f32 $1.442695020e+00, v2;
	v6 =	vsub.f32 v6, v1;
	v10 =	vsub.f32 v10, v1;
	v14 =	vld [tilespmem:s0+$0x0]  }
0xb7: {  	v5 =	vmax.f32 v5, v13;
	v13 =	vmul.f32 $2.000000030e-01, v4;
	v8 =	vadd.f32 v8, v11;
	v11 =	vld [tilespmem:s9+$0x30]  }
0xb8: {  	v6 =	vmul.f32 $1.442695020e+00, v6;
	v10 =	vmul.f32 $1.442695020e+00, v10;
	v5 =	vsub.f32 v5, v1;
	v15 =	vld [tilespmem:s9+$0xE0]  }
0xb9: {  	v4 =	vmax.f32 v4, v13;
	v13 =	vmul.f32 $2.000000030e-01, v8;
	v7 =	vadd.f32 v7, v12;
	v12 =	vld [tilespmem:s0+$0x10]  }
0xba: {  	v5 =	vmul.f32 $1.442695020e+00, v5;
	v4 =	vsub.f32 v4, v1;
	v16 =	vld [tilespmem:s9+$0x50];
	(erf) = vpow2.f32 v2  }
0xbb: {  	v2 =	vmax.f32 v8, v13;
	v8 =	vmul.f32 $2.000000030e-01, v7;
	v9 =	vadd.f32 v14, v9;
	v13 =	vld [tilespmem:s0+$0x20]  }
0xbc: {  	v4 =	vmul.f32 $1.442695020e+00, v4;
	v2 =	vsub.f32 v2, v1;
	v14 =	vld [tilespmem:s9+$0x70];
	(erf) = vpow2.f32 v6;
	v6 =	vpop (erf)  }
0xbd: {  	v7 =	vmax.f32 v7, v8;
	v8 =	vmul.f32 $2.000000030e-01, v9;
	v17 =	vld [tilespmem:s0+$0x30];
	v6 =	vmul.f32 v6, v15  }
0xbe: {  	s22 =	sadd.s32 $0x100, s22;
	v15 =	vmul.f32 $1.442695020e+00, v2;
	v2 =	vsub.f32 v7, v1;
	v7 =	vadd.f32 v12, v11;
	v11 =	vld [tilespmem:s9+$0x90]  }
0xbf: {  	s10 =	simm.s32 $0x0;
	v8 =	vmax.f32 v9, v8;
	v9 =	vld [tilespmem:s0+$0x40];
	[tilespmem:s22+$0x70] =	vst v6;
	(erf) = vpow2.f32 v10  }
0xc0: {  	v6 =	vsub.f32 v8, v1;
	v8 =	vmul.f32 $2.000000030e-01, v7;
	v10 =	vadd.f32 v13, v16;
	v12 =	vld [tilespmem:s9+$0xB0]  }
0xc1: {  	v13 =	vmul.f32 $1.442695020e+00, v2;
	v16 =	vld [tilespmem:s0+$0x50];
	(erf) = vpow2.f32 v5  }
0xc2: {  	v2 =	vmax.f32 v7, v8;
	v5 =	vmul.f32 $2.000000030e-01, v10;
	v7 =	vadd.f32 v17, v14;
	v8 =	vld [tilespmem:s9+$0xD0]  }
0xc3: {  	v6 =	vmul.f32 $1.442695020e+00, v6;
	v19 =	vsub.f32 v2, v1;
	v17 =	vld [tilespmem:s0+$0x60];
	v18 =	vpop (erf);
	(erf) = vpow2.f32 v4  }
0xc4: {  	v4 =	vld [tilespmem:s9+$0xFFFFFF10];
	v5 =	vmax.f32 v10, v5;
	v10 =	vmul.f32 $2.000000030e-01, v7;
	v9 =	vadd.f32 v9, v11  }
0xc5: {  	v2 =	vld [tilespmem:s9+$0xFFFFFF00];
	v11 =	vmul.f32 $1.442695020e+00, v19;
	v5 =	vsub.f32 v5, v1;
	v14 =	vpop (erf);
	(erf) = vpow2.f32 v15  }
0xc6: {  	v15 =	vld [tilespmem:s9+$0xFFFFFF20];
	v7 =	vmax.f32 v7, v10;
	v10 =	vmul.f32 $2.000000030e-01, v9;
	v12 =	vadd.f32 v16, v12  }
0xc7: {  	v16 =	vld [tilespmem:s9+$0xFFFFFF40];
	v19 =	vmul.f32 $1.442695020e+00, v5;
	v5 =	vsub.f32 v7, v1;
	(erf) = vpow2.f32 v13  }
0xc8: {  	v7 =	vld [tilespmem:s9+$0xFFFFFF60];
	v9 =	vmax.f32 v9, v10;
	v10 =	vmul.f32 $2.000000030e-01, v12;
	v8 =	vadd.f32 v17, v8;
	v17 =	vpop (erf)  }
0xc9: {  	v13 =	vadd.f32 v3, v4;
	v20 =	vld [tilespmem:s9+$0xFFFFFF80];
	v21 =	vmul.f32 $1.442695020e+00, v5;
	v4 =	vsub.f32 v9, v1  }
0xca: {  	v22 =	vld [tilespmem:s9+$0xFFFFFFA0];
	v5 =	vmax.f32 v12, v10;
	v9 =	vmul.f32 $2.000000030e-01, v8;
	v23 =	vpop (erf);
	(erf) = vpow2.f32 v6  }
0xcb: {  	v6 =	vmul.f32 $2.000000030e-01, v13;
	v3 =	vld [tilespmem:s9+$0xFFFFFFC0];
	v10 =	vmul.f32 $1.442695020e+00, v4;
	v24 =	vsub.f32 v5, v1  }
0xcc: {  	v15 =	vmul.f32 v18, v15;
	v4 =	vld [tilespmem:s9+$0xFFFFFFE0];
	v8 =	vmax.f32 v8, v9;
	v18 =	vpop (erf);
	(erf) = vpow2.f32 v11  }
0xcd: {  	v6 =	vmax.f32 v13, v6;
	v5 =	vld [tilespmem:s9+$0x0];
	v11 =	vmul.f32 $1.442695020e+00, v24;
	v9 =	vsub.f32 v8, v1  }
0xce: {  	v14 =	vmul.f32 v14, v16;
	v24 =	vsub.f32 v6, v1;
	[tilespmem:s22+$0xFFFFFF90] =	vst v15;
	v8 =	vld [tilespmem:s9+$0x20];
	v12 =	vpop (erf);
	(erf) = vpow2.f32 v19  }
.Ltmp4:
0xcf: {  	v6 =	vld [tilespmem:s9+$0x40];
	v19 =	vmul.f32 $1.442695020e+00, v9;
	(erf) = vpow2.f32 v21;
	(pc) =	sbr.rel @p1 .LBB2_7-.Ltmp4, $4  }
0xd0: {  	v15 =	vmul.f32 $1.442695020e+00, v24;
	[tilespmem:s22+$0xFFFFFFA0] =	vst v14;
	v9 =	vld [tilespmem:s9+$0x60];
	v13 =	vpop (erf);
	(erf) = vpow2.f32 v10  }
0xd1: {  	v7 =	vmul.f32 v17, v7;
	v10 =	vld [tilespmem:s9+$0x80];
	(erf) = vpow2.f32 v11  }
0xd2: {  	v14 =	vmul.f32 v23, v20;
	v11 =	vld [tilespmem:s9+$0xA0];
	(erf) = vpow2.f32 v15  }
0xd3: {  	v15 =	vmul.f32 v18, v22;
	[tilespmem:s22+$0xFFFFFFB0] =	vst v7;
	v7 =	vld [tilespmem:s9+$0xC0];
	s9 =	sadd.s32 $0x200, s9;
	v16 =	vpop (erf);
	(erf) = vpow2.f32 v19  }
0xd4: {  	[tilespmem:s22+$0xFFFFFFC0] =	vst v14;
	v3 =	vmul.f32 v12, v3  }
0xd5: {  	v4 =	vmul.f32 v13, v4;
	[tilespmem:s22+$0xFFFFFFD0] =	vst v15  }
0xd6: {  	v5 =	vmul.f32 v16, v5;
	v56 =	vpop (erf);
	[tilespmem:s22+$0xFFFFFFE0] =	vst v3  }
0xd7: {  	v3 =	vmul.f32 v56, v8;
	[tilespmem:s22+$0xFFFFFFF0] =	vst v4;
	v57 =	vpop (erf)  }
0xd8: {  	[tilespmem:s22+$0x0] =	vst v5;
	v4 =	vmul.f32 v57, v6;
	v58 =	vpop (erf)  }
0xd9: {  	[tilespmem:s22+$0x10] =	vst v3;
	v3 =	vmul.f32 v58, v9;
	v59 =	vpop (erf)  }
0xda: {  	[tilespmem:s22+$0x20] =	vst v4;
	v60 =	vmul.f32 v59, v10;
	v61 =	vpop (erf)  }
0xdb: {  	[tilespmem:s22+$0x30] =	vst v3;
	v3 =	vmul.f32 v61, v11;
	v62 =	vpop (erf)  }
0xdc: {  	v2 =	vmul.f32 v62, v2;
	[tilespmem:s22+$0x40] =	vst v60;
	v63 =	vpop (erf)  }
0xdd: {  	[tilespmem:s22+$0x50] =	vst v3;
	v3 =	vmul.f32 v63, v7  }
0xde: {  	[tilespmem:s22+$0xFFFFFF80] =	vst v2  }
0xdf: {  	[tilespmem:s22+$0x60] =	vst v3  }
.LBB2_9:
0xe0: {  	v2 =	vld [tilespmem:s23+$0x0];
	s0 =	sshra.s32 s10, $0x2  }
0xe1: {  	v3 =	vld [tilespmem:s0+$0x9E40];
	_ =	sdelay $0x4  }
0xe2: {  	v2 =	vadd.f32 v3, v2;
	_ =	sdelay $0x1  }
0xe3: {  	v3 =	vmul.f32 $2.000000030e-01, v2;
	_ =	sdelay $0x1  }
0xe4: {  	v2 =	vmax.f32 v2, v3  }
0xe5: {  	v2 =	vsub.f32 v2, v1;
	_ =	sdelay $0x1  }
0xe6: {  	v2 =	vmul.f32 $1.442695020e+00, v2;
	_ =	sdelay $0x1  }
0xe7: {  	(erf) = vpow2.f32 v2;
	_ =	sdelay $0x4  }
0xe8: {  	v2 =	vld [tilespmem:s23+$0xFFFFFFF0];
	_ =	sdelay $0x1  }
0xe9: {  	p1 =	sne.s32 s10, $0x300  }
.Ltmp5:
0xea: {  	_ = 	snop;
	(pc) =	sbr.rel @p1 .LBB2_9-.Ltmp5, $3  }
0xeb: {  	v3 =	vpop (erf)  }
0xec: {  	v2 =	vmul.f32 v3, v2;
	_ =	sdelay $0x1  }
0xed: {  	s10 =	sadd.s32 $0x40, s10;
	s23 =	sadd.s32 $0x20, s23;
	[tilespmem:s0+$0xADE0] =	vst v2  }
0xee: {  	p1 =	seq.s32 s28, $0x27  }
0xef: {  	s0 =	sadd.s32 @!p1 $0x2900, s30;
	s8 =	simm.s32 @!p1 $0x7D;
	s9 =	simm.s32 @!p1 $0x7800  }
0xf0: {  	[tilespmem:s9], [sflag:$0x1] =	stream.indirect.gather @!p1 [hbm4b:s5+s8], $0x20, s0, s8, $0xb8;
	[tilespmem:$0xB690] =	vst v63  }
0xf1: {  	s0 =	sadd.s32 @!p1 $0x5100, s30;
	s9 =	simm.s32 @!p1 $0x9740  }
0xf2: {  	[tilespmem:s9], [sflag:$0x1] =	stream.indirect.gather @!p1 [hbm4b:s6+s8], $0x10, s0, s8, $0xb8;
	[tilespmem:$0xB690] =	vst v63  }
0xf3: {  	s0 =	sand.u32 $0x3FFFFF00, s30  }
0xf4: {  	s23 =	sadd.s32 $0x5000, s0  }
0xf5: {  	[spmem:s3] =	stream.indirect.scatter.add.f32 [tilespmem:s19], [sflag:$0x3], $0x10, s23, s24, $0xb8;
	[tilespmem:$0xB690] =	vst v63  }
0xf6: {  	_ =	swait.ge [sflag:s2], $0xFA0  }
0xf7: {  	[sflag:s2] =	ssyncset.done $0x0  }
0xf8: {  	[sflag:s2] =	ssyncadd.s32 $0xFFFFF060  }
0xf9: {  	_ =	swait.ge [sflag:s2], $0x7D0  }
0xfa: {  	[sflag:s2] =	ssyncset.done $0x0  }
0xfb: {  	s8 =	simm.s32 @!p0 $0x4;
	[sflag:s2] =	ssyncadd.s32 $0xFFFFF830  }
0xfc: {  	_ =	swait.ge @!p0 [sflag:s8], $0x7D0  }
0xfd: {  	[sflag:s8] =	ssyncset.done @!p0 $0x0  }
0xfe: {  	s10 =	simm.s32 $0x8990;
	[sflag:s8] =	ssyncadd.s32 @!p0 $0xFFFFF830  }
0xff: {  	s22 =	simm.s32 $0xA000;
	v2 =	vld [tilespmem:s10+$0x0]  }
0x100: {  	v3 =	vld [tilespmem:s22+$0x0]  }
0x101: {  	v5 =	vld [tilespmem:s10+$0xFFFFFE40]  }
0x102: {  	v6 =	vld [tilespmem:s22+$0xFFFFFF20]  }
0x103: {  	v7 =	vld [tilespmem:s10+$0xFFFFFE60]  }
0x104: {  	v8 =	vld [tilespmem:s22+$0xFFFFFF30]  }
0x105: {  	v9 =	vld [tilespmem:s22+$0xFFFFFF40]  }
0x106: {  	v11 =	vld [tilespmem:s10+$0xFFFFFEA0];
	v2 =	vadd.f32 v3, v2  }
0x107: {  	v12 =	vld [tilespmem:s22+$0xFFFFFF50]  }
0x108: {  	v3 =	vld [tilespmem:s10+$0xFFFFFE80];
	v10 =	vmul.f32 $2.000000030e-01, v2  }
0x109: {  	v4 =	vld [tilespmem:s22+$0xFFFFFF10]  }
0x10a: {  	v5 =	vadd.f32 v6, v5;
	v6 =	vld [tilespmem:s10+$0xFFFFFEC0];
	v2 =	vmax.f32 v2, v10  }
0x10b: {  	v7 =	vadd.f32 v8, v7;
	v10 =	vld [tilespmem:s22+$0xFFFFFF60];
	v2 =	vsub.f32 v2, v1  }
0x10c: {  	v8 =	vld [tilespmem:s10+$0xFFFFFEE0];
	v11 =	vadd.f32 v12, v11;
	v13 =	vmul.f32 $2.000000030e-01, v5  }
0x10d: {  	v14 =	vmul.f32 $2.000000030e-01, v7;
	v3 =	vadd.f32 v9, v3;
	v9 =	vld [tilespmem:s22+$0xFFFFFF70];
	v2 =	vmul.f32 $1.442695020e+00, v2  }
0x10e: {  	v12 =	vmul.f32 $2.000000030e-01, v11;
	v5 =	vmax.f32 v5, v13;
	v13 =	vld [tilespmem:s10+$0xFFFFFF00]  }
0x10f: {  	v7 =	vmax.f32 v7, v14;
	v5 =	vsub.f32 v5, v1;
	(erf) = vpow2.f32 v2;
	v2 =	vld [tilespmem:s22+$0xFFFFFF80]  }
0x110: {  	v14 =	vld [tilespmem:s22+$0xFFFFFF90];
	v11 =	vmax.f32 v11, v12;
	v15 =	vmul.f32 $2.000000030e-01, v3;
	v6 =	vadd.f32 v10, v6  }
0x111: {  	v7 =	vsub.f32 v7, v1;
	v11 =	vsub.f32 v11, v1;
	v5 =	vmul.f32 $1.442695020e+00, v5;
	v10 =	vld [tilespmem:s10+$0xFFFFFF20]  }
0x112: {  	v16 =	vld [tilespmem:s10+$0xFFFFFF40];
	v3 =	vmax.f32 v3, v15;
	v8 =	vadd.f32 v9, v8;
	v15 =	vmul.f32 $2.000000030e-01, v6  }
0x113: {  	v12 =	vld [tilespmem:s22+$0xFFFFFFA0];
	v7 =	vmul.f32 $1.442695020e+00, v7;
	v11 =	vmul.f32 $1.442695020e+00, v11  }
0x114: {  	v9 =	vld [tilespmem:s10+$0xFFFFFFF0];
	v6 =	vmax.f32 v6, v15;
	v15 =	vmul.f32 $2.000000030e-01, v8;
	v2 =	vadd.f32 v2, v13  }
0x115: {  	v3 =	vsub.f32 v3, v1;
	(erf) = vpow2.f32 v5;
	v6 =	vsub.f32 v6, v1;
	v13 =	vld [tilespmem:s10+$0xFFFFFF60]  }
0x116: {  	v5 =	vadd.f32 v14, v10;
	v10 =	vld [tilespmem:s22+$0xFFFFFFB0];
	v8 =	vmax.f32 v8, v15;
	v14 =	vmul.f32 $2.000000030e-01, v2  }
0x117: {  	v18 =	vld [tilespmem:s22+$0xFFFFFFC0];
	(erf) = vpow2.f32 v7;
	v3 =	vmul.f32 $1.442695020e+00, v3;
	v8 =	vsub.f32 v8, v1  }
0x118: {  	v15 =	vld [tilespmem:s10+$0xFFFFFF80];
	v6 =	vmul.f32 $1.442695020e+00, v6;
	v17 =	vmul.f32 $2.000000030e-01, v5;
	v7 =	vpop (erf);
	v2 =	vmax.f32 v2, v14  }
0x119: {  	v8 =	vmul.f32 $1.442695020e+00, v8;
	v14 =	vld [tilespmem:s22+$0xFFFFFFD0];
	v9 =	vmul.f32 v7, v9;
	v7 =	vadd.f32 v12, v16  }
0x11a: {  	v5 =	vmax.f32 v5, v17;
	(erf) = vpow2.f32 v3;
	v12 =	vld [tilespmem:s10+$0xFFFFFFA0];
	v2 =	vsub.f32 v2, v1  }
0x11b: {  	v17 =	vld [tilespmem:s22+$0xFFFFFFE0];
	v10 =	vadd.f32 v10, v13;
	(erf) = vpow2.f32 v11;
	v3 =	vmul.f32 $2.000000030e-01, v7  }
0x11c: {  	v13 =	vld [tilespmem:s10+$0xFFFFFFC0];
	(erf) = vpow2.f32 v6;
	v16 =	vmul.f32 $1.442695020e+00, v2  }
0x11d: {  	v11 =	vld [tilespmem:s10+$0xFFFFFFE0];
	v2 =	vmax.f32 v7, v3;
	v3 =	vmul.f32 $2.000000030e-01, v10;
	v7 =	vadd.f32 v18, v15  }
0x11e: {  	v5 =	vsub.f32 v5, v1;
	(erf) = vpow2.f32 v8;
	v18 =	vld [tilespmem:s22+$0xFFFFFFF0]  }
0x11f: {  	v6 =	vld [tilespmem:s10+$0xFFFFFE20];
	v12 =	vadd.f32 v14, v12;
	v3 =	vmax.f32 v10, v3;
	v10 =	vmul.f32 $2.000000030e-01, v7  }
0x120: {  	v5 =	vmul.f32 $1.442695020e+00, v5;
	(erf) = vpow2.f32 v16;
	v3 =	vsub.f32 v3, v1  }
0x121: {  	v8 =	vld [tilespmem:s10+$0xFFFFFE30];
	v13 =	vadd.f32 v17, v13;
	v7 =	vmax.f32 v7, v10;
	v10 =	vmul.f32 $2.000000030e-01, v12  }
0x122: {  	s23 =	simm.s32 $0xAFA0;
	v19 =	vld [tilespmem:s10+$0xFFFFFEB0];
	v15 =	vsub.f32 v2, v1;
	v17 =	vmul.f32 $1.442695020e+00, v3;
	v3 =	vsub.f32 v7, v1  }
0x123: {  	[tilespmem:s23+$0x0] =	vst v9;
	v9 =	vld [tilespmem:s10+$0xFFFFFF70];
	v11 =	vadd.f32 v18, v11;
	v7 =	vmax.f32 v12, v10;
	v10 =	vmul.f32 $2.000000030e-01, v13  }
0x124: {  	v16 =	vld [tilespmem:s10+$0xFFFFFE70];
	(erf) = vpow2.f32 v5;
	v6 =	vadd.f32 v4, v6;
	v14 =	vmul.f32 $1.442695020e+00, v15  }
0x125: {  	v5 =	vpop (erf);
	v15 =	vld [tilespmem:s10+$0xFFFFFE50];
	v4 =	vsub.f32 v7, v1;
	v7 =	vmax.f32 v13, v10;
	v10 =	vmul.f32 $2.000000030e-01, v11  }
0x126: {  	v2 =	vld [tilespmem:s10+$0xFFFFFE10];
	v5 =	vmul.f32 v5, v8  }
0x127: {  	v18 =	vld [tilespmem:s10+$0xFFFFFE90];
	(erf) = vpow2.f32 v14;
	v13 =	vmul.f32 $2.000000030e-01, v6;
	v7 =	vsub.f32 v7, v1  }
0x128: {  	v12 =	vmul.f32 $1.442695020e+00, v3;
	v3 =	vld [tilespmem:s10+$0xFFFFFED0];
	v20 =	vmul.f32 $1.442695020e+00, v4;
	v8 =	vmax.f32 v11, v10  }
0x129: {  	v4 =	vld [tilespmem:s10+$0xFFFFFEF0];
	v11 =	vmax.f32 v6, v13;
	v13 =	vmul.f32 $1.442695020e+00, v7;
	v14 =	vsub.f32 v8, v1;
	v10 =	vpop (erf)  }
0x12a: {  	v6 =	vld [tilespmem:s10+$0xFFFFFF10];
	v11 =	vsub.f32 v11, v1;
	(erf) = vpow2.f32 v17;
	v21 =	vpop (erf);
	v15 =	vmul.f32 v10, v15  }
0x12b: {  	v8 =	vld [tilespmem:s10+$0xFFFFFF30];
	v22 =	vmul.f32 $1.442695020e+00, v14;
	(erf) = vpow2.f32 v12;
	v17 =	vpop (erf)  }
0x12c: {  	v7 =	vld [tilespmem:s10+$0xFFFFFF50];
	v24 =	vmul.f32 $1.442695020e+00, v11;
	(erf) = vpow2.f32 v20;
	v23 =	vpop (erf)  }
0x12d: {  	[tilespmem:s23+$0xFFFFFF20] =	vst v5;
	v10 =	vld [tilespmem:s10+$0xFFFFFF90];
	v5 =	vmul.f32 v21, v16;
	(erf) = vpow2.f32 v13;
	v12 =	vpop (erf)  }
0x12e: {  	v11 =	vld [tilespmem:s10+$0xFFFFFFB0];
	[tilespmem:s23+$0xFFFFFF30] =	vst v15;
	v14 =	vmul.f32 v17, v18;
	(erf) = vpow2.f32 v24;
	v13 =	vpop (erf)  }
0x12f: {  	s9 =	simm.s32 $0x0;
	s8 =	simm.s32 $0x95B0;
	[tilespmem:s23+$0xFFFFFF40] =	vst v5;
	v15 =	vmul.f32 v23, v19;
	v5 =	vld [tilespmem:s10+$0xFFFFFFD0];
	s10 =	simm.s32 $0x8B90;
	(erf) = vpow2.f32 v22;
	v16 =	vpop (erf)  }
.LBB2_11:
0x130: {  	v17 =	vld [tilespmem:s10+$0x0];
	[tilespmem:s23+$0xFFFFFF50] =	vst v14;
	v12 =	vmul.f32 v12, v3;
	v18 =	vmul.f32 v13, v4;
	s22 =	sadd.s32 $0x100, s22  }
0x131: {  	s9 =	sadd.s32 $0x10, s9;
	v13 =	vld [tilespmem:s22+$0x0];
	[tilespmem:s23+$0xFFFFFF60] =	vst v15;
	v15 =	vmul.f32 v16, v6;
	v14 =	vpop (erf)  }
0x132: {  	p0 =	slt.u32 s9, $0x60;
	v3 =	vld [tilespmem:s22+$0xFFFFFF10];
	[tilespmem:s23+$0xFFFFFF70] =	vst v12;
	v16 =	vmul.f32 v14, v8  }
0x133: {  	v12 =	vld [tilespmem:s10+$0xFFFFFE40];
	[tilespmem:s23+$0xFFFFFF80] =	vst v18;
	v4 =	vpop (erf)  }
0x134: {  	v14 =	vld [tilespmem:s22+$0xFFFFFF20];
	[tilespmem:s23+$0xFFFFFF90] =	vst v15;
	v4 =	vmul.f32 v4, v7;
	v6 =	vpop (erf)  }
0x135: {  	v7 =	vld [tilespmem:s10+$0xFFFFFE60];
	[tilespmem:s23+$0xFFFFFFA0] =	vst v16;
	v6 =	vmul.f32 v6, v9;
	v8 =	vpop (erf)  }
0x136: {  	v9 =	vld [tilespmem:s22+$0xFFFFFF30];
	v13 =	vadd.f32 v13, v17;
	[tilespmem:s23+$0xFFFFFFB0] =	vst v4;
	v16 =	vmul.f32 v8, v10;
	v8 =	vpop (erf)  }
0x137: {  	v10 =	vld [tilespmem:s10+$0xFFFFFE80];
	[tilespmem:s23+$0xFFFFFFC0] =	vst v6;
	v6 =	vmul.f32 v8, v11;
	v8 =	vpop (erf)  }
0x138: {  	v11 =	vld [tilespmem:s22+$0xFFFFFF40];
	v15 =	vmul.f32 $2.000000030e-01, v13;
	v2 =	vmul.f32 v8, v2;
	[tilespmem:s23+$0xFFFFFFD0] =	vst v16;
	v4 =	vpop (erf)  }
0x139: {  	v8 =	vadd.f32 v14, v12;
	v12 =	vld [tilespmem:s10+$0xFFFFFEA0];
	[tilespmem:s23+$0xFFFFFFE0] =	vst v6;
	v4 =	vmul.f32 v4, v5  }
0x13a: {  	v5 =	vld [tilespmem:s22+$0xFFFFFF50];
	v6 =	vmax.f32 v13, v15;
	[tilespmem:s23+$0xFFFFFF10] =	vst v2  }
0x13b: {  	v2 =	vmul.f32 $2.000000030e-01, v8;
	v7 =	vadd.f32 v9, v7;
	v9 =	vld [tilespmem:s10+$0xFFFFFEC0];
	v6 =	vsub.f32 v6, v1;
	[tilespmem:s23+$0xFFFFFFF0] =	vst v4  }
0x13c: {  	v4 =	vld [tilespmem:s22+$0xFFFFFF60]  }
0x13d: {  	v13 =	vmul.f32 $2.000000030e-01, v7;
	v10 =	vadd.f32 v11, v10;
	v11 =	vld [tilespmem:s10+$0xFFFFFEE0];
	v6 =	vmul.f32 $1.442695020e+00, v6  }
0x13e: {  	v2 =	vmax.f32 v8, v2;
	v8 =	vld [tilespmem:s22+$0xFFFFFF70]  }
0x13f: {  	v14 =	vmul.f32 $2.000000030e-01, v10;
	v5 =	vadd.f32 v5, v12;
	v12 =	vld [tilespmem:s10+$0xFFFFFF00];
	(erf) = vpow2.f32 v6  }
0x140: {  	v2 =	vsub.f32 v2, v1;
	v6 =	vmax.f32 v7, v13;
	v7 =	vld [tilespmem:s22+$0xFFFFFF80]  }
0x141: {  	v10 =	vmax.f32 v10, v14;
	v13 =	vmul.f32 $2.000000030e-01, v5;
	v4 =	vadd.f32 v4, v9;
	v9 =	vld [tilespmem:s10+$0xFFFFFF20]  }
0x142: {  	v2 =	vmul.f32 $1.442695020e+00, v2;
	v6 =	vsub.f32 v6, v1;
	v10 =	vsub.f32 v10, v1;
	v14 =	vld [tilespmem:s22+$0xFFFFFF90]  }
0x143: {  	v5 =	vmax.f32 v5, v13;
	v13 =	vmul.f32 $2.000000030e-01, v4;
	v8 =	vadd.f32 v8, v11;
	v11 =	vld [tilespmem:s10+$0xFFFFFF40]  }
0x144: {  	v6 =	vmul.f32 $1.442695020e+00, v6;
	v10 =	vmul.f32 $1.442695020e+00, v10;
	v5 =	vsub.f32 v5, v1;
	v15 =	vld [tilespmem:s10+$0xFFFFFFF0]  }
0x145: {  	v4 =	vmax.f32 v4, v13;
	v13 =	vmul.f32 $2.000000030e-01, v8;
	v7 =	vadd.f32 v7, v12;
	v12 =	vld [tilespmem:s22+$0xFFFFFFA0]  }
0x146: {  	v5 =	vmul.f32 $1.442695020e+00, v5;
	v4 =	vsub.f32 v4, v1;
	v16 =	vld [tilespmem:s10+$0xFFFFFF60];
	(erf) = vpow2.f32 v2  }
0x147: {  	v2 =	vmax.f32 v8, v13;
	v8 =	vmul.f32 $2.000000030e-01, v7;
	v9 =	vadd.f32 v14, v9;
	v13 =	vld [tilespmem:s22+$0xFFFFFFB0]  }
0x148: {  	v4 =	vmul.f32 $1.442695020e+00, v4;
	v2 =	vsub.f32 v2, v1;
	v14 =	vld [tilespmem:s10+$0xFFFFFF80];
	(erf) = vpow2.f32 v6;
	v6 =	vpop (erf)  }
0x149: {  	v7 =	vmax.f32 v7, v8;
	v8 =	vmul.f32 $2.000000030e-01, v9;
	v17 =	vld [tilespmem:s22+$0xFFFFFFC0];
	v6 =	vmul.f32 v6, v15  }
0x14a: {  	s23 =	sadd.s32 $0x100, s23;
	v15 =	vmul.f32 $1.442695020e+00, v2;
	v2 =	vsub.f32 v7, v1;
	v7 =	vadd.f32 v12, v11;
	v11 =	vld [tilespmem:s10+$0xFFFFFFA0]  }
0x14b: {  	s11 =	simm.s32 $0x0;
	v8 =	vmax.f32 v9, v8;
	v9 =	vld [tilespmem:s22+$0xFFFFFFD0];
	[tilespmem:s23+$0x0] =	vst v6;
	(erf) = vpow2.f32 v10  }
0x14c: {  	v6 =	vsub.f32 v8, v1;
	v8 =	vmul.f32 $2.000000030e-01, v7;
	v10 =	vadd.f32 v13, v16;
	v12 =	vld [tilespmem:s10+$0xFFFFFFC0]  }
0x14d: {  	v13 =	vmul.f32 $1.442695020e+00, v2;
	v16 =	vld [tilespmem:s22+$0xFFFFFFE0];
	(erf) = vpow2.f32 v5  }
0x14e: {  	v2 =	vmax.f32 v7, v8;
	v5 =	vmul.f32 $2.000000030e-01, v10;
	v7 =	vadd.f32 v17, v14;
	v8 =	vld [tilespmem:s10+$0xFFFFFFE0]  }
0x14f: {  	v6 =	vmul.f32 $1.442695020e+00, v6;
	v19 =	vsub.f32 v2, v1;
	v17 =	vld [tilespmem:s22+$0xFFFFFFF0];
	v18 =	vpop (erf);
	(erf) = vpow2.f32 v4  }
0x150: {  	v4 =	vld [tilespmem:s10+$0xFFFFFE20];
	v5 =	vmax.f32 v10, v5;
	v10 =	vmul.f32 $2.000000030e-01, v7;
	v9 =	vadd.f32 v9, v11  }
0x151: {  	v2 =	vld [tilespmem:s10+$0xFFFFFE10];
	v11 =	vmul.f32 $1.442695020e+00, v19;
	v5 =	vsub.f32 v5, v1;
	v14 =	vpop (erf);
	(erf) = vpow2.f32 v15  }
0x152: {  	v15 =	vld [tilespmem:s10+$0xFFFFFE30];
	v7 =	vmax.f32 v7, v10;
	v10 =	vmul.f32 $2.000000030e-01, v9;
	v12 =	vadd.f32 v16, v12  }
0x153: {  	v16 =	vld [tilespmem:s10+$0xFFFFFE50];
	v5 =	vmul.f32 $1.442695020e+00, v5;
	v7 =	vsub.f32 v7, v1;
	(erf) = vpow2.f32 v13  }
0x154: {  	v19 =	vld [tilespmem:s10+$0xFFFFFE70];
	v9 =	vmax.f32 v9, v10;
	v10 =	vmul.f32 $2.000000030e-01, v12;
	v8 =	vadd.f32 v17, v8;
	v17 =	vpop (erf)  }
0x155: {  	v13 =	vadd.f32 v3, v4;
	v20 =	vld [tilespmem:s10+$0xFFFFFE90];
	v21 =	vmul.f32 $1.442695020e+00, v7;
	v4 =	vsub.f32 v9, v1  }
0x156: {  	v22 =	vld [tilespmem:s10+$0xFFFFFEB0];
	v7 =	vmax.f32 v12, v10;
	v9 =	vmul.f32 $2.000000030e-01, v8;
	v23 =	vpop (erf);
	(erf) = vpow2.f32 v6  }
0x157: {  	v6 =	vmul.f32 $2.000000030e-01, v13;
	v3 =	vld [tilespmem:s10+$0xFFFFFED0];
	v10 =	vmul.f32 $1.442695020e+00, v4;
	v7 =	vsub.f32 v7, v1  }
0x158: {  	v18 =	vmul.f32 v18, v15;
	v4 =	vld [tilespmem:s10+$0xFFFFFEF0];
	v8 =	vmax.f32 v8, v9;
	v15 =	vpop (erf);
	(erf) = vpow2.f32 v11  }
0x159: {  	v9 =	vmax.f32 v13, v6;
	v6 =	vld [tilespmem:s10+$0xFFFFFF10];
	v11 =	vmul.f32 $1.442695020e+00, v7;
	v24 =	vsub.f32 v8, v1  }
0x15a: {  	v14 =	vmul.f32 v14, v16;
	v9 =	vsub.f32 v9, v1;
	[tilespmem:s23+$0xFFFFFF20] =	vst v18;
	v8 =	vld [tilespmem:s10+$0xFFFFFF30];
	v12 =	vpop (erf);
	(erf) = vpow2.f32 v5  }
.Ltmp6:
0x15b: {  	v7 =	vld [tilespmem:s10+$0xFFFFFF50];
	v18 =	vmul.f32 $1.442695020e+00, v24;
	(erf) = vpow2.f32 v21;
	(pc) =	sbr.rel @p0 .LBB2_11-.Ltmp6, $4  }
0x15c: {  	v5 =	vmul.f32 $1.442695020e+00, v9;
	[tilespmem:s23+$0xFFFFFF30] =	vst v14;
	v9 =	vld [tilespmem:s10+$0xFFFFFF70];
	v13 =	vpop (erf);
	(erf) = vpow2.f32 v10  }
0x15d: {  	v17 =	vmul.f32 v17, v19;
	v10 =	vld [tilespmem:s10+$0xFFFFFF90];
	(erf) = vpow2.f32 v11  }
0x15e: {  	v14 =	vmul.f32 v23, v20;
	v11 =	vld [tilespmem:s10+$0xFFFFFFB0];
	(erf) = vpow2.f32 v5  }
0x15f: {  	v15 =	vmul.f32 v15, v22;
	[tilespmem:s23+$0xFFFFFF40] =	vst v17;
	v5 =	vld [tilespmem:s10+$0xFFFFFFD0];
	s10 =	sadd.s32 $0x200, s10;
	v16 =	vpop (erf);
	(erf) = vpow2.f32 v18  }
0x160: {  	[tilespmem:s23+$0xFFFFFF50] =	vst v14;
	v3 =	vmul.f32 v12, v3  }
0x161: {  	v4 =	vmul.f32 v13, v4;
	[tilespmem:s23+$0xFFFFFF60] =	vst v15  }
0x162: {  	v6 =	vmul.f32 v16, v6;
	v56 =	vpop (erf);
	[tilespmem:s23+$0xFFFFFF70] =	vst v3  }
0x163: {  	v3 =	vmul.f32 v56, v8;
	[tilespmem:s23+$0xFFFFFF80] =	vst v4;
	v57 =	vpop (erf)  }
0x164: {  	[tilespmem:s23+$0xFFFFFF90] =	vst v6;
	v4 =	vmul.f32 v57, v7;
	v58 =	vpop (erf)  }
0x165: {  	[tilespmem:s23+$0xFFFFFFA0] =	vst v3;
	v3 =	vmul.f32 v58, v9;
	v59 =	vpop (erf)  }
0x166: {  	[tilespmem:s23+$0xFFFFFFB0] =	vst v4;
	v60 =	vmul.f32 v59, v10;
	v61 =	vpop (erf)  }
0x167: {  	[tilespmem:s23+$0xFFFFFFC0] =	vst v3;
	v3 =	vmul.f32 v61, v11;
	v62 =	vpop (erf)  }
0x168: {  	v2 =	vmul.f32 v62, v2;
	[tilespmem:s23+$0xFFFFFFD0] =	vst v60;
	v63 =	vpop (erf)  }
0x169: {  	[tilespmem:s23+$0xFFFFFFE0] =	vst v3;
	v3 =	vmul.f32 v63, v5  }
0x16a: {  	[tilespmem:s23+$0xFFFFFF10] =	vst v2  }
0x16b: {  	[tilespmem:s23+$0xFFFFFFF0] =	vst v3  }
.LBB2_13:
0x16c: {  	v2 =	vld [tilespmem:s8+$0x0];
	s9 =	sshra.s32 s11, $0x2  }
0x16d: {  	v3 =	vld [tilespmem:s9+$0xA610];
	_ =	sdelay $0x4  }
0x16e: {  	v2 =	vadd.f32 v3, v2;
	_ =	sdelay $0x1  }
0x16f: {  	v3 =	vmul.f32 $2.000000030e-01, v2;
	_ =	sdelay $0x1  }
0x170: {  	v2 =	vmax.f32 v2, v3  }
0x171: {  	v2 =	vsub.f32 v2, v1;
	_ =	sdelay $0x1  }
0x172: {  	v2 =	vmul.f32 $1.442695020e+00, v2;
	_ =	sdelay $0x1  }
0x173: {  	(erf) = vpow2.f32 v2;
	_ =	sdelay $0x4  }
0x174: {  	v2 =	vld [tilespmem:s8+$0xFFFFFFF0];
	_ =	sdelay $0x1  }
0x175: {  	p0 =	sne.s32 s11, $0x300  }
.Ltmp7:
0x176: {  	_ = 	snop;
	(pc) =	sbr.rel @p0 .LBB2_13-.Ltmp7, $3  }
0x177: {  	v3 =	vpop (erf)  }
0x178: {  	v2 =	vmul.f32 v3, v2;
	_ =	sdelay $0x1  }
0x179: {  	s11 =	sadd.s32 $0x40, s11;
	s8 =	sadd.s32 $0x20, s8;
	[tilespmem:s9+$0xB5B0] =	vst v2  }
.Ltmp8:
0x17a: {  	(pc) =	sbr.rel @p1 .LBB2_16-.Ltmp8, $2  }
0x17b: {  	_ =	sdelay $0x2  }
0x17c: {  	s0 =	sadd.s32 $0x5080, s0  }
0x17d: {  	s8 =	sadd.s32 $0x2980, s30  }
0x17e: {  	[tilespmem:s29], [sflag:$0x2] =	stream.indirect.gather [hbm4b:s5+s24], $0x20, s8, s24, $0xb8;
	[tilespmem:$0xB690] =	vst v63  }
.Ltmp9:
0x17f: {  	_ = 	snop;
	(pc) =	sbr.rel .LBB2_6-.Ltmp9, $4  }
0x180: {  	s30 =	sadd.s32 $0x5180, s30  }
0x181: {  	[tilespmem:s31], [sflag:$0x2] =	stream.indirect.gather [hbm4b:s6+s24], $0x10, s30, s24, $0xb8;
	[tilespmem:$0xB690] =	vst v63  }
0x182: {  	s28 =	sadd.s32 $0x1, s28  }
0x183: {  	[spmem:s3] =	stream.indirect.scatter.add.f32 [tilespmem:s21], [sflag:$0x4], $0x10, s0, s24, $0xb8;
	[tilespmem:$0xB690] =	vst v63  }
.LBB2_17:
0x184: {  	_ =	sfence.sel $0x180000  }
0x185: {  	[bflag:$0x0] =	sbarrier.arrive $0xFFFF  }
0x186: {  	_ =	strace $0x9000004A  }
0x187: {  	s0 =	stileid.u32;
	[bflag:$0x2] =	sbarrier.arrive $0xFFFF  }
0x188: {  	p0 =	sne.s32 s0, $0x0;
	s0 =	rddreg [dreg:$0x3]  }
0x189: {  	s0 =	sadd.s32 @!p0 $0x100000, s0  }
0x18a: {  	[sflag:s0] =	ssyncadd.tile.s32 @!p0 $0x1;
	_ =	shalt  }
.Lfunc_end2:
_tile_overlayer_lowered:
.L_overlay_start_2:
0x18b: {  	(tag) =	ssettag $0x2  }
0x18c: {  	s0 =	rddreg [dreg:$0x0];
	s2 =	stileid.u32  }
0x18d: {  	s1 =	rddreg [dreg:$0x1];
	p0 =	sne.s32 s2, $0x0  }
0x18e: {  	s3 =	rddreg [dreg:$0x2];
	[bflag:$0x3] =	sbarrier.arrive $0xFFFF;
	s2 =	simm.s32 @!p0 $0x1C05  }
0x18f: {  	[timem:s3], [sflag:s2] =	dma.local @!p0 [hbm:s0], s1  }
0x190: {  	s0 =	simm.s32 @!p0 $0x5  }
0x191: {  	_ =	swait.ge @!p0 [sflag:s0], s1  }
0x192: {  	s1 =	ssub.s32 @!p0 $0x0, s1;
	[sflag:s0] =	ssyncset.done @!p0 $0x0  }
0x193: {  	[sflag:s0] =	ssyncadd.s32 @!p0 s1  }
0x194: {  	[bflag:$0x3] =	sbarrier.arrive $0xFFFF  }
0x195: {  	_ =	shalt  }

// kernel: kernel.7.cloned.1.call-start
scs
__scs_entry_jumppad:
0x0: {  	(pc) =	sbr.rel $0x88, $3  }
0x1: {  	(tag) =	ssettag $0x0;
	lr =	simm.s32 $0x1  }
0x2: {  	[smem:$0x3F97] =	sst lr;
	_ =	strace $0xD0000000  }
0x3: {  	_ = 	snop  }
0x4: {  	_ = 	snop  }
0x5: {  	_ = 	snop  }
0x6: {  	_ = 	snop  }
0x7: {  	_ = 	snop  }
__scs_overlays_trampoline_lowered:
0x8: {  	[smem:$0x3FA6] =	sst s0  }
0x9: {  	[smem:$0x3FA7] =	sst s1  }
0xa: {  	[smem:$0x3FA8] =	sst s2  }
0xb: {  	[smem:$0x3FA9] =	sst s3  }
0xc: {  	[smem:$0x3FAA] =	sst s4  }
0xd: {  	[smem:$0x3FAB] =	sst s5  }
0xe: {  	[smem:$0x3FAC] =	sst s6  }
0xf: {  	[smem:$0x3FAD] =	sst s7  }
0x10: {  	[smem:$0x3FAE] =	sst s8  }
0x11: {  	[smem:$0x3FAF] =	sst s9;
	s0 =	simm.s32 @!p0 $0x0  }
0x12: {  	s1 =	sld [smem:$0x3F95];
	s0 =	simm.s32 @p0 $0x1  }
0x13: {  	[smem:$0x3FB0] =	sst s0;
	s0 =	simm.s32 @!p1 $0x0  }
0x14: {  	s2 =	sld [smem:$0x3F94];
	s0 =	simm.s32 @p1 $0x1  }
0x15: {  	[smem:$0x3FB1] =	sst s0;
	s0 =	simm.s32 @!p2 $0x0  }
0x16: {  	s3 =	sld [smem:$0x3FDB];
	s0 =	simm.s32 @p2 $0x1  }
0x17: {  	s4 =	simm.s32 $0x1BF5;
	[smem:$0x3FB3] =	sst s0  }
0x18: {  	s0 =	sld [smem:$0x3F96];
	_ =	swait.ge [sflag:s4], $0x0  }
0x19: {  	s7 =	sld [smem:$0x3F97]  }
0x1a: {  	s8 =	sadd.s32 $0xFFFFE003, lr  }
0x1b: {  	s9 =	sadd.s32 $0xFFFFFEF7, lr;
	s5 =	simm.s32 $0xFFFFFFFF;
	p2 =	slt.u32 s8, $0xFFFFF086  }
0x1c: {  	p1 =	slt.u32 s9, $0xF7A;
	s5 =	simm.s32 @!p2 $0x0  }
0x1d: {  	s5 =	simm.s32 @p1 $0x1;
	p0 =	seq.s32 s7, s2  }
0x1e: {  	s7 =	smul.u32 @!p0 $0xF7A, s2;
	p2 =	seq.s32 @!p0 s5, $0x0  }
0x1f: {  	s9 =	smul.u32 $0xF7A, s1;
	s8 =	simm.s32 @!p0 $0x1BF5;
	p2 =	por !p2, p0  }
0x20: {  	[sflag:s8] =	ssyncset.s32 @!p0 $0xFFFFF086;
	s6 =	sadd.s32 @!p0 s3, s7;
	s7 =	simm.s32 @!p0 $0x108  }
0x21: {  	s3 =	sadd.s32 s3, s9;
	s6 =	sadd.s32 @!p0 $0x88, s6;
	s7 =	simm.s32 @p2 $0x1082  }
0x22: {  	[simem:s7], [sflag:s8] =	dma.local @!p0 [hbm:s6], $0xF7A  }
0x23: {  	s9 =	sor.u32 $0xD0000000, s2;
	s6 =	simm.s32 $0x108;
	_ =	swait.ge @!p0 [sflag:s8], $0x0  }
0x24: {  	s3 =	sadd.s32 $0x88, s3;
	s6 =	simm.s32 @!p1 $0x1082;
	[sflag:s4] =	ssyncset.s32 $0xFFFFF086  }
0x25: {  	[simem:s6], [sflag:s4] =	dma.local [hbm:s3], $0xF7A  }
0x26: {  	[smem:$0x3F97] =	sst s1;
	(tag) =	ssettag s2;
	_ =	strace s9  }
0x27: {  	s1 =	sld [smem:$0x3FA7]  }
0x28: {  	s2 =	sld [smem:$0x3FA8]  }
0x29: {  	s4 =	sld [smem:$0x3FAA]  }
0x2a: {  	p0 =	seq.s32 s5, $0x0;
	s5 =	sld [smem:$0x3FAB]  }
0x2b: {  	s6 =	sld [smem:$0x3FAC]  }
0x2c: {  	s7 =	sld [smem:$0x3FAD]  }
0x2d: {  	s3 =	simm.s32 $0x108;
	s8 =	sld [smem:$0x3FAE]  }
0x2e: {  	s3 =	simm.s32 @!p0 $0x1082;
	s9 =	sld [smem:$0x3FAF]  }
0x2f: {  	lr =	sadd.s32 s0, s3;
	s0 =	sld [smem:$0x3FA6]  }
0x30: {  	s3 =	sld [smem:$0x3FA9]  }
0x31: {  	[smem:$0x3FB2] =	sst s10  }
0x32: {  	s10 =	sld [smem:$0x3FB0];
	_ =	sdelay $0x3  }
0x33: {  	p0 =	seq.s32 s10, $0x1;
	s10 =	sld [smem:$0x3FB2];
	_ =	sdelay $0x3  }
0x34: {  	[smem:$0x3FB2] =	sst s10  }
0x35: {  	s10 =	sld [smem:$0x3FB1];
	_ =	sdelay $0x3  }
0x36: {  	p1 =	seq.s32 s10, $0x1;
	s10 =	sld [smem:$0x3FB2];
	_ =	sdelay $0x3  }
0x37: {  	[smem:$0x3FB2] =	sst s10  }
0x38: {  	s10 =	sld [smem:$0x3FB3]  }
0x39: {  	_ = 	snop;
	(pc) =	sbr.ind lr, $3  }
0x3a: {  	_ = 	snop  }
0x3b: {  	_ = 	snop  }
0x3c: {  	p2 =	seq.s32 s10, $0x1;
	s10 =	sld [smem:$0x3FB2]  }
0x3d: {  	_ =	shalt  }
0x3e: {  	_ =	shalt  }
0x3f: {  	_ =	shalt  }
0x40: {  	_ =	shalt  }
0x41: {  	_ =	shalt  }
0x42: {  	_ =	shalt  }
0x43: {  	_ =	shalt  }
0x44: {  	_ =	shalt  }
0x45: {  	_ =	shalt  }
0x46: {  	_ =	shalt  }
0x47: {  	_ =	shalt  }
0x48: {  	_ =	shalt  }
0x49: {  	_ =	shalt  }
0x4a: {  	_ =	shalt  }
0x4b: {  	_ =	shalt  }
0x4c: {  	_ =	shalt  }
0x4d: {  	_ =	shalt  }
0x4e: {  	_ =	shalt  }
0x4f: {  	_ =	shalt  }
0x50: {  	_ =	shalt  }
0x51: {  	_ =	shalt  }
0x52: {  	_ =	shalt  }
0x53: {  	_ =	shalt  }
0x54: {  	_ =	shalt  }
0x55: {  	_ =	shalt  }
0x56: {  	_ =	shalt  }
0x57: {  	_ =	shalt  }
0x58: {  	_ =	shalt  }
0x59: {  	_ =	shalt  }
0x5a: {  	_ =	shalt  }
0x5b: {  	_ =	shalt  }
0x5c: {  	_ =	shalt  }
0x5d: {  	_ =	shalt  }
0x5e: {  	_ =	shalt  }
0x5f: {  	_ =	shalt  }
0x60: {  	_ =	shalt  }
0x61: {  	_ =	shalt  }
0x62: {  	_ =	shalt  }
0x63: {  	_ =	shalt  }
0x64: {  	_ =	shalt  }
0x65: {  	_ =	shalt  }
0x66: {  	_ =	shalt  }
0x67: {  	_ =	shalt  }
0x68: {  	_ =	shalt  }
0x69: {  	_ =	shalt  }
0x6a: {  	_ =	shalt  }
0x6b: {  	_ =	shalt  }
0x6c: {  	_ =	shalt  }
0x6d: {  	_ =	shalt  }
0x6e: {  	_ =	shalt  }
0x6f: {  	_ =	shalt  }
0x70: {  	_ =	shalt  }
0x71: {  	_ =	shalt  }
0x72: {  	_ =	shalt  }
0x73: {  	_ =	shalt  }
0x74: {  	_ =	shalt  }
0x75: {  	_ =	shalt  }
0x76: {  	_ =	shalt  }
0x77: {  	_ =	shalt  }
0x78: {  	_ =	shalt  }
0x79: {  	_ =	shalt  }
0x7a: {  	_ =	shalt  }
0x7b: {  	_ =	shalt  }
0x7c: {  	_ =	shalt  }
0x7d: {  	_ =	shalt  }
0x7e: {  	_ =	shalt  }
0x7f: {  	_ =	shalt  }
0x80: {  	_ =	shalt  }
0x81: {  	_ =	shalt  }
0x82: {  	_ =	shalt  }
0x83: {  	_ =	shalt  }
0x84: {  	_ =	shalt  }
0x85: {  	_ =	shalt  }
0x86: {  	_ =	shalt  }
0x87: {  	_ =	shalt  }
.Lfunc_end0:
.L_simem_size_0:
called_computation_lowered:
.L_overlay_start_0:
0x88: {  	s2 =	sld [smem:$0x3FD9]  }
0x89: {  	s3 =	sld [smem:$0x3FFE];
	_ =	sdelay $0x1  }
0x8a: {  	s1 =	srdreg.scid  }
0x8b: {  	s0 =	sand.u32 $0x1, s1  }
0x8c: {  	s17 =	sshll.u32 s0, $0xA;
	s2 =	sadd.s32 s3, s2  }
0x8d: {  	s2 =	sadd.s32 s2, s17  }
0x8e: {  	[smem:$0x3FBE] =	sst s2  }
0x8f: {  	_ = 	snop  }
0x90: {  	s2 =	sld [smem:$0x3FD0];
	(tm) =	ssettm $0x1  }
0x91: {  	s18 =	sld [smem:$0x3FFB];
	_ =	sdelay $0x3  }
0x92: {  	_ =	strace s18  }
0x93: {  	s3 =	sld [smem:$0x3FFC];
	_ =	sdelay $0x3  }
0x94: {  	_ =	strace s3  }
0x95: {  	s3 =	sld [smem:$0x3FFD];
	_ =	sdelay $0x3  }
0x96: {  	_ =	strace s3  }
0x97: {  	_ =	strace $0x8FFFFFFF  }
0x98: {  	s19 =	sld [smem:$0x3FDB];
	_ =	sdelay $0x1  }
0x99: {  	s4 =	simm.s32 $_scs_section_size  }
0x9a: {  	s5 =	simm.s32 $_size__tile_overlayer_lowered;
	s6 =	simm.s32 $_tile_overlayer_lowered  }
0x9b: {  	s22 =	simm.s32 $0x1BFF;
	s21 =	sshll.u32 s6, $0x1;
	s3 =	sadd.s32 s4, s19  }
0x9c: {  	s7 =	simm.s32 $0x0;
	s20 =	sshll.u32 s5, $0x1;
	s5 =	sadd.s32 s21, s3  }
0x9d: {  	[timem:s7], [sflag:s22] =	dma.local [hbm:s5], s20  }
0x9e: {  	_ =	swait.ge [sflag:s22], s20  }
0x9f: {  	s4 =	ssub.s32 $0x0, s20;
	[sflag:s22] =	ssyncset.done $0x0  }
0xa0: {  	[sflag:s22] =	ssyncadd.s32 s4;
	_ =	sdelay $0x1  }
0xa1: {  	s23 =	simm.s32 $0x1B8B  }
0xa2: {  	_ =	swait.ge [sflag:s23], $0x1  }
0xa3: {  	[sflag:s23] =	ssyncset.done $0x0  }
0xa4: {  	s25 =	simm.s32 $0x1B8E;
	s24 =	sld [smem:$0x3FFE];
	[sflag:s23] =	ssyncadd.s32 $0xFFFFFFFF  }
0xa5: {  	s26 =	simm.s32 $execute0_lowered;
	[smem:$0x3FD2] =	sst s25  }
0xa6: {  	s5 =	sshll.u32 s26, $0x1;
	_ =	strace $0x80000046;
	[dreg:$0x1] =	wrdreg $0xFFFFFFFF  }
0xa7: {  	s28 =	simm.s32 $_size_execute0_lowered;
	s3 =	sadd.s32 s3, s5;
	[dreg:$0x0] =	wrdreg $0x0  }
0xa8: {  	s5 =	sshll.u32 s28, $0x1;
	[dreg:$0x2] =	wrdreg s3  }
0xa9: {  	[dreg:$0x3] =	wrdreg s5  }
0xaa: {  	[dreg:$0x4] =	wrdreg $0xC0  }
0xab: {  	_ =	task [dreg:s7], $0x5FFFF  }
0xac: {  	[dreg:$0x1] =	wrdreg $0xFFFFFFFF  }
0xad: {  	[dreg:$0x0] =	wrdreg $0x60  }
0xae: {  	[dreg:$0x2] =	wrdreg s24  }
0xaf: {  	[dreg:$0x3] =	wrdreg s2  }
0xb0: {  	[dreg:$0x4] =	wrdreg $0x0  }
0xb1: {  	[dreg:$0x5] =	wrdreg $0x9  }
0xb2: {  	_ =	task.clear_ibuf [dreg:s7], $0x6FFFF;
	_ =	strace $0x90000046  }
0xb3: {  	s29 =	simm.s32 $0x9;
	_ =	strace $0x80000048  }
0xb4: {  	_ =	swait.ge [sflag:s29], $0x1  }
0xb5: {  	[sflag:s29] =	ssyncadd.s32 $0xFFFFFFFF  }
0xb6: {  	_ =	strace $0x90000048  }
0xb7: {  	_ =	sfence  }
0xb8: {  	s30 =	sld [smem:$0x0];
	_ =	sdelay $0x2  }
0xb9: {  	s31 =	sshll.u32 s1, $0xD;
	s1 =	sshrl.u32 s1, $0x2  }
0xba: {  	s3 =	sand.u32 $0x4000, s31;
	s1 =	sadd.s32 s1, s30  }
0xbb: {  	s0 =	sor.u32 s3, s0;
	s1 =	sshll.u32 s1, $0x11  }
0xbc: {  	s0 =	sor.u32 s1, s0  }
0xbd: {  	s0 =	sadd.s32 $0x8F2B, s0  }
0xbe: {  	[sflag:s0] =	ssyncadd.remote.s32 $0x1  }
0xbf: {  	_ =	sfence.sel $0xFFFF  }
0xc0: {  	[dreg:$0x0] =	wrdreg $0xFFFFFFFF;
	(pc) =	sbr.abs _section_cstart, $3  }
0xc1: {  	[dreg:$0x1] =	wrdreg $0xFFFFFFFF  }
0xc2: {  	_ =	task.clear_ibuf [dreg:s7], $0x2FFFF;
	_ =	strace $0x9FFFFFFF  }
0xc3: {  	(tm) =	ssettm $0x7FFFFFFF  }
tec
execute0_lowered:
.L_overlay_start_1:
0x0: {  	(tag) =	ssettag $0x1  }
0x1: {  	s0 =	srdreg.scid  }
0x2: {  	s1 =	rddreg [dreg:$0x0];
	s5 =	stileid.u32  }
0x3: {  	s3 =	rddreg [dreg:$0x2];
	s4 =	simm.s32 $0x0;
	s19 =	simm.s32 $0x175C0  }
0x4: {  	s20 =	simm.s32 $0x5;
	s29 =	simm.s32 $0x13F10;
	s31 =	simm.s32 $0x16DF0  }
0x5: {  	s21 =	simm.s32 $0x19CD0;
	s0 =	sand.u32 $0x1, s0;
	s7 =	smul.u32 $0xC800, s5  }
0x6: {  	[smem:$0x7FF] =	sst s4;
	s9 =	smul.u32 $0x32000, s5;
	s6 =	sadd.s32 $0x16400, s1  }
0x7: {  	s2 =	sshll.u32 s0, $0x4;
	s8 =	smul.u32 $0xC8000, s0;
	_ =	strace $0x80000047  }
0x8: {  	s0 =	ssub.s32 $0x2, s0;
	s2 =	sor.u32 s5, s2;
	s5 =	sadd.s32 $0x1B400, s1  }
0x9: {  	s9 =	sshrl.u32 s9, $0x2;
	s22 =	sshrl.u32 s0, $0x1;
	s2 =	smul.u32 $0x500, s2  }
0xa: {  	s8 =	sadd.s32 s7, s8;
	s9 =	sadd.s32 s9, s3;
	s0 =	ssub.s32 s0, s22  }
0xb: {  	s7 =	sadd.s32 s7, s3;
	s8 =	sshrl.u32 s8, $0x3;
	s23 =	sadd.s32 $0x1900, s9  }
0xc: {  	s24 =	sadd.s32 $0x3200, s9;
	s25 =	sadd.s32 $0x4B00, s9;
	[dreg:$0x4] =	wrdreg s23  }
0xd: {  	s26 =	sadd.s32 $0x6400, s9;
	s28 =	sadd.s32 $0x7D00, s9;
	[dreg:$0x5] =	wrdreg s24  }
0xe: {  	s30 =	sadd.s32 $0x9600, s9;
	s14 =	sadd.s32 $0xAF00, s9;
	[dreg:$0x6] =	wrdreg s25  }
.Ltmp0:
0xf: {  	s18 =	smax.u32 s0, $0x1;
	[dreg:$0x7] =	wrdreg s26;
	(pc) =	sbr.rel .LBB2_1-.Ltmp0, $4  }
0x10: {  	s2 =	sadd.s32 s2, s1;
	s1 =	sadd.s32 s8, s1;
	[dreg:$0x8] =	wrdreg s28  }
0x11: {  	[dreg:$0x9] =	wrdreg s30;
	s24 =	simm.s32 $0x7D;
	s25 =	simm.s32 $0x3  }
0x12: {  	s26 =	simm.s32 $0x4;
	s15 =	sadd.s32 $0xC400, s2;
	s16 =	sadd.s32 $0x2400, s2  }
0x13: {  	v0 =	vimm.f32 $0.0e+00;
	s17 =	sadd.s32 $0x33C00, s1;
	s1 =	simm.s32 $0x1;
	s2 =	simm.s32 $0x2  }
.LBB2_16:
0x14: {  	[spmem:s3] =	stream.indirect.scatter.add.f32 [tilespmem:s21], [sflag:$0x4], $0x50, s0, s24, $0xb8;
	[tilespmem:$0x1C3F0] =	vst v63  }
0x15: {  	_ =	swait.ge [sflag:s25], $0x2710  }
0x16: {  	[sflag:s25] =	ssyncset.done $0x0  }
0x17: {  	[sflag:s25] =	ssyncadd.s32 $0xFFFFD8F0  }
0x18: {  	s30 =	stileid.u32;
	_ =	swait.ge [sflag:s26], $0x2710  }
0x19: {  	s8 =	sshrl.u32 s7, $0x3;
	s4 =	sadd.s32 $0x1, s4;
	[sflag:s26] =	ssyncset.done $0x0  }
0x1a: {  	s0 =	sshll.u32 s30, $0x6;
	p0 =	sne.s32 s4, s18;
	[sflag:s26] =	ssyncadd.s32 $0xFFFFD8F0  }
.Ltmp1:
0x1b: {  	s0 =	sor.u32 $0x1C05, s0;
	[bflag:$0x0] =	sbarrier.arrive $0xFFFF;
	(pc) =	sbr.rel @!p0 .LBB2_17-.Ltmp1, $4  }
0x1c: {  	[hbm:s17], [sflag:s0] =	dma.local [spmem:s8], $0x1900  }
0x1d: {  	_ =	swait.ge [sflag:s20], $0x1900  }
0x1e: {  	[sflag:s20] =	ssyncset.done $0x0  }
0x1f: {  	[sflag:s20] =	ssyncadd.s32 $0xFFFFE700  }
.LBB2_1:
0x20: {  	s0 =	simm.s32 $0x17700  }
0x21: {  	[tilespmem:s0+$0xFFFFFEC0] =	vst v0  }
0x22: {  	[tilespmem:s0+$0x130] =	vst v0  }
0x23: {  	[tilespmem:s0+$0x120] =	vst v0  }
0x24: {  	[tilespmem:s0+$0x110] =	vst v0  }
0x25: {  	[tilespmem:s0+$0x100] =	vst v0  }
0x26: {  	[tilespmem:s0+$0xF0] =	vst v0  }
0x27: {  	[tilespmem:s0+$0xE0] =	vst v0  }
0x28: {  	[tilespmem:s0+$0xD0] =	vst v0  }
0x29: {  	[tilespmem:s0+$0xC0] =	vst v0  }
0x2a: {  	[tilespmem:s0+$0xB0] =	vst v0  }
0x2b: {  	[tilespmem:s0+$0xA0] =	vst v0  }
0x2c: {  	[tilespmem:s0+$0x90] =	vst v0  }
0x2d: {  	[tilespmem:s0+$0x80] =	vst v0  }
0x2e: {  	[tilespmem:s0+$0x70] =	vst v0  }
0x2f: {  	[tilespmem:s0+$0x60] =	vst v0  }
0x30: {  	[tilespmem:s0+$0x50] =	vst v0  }
0x31: {  	[tilespmem:s0+$0x40] =	vst v0  }
0x32: {  	[tilespmem:s0+$0x30] =	vst v0  }
0x33: {  	[tilespmem:s0+$0x20] =	vst v0  }
0x34: {  	[tilespmem:s0+$0x10] =	vst v0  }
0x35: {  	[tilespmem:s0+$0x0] =	vst v0  }
0x36: {  	[tilespmem:s0+$0xFFFFFFF0] =	vst v0  }
0x37: {  	[tilespmem:s0+$0xFFFFFFE0] =	vst v0  }
0x38: {  	[tilespmem:s0+$0xFFFFFFD0] =	vst v0  }
0x39: {  	[tilespmem:s0+$0xFFFFFFC0] =	vst v0  }
0x3a: {  	[tilespmem:s0+$0xFFFFFFB0] =	vst v0  }
0x3b: {  	[tilespmem:s0+$0xFFFFFFA0] =	vst v0  }
0x3c: {  	[tilespmem:s0+$0xFFFFFF90] =	vst v0  }
0x3d: {  	[tilespmem:s0+$0xFFFFFF80] =	vst v0  }
0x3e: {  	[tilespmem:s0+$0xFFFFFF70] =	vst v0  }
0x3f: {  	[tilespmem:s0+$0xFFFFFF60] =	vst v0  }
0x40: {  	[tilespmem:s0+$0xFFFFFF50] =	vst v0  }
0x41: {  	[tilespmem:s0+$0xFFFFFF40] =	vst v0  }
0x42: {  	[tilespmem:s0+$0xFFFFFF30] =	vst v0  }
0x43: {  	[tilespmem:s0+$0xFFFFFF20] =	vst v0  }
0x44: {  	[tilespmem:s0+$0xFFFFFF10] =	vst v0  }
0x45: {  	[tilespmem:s0+$0xFFFFFF00] =	vst v0  }
0x46: {  	[tilespmem:s0+$0xFFFFFEF0] =	vst v0  }
0x47: {  	s8 =	simm.s32 $0x0;
	[tilespmem:s0+$0xFFFFFEE0] =	vst v0  }
.LBB2_2:
0x48: {  	s8 =	sadd.s32 $0x8, s8;
	[tilespmem:s0+$0xFFFFFED0] =	vst v0;
	s0 =	sadd.s32 $0x280, s0  }
0x49: {  	[tilespmem:s0+$0xFFFFFEC0] =	vst v0;
	p0 =	slt.u32 s8, $0x70  }
0x4a: {  	[tilespmem:s0+$0x130] =	vst v0  }
0x4b: {  	[tilespmem:s0+$0x120] =	vst v0  }
0x4c: {  	[tilespmem:s0+$0x110] =	vst v0  }
0x4d: {  	[tilespmem:s0+$0x100] =	vst v0  }
0x4e: {  	[tilespmem:s0+$0xF0] =	vst v0  }
0x4f: {  	[tilespmem:s0+$0xE0] =	vst v0  }
0x50: {  	[tilespmem:s0+$0xD0] =	vst v0  }
0x51: {  	[tilespmem:s0+$0xC0] =	vst v0  }
0x52: {  	[tilespmem:s0+$0xB0] =	vst v0  }
0x53: {  	[tilespmem:s0+$0xA0] =	vst v0  }
0x54: {  	[tilespmem:s0+$0x90] =	vst v0  }
0x55: {  	[tilespmem:s0+$0x80] =	vst v0  }
0x56: {  	[tilespmem:s0+$0x70] =	vst v0  }
0x57: {  	[tilespmem:s0+$0x60] =	vst v0  }
0x58: {  	[tilespmem:s0+$0x50] =	vst v0  }
0x59: {  	[tilespmem:s0+$0x40] =	vst v0  }
0x5a: {  	[tilespmem:s0+$0x30] =	vst v0  }
0x5b: {  	[tilespmem:s0+$0x20] =	vst v0  }
0x5c: {  	[tilespmem:s0+$0x10] =	vst v0  }
0x5d: {  	[tilespmem:s0+$0x0] =	vst v0  }
0x5e: {  	[tilespmem:s0+$0xFFFFFFF0] =	vst v0  }
0x5f: {  	[tilespmem:s0+$0xFFFFFFE0] =	vst v0  }
0x60: {  	[tilespmem:s0+$0xFFFFFFD0] =	vst v0  }
0x61: {  	[tilespmem:s0+$0xFFFFFFC0] =	vst v0  }
0x62: {  	[tilespmem:s0+$0xFFFFFFB0] =	vst v0  }
0x63: {  	[tilespmem:s0+$0xFFFFFFA0] =	vst v0  }
0x64: {  	[tilespmem:s0+$0xFFFFFF90] =	vst v0  }
0x65: {  	[tilespmem:s0+$0xFFFFFF80] =	vst v0  }
0x66: {  	[tilespmem:s0+$0xFFFFFF70] =	vst v0  }
0x67: {  	[tilespmem:s0+$0xFFFFFF60] =	vst v0  }
0x68: {  	[tilespmem:s0+$0xFFFFFF50] =	vst v0  }
0x69: {  	[tilespmem:s0+$0xFFFFFF40] =	vst v0  }
0x6a: {  	[tilespmem:s0+$0xFFFFFF30] =	vst v0  }
.Ltmp2:
0x6b: {  	[tilespmem:s0+$0xFFFFFF20] =	vst v0;
	(pc) =	sbr.rel @p0 .LBB2_2-.Ltmp2, $4  }
0x6c: {  	[tilespmem:s0+$0xFFFFFF10] =	vst v0  }
0x6d: {  	[tilespmem:s0+$0xFFFFFF00] =	vst v0  }
0x6e: {  	[tilespmem:s0+$0xFFFFFEF0] =	vst v0  }
0x6f: {  	[tilespmem:s0+$0xFFFFFEE0] =	vst v0  }
0x70: {  	[tilespmem:s0+$0xFFFFFED0] =	vst v0;
	s0 =	simm.s32 $0x0  }
.LBB2_4:
0x71: {  	s8 =	sshra.s32 s0, $0x2;
	p0 =	sne.s32 s0, $0x500  }
.Ltmp3:
0x72: {  	[tilespmem:s8+$0x19B40] =	vst v0;
	(pc) =	sbr.rel @p0 .LBB2_4-.Ltmp3, $4  }
0x73: {  	[tilespmem:s8+$0x19B50] =	vst v0  }
0x74: {  	[tilespmem:s8+$0x19B60] =	vst v0  }
0x75: {  	[tilespmem:s8+$0x19B70] =	vst v0  }
0x76: {  	s0 =	sadd.s32 $0x140, s0;
	[tilespmem:s8+$0x19B80] =	vst v0  }
0x77: {  	[spmem:s7] =	stream.linear.scatter [tilespmem:s19], [sflag:$0x5], $0x1900, $0x38;
	[tilespmem:$0x1C3F0] =	vst v63  }
0x78: {  	_ =	swait.ge [sflag:s20], $0x1900  }
0x79: {  	[sflag:s20] =	ssyncset.done $0x0  }
0x7a: {  	s0 =	rddreg [dreg:$0x4];
	[sflag:s20] =	ssyncadd.s32 $0xFFFFE700  }
0x7b: {  	[spmem:s0] =	stream.linear.scatter [tilespmem:s19], [sflag:$0x5], $0x1900, $0x38;
	[tilespmem:$0x1C3F0] =	vst v63  }
0x7c: {  	_ =	swait.ge [sflag:s20], $0x1900  }
0x7d: {  	[sflag:s20] =	ssyncset.done $0x0  }
0x7e: {  	s23 =	rddreg [dreg:$0x5];
	[sflag:s20] =	ssyncadd.s32 $0xFFFFE700  }
0x7f: {  	[spmem:s23] =	stream.linear.scatter [tilespmem:s19], [sflag:$0x5], $0x1900, $0x38;
	[tilespmem:$0x1C3F0] =	vst v63  }
0x80: {  	_ =	swait.ge [sflag:s20], $0x1900  }
0x81: {  	[sflag:s20] =	ssyncset.done $0x0  }
0x82: {  	s30 =	rddreg [dreg:$0x6];
	[sflag:s20] =	ssyncadd.s32 $0xFFFFE700  }
0x83: {  	[spmem:s30] =	stream.linear.scatter [tilespmem:s19], [sflag:$0x5], $0x1900, $0x38;
	[tilespmem:$0x1C3F0] =	vst v63  }
0x84: {  	_ =	swait.ge [sflag:s20], $0x1900  }
0x85: {  	[sflag:s20] =	ssyncset.done $0x0  }
0x86: {  	s8 =	rddreg [dreg:$0x7];
	[sflag:s20] =	ssyncadd.s32 $0xFFFFE700  }
0x87: {  	[spmem:s8] =	stream.linear.scatter [tilespmem:s19], [sflag:$0x5], $0x1900, $0x38;
	[tilespmem:$0x1C3F0] =	vst v63  }
0x88: {  	_ =	swait.ge [sflag:s20], $0x1900  }
0x89: {  	[sflag:s20] =	ssyncset.done $0x0  }
0x8a: {  	s9 =	rddreg [dreg:$0x8];
	[sflag:s20] =	ssyncadd.s32 $0xFFFFE700  }
0x8b: {  	[spmem:s9] =	stream.linear.scatter [tilespmem:s19], [sflag:$0x5], $0x1900, $0x38;
	[tilespmem:$0x1C3F0] =	vst v63  }
0x8c: {  	_ =	swait.ge [sflag:s20], $0x1900  }
0x8d: {  	[sflag:s20] =	ssyncset.done $0x0  }
0x8e: {  	s10 =	rddreg [dreg:$0x9];
	[sflag:s20] =	ssyncadd.s32 $0xFFFFE700  }
0x8f: {  	[spmem:s10] =	stream.linear.scatter [tilespmem:s19], [sflag:$0x5], $0x1900, $0x38;
	[tilespmem:$0x1C3F0] =	vst v63  }
0x90: {  	_ =	swait.ge [sflag:s20], $0x1900  }
0x91: {  	[sflag:s20] =	ssyncset.done $0x0  }
0x92: {  	[sflag:s20] =	ssyncadd.s32 $0xFFFFE700  }
0x93: {  	[spmem:s14] =	stream.linear.scatter [tilespmem:s19], [sflag:$0x5], $0x1900, $0x38;
	[tilespmem:$0x1C3F0] =	vst v63  }
0x94: {  	_ =	swait.ge [sflag:s20], $0x1900  }
0x95: {  	[sflag:s20] =	ssyncset.done $0x0  }
0x96: {  	[sflag:s20] =	ssyncadd.s32 $0xFFFFE700  }
0x97: {  	s28 =	simm.s32 $0x0;
	s8 =	simm.s32 $0x1C3E0;
	s11 =	rddreg [dreg:$0x1]  }
0x98: {  	[tilespmem:s8], [sflag:$0x5] =	stream.linear.gather [hbm4b:s11+s28], $0x10, $0x38;
	[tilespmem:$0x1C3F0] =	vst v63  }
0x99: {  	_ =	swait.ge [sflag:s20], $0x10  }
0x9a: {  	[sflag:s20] =	ssyncset.done $0x0  }
0x9b: {  	s12 =	simm.s32 $0xC800;
	[sflag:s20] =	ssyncadd.s32 $0xFFFFFFF0  }
0x9c: {  	[tilespmem:s12], [sflag:$0x5] =	stream.linear.gather [hbm4b:s15+s28], $0x2800, $0x38;
	[tilespmem:$0x1C3F0] =	vst v63  }
0x9d: {  	_ =	swait.ge [sflag:s20], $0x2800  }
0x9e: {  	[sflag:s20] =	ssyncset.done $0x0  }
0x9f: {  	s13 =	simm.s32 $0xF000;
	[sflag:s20] =	ssyncadd.s32 $0xFFFFD800  }
0xa0: {  	[tilespmem:s13], [sflag:$0x5] =	stream.linear.gather [hbm4b:s16+s28], $0x2800, $0x38;
	[tilespmem:$0x1C3F0] =	vst v63  }
0xa1: {  	_ =	swait.ge [sflag:s20], $0x2800  }
0xa2: {  	[sflag:s20] =	ssyncset.done $0x0  }
0xa3: {  	[sflag:s20] =	ssyncadd.s32 $0xFFFFD800  }
0xa4: {  	s9 =	simm.s32 $0x11800;
	[bflag:$0x0] =	sbarrier.arrive $0xFFFF  }
0xa5: {  	v1 =	vld [tilespmem:$0x1C3E0];
	[tilespmem:s9], [sflag:$0x1] =	stream.indirect.gather [hbm4b:s5+s24], $0x50, s12, s24, $0xb8  }
0xa6: {  	s22 =	simm.s32 $0x16620  }
0xa7: {  	[tilespmem:s22], [sflag:$0x1] =	stream.indirect.gather [hbm4b:s6+s24], $0x10, s13, s24, $0xb8;
	[tilespmem:$0x1C3F0] =	vst v63  }
0xa8: {  	s23 =	simm.s32 $0xC880  }
0xa9: {  	[tilespmem:s29], [sflag:$0x2] =	stream.indirect.gather [hbm4b:s5+s24], $0x50, s23, s24, $0xb8;
	[tilespmem:$0x1C3F0] =	vst v63  }
0xaa: {  	s30 =	simm.s32 $0xF080  }
0xab: {  	[tilespmem:s31], [sflag:$0x2] =	stream.indirect.gather [hbm4b:s6+s24], $0x10, s30, s24, $0xb8;
	[tilespmem:$0x1C3F0] =	vst v63  }
.LBB2_6:
0xac: {  	_ =	swait.ge [sflag:s1], $0x2710  }
0xad: {  	[sflag:s1] =	ssyncset.done $0x0  }
0xae: {  	[sflag:s1] =	ssyncadd.s32 $0xFFFFD8F0  }
0xaf: {  	_ =	swait.ge [sflag:s1], $0x7D0  }
0xb0: {  	p0 =	seq.s32 s28, $0x0;
	[sflag:s1] =	ssyncset.done $0x0  }
0xb1: {  	s0 =	simm.s32 @!p0 $0x3;
	[sflag:s1] =	ssyncadd.s32 $0xFFFFF830  }
0xb2: {  	_ =	swait.ge @!p0 [sflag:s0], $0x2710  }
0xb3: {  	[sflag:s0] =	ssyncset.done @!p0 $0x0  }
0xb4: {  	s11 =	simm.s32 $0x11940;
	[sflag:s0] =	ssyncadd.s32 @!p0 $0xFFFFD8F0  }
0xb5: {  	s23 =	simm.s32 $0x16660;
	v2 =	vld [tilespmem:s11+$0x130]  }
0xb6: {  	v3 =	vld [tilespmem:s23+$0x30]  }
0xb7: {  	v5 =	vld [tilespmem:s11+$0xFFFFFF50]  }
0xb8: {  	v6 =	vld [tilespmem:s23+$0xFFFFFFD0]  }
0xb9: {  	v7 =	vld [tilespmem:s11+$0xFFFFFFA0]  }
0xba: {  	v8 =	vld [tilespmem:s11+$0xFFFFFFF0]  }
0xbb: {  	v10 =	vld [tilespmem:s23+$0xFFFFFFF0];
	v2 =	vadd.f32 v3, v2  }
0xbc: {  	v3 =	vld [tilespmem:s23+$0xFFFFFFE0]  }
0xbd: {  	v11 =	vld [tilespmem:s11+$0x40];
	v9 =	vmul.f32 $2.000000030e-01, v2  }
0xbe: {  	v5 =	vadd.f32 v6, v5;
	v6 =	vld [tilespmem:s23+$0x0]  }
0xbf: {  	v2 =	vmax.f32 v2, v9  }
0xc0: {  	v12 =	vld [tilespmem:s23+$0x10];
	v2 =	vsub.f32 v2, v1  }
0xc1: {  	v9 =	vmul.f32 $2.000000030e-01, v5;
	v3 =	vadd.f32 v3, v7;
	v7 =	vld [tilespmem:s11+$0x90]  }
0xc2: {  	v4 =	vld [tilespmem:s23+$0xFFFFFFC0];
	v8 =	vadd.f32 v10, v8;
	v2 =	vmul.f32 $1.442695020e+00, v2  }
0xc3: {  	v10 =	vld [tilespmem:s11+$0xE0];
	v6 =	vadd.f32 v6, v11;
	v5 =	vmax.f32 v5, v9;
	v13 =	vmul.f32 $2.000000030e-01, v3  }
0xc4: {  	v9 =	vld [tilespmem:s23+$0x20];
	(erf) = vpow2.f32 v2;
	v2 =	vsub.f32 v5, v1  }
0xc5: {  	v11 =	vmul.f32 $2.000000030e-01, v6;
	v5 =	vld [tilespmem:s11+$0xFFFFFF00];
	v3 =	vmax.f32 v3, v13;
	v13 =	vmul.f32 $2.000000030e-01, v8  }
0xc6: {  	v7 =	vadd.f32 v12, v7;
	v2 =	vmul.f32 $1.442695020e+00, v2  }
0xc7: {  	v6 =	vmax.f32 v6, v11;
	v3 =	vsub.f32 v3, v1;
	v8 =	vmax.f32 v8, v13  }
0xc8: {  	v8 =	vsub.f32 v8, v1;
	(erf) = vpow2.f32 v2;
	v2 =	vmul.f32 $2.000000030e-01, v7  }
0xc9: {  	v6 =	vsub.f32 v6, v1;
	v9 =	vadd.f32 v9, v10;
	v3 =	vmul.f32 $1.442695020e+00, v3  }
0xca: {  	v4 =	vadd.f32 v4, v5;
	v5 =	vmul.f32 $1.442695020e+00, v8;
	v2 =	vmax.f32 v7, v2  }
0xcb: {  	s22 =	simm.s32 $0x11BC0;
	v6 =	vmul.f32 $1.442695020e+00, v6;
	v7 =	vmul.f32 $2.000000030e-01, v9;
	v2 =	vsub.f32 v2, v1  }
0xcc: {  	s8 =	simm.s32 $0x166E0;
	v18 =	vld [tilespmem:s22+$0x130];
	(erf) = vpow2.f32 v3;
	v3 =	vmul.f32 $2.000000030e-01, v4  }
0xcd: {  	v20 =	vld [tilespmem:s8+$0xFFFFFFC0];
	(erf) = vpow2.f32 v5;
	v7 =	vmax.f32 v9, v7;
	v2 =	vmul.f32 $1.442695020e+00, v2  }
0xce: {  	s0 =	simm.s32 $0x17700;
	v21 =	vld [tilespmem:s22+$0xFFFFFF50];
	v5 =	vpop (erf);
	v3 =	vmax.f32 v4, v3;
	v4 =	vsub.f32 v7, v1;
	(erf) = vpow2.f32 v6  }
0xcf: {  	v22 =	vld [tilespmem:s8+$0xFFFFFFD0];
	[tilespmem:s0+$0x130] =	vst v5;
	v3 =	vsub.f32 v3, v1;
	(erf) = vpow2.f32 v2  }
0xd0: {  	v7 =	vld [tilespmem:s11+$0xF0];
	v4 =	vmul.f32 $1.442695020e+00, v4  }
0xd1: {  	v23 =	vld [tilespmem:s22+$0xFFFFFFA0];
	v2 =	vmul.f32 $1.442695020e+00, v3;
	v6 =	vpop (erf)  }
0xd2: {  	v24 =	vld [tilespmem:s22+$0xFFFFFFF0];
	(erf) = vpow2.f32 v4;
	[tilespmem:s0+$0xFFFFFF50] =	vst v6  }
0xd3: {  	(erf) = vpow2.f32 v2;
	v2 =	vld [tilespmem:s11+$0xFFFFFF10]  }
0xd4: {  	v26 =	vld [tilespmem:s8+$0xFFFFFFF0]  }
0xd5: {  	v28 =	vld [tilespmem:s8+$0x10];
	v3 =	vmul.f32 v5, v7;
	v7 =	vpop (erf)  }
0xd6: {  	s9 =	simm.s32 $0x16760;
	v29 =	vld [tilespmem:s8+$0x20];
	v8 =	vpop (erf)  }
0xd7: {  	v35 =	vld [tilespmem:s9+$0x30];
	v11 =	vpop (erf)  }
0xd8: {  	v37 =	vld [tilespmem:s9+$0xFFFFFFD0];
	v2 =	vmul.f32 v6, v2;
	v10 =	vpop (erf)  }
0xd9: {  	v55 =	vld [tilespmem:s9+$0xFFFFFFF0];
	[tilespmem:s0+$0x90] =	vst v10  }
0xda: {  	[tilespmem:s0+$0xFFFFFF10] =	vst v2;
	v2 =	vld [tilespmem:s11+$0x50]  }
0xdb: {  	v56 =	vld [tilespmem:s9+$0x0]  }
0xdc: {  	[tilespmem:s0+$0xFFFFFFA0] =	vst v7;
	v15 =	vld [tilespmem:s11+$0xFFFFFF20]  }
0xdd: {  	[tilespmem:s0+$0xF0] =	vst v3;
	v4 =	vld [tilespmem:s11+$0xFFFFFF60]  }
0xde: {  	[tilespmem:s0+$0xFFFFFFF0] =	vst v8;
	v3 =	vld [tilespmem:s11+$0x100]  }
0xdf: {  	v13 =	vld [tilespmem:s11+$0xFFFFFFB0];
	[tilespmem:s0+$0x40] =	vst v11;
	v12 =	vpop (erf);
	v2 =	vmul.f32 v10, v2  }
0xe0: {  	v14 =	vld [tilespmem:s11+$0x0];
	[tilespmem:s0+$0xE0] =	vst v12  }
0xe1: {  	v21 =	vadd.f32 v22, v21;
	v22 =	vld [tilespmem:s22+$0x40];
	v9 =	vpop (erf);
	[tilespmem:s0+$0x50] =	vst v2;
	v2 =	vmul.f32 v6, v15  }
0xe2: {  	v24 =	vadd.f32 v26, v24;
	v26 =	vld [tilespmem:s22+$0xE0];
	v4 =	vmul.f32 v7, v4;
	[tilespmem:s0+$0xFFFFFF00] =	vst v9  }
0xe3: {  	v3 =	vmul.f32 v5, v3;
	[tilespmem:s0+$0xFFFFFF20] =	vst v2;
	v2 =	vld [tilespmem:s8+$0x30]  }
0xe4: {  	v16 =	vld [tilespmem:s11+$0xA0];
	v13 =	vmul.f32 v8, v13;
	[tilespmem:s0+$0xFFFFFF60] =	vst v4  }
0xe5: {  	v17 =	vld [tilespmem:s11+$0xFFFFFEC0];
	[tilespmem:s0+$0x100] =	vst v3;
	v3 =	vmul.f32 v11, v14  }
0xe6: {  	[tilespmem:s0+$0xFFFFFFB0] =	vst v13;
	v4 =	vld [tilespmem:s11+$0x110]  }
0xe7: {  	v13 =	vld [tilespmem:s11+$0xFFFFFFC0];
	[tilespmem:s0+$0x0] =	vst v3  }
0xe8: {  	v3 =	vld [tilespmem:s11+$0x10];
	v2 =	vadd.f32 v2, v18  }
0xe9: {  	v27 =	vmul.f32 $2.000000030e-01, v21;
	v18 =	vld [tilespmem:s8+$0xFFFFFFE0]  }
0xea: {  	v15 =	vld [tilespmem:s11+$0x60];
	v25 =	vmul.f32 $2.000000030e-01, v2  }
0xeb: {  	v21 =	vmax.f32 v21, v27;
	v14 =	vld [tilespmem:s11+$0xFFFFFF70];
	v17 =	vmul.f32 v9, v17  }
0xec: {  	v21 =	vsub.f32 v21, v1;
	v19 =	vld [tilespmem:s11+$0xFFFFFF30];
	v4 =	vmul.f32 v5, v4;
	v2 =	vmax.f32 v2, v25  }
0xed: {  	v13 =	vmul.f32 v8, v13;
	[tilespmem:s0+$0xFFFFFEC0] =	vst v17;
	v25 =	vld [tilespmem:s8+$0x0];
	v2 =	vsub.f32 v2, v1  }
0xee: {  	v21 =	vmul.f32 $1.442695020e+00, v21;
	v3 =	vmul.f32 v11, v3;
	[tilespmem:s0+$0x110] =	vst v4;
	v4 =	vld [tilespmem:s11+$0xFFFFFED0];
	v18 =	vadd.f32 v18, v23  }
0xef: {  	[tilespmem:s0+$0xFFFFFFC0] =	vst v13;
	v15 =	vmul.f32 v10, v15;
	v23 =	vld [tilespmem:s22+$0x90];
	v2 =	vmul.f32 $1.442695020e+00, v2  }
0xf0: {  	v16 =	vmul.f32 v12, v16;
	[tilespmem:s0+$0x10] =	vst v3;
	v3 =	vld [tilespmem:s11+$0xFFFFFFD0];
	v27 =	vmul.f32 $2.000000030e-01, v18  }
0xf1: {  	v14 =	vmul.f32 v7, v14;
	[tilespmem:s0+$0x60] =	vst v15;
	v15 =	vld [tilespmem:s11+$0x20];
	(erf) = vpow2.f32 v2  }
0xf2: {  	s8 =	simm.s32 $0x11E40;
	v2 =	vld [tilespmem:s22+$0xFFFFFF00];
	v18 =	vmax.f32 v18, v27;
	v27 =	vmul.f32 $2.000000030e-01, v24;
	v22 =	vadd.f32 v25, v22  }
0xf3: {  	v19 =	vmul.f32 v6, v19;
	v4 =	vmul.f32 v9, v4;
	v34 =	vld [tilespmem:s8+$0x130];
	v18 =	vsub.f32 v18, v1  }
0xf4: {  	v36 =	vld [tilespmem:s8+$0xFFFFFF50];
	v23 =	vadd.f32 v28, v23;
	v17 =	vmax.f32 v24, v27;
	v24 =	vmul.f32 $2.000000030e-01, v22  }
0xf5: {  	v3 =	vmul.f32 v8, v3;
	v53 =	vld [tilespmem:s8+$0xFFFFFFA0];
	(erf) = vpow2.f32 v21;
	v17 =	vsub.f32 v17, v1  }
0xf6: {  	[tilespmem:s0+$0xA0] =	vst v16;
	v57 =	vld [tilespmem:s8+$0x90];
	v18 =	vmul.f32 $1.442695020e+00, v18;
	v16 =	vmax.f32 v22, v24;
	v22 =	vmul.f32 $2.000000030e-01, v23  }
0xf7: {  	[tilespmem:s0+$0xFFFFFF70] =	vst v14;
	v25 =	vld [tilespmem:s11+$0xB0];
	v24 =	vadd.f32 v29, v26;
	v2 =	vadd.f32 v20, v2;
	v14 =	vmul.f32 $1.442695020e+00, v17  }
0xf8: {  	[tilespmem:s0+$0xFFFFFED0] =	vst v4;
	v16 =	vsub.f32 v16, v1;
	v17 =	vld [tilespmem:s11+$0xFFFFFF80];
	(erf) = vpow2.f32 v18;
	v13 =	vmax.f32 v23, v22  }
0xf9: {  	v20 =	vmul.f32 $2.000000030e-01, v24;
	v23 =	vld [tilespmem:s11+$0xFFFFFEE0];
	v18 =	vmul.f32 $2.000000030e-01, v2;
	v13 =	vsub.f32 v13, v1  }
0xfa: {  	v21 =	vld [tilespmem:s11+$0x120];
	v16 =	vmul.f32 $1.442695020e+00, v16;
	(erf) = vpow2.f32 v14  }
0xfb: {  	s23 =	simm.s32 $0x17980;
	[tilespmem:s0+$0xFFFFFF30] =	vst v19;
	v22 =	vld [tilespmem:s11+$0x70];
	v20 =	vmax.f32 v24, v20;
	v14 =	vpop (erf);
	v2 =	vmax.f32 v2, v18;
	v13 =	vmul.f32 $1.442695020e+00, v13  }
0xfc: {  	v18 =	vsub.f32 v20, v1;
	(erf) = vpow2.f32 v16;
	v16 =	vmul.f32 v12, v25;
	v20 =	vld [tilespmem:s11+$0xFFFFFF40];
	[tilespmem:s23+$0x130] =	vst v14  }
0xfd: {  	[tilespmem:s0+$0xFFFFFFD0] =	vst v3;
	v17 =	vmul.f32 v7, v17;
	v19 =	vld [tilespmem:s22+$0xF0]  }
0xfe: {  	v25 =	vld [tilespmem:s11+$0xFFFFFFE0];
	v2 =	vsub.f32 v2, v1;
	(erf) = vpow2.f32 v13;
	[tilespmem:s0+$0xB0] =	vst v16;
	v3 =	vmul.f32 v9, v23  }
0xff: {  	v4 =	vmul.f32 $1.442695020e+00, v18;
	v24 =	vld [tilespmem:s11+$0xC0];
	[tilespmem:s0+$0xFFFFFF80] =	vst v17  }
0x100: {  	v2 =	vmul.f32 $1.442695020e+00, v2;
	v13 =	vpop (erf);
	v17 =	vld [tilespmem:s11+$0xFFFFFF90];
	[tilespmem:s0+$0xFFFFFEE0] =	vst v3  }
0x101: {  	(erf) = vpow2.f32 v4;
	[tilespmem:s23+$0xFFFFFF50] =	vst v13;
	v27 =	vld [tilespmem:s11+$0xFFFFFEF0]  }
0x102: {  	(erf) = vpow2.f32 v2;
	v18 =	vpop (erf);
	v4 =	vld [tilespmem:s22+$0xFFFFFF10];
	v2 =	vmul.f32 v14, v19  }
0x103: {  	v8 =	vmul.f32 v25, v8;
	v25 =	vld [tilespmem:s8+$0xFFFFFFF0];
	[tilespmem:s23+$0xFFFFFFA0] =	vst v18  }
0x104: {  	v15 =	vmul.f32 v11, v15;
	v23 =	vld [tilespmem:s22+$0xFFFFFF60];
	v16 =	vpop (erf);
	[tilespmem:s23+$0xF0] =	vst v2  }
0x105: {  	[tilespmem:s23+$0xFFFFFFF0] =	vst v16;
	v19 =	vld [tilespmem:s22+$0x100]  }
0x106: {  	[tilespmem:s0+$0x20] =	vst v15;
	v6 =	vmul.f32 v20, v6;
	v26 =	vld [tilespmem:s22+$0xFFFFFFB0];
	v2 =	vpop (erf)  }
0x107: {  	v20 =	vadd.f32 v35, v34;
	v7 =	vmul.f32 v17, v7;
	v17 =	vld [tilespmem:s9+$0xFFFFFFE0];
	v3 =	vmul.f32 v13, v4;
	[tilespmem:s23+$0x40] =	vst v2;
	v4 =	vpop (erf)  }
0x108: {  	v5 =	vmul.f32 v21, v5;
	v9 =	vmul.f32 v27, v9;
	v28 =	vld [tilespmem:s22+$0x0];
	[tilespmem:s23+$0x90] =	vst v4  }
0x109: {  	v27 =	vmul.f32 $2.000000030e-01, v20;
	v23 =	vmul.f32 v18, v23;
	[tilespmem:s23+$0xFFFFFF10] =	vst v3;
	v29 =	vld [tilespmem:s22+$0x50]  }
0x10a: {  	[tilespmem:s0+$0x120] =	vst v5;
	v30 =	vld [tilespmem:s22+$0xFFFFFF20];
	v31 =	vmul.f32 v14, v19  }
0x10b: {  	v20 =	vmax.f32 v20, v27;
	v27 =	vld [tilespmem:s8+$0x40];
	[tilespmem:s23+$0xFFFFFF60] =	vst v23;
	v3 =	vpop (erf)  }
0x10c: {  	v26 =	vmul.f32 v16, v26;
	v19 =	vpop (erf);
	[tilespmem:s23+$0x100] =	vst v31;
	v31 =	vld [tilespmem:s22+$0xFFFFFF70]  }
0x10d: {  	[tilespmem:s23+$0xFFFFFF00] =	vst v19;
	v23 =	vmul.f32 v2, v28;
	v28 =	vld [tilespmem:s22+$0x110]  }
0x10e: {  	[tilespmem:s23+$0xFFFFFFB0] =	vst v26;
	v33 =	vld [tilespmem:s22+$0xFFFFFEC0];
	v26 =	vmul.f32 v4, v29  }
0x10f: {  	v29 =	vmul.f32 v13, v30;
	v30 =	vld [tilespmem:s22+$0xFFFFFFC0];
	[tilespmem:s23+$0x0] =	vst v23  }
0x110: {  	v23 =	vld [tilespmem:s22+$0x10];
	[tilespmem:s23+$0x50] =	vst v26  }
0x111: {  	[tilespmem:s23+$0xFFFFFF20] =	vst v29;
	v26 =	vld [tilespmem:s22+$0x60];
	v31 =	vmul.f32 v18, v31  }
0x112: {  	v22 =	vmul.f32 v10, v22;
	v20 =	vsub.f32 v20, v1;
	[tilespmem:s23+$0xE0] =	vst v3;
	v29 =	vld [tilespmem:s22+$0xFFFFFF30];
	v28 =	vmul.f32 v14, v28  }
0x113: {  	v58 =	vld [tilespmem:s8+$0xE0];
	v54 =	vadd.f32 v37, v36;
	v5 =	vmul.f32 v12, v24;
	v24 =	vmul.f32 v19, v33;
	[tilespmem:s23+$0xFFFFFF70] =	vst v31  }
0x114: {  	v17 =	vadd.f32 v17, v53;
	v20 =	vmul.f32 $1.442695020e+00, v20;
	v32 =	vld [tilespmem:s22+$0xA0];
	v30 =	vmul.f32 v16, v30;
	[tilespmem:s23+$0x110] =	vst v28  }
0x115: {  	v25 =	vadd.f32 v55, v25;
	v31 =	vld [tilespmem:s9+$0x10];
	[tilespmem:s23+$0xFFFFFEC0] =	vst v24;
	v24 =	vmul.f32 $2.000000030e-01, v54;
	v23 =	vmul.f32 v2, v23  }
0x116: {  	(erf) = vpow2.f32 v20;
	v27 =	vadd.f32 v56, v27;
	v28 =	vld [tilespmem:s22+$0x120];
	[tilespmem:s23+$0xFFFFFFC0] =	vst v30;
	v30 =	vmul.f32 $2.000000030e-01, v17  }
0x117: {  	v20 =	vld [tilespmem:s9+$0x20];
	v26 =	vmul.f32 v4, v26;
	v24 =	vmax.f32 v54, v24;
	[tilespmem:s23+$0x10] =	vst v23;
	v23 =	vmul.f32 v13, v29  }
0x118: {  	v21 =	vld [tilespmem:s9+$0xFFFFFFC0];
	[tilespmem:s0+$0x70] =	vst v22;
	v24 =	vsub.f32 v24, v1;
	v17 =	vmax.f32 v17, v30;
	v29 =	vmul.f32 $2.000000030e-01, v25  }
0x119: {  	v32 =	vmul.f32 v3, v32;
	[tilespmem:s23+$0x60] =	vst v26;
	v26 =	vld [tilespmem:s8+$0xFFFFFF00];
	v17 =	vsub.f32 v17, v1  }
0x11a: {  	[tilespmem:s23+$0xFFFFFF30] =	vst v23;
	v23 =	vmul.f32 $1.442695020e+00, v24;
	v15 =	vmax.f32 v25, v29;
	v25 =	vmul.f32 $2.000000030e-01, v27  }
0x11b: {  	[tilespmem:s0+$0xFFFFFF40] =	vst v6;
	v24 =	vld [tilespmem:s22+$0xFFFFFED0];
	v14 =	vmul.f32 v28, v14;
	v28 =	vadd.f32 v31, v57;
	v15 =	vsub.f32 v15, v1  }
0x11c: {  	v20 =	vadd.f32 v20, v58;
	[tilespmem:s23+$0xA0] =	vst v32;
	v22 =	vld [tilespmem:s22+$0xFFFFFF80];
	v17 =	vmul.f32 $1.442695020e+00, v17;
	(erf) = vpow2.f32 v23  }
0x11d: {  	v29 =	vld [tilespmem:s22+$0xB0];
	[tilespmem:s23+$0x120] =	vst v14;
	v14 =	vmax.f32 v27, v25;
	v23 =	vmul.f32 $2.000000030e-01, v28;
	v15 =	vmul.f32 $1.442695020e+00, v15  }
0x11e: {  	[tilespmem:s0+$0xC0] =	vst v5;
	v25 =	vld [tilespmem:s22+$0xFFFFFFD0];
	(erf) = vpow2.f32 v17;
	v5 =	vadd.f32 v21, v26;
	v14 =	vsub.f32 v14, v1  }
0x11f: {  	[tilespmem:s0+$0xFFFFFEF0] =	vst v9;
	v27 =	vld [tilespmem:s22+$0xFFFFFF40];
	v9 =	vmax.f32 v28, v23;
	v23 =	vmul.f32 $2.000000030e-01, v20;
	(erf) = vpow2.f32 v15  }
0x120: {  	[tilespmem:s0+$0xFFFFFFE0] =	vst v8;
	v21 =	vld [tilespmem:s22+$0x20];
	v15 =	vmul.f32 v19, v24;
	v6 =	vmul.f32 $2.000000030e-01, v5  }
0x121: {  	[tilespmem:s0+$0xFFFFFF90] =	vst v7;
	v26 =	vld [tilespmem:s22+$0x70];
	v17 =	vmul.f32 $1.442695020e+00, v14;
	v9 =	vsub.f32 v9, v1  }
0x122: {  	s10 =	simm.s32 $0x17C00;
	v24 =	vld [tilespmem:s11+$0x80];
	v7 =	vmax.f32 v20, v23;
	[tilespmem:s23+$0xFFFFFED0] =	vst v15;
	v15 =	vmul.f32 v3, v29;
	v14 =	vpop (erf);
	v5 =	vmax.f32 v5, v6  }
0x123: {  	v6 =	vmul.f32 $1.442695020e+00, v9;
	v7 =	vsub.f32 v7, v1;
	v8 =	vld [tilespmem:s22+$0xFFFFFEE0];
	[tilespmem:s10+$0x130] =	vst v14;
	v5 =	vsub.f32 v5, v1  }
0x124: {  	(erf) = vpow2.f32 v17;
	v17 =	vmul.f32 v18, v22;
	v9 =	vld [tilespmem:s8+$0xF0]  }
0x125: {  	v23 =	vld [tilespmem:s11+$0x30];
	v7 =	vmul.f32 $1.442695020e+00, v7;
	(erf) = vpow2.f32 v6  }
0x126: {  	v22 =	vld [tilespmem:s11+$0xD0];
	[tilespmem:s23+$0xB0] =	vst v15;
	v6 =	vmul.f32 $1.442695020e+00, v5  }
0x127: {  	v28 =	vld [tilespmem:s22+$0xC0];
	[tilespmem:s23+$0xFFFFFF80] =	vst v17;
	(erf) = vpow2.f32 v7;
	v7 =	vmul.f32 v16, v25;
	v5 =	vpop (erf)  }
0x128: {  	v25 =	vld [tilespmem:s22+$0xFFFFFF90];
	(erf) = vpow2.f32 v6;
	v17 =	vmul.f32 v19, v8;
	[tilespmem:s10+$0xFFFFFF50] =	vst v5  }
0x129: {  	[tilespmem:s23+$0xFFFFFFD0] =	vst v7;
	v15 =	vld [tilespmem:s8+$0xFFFFFF10];
	v9 =	vmul.f32 v14, v9  }
0x12a: {  	v29 =	vld [tilespmem:s22+$0xFFFFFFE0];
	[tilespmem:s23+$0xFFFFFEE0] =	vst v17  }
0x12b: {  	v6 =	vpop (erf);
	v60 =	vld [tilespmem:s22+$0xFFFFFEF0];
	[tilespmem:s10+$0xF0] =	vst v9  }
0x12c: {  	[tilespmem:s10+$0xFFFFFFA0] =	vst v6;
	v7 =	vpop (erf);
	v31 =	vld [tilespmem:s8+$0x100]  }
0x12d: {  	v30 =	vld [tilespmem:s8+$0xFFFFFF60];
	[tilespmem:s10+$0xFFFFFFF0] =	vst v7;
	v8 =	vpop (erf)  }
0x12e: {  	v59 =	vld [tilespmem:s8+$0xFFFFFFB0];
	[tilespmem:s10+$0x40] =	vst v8;
	v9 =	vpop (erf);
	v15 =	vmul.f32 v5, v15  }
0x12f: {  	v61 =	vld [tilespmem:s8+$0x0];
	[tilespmem:s10+$0x90] =	vst v9  }
0x130: {  	v20 =	vmul.f32 v27, v13;
	v27 =	vld [tilespmem:s8+$0x50];
	v13 =	vpop (erf);
	[tilespmem:s10+$0xFFFFFF10] =	vst v15  }
0x131: {  	v17 =	vmul.f32 v23, v11;
	[tilespmem:s10+$0xE0] =	vst v13;
	v11 =	vpop (erf);
	v62 =	vld [tilespmem:s8+$0xFFFFFF20];
	v23 =	vmul.f32 v14, v31  }
0x132: {  	v15 =	vmul.f32 v24, v10;
	v24 =	vmul.f32 v6, v30;
	[tilespmem:s10+$0xFFFFFF00] =	vst v11;
	v30 =	vld [tilespmem:s8+$0xA0]  }
0x133: {  	v10 =	vmul.f32 v22, v12;
	v22 =	vmul.f32 v7, v59;
	v31 =	vld [tilespmem:s8+$0xFFFFFEC0];
	[tilespmem:s10+$0x100] =	vst v23  }
0x134: {  	v12 =	vmul.f32 v25, v18;
	[tilespmem:s10+$0xFFFFFF60] =	vst v24;
	v24 =	vmul.f32 v8, v61;
	v63 =	vld [tilespmem:s8+$0x110]  }
0x135: {  	v18 =	vmul.f32 v2, v21;
	[tilespmem:s10+$0xFFFFFFB0] =	vst v22;
	v23 =	vld [tilespmem:s8+$0xFFFFFF70];
	v27 =	vmul.f32 v9, v27  }
0x136: {  	v21 =	vmul.f32 v4, v26;
	[tilespmem:s10+$0x0] =	vst v24;
	v25 =	vld [tilespmem:s8+$0xFFFFFFC0];
	v26 =	vmul.f32 v5, v62  }
0x137: {  	v22 =	vmul.f32 v3, v28;
	v24 =	vld [tilespmem:s8+$0x10];
	[tilespmem:s10+$0x50] =	vst v27;
	v28 =	vmul.f32 v13, v30  }
0x138: {  	v16 =	vmul.f32 v29, v16;
	v29 =	vmul.f32 v11, v31;
	[tilespmem:s10+$0xFFFFFF20] =	vst v26;
	v26 =	vld [tilespmem:s8+$0x60]  }
0x139: {  	s30 =	sshll.u32 s28, $0x8;
	s12 =	simm.s32 $0x120C0;
	s11 =	simm.s32 $0x10;
	v19 =	vmul.f32 v60, v19;
	[tilespmem:s10+$0xA0] =	vst v28;
	v27 =	vld [tilespmem:s8+$0xFFFFFF30];
	v28 =	vmul.f32 v14, v63  }
.LBB2_7:
0x13a: {  	v30 =	vld [tilespmem:s12+$0x130];
	[tilespmem:s10+$0xFFFFFEC0] =	vst v29;
	v23 =	vmul.f32 v6, v23;
	s9 =	sadd.s32 $0x80, s9  }
0x13b: {  	s11 =	sadd.s32 $0x8, s11;
	v29 =	vld [tilespmem:s9+$0x30];
	v25 =	vmul.f32 v7, v25;
	[tilespmem:s10+$0x110] =	vst v28  }
0x13c: {  	p1 =	slt.u32 s11, $0x70;
	[tilespmem:s10+$0xFFFFFF70] =	vst v23;
	v23 =	vmul.f32 v8, v24;
	v24 =	vld [tilespmem:s8+$0x120]  }
0x13d: {  	v28 =	vld [tilespmem:s9+$0xFFFFFFC0];
	[tilespmem:s10+$0xFFFFFFC0] =	vst v25;
	v25 =	vmul.f32 v9, v26  }
0x13e: {  	v26 =	vld [tilespmem:s12+$0xFFFFFF50];
	v27 =	vmul.f32 v5, v27;
	[tilespmem:s10+$0x10] =	vst v23  }
0x13f: {  	v23 =	vld [tilespmem:s9+$0xFFFFFFD0];
	[tilespmem:s10+$0x60] =	vst v25  }
0x140: {  	v25 =	vld [tilespmem:s12+$0xFFFFFFA0];
	v29 =	vadd.f32 v29, v30;
	[tilespmem:s10+$0xFFFFFF30] =	vst v27  }
0x141: {  	v27 =	vld [tilespmem:s9+$0xFFFFFFE0];
	v14 =	vmul.f32 v24, v14;
	[tilespmem:s23+$0x20] =	vst v18  }
0x142: {  	v18 =	vld [tilespmem:s12+$0xFFFFFFF0];
	v24 =	vmul.f32 $2.000000030e-01, v29;
	[tilespmem:s23+$0x70] =	vst v21  }
0x143: {  	v21 =	vld [tilespmem:s9+$0xFFFFFFF0];
	[tilespmem:s10+$0x120] =	vst v14  }
0x144: {  	v14 =	vadd.f32 v23, v26;
	v23 =	vld [tilespmem:s12+$0x40];
	v24 =	vmax.f32 v29, v24;
	[tilespmem:s23+$0xC0] =	vst v22  }
0x145: {  	v22 =	vld [tilespmem:s9+$0x0];
	v24 =	vsub.f32 v24, v1;
	[tilespmem:s23+$0xFFFFFEF0] =	vst v19  }
0x146: {  	v19 =	vmul.f32 $2.000000030e-01, v14;
	v25 =	vadd.f32 v27, v25;
	v26 =	vld [tilespmem:s12+$0x90];
	[tilespmem:s23+$0xFFFFFF40] =	vst v20  }
0x147: {  	v20 =	vld [tilespmem:s9+$0x10];
	v24 =	vmul.f32 $1.442695020e+00, v24;
	[tilespmem:s23+$0xFFFFFF90] =	vst v12  }
0x148: {  	v12 =	vmax.f32 v14, v19;
	v14 =	vmul.f32 $2.000000030e-01, v25;
	v18 =	vadd.f32 v21, v18;
	v19 =	vld [tilespmem:s12+$0xE0];
	[tilespmem:s23+$0xFFFFFFE0] =	vst v16  }
0x149: {  	v12 =	vsub.f32 v12, v1;
	v16 =	vld [tilespmem:s9+$0x20];
	(erf) = vpow2.f32 v24;
	[tilespmem:s0+$0x30] =	vst v17  }
0x14a: {  	v17 =	vld [tilespmem:s12+$0xFFFFFF00];
	v14 =	vmax.f32 v25, v14;
	v21 =	vmul.f32 $2.000000030e-01, v18;
	v22 =	vadd.f32 v22, v23;
	[tilespmem:s0+$0x80] =	vst v15  }
0x14b: {  	v12 =	vmul.f32 $1.442695020e+00, v12;
	v14 =	vsub.f32 v14, v1;
	v15 =	vld [tilespmem:s8+$0xFFFFFED0];
	[tilespmem:s0+$0xD0] =	vst v10;
	s0 =	smov.u32 s23;
	s23 =	smov.u32 s10  }
0x14c: {  	v10 =	vmax.f32 v18, v21;
	v18 =	vmul.f32 $2.000000030e-01, v22;
	v20 =	vadd.f32 v20, v26;
	v21 =	vld [tilespmem:s8+$0xB0]  }
0x14d: {  	v14 =	vmul.f32 $1.442695020e+00, v14;
	v10 =	vsub.f32 v10, v1;
	(erf) = vpow2.f32 v12;
	v12 =	vld [tilespmem:s8+$0xFFFFFF80]  }
0x14e: {  	v18 =	vmax.f32 v22, v18;
	v22 =	vmul.f32 $2.000000030e-01, v20;
	v16 =	vadd.f32 v16, v19;
	v19 =	vld [tilespmem:s8+$0xFFFFFFD0]  }
0x14f: {  	v17 =	vadd.f32 v28, v17;
	v10 =	vmul.f32 $1.442695020e+00, v10;
	v18 =	vsub.f32 v18, v1;
	v23 =	vld [tilespmem:s8+$0x20]  }
0x150: {  	v20 =	vmax.f32 v20, v22;
	v22 =	vmul.f32 $2.000000030e-01, v16;
	(erf) = vpow2.f32 v14;
	v24 =	vld [tilespmem:s8+$0x70]  }
0x151: {  	v25 =	vmul.f32 $2.000000030e-01, v17;
	v18 =	vmul.f32 $1.442695020e+00, v18;
	v20 =	vsub.f32 v20, v1;
	v26 =	vld [tilespmem:s8+$0xFFFFFF40]  }
0x152: {  	s10 =	sadd.s32 $0x280, s10;
	v16 =	vmax.f32 v16, v22;
	(erf) = vpow2.f32 v10;
	v14 =	vpop (erf);
	v10 =	vmul.f32 v11, v15;
	v15 =	vld [tilespmem:s22+$0x30]  }
0x153: {  	v17 =	vmax.f32 v17, v25;
	v20 =	vmul.f32 $1.442695020e+00, v20;
	v16 =	vsub.f32 v16, v1;
	[tilespmem:s10+$0x130] =	vst v14;
	v22 =	vld [tilespmem:s22+$0x80]  }
0x154: {  	v17 =	vsub.f32 v17, v1;
	v25 =	vld [tilespmem:s12+$0xF0];
	(erf) = vpow2.f32 v18;
	[tilespmem:s23+$0xFFFFFED0] =	vst v10;
	v10 =	vmul.f32 v13, v21  }
0x155: {  	v16 =	vmul.f32 $1.442695020e+00, v16;
	(erf) = vpow2.f32 v20;
	v20 =	vld [tilespmem:s8+$0xFFFFFEE0]  }
0x156: {  	v12 =	vmul.f32 v6, v12;
	v17 =	vmul.f32 $1.442695020e+00, v17;
	v27 =	vpop (erf);
	[tilespmem:s23+$0xB0] =	vst v10;
	v10 =	vld [tilespmem:s22+$0xD0];
	s22 =	smov.u32 s8;
	s8 =	smov.u32 s12  }
0x157: {  	[tilespmem:s10+$0xFFFFFF50] =	vst v27;
	(erf) = vpow2.f32 v16;
	v16 =	vmul.f32 v7, v19;
	v19 =	vld [tilespmem:s22+$0xC0]  }
0x158: {  	v18 =	vmul.f32 v8, v23;
	v28 =	vld [tilespmem:s12+$0xFFFFFF10];
	(erf) = vpow2.f32 v17;
	[tilespmem:s23+$0xFFFFFF80] =	vst v12  }
0x159: {  	v21 =	vmul.f32 v9, v24;
	v12 =	vmul.f32 v14, v25;
	v23 =	vpop (erf);
	v25 =	vld [tilespmem:s22+$0xFFFFFF90];
	[tilespmem:s23+$0xFFFFFFD0] =	vst v16  }
0x15a: {  	[tilespmem:s10+$0xFFFFFFA0] =	vst v23;
	v16 =	vmul.f32 v11, v20;
	v20 =	vmul.f32 v26, v5;
	v24 =	vld [tilespmem:s22+$0xFFFFFFE0];
	v5 =	vmov v27  }
0x15b: {  	v17 =	vmul.f32 v15, v2;
	v15 =	vmul.f32 v22, v4;
	v2 =	vmov v8;
	v26 =	vld [tilespmem:s12+$0xFFFFFF60];
	[tilespmem:s10+$0xF0] =	vst v12;
	v27 =	vpop (erf)  }
0x15c: {  	v4 =	vmovc v9;
	v10 =	vmul.f32 v10, v3;
	v3 =	vmov v13;
	[tilespmem:s10+$0xFFFFFFF0] =	vst v27;
	v29 =	vld [tilespmem:s12+$0x100];
	v22 =	vmul.f32 v13, v19  }
0x15d: {  	v30 =	vmul.f32 v5, v28;
	v19 =	vld [tilespmem:s12+$0xFFFFFFB0];
	v8 =	vpop (erf);
	[tilespmem:s23+$0xFFFFFEE0] =	vst v16  }
0x15e: {  	[tilespmem:s10+$0x40] =	vst v8;
	v9 =	vpop (erf);
	v28 =	vld [tilespmem:s22+$0xFFFFFEF0];
	v12 =	vmul.f32 v25, v6;
	v6 =	vmov v23  }
0x15f: {  	v23 =	vld [tilespmem:s12+$0x0];
	[tilespmem:s10+$0x90] =	vst v9;
	v16 =	vmul.f32 v24, v7;
	v7 =	vmov v27  }
0x160: {  	[tilespmem:s10+$0xFFFFFF10] =	vst v30;
	v24 =	vmul.f32 v6, v26;
	v25 =	vld [tilespmem:s12+$0x50];
	v13 =	vpop (erf)  }
0x161: {  	v26 =	vld [tilespmem:s12+$0xFFFFFF20];
	[tilespmem:s10+$0xE0] =	vst v13;
	v27 =	vmul.f32 v14, v29;
	v29 =	vpop (erf)  }
0x162: {  	[tilespmem:s10+$0xFFFFFF00] =	vst v29;
	v30 =	vmul.f32 v7, v19;
	v31 =	vld [tilespmem:s12+$0xA0]  }
0x163: {  	v32 =	vld [tilespmem:s12+$0xFFFFFEC0];
	[tilespmem:s10+$0x100] =	vst v27;
	v19 =	vmul.f32 v28, v11;
	v11 =	vmov v29  }
0x164: {  	[tilespmem:s10+$0xFFFFFF60] =	vst v24;
	v24 =	vmul.f32 v8, v23;
	v28 =	vld [tilespmem:s12+$0x110]  }
.Ltmp4:
0x165: {  	v23 =	vld [tilespmem:s12+$0xFFFFFF70];
	[tilespmem:s10+$0xFFFFFFB0] =	vst v30;
	v27 =	vmul.f32 v9, v25;
	(pc) =	sbr.rel @p1 .LBB2_7-.Ltmp4, $4  }
0x166: {  	v26 =	vmul.f32 v5, v26;
	v25 =	vld [tilespmem:s12+$0xFFFFFFC0];
	[tilespmem:s10+$0x0] =	vst v24  }
0x167: {  	v24 =	vld [tilespmem:s12+$0x10];
	[tilespmem:s10+$0x50] =	vst v27;
	v30 =	vmul.f32 v13, v31  }
0x168: {  	v29 =	vmul.f32 v11, v32;
	[tilespmem:s10+$0xFFFFFF20] =	vst v26;
	v26 =	vld [tilespmem:s12+$0x60]  }
0x169: {  	s12 =	sadd.s32 $0x280, s12;
	v27 =	vld [tilespmem:s8+$0xFFFFFF30];
	[tilespmem:s10+$0xA0] =	vst v30;
	v28 =	vmul.f32 v14, v28  }
0x16a: {  	[tilespmem:s10+$0xFFFFFEC0] =	vst v29  }
0x16b: {  	[tilespmem:s23+$0x20] =	vst v18  }
0x16c: {  	[tilespmem:s23+$0x70] =	vst v21  }
0x16d: {  	[tilespmem:s23+$0xC0] =	vst v22  }
0x16e: {  	[tilespmem:s23+$0xFFFFFEF0] =	vst v19  }
0x16f: {  	[tilespmem:s23+$0xFFFFFF40] =	vst v20  }
0x170: {  	[tilespmem:s23+$0xFFFFFF90] =	vst v12  }
0x171: {  	[tilespmem:s23+$0xFFFFFFE0] =	vst v16  }
0x172: {  	[tilespmem:s0+$0x30] =	vst v17  }
0x173: {  	[tilespmem:s10+$0x110] =	vst v28  }
0x174: {  	v23 =	vmul.f32 v6, v23;
	[tilespmem:s0+$0x80] =	vst v15;
	v36 =	vld [tilespmem:s8+$0x120]  }
0x175: {  	[tilespmem:s0+$0xD0] =	vst v10;
	v25 =	vmul.f32 v7, v25;
	v38 =	vld [tilespmem:s8+$0xFFFFFED0]  }
0x176: {  	v40 =	vld [tilespmem:s8+$0xB0];
	[tilespmem:s10+$0xFFFFFF70] =	vst v23;
	v35 =	vmul.f32 v8, v24  }
0x177: {  	v53 =	vld [tilespmem:s22+$0x30];
	[tilespmem:s10+$0xFFFFFFC0] =	vst v25;
	v37 =	vmul.f32 v9, v26  }
0x178: {  	v54 =	vld [tilespmem:s22+$0x80];
	v27 =	vmul.f32 v5, v27;
	[tilespmem:s10+$0x10] =	vst v35  }
0x179: {  	v41 =	vld [tilespmem:s8+$0xFFFFFF80];
	[tilespmem:s10+$0x60] =	vst v37;
	v14 =	vmul.f32 v36, v14  }
0x17a: {  	v42 =	vld [tilespmem:s8+$0xFFFFFFD0];
	[tilespmem:s10+$0xFFFFFF30] =	vst v27;
	v39 =	vmul.f32 v11, v38  }
0x17b: {  	v43 =	vld [tilespmem:s8+$0x20];
	[tilespmem:s10+$0x120] =	vst v14;
	v14 =	vmul.f32 v13, v40  }
0x17c: {  	v45 =	vld [tilespmem:s8+$0x70];
	v2 =	vmul.f32 v53, v2;
	[tilespmem:s10+$0xFFFFFED0] =	vst v39  }
0x17d: {  	v4 =	vmul.f32 v54, v4;
	v18 =	vld [tilespmem:s8+$0xFFFFFEE0];
	[tilespmem:s10+$0xB0] =	vst v14  }
0x17e: {  	v46 =	vmul.f32 v6, v41;
	[tilespmem:s23+$0x30] =	vst v2;
	v47 =	vld [tilespmem:s8+$0xC0]  }
0x17f: {  	v56 =	vld [tilespmem:s22+$0xD0];
	[tilespmem:s23+$0x80] =	vst v4;
	v12 =	vmul.f32 v7, v42  }
0x180: {  	v49 =	vld [tilespmem:s8+$0xFFFFFF40];
	[tilespmem:s10+$0xFFFFFF80] =	vst v46;
	v50 =	vmul.f32 v8, v43  }
0x181: {  	v51 =	vld [tilespmem:s8+$0xFFFFFF90];
	[tilespmem:s10+$0xFFFFFFD0] =	vst v12;
	v52 =	vmul.f32 v9, v45  }
0x182: {  	v12 =	vld [tilespmem:s8+$0xFFFFFFE0];
	[tilespmem:s10+$0x20] =	vst v50;
	v44 =	vmul.f32 v11, v18  }
0x183: {  	[tilespmem:s10+$0x70] =	vst v52;
	v59 =	vld [tilespmem:s8+$0x30];
	v19 =	vmul.f32 v13, v47  }
0x184: {  	v3 =	vmul.f32 v56, v3;
	v61 =	vld [tilespmem:s8+$0x80];
	[tilespmem:s10+$0xFFFFFEE0] =	vst v44  }
0x185: {  	v57 =	vmul.f32 v49, v5;
	v48 =	vld [tilespmem:s8+$0xFFFFFEF0];
	[tilespmem:s10+$0xC0] =	vst v19  }
0x186: {  	[tilespmem:s23+$0xD0] =	vst v3;
	v58 =	vmul.f32 v51, v6;
	v62 =	vld [tilespmem:s8+$0xD0]  }
0x187: {  	[tilespmem:s10+$0xFFFFFF40] =	vst v57;
	v60 =	vmul.f32 v12, v7  }
0x188: {  	[tilespmem:s10+$0xFFFFFF90] =	vst v58;
	v2 =	vmul.f32 v59, v8  }
0x189: {  	[tilespmem:s10+$0xFFFFFFE0] =	vst v60;
	v3 =	vmul.f32 v61, v9  }
0x18a: {  	[tilespmem:s10+$0x30] =	vst v2;
	v55 =	vmul.f32 v48, v11  }
0x18b: {  	[tilespmem:s10+$0x80] =	vst v3;
	v63 =	vmul.f32 v62, v13  }
0x18c: {  	[tilespmem:s10+$0xFFFFFEF0] =	vst v55  }
0x18d: {  	s0 =	simm.s32 $0x0;
	s8 =	simm.s32 $0x16DA0;
	[tilespmem:s10+$0xD0] =	vst v63  }
.LBB2_9:
0x18e: {  	s9 =	sshra.s32 s0, $0x2;
	v3 =	vld [tilespmem:s8+$0x0]  }
0x18f: {  	v2 =	vld [tilespmem:s9+$0x13DC0];
	_ =	sdelay $0x4  }
0x190: {  	v2 =	vadd.f32 v3, v2;
	_ =	sdelay $0x1  }
0x191: {  	v3 =	vmul.f32 $2.000000030e-01, v2;
	_ =	sdelay $0x1  }
0x192: {  	v2 =	vmax.f32 v2, v3  }
0x193: {  	v2 =	vsub.f32 v2, v1;
	_ =	sdelay $0x1  }
0x194: {  	v2 =	vmul.f32 $1.442695020e+00, v2;
	_ =	sdelay $0x1  }
0x195: {  	(erf) = vpow2.f32 v2;
	_ =	sdelay $0x4  }
0x196: {  	v2 =	vld [tilespmem:s9+$0x13D80]  }
0x197: {  	v3 =	vld [tilespmem:s9+$0x13D90]  }
0x198: {  	v4 =	vld [tilespmem:s9+$0x13DA0]  }
0x199: {  	v6 =	vld [tilespmem:s9+$0x13DB0]  }
0x19a: {  	v5 =	vpop (erf)  }
0x19b: {  	p1 =	sne.s32 s0, $0x500;
	v2 =	vmul.f32 v5, v2  }
.Ltmp5:
0x19c: {  	v3 =	vmul.f32 v5, v3;
	[tilespmem:s9+$0x19B80] =	vst v5;
	(pc) =	sbr.rel @p1 .LBB2_9-.Ltmp5, $4  }
0x19d: {  	[tilespmem:s9+$0x19B40] =	vst v2;
	v2 =	vmul.f32 v5, v4  }
0x19e: {  	[tilespmem:s9+$0x19B50] =	vst v3;
	v3 =	vmul.f32 v6, v5  }
0x19f: {  	[tilespmem:s9+$0x19B60] =	vst v2  }
0x1a0: {  	s8 =	sadd.s32 $0x10, s8;
	s0 =	sadd.s32 $0x140, s0;
	[tilespmem:s9+$0x19B70] =	vst v3  }
0x1a1: {  	p1 =	seq.s32 s28, $0x27  }
0x1a2: {  	s0 =	sadd.s32 @!p1 $0xC900, s30;
	s8 =	simm.s32 @!p1 $0x7D;
	s9 =	simm.s32 @!p1 $0x11800  }
0x1a3: {  	[tilespmem:s9], [sflag:$0x1] =	stream.indirect.gather @!p1 [hbm4b:s5+s8], $0x50, s0, s8, $0xb8;
	[tilespmem:$0x1C3F0] =	vst v63  }
0x1a4: {  	s0 =	sadd.s32 @!p1 $0xF100, s30;
	s9 =	simm.s32 @!p1 $0x16620  }
0x1a5: {  	[tilespmem:s9], [sflag:$0x1] =	stream.indirect.gather @!p1 [hbm4b:s6+s8], $0x10, s0, s8, $0xb8;
	[tilespmem:$0x1C3F0] =	vst v63  }
0x1a6: {  	s0 =	sand.u32 $0x3FFFFF00, s30  }
0x1a7: {  	s10 =	sadd.s32 $0xF000, s0  }
0x1a8: {  	[spmem:s3] =	stream.indirect.scatter.add.f32 [tilespmem:s19], [sflag:$0x3], $0x50, s10, s24, $0xb8;
	[tilespmem:$0x1C3F0] =	vst v63  }
0x1a9: {  	_ =	swait.ge [sflag:s2], $0x2710  }
0x1aa: {  	[sflag:s2] =	ssyncset.done $0x0  }
0x1ab: {  	[sflag:s2] =	ssyncadd.s32 $0xFFFFD8F0  }
0x1ac: {  	_ =	swait.ge [sflag:s2], $0x7D0  }
0x1ad: {  	[sflag:s2] =	ssyncset.done $0x0  }
0x1ae: {  	s8 =	simm.s32 @!p0 $0x4;
	[sflag:s2] =	ssyncadd.s32 $0xFFFFF830  }
0x1af: {  	_ =	swait.ge @!p0 [sflag:s8], $0x2710  }
0x1b0: {  	[sflag:s8] =	ssyncset.done @!p0 $0x0  }
0x1b1: {  	s12 =	simm.s32 $0x14180;
	[sflag:s8] =	ssyncadd.s32 @!p0 $0xFFFFD8F0  }
0x1b2: {  	s11 =	simm.s32 $0x16E60;
	v2 =	vld [tilespmem:s12+$0x0]  }
0x1b3: {  	v3 =	vld [tilespmem:s11+$0x0]  }
0x1b4: {  	v5 =	vld [tilespmem:s12+$0xFFFFFE20]  }
0x1b5: {  	v6 =	vld [tilespmem:s11+$0xFFFFFFA0]  }
0x1b6: {  	v7 =	vld [tilespmem:s12+$0xFFFFFE70]  }
0x1b7: {  	v8 =	vld [tilespmem:s12+$0xFFFFFEC0]  }
0x1b8: {  	v10 =	vld [tilespmem:s11+$0xFFFFFFC0];
	v2 =	vadd.f32 v3, v2  }
0x1b9: {  	v3 =	vld [tilespmem:s11+$0xFFFFFFB0]  }
0x1ba: {  	v11 =	vld [tilespmem:s12+$0xFFFFFF10];
	v9 =	vmul.f32 $2.000000030e-01, v2  }
0x1bb: {  	v5 =	vadd.f32 v6, v5;
	v6 =	vld [tilespmem:s11+$0xFFFFFFD0]  }
0x1bc: {  	v2 =	vmax.f32 v2, v9  }
0x1bd: {  	v12 =	vld [tilespmem:s11+$0xFFFFFFE0];
	v2 =	vsub.f32 v2, v1  }
0x1be: {  	v9 =	vmul.f32 $2.000000030e-01, v5;
	v3 =	vadd.f32 v3, v7;
	v7 =	vld [tilespmem:s12+$0xFFFFFF60]  }
0x1bf: {  	v4 =	vld [tilespmem:s11+$0xFFFFFF90];
	v8 =	vadd.f32 v10, v8;
	v2 =	vmul.f32 $1.442695020e+00, v2  }
0x1c0: {  	v10 =	vld [tilespmem:s12+$0xFFFFFFB0];
	v6 =	vadd.f32 v6, v11;
	v5 =	vmax.f32 v5, v9;
	v13 =	vmul.f32 $2.000000030e-01, v3  }
0x1c1: {  	v9 =	vld [tilespmem:s11+$0xFFFFFFF0];
	(erf) = vpow2.f32 v2;
	v2 =	vsub.f32 v5, v1  }
0x1c2: {  	v11 =	vmul.f32 $2.000000030e-01, v6;
	v5 =	vld [tilespmem:s12+$0xFFFFFDD0];
	v3 =	vmax.f32 v3, v13;
	v13 =	vmul.f32 $2.000000030e-01, v8  }
0x1c3: {  	v7 =	vadd.f32 v12, v7;
	v2 =	vmul.f32 $1.442695020e+00, v2  }
0x1c4: {  	v6 =	vmax.f32 v6, v11;
	v3 =	vsub.f32 v3, v1;
	v8 =	vmax.f32 v8, v13  }
0x1c5: {  	v8 =	vsub.f32 v8, v1;
	(erf) = vpow2.f32 v2;
	v2 =	vmul.f32 $2.000000030e-01, v7  }
0x1c6: {  	v6 =	vsub.f32 v6, v1;
	v9 =	vadd.f32 v9, v10;
	v3 =	vmul.f32 $1.442695020e+00, v3  }
0x1c7: {  	v4 =	vadd.f32 v4, v5;
	v5 =	vmul.f32 $1.442695020e+00, v8;
	v2 =	vmax.f32 v7, v2  }
0x1c8: {  	s23 =	simm.s32 $0x14400;
	v6 =	vmul.f32 $1.442695020e+00, v6;
	v7 =	vmul.f32 $2.000000030e-01, v9;
	v2 =	vsub.f32 v2, v1  }
0x1c9: {  	s13 =	simm.s32 $0x16EE0;
	v18 =	vld [tilespmem:s23+$0x0];
	(erf) = vpow2.f32 v3;
	v3 =	vmul.f32 $2.000000030e-01, v4  }
0x1ca: {  	v20 =	vld [tilespmem:s13+$0xFFFFFF90];
	(erf) = vpow2.f32 v5;
	v7 =	vmax.f32 v9, v7;
	v2 =	vmul.f32 $1.442695020e+00, v2  }
0x1cb: {  	s22 =	simm.s32 $0x19F40;
	v21 =	vld [tilespmem:s23+$0xFFFFFE20];
	v5 =	vpop (erf);
	v3 =	vmax.f32 v4, v3;
	v4 =	vsub.f32 v7, v1;
	(erf) = vpow2.f32 v6  }
0x1cc: {  	v22 =	vld [tilespmem:s13+$0xFFFFFFA0];
	[tilespmem:s22+$0x0] =	vst v5;
	v3 =	vsub.f32 v3, v1;
	(erf) = vpow2.f32 v2  }
0x1cd: {  	v7 =	vld [tilespmem:s12+$0xFFFFFFC0];
	v4 =	vmul.f32 $1.442695020e+00, v4  }
0x1ce: {  	v23 =	vld [tilespmem:s23+$0xFFFFFE70];
	v2 =	vmul.f32 $1.442695020e+00, v3;
	v6 =	vpop (erf)  }
0x1cf: {  	v24 =	vld [tilespmem:s23+$0xFFFFFEC0];
	(erf) = vpow2.f32 v4;
	[tilespmem:s22+$0xFFFFFE20] =	vst v6  }
0x1d0: {  	(erf) = vpow2.f32 v2;
	v2 =	vld [tilespmem:s12+$0xFFFFFDE0]  }
0x1d1: {  	v26 =	vld [tilespmem:s13+$0xFFFFFFC0]  }
0x1d2: {  	v28 =	vld [tilespmem:s13+$0xFFFFFFE0];
	v3 =	vmul.f32 v5, v7;
	v7 =	vpop (erf)  }
0x1d3: {  	s9 =	simm.s32 $0x14680;
	v29 =	vld [tilespmem:s13+$0xFFFFFFF0];
	v8 =	vpop (erf)  }
0x1d4: {  	s10 =	simm.s32 $0x16F60;
	v34 =	vld [tilespmem:s9+$0x0];
	v11 =	vpop (erf)  }
0x1d5: {  	v35 =	vld [tilespmem:s10+$0x0];
	v2 =	vmul.f32 v6, v2;
	v10 =	vpop (erf)  }
0x1d6: {  	v36 =	vld [tilespmem:s9+$0xFFFFFE20];
	[tilespmem:s22+$0xFFFFFF60] =	vst v10  }
0x1d7: {  	[tilespmem:s22+$0xFFFFFDE0] =	vst v2;
	v2 =	vld [tilespmem:s12+$0xFFFFFF20]  }
0x1d8: {  	v37 =	vld [tilespmem:s10+$0xFFFFFFA0]  }
0x1d9: {  	[tilespmem:s22+$0xFFFFFE70] =	vst v7;
	v15 =	vld [tilespmem:s12+$0xFFFFFDF0]  }
0x1da: {  	[tilespmem:s22+$0xFFFFFFC0] =	vst v3;
	v4 =	vld [tilespmem:s12+$0xFFFFFE30]  }
0x1db: {  	[tilespmem:s22+$0xFFFFFEC0] =	vst v8;
	v3 =	vld [tilespmem:s12+$0xFFFFFFD0]  }
0x1dc: {  	v13 =	vld [tilespmem:s12+$0xFFFFFE80];
	[tilespmem:s22+$0xFFFFFF10] =	vst v11;
	v12 =	vpop (erf);
	v2 =	vmul.f32 v10, v2  }
0x1dd: {  	v14 =	vld [tilespmem:s12+$0xFFFFFED0];
	[tilespmem:s22+$0xFFFFFFB0] =	vst v12  }
0x1de: {  	v54 =	vld [tilespmem:s9+$0xFFFFFE70];
	v9 =	vpop (erf);
	[tilespmem:s22+$0xFFFFFF20] =	vst v2;
	v2 =	vmul.f32 v6, v15  }
0x1df: {  	v21 =	vadd.f32 v22, v21;
	v22 =	vld [tilespmem:s23+$0xFFFFFF10];
	v4 =	vmul.f32 v7, v4;
	[tilespmem:s22+$0xFFFFFDD0] =	vst v9  }
0x1e0: {  	v3 =	vmul.f32 v5, v3;
	[tilespmem:s22+$0xFFFFFDF0] =	vst v2;
	v2 =	vld [tilespmem:s13+$0x0]  }
0x1e1: {  	v16 =	vld [tilespmem:s12+$0xFFFFFF70];
	v13 =	vmul.f32 v8, v13;
	[tilespmem:s22+$0xFFFFFE30] =	vst v4  }
0x1e2: {  	v17 =	vld [tilespmem:s12+$0xFFFFFD90];
	[tilespmem:s22+$0xFFFFFFD0] =	vst v3;
	v3 =	vmul.f32 v11, v14  }
0x1e3: {  	[tilespmem:s22+$0xFFFFFE80] =	vst v13;
	v4 =	vld [tilespmem:s12+$0xFFFFFFE0]  }
0x1e4: {  	v13 =	vld [tilespmem:s12+$0xFFFFFE90];
	[tilespmem:s22+$0xFFFFFED0] =	vst v3  }
0x1e5: {  	v3 =	vld [tilespmem:s12+$0xFFFFFEE0];
	v2 =	vadd.f32 v2, v18  }
0x1e6: {  	v27 =	vmul.f32 $2.000000030e-01, v21;
	v18 =	vld [tilespmem:s13+$0xFFFFFFB0]  }
0x1e7: {  	v14 =	vld [tilespmem:s12+$0xFFFFFE40];
	v25 =	vmul.f32 $2.000000030e-01, v2  }
0x1e8: {  	v21 =	vmax.f32 v21, v27;
	v15 =	vld [tilespmem:s12+$0xFFFFFF30];
	v17 =	vmul.f32 v9, v17  }
0x1e9: {  	v21 =	vsub.f32 v21, v1;
	v19 =	vld [tilespmem:s12+$0xFFFFFE00];
	v4 =	vmul.f32 v5, v4;
	v2 =	vmax.f32 v2, v25  }
0x1ea: {  	v13 =	vmul.f32 v8, v13;
	[tilespmem:s22+$0xFFFFFD90] =	vst v17;
	v25 =	vld [tilespmem:s13+$0xFFFFFFD0];
	v2 =	vsub.f32 v2, v1  }
0x1eb: {  	v21 =	vmul.f32 $1.442695020e+00, v21;
	v3 =	vmul.f32 v11, v3;
	[tilespmem:s22+$0xFFFFFFE0] =	vst v4;
	v4 =	vld [tilespmem:s12+$0xFFFFFDA0];
	v18 =	vadd.f32 v18, v23  }
0x1ec: {  	v16 =	vmul.f32 v12, v16;
	[tilespmem:s22+$0xFFFFFE90] =	vst v13;
	v23 =	vld [tilespmem:s23+$0xFFFFFF60];
	v2 =	vmul.f32 $1.442695020e+00, v2  }
0x1ed: {  	v24 =	vadd.f32 v26, v24;
	v14 =	vmul.f32 v7, v14;
	[tilespmem:s22+$0xFFFFFEE0] =	vst v3;
	v3 =	vld [tilespmem:s12+$0xFFFFFEA0];
	v27 =	vmul.f32 $2.000000030e-01, v18  }
0x1ee: {  	v56 =	vld [tilespmem:s10+$0xFFFFFFC0];
	v15 =	vmul.f32 v10, v15;
	(erf) = vpow2.f32 v2  }
0x1ef: {  	v26 =	vld [tilespmem:s23+$0xFFFFFFB0];
	v18 =	vmax.f32 v18, v27;
	v27 =	vmul.f32 $2.000000030e-01, v24;
	v22 =	vadd.f32 v25, v22  }
0x1f0: {  	v19 =	vmul.f32 v6, v19;
	v4 =	vmul.f32 v9, v4;
	v2 =	vld [tilespmem:s23+$0xFFFFFDD0]  }
0x1f1: {  	v57 =	vld [tilespmem:s10+$0xFFFFFFD0];
	v23 =	vadd.f32 v28, v23;
	v17 =	vmax.f32 v24, v27;
	v24 =	vmul.f32 $2.000000030e-01, v22  }
0x1f2: {  	v58 =	vld [tilespmem:s9+$0xFFFFFF60];
	v3 =	vmul.f32 v8, v3;
	v18 =	vsub.f32 v18, v1;
	v17 =	vsub.f32 v17, v1  }
0x1f3: {  	v59 =	vld [tilespmem:s9+$0xFFFFFFB0];
	[tilespmem:s22+$0xFFFFFF70] =	vst v16;
	(erf) = vpow2.f32 v21;
	v21 =	vmax.f32 v22, v24;
	v22 =	vmul.f32 $2.000000030e-01, v23  }
0x1f4: {  	[tilespmem:s22+$0xFFFFFE40] =	vst v14;
	v16 =	vld [tilespmem:s12+$0xFFFFFFF0];
	v18 =	vmul.f32 $1.442695020e+00, v18;
	v24 =	vadd.f32 v29, v26;
	v14 =	vmul.f32 $1.442695020e+00, v17  }
0x1f5: {  	v25 =	vld [tilespmem:s12+$0xFFFFFF80];
	v2 =	vadd.f32 v20, v2;
	v17 =	vsub.f32 v21, v1;
	v13 =	vmax.f32 v23, v22  }
0x1f6: {  	[tilespmem:s22+$0xFFFFFF30] =	vst v15;
	v20 =	vld [tilespmem:s12+$0xFFFFFE50];
	(erf) = vpow2.f32 v18;
	v21 =	vmul.f32 $2.000000030e-01, v24;
	v13 =	vsub.f32 v13, v1  }
0x1f7: {  	[tilespmem:s22+$0xFFFFFE00] =	vst v19;
	v22 =	vld [tilespmem:s12+$0xFFFFFEF0];
	v18 =	vmul.f32 $2.000000030e-01, v2;
	(erf) = vpow2.f32 v14  }
0x1f8: {  	s8 =	simm.s32 $0x1A1C0;
	[tilespmem:s22+$0xFFFFFEA0] =	vst v3;
	v23 =	vld [tilespmem:s12+$0xFFFFFE10];
	v17 =	vmul.f32 $1.442695020e+00, v17;
	v15 =	vmax.f32 v24, v21;
	v14 =	vpop (erf);
	v13 =	vmul.f32 $1.442695020e+00, v13  }
0x1f9: {  	v24 =	vld [tilespmem:s12+$0xFFFFFEB0];
	v15 =	vsub.f32 v15, v1;
	[tilespmem:s8+$0x0] =	vst v14  }
0x1fa: {  	[tilespmem:s22+$0xFFFFFDA0] =	vst v4;
	v2 =	vmax.f32 v2, v18;
	(erf) = vpow2.f32 v17;
	v17 =	vmul.f32 v12, v25;
	v18 =	vld [tilespmem:s23+$0xFFFFFFC0]  }
0x1fb: {  	v2 =	vsub.f32 v2, v1;
	v4 =	vmul.f32 $1.442695020e+00, v15;
	v15 =	vld [tilespmem:s12+$0xFFFFFDB0]  }
0x1fc: {  	v21 =	vld [tilespmem:s12+$0xFFFFFF40];
	(erf) = vpow2.f32 v13;
	[tilespmem:s22+$0xFFFFFF80] =	vst v17;
	v13 =	vpop (erf)  }
0x1fd: {  	v19 =	vmul.f32 v7, v20;
	v2 =	vmul.f32 $1.442695020e+00, v2;
	v20 =	vld [tilespmem:s12+$0xFFFFFF90];
	[tilespmem:s8+$0xFFFFFE20] =	vst v13  }
0x1fe: {  	(erf) = vpow2.f32 v4;
	v4 =	vld [tilespmem:s23+$0xFFFFFDE0]  }
0x1ff: {  	[tilespmem:s22+$0xFFFFFE50] =	vst v19;
	v8 =	vmul.f32 v24, v8;
	v24 =	vld [tilespmem:s9+$0xFFFFFEC0];
	(erf) = vpow2.f32 v2;
	v17 =	vpop (erf)  }
0x200: {  	[tilespmem:s8+$0xFFFFFE70] =	vst v17;
	v2 =	vmul.f32 v14, v18;
	v18 =	vld [tilespmem:s12+$0xFFFFFE60];
	v3 =	vmul.f32 v9, v15;
	v15 =	vpop (erf)  }
0x201: {  	v25 =	vld [tilespmem:s23+$0xFFFFFE30];
	[tilespmem:s8+$0xFFFFFEC0] =	vst v15  }
0x202: {  	v5 =	vmul.f32 v16, v5;
	[tilespmem:s8+$0xFFFFFFC0] =	vst v2;
	v26 =	vld [tilespmem:s23+$0xFFFFFE80]  }
0x203: {  	[tilespmem:s22+$0xFFFFFDB0] =	vst v3;
	v19 =	vld [tilespmem:s23+$0xFFFFFFD0];
	v3 =	vmul.f32 v13, v4  }
0x204: {  	[tilespmem:s22+$0xFFFFFFF0] =	vst v5;
	v27 =	vld [tilespmem:s12+$0xFFFFFDC0];
	v2 =	vpop (erf)  }
0x205: {  	[tilespmem:s8+$0xFFFFFF10] =	vst v2;
	v4 =	vpop (erf);
	v7 =	vmul.f32 v18, v7;
	v18 =	vld [tilespmem:s10+$0xFFFFFFB0]  }
0x206: {  	v28 =	vld [tilespmem:s23+$0xFFFFFED0];
	[tilespmem:s8+$0xFFFFFF60] =	vst v4  }
0x207: {  	v25 =	vmul.f32 v17, v25;
	[tilespmem:s8+$0xFFFFFDE0] =	vst v3;
	v29 =	vld [tilespmem:s23+$0xFFFFFF20];
	v3 =	vpop (erf)  }
0x208: {  	v30 =	vld [tilespmem:s23+$0xFFFFFDF0];
	v31 =	vmul.f32 v14, v19;
	[tilespmem:s8+$0xFFFFFFB0] =	vst v3  }
0x209: {  	v6 =	vmul.f32 v23, v6;
	v23 =	vadd.f32 v35, v34;
	[tilespmem:s8+$0xFFFFFE30] =	vst v25;
	v32 =	vld [tilespmem:s23+$0xFFFFFF70]  }
0x20a: {  	v26 =	vmul.f32 v15, v26;
	v9 =	vmul.f32 v27, v9;
	v19 =	vpop (erf);
	[tilespmem:s8+$0xFFFFFFD0] =	vst v31;
	v31 =	vld [tilespmem:s23+$0xFFFFFE40]  }
0x20b: {  	v27 =	vmul.f32 $2.000000030e-01, v23;
	[tilespmem:s8+$0xFFFFFDD0] =	vst v19;
	v25 =	vmul.f32 v2, v28;
	v28 =	vld [tilespmem:s23+$0xFFFFFFE0]  }
0x20c: {  	[tilespmem:s8+$0xFFFFFE80] =	vst v26;
	v33 =	vld [tilespmem:s23+$0xFFFFFD90];
	v26 =	vmul.f32 v4, v29  }
0x20d: {  	v22 =	vmul.f32 v11, v22;
	v23 =	vmax.f32 v23, v27;
	v29 =	vmul.f32 v13, v30;
	v30 =	vld [tilespmem:s23+$0xFFFFFE90];
	[tilespmem:s8+$0xFFFFFED0] =	vst v25  }
0x20e: {  	v23 =	vsub.f32 v23, v1;
	v25 =	vld [tilespmem:s23+$0xFFFFFEE0];
	[tilespmem:s8+$0xFFFFFF20] =	vst v26  }
0x20f: {  	[tilespmem:s22+$0xFFFFFEF0] =	vst v22;
	v26 =	vld [tilespmem:s23+$0xFFFFFF30];
	v31 =	vmul.f32 v17, v31  }
0x210: {  	v27 =	vld [tilespmem:s9+$0xFFFFFF10];
	v23 =	vmul.f32 $1.442695020e+00, v23;
	[tilespmem:s8+$0xFFFFFDF0] =	vst v29;
	v28 =	vmul.f32 v14, v28  }
0x211: {  	v55 =	vadd.f32 v37, v36;
	v5 =	vmul.f32 v12, v20;
	v29 =	vld [tilespmem:s23+$0xFFFFFE00];
	v20 =	vmul.f32 v19, v33;
	[tilespmem:s8+$0xFFFFFE40] =	vst v31  }
0x212: {  	(erf) = vpow2.f32 v23;
	v23 =	vld [tilespmem:s10+$0xFFFFFFF0];
	v30 =	vmul.f32 v15, v30;
	[tilespmem:s8+$0xFFFFFFE0] =	vst v28  }
0x213: {  	v18 =	vadd.f32 v18, v54;
	v31 =	vld [tilespmem:s10+$0xFFFFFFE0];
	[tilespmem:s8+$0xFFFFFD90] =	vst v20;
	v20 =	vmul.f32 v2, v25;
	v25 =	vmul.f32 $2.000000030e-01, v55  }
0x214: {  	v21 =	vmul.f32 v10, v21;
	v24 =	vadd.f32 v56, v24;
	v28 =	vld [tilespmem:s23+$0xFFFFFFF0];
	[tilespmem:s8+$0xFFFFFE90] =	vst v30;
	v26 =	vmul.f32 v4, v26  }
0x215: {  	v16 =	vld [tilespmem:s10+$0xFFFFFF90];
	v32 =	vmul.f32 v3, v32;
	v30 =	vmul.f32 $2.000000030e-01, v18;
	v25 =	vmax.f32 v55, v25;
	[tilespmem:s8+$0xFFFFFEE0] =	vst v20  }
0x216: {  	v20 =	vmul.f32 v13, v29;
	v29 =	vmul.f32 $2.000000030e-01, v24;
	v25 =	vsub.f32 v25, v1;
	[tilespmem:s8+$0xFFFFFF30] =	vst v26;
	v26 =	vld [tilespmem:s9+$0xFFFFFDD0]  }
0x217: {  	[tilespmem:s22+$0xFFFFFF40] =	vst v21;
	v27 =	vadd.f32 v57, v27;
	v23 =	vadd.f32 v23, v59;
	v18 =	vmax.f32 v18, v30  }
0x218: {  	v18 =	vsub.f32 v18, v1;
	[tilespmem:s8+$0xFFFFFE00] =	vst v20;
	v22 =	vmax.f32 v24, v29;
	v20 =	vmul.f32 $1.442695020e+00, v25  }
0x219: {  	[tilespmem:s8+$0xFFFFFF70] =	vst v32;
	v24 =	vmul.f32 $2.000000030e-01, v27;
	v14 =	vmul.f32 v28, v14;
	v25 =	vld [tilespmem:s23+$0xFFFFFDA0];
	v28 =	vadd.f32 v31, v58  }
0x21a: {  	[tilespmem:s22+$0xFFFFFF90] =	vst v5;
	v29 =	vld [tilespmem:s23+$0xFFFFFF80];
	v18 =	vmul.f32 $1.442695020e+00, v18;
	v21 =	vsub.f32 v22, v1;
	(erf) = vpow2.f32 v20  }
0x21b: {  	v20 =	vld [tilespmem:s23+$0xFFFFFE50];
	[tilespmem:s8+$0xFFFFFFF0] =	vst v14;
	v14 =	vmax.f32 v27, v24;
	v22 =	vmul.f32 $2.000000030e-01, v28;
	v5 =	vadd.f32 v16, v26  }
0x21c: {  	[tilespmem:s22+$0xFFFFFE10] =	vst v6;
	v24 =	vld [tilespmem:s23+$0xFFFFFEA0];
	v16 =	vmul.f32 $1.442695020e+00, v21;
	v14 =	vsub.f32 v14, v1;
	(erf) = vpow2.f32 v18  }
0x21d: {  	[tilespmem:s22+$0xFFFFFDC0] =	vst v9;
	v27 =	vld [tilespmem:s23+$0xFFFFFE10];
	v9 =	vmax.f32 v28, v22;
	v22 =	vmul.f32 $2.000000030e-01, v23;
	v6 =	vmul.f32 $2.000000030e-01, v5  }
0x21e: {  	v21 =	vld [tilespmem:s23+$0xFFFFFEF0];
	v9 =	vsub.f32 v9, v1;
	(erf) = vpow2.f32 v16;
	v16 =	vmul.f32 v19, v25  }
0x21f: {  	[tilespmem:s22+$0xFFFFFE60] =	vst v7;
	v26 =	vld [tilespmem:s23+$0xFFFFFF40];
	v18 =	vmul.f32 $1.442695020e+00, v14;
	v7 =	vmax.f32 v23, v22  }
0x220: {  	s11 =	simm.s32 $0x1A440;
	v25 =	vld [tilespmem:s12+$0xFFFFFFA0];
	v14 =	vpop (erf);
	v5 =	vmax.f32 v5, v6;
	v6 =	vmul.f32 $1.442695020e+00, v9;
	v7 =	vsub.f32 v7, v1;
	[tilespmem:s8+$0xFFFFFDA0] =	vst v16  }
0x221: {  	v22 =	vld [tilespmem:s12+$0xFFFFFF00];
	(erf) = vpow2.f32 v18;
	v16 =	vmul.f32 v3, v29;
	[tilespmem:s11+$0x0] =	vst v14;
	v5 =	vsub.f32 v5, v1  }
0x222: {  	v18 =	vmul.f32 v17, v20;
	v9 =	vld [tilespmem:s9+$0xFFFFFFC0];
	v7 =	vmul.f32 $1.442695020e+00, v7  }
0x223: {  	[tilespmem:s22+$0xFFFFFEB0] =	vst v8;
	v8 =	vld [tilespmem:s23+$0xFFFFFDB0];
	(erf) = vpow2.f32 v6;
	v6 =	vmul.f32 $1.442695020e+00, v5  }
0x224: {  	v23 =	vld [tilespmem:s12+$0xFFFFFF50];
	[tilespmem:s8+$0xFFFFFE50] =	vst v18  }
0x225: {  	[tilespmem:s8+$0xFFFFFF80] =	vst v16;
	v28 =	vld [tilespmem:s23+$0xFFFFFE60];
	(erf) = vpow2.f32 v7;
	v7 =	vmul.f32 v15, v24;
	v5 =	vpop (erf)  }
0x226: {  	v24 =	vld [tilespmem:s23+$0xFFFFFF90];
	(erf) = vpow2.f32 v6;
	[tilespmem:s11+$0xFFFFFE20] =	vst v5  }
0x227: {  	[tilespmem:s8+$0xFFFFFEA0] =	vst v7;
	v16 =	vld [tilespmem:s9+$0xFFFFFDE0];
	v9 =	vmul.f32 v14, v9;
	v6 =	vpop (erf)  }
0x228: {  	v18 =	vmul.f32 v19, v8;
	v29 =	vld [tilespmem:s23+$0xFFFFFEB0];
	[tilespmem:s11+$0xFFFFFE70] =	vst v6  }
0x229: {  	v30 =	vld [tilespmem:s9+$0xFFFFFE30];
	[tilespmem:s11+$0xFFFFFFC0] =	vst v9  }
0x22a: {  	v7 =	vpop (erf);
	[tilespmem:s8+$0xFFFFFDB0] =	vst v18;
	v31 =	vld [tilespmem:s9+$0xFFFFFFD0]  }
0x22b: {  	[tilespmem:s11+$0xFFFFFEC0] =	vst v7;
	v8 =	vpop (erf);
	v61 =	vld [tilespmem:s23+$0xFFFFFDC0]  }
0x22c: {  	v60 =	vld [tilespmem:s9+$0xFFFFFE80];
	[tilespmem:s11+$0xFFFFFF10] =	vst v8;
	v9 =	vpop (erf);
	v16 =	vmul.f32 v5, v16  }
0x22d: {  	v62 =	vld [tilespmem:s9+$0xFFFFFED0];
	[tilespmem:s11+$0xFFFFFF60] =	vst v9  }
0x22e: {  	v20 =	vmul.f32 v27, v13;
	v27 =	vld [tilespmem:s9+$0xFFFFFF20];
	v13 =	vpop (erf);
	[tilespmem:s11+$0xFFFFFDE0] =	vst v16  }
0x22f: {  	v18 =	vmul.f32 v22, v11;
	[tilespmem:s11+$0xFFFFFFB0] =	vst v13;
	v11 =	vpop (erf);
	v22 =	vld [tilespmem:s9+$0xFFFFFDF0];
	v31 =	vmul.f32 v14, v31  }
0x230: {  	v16 =	vmul.f32 v23, v10;
	v23 =	vmul.f32 v6, v30;
	[tilespmem:s11+$0xFFFFFDD0] =	vst v11;
	v30 =	vld [tilespmem:s9+$0xFFFFFF70]  }
0x231: {  	v10 =	vmul.f32 v25, v12;
	v25 =	vmul.f32 v7, v60;
	[tilespmem:s11+$0xFFFFFFD0] =	vst v31;
	v31 =	vld [tilespmem:s9+$0xFFFFFD90]  }
0x232: {  	v12 =	vmul.f32 v28, v17;
	[tilespmem:s11+$0xFFFFFE30] =	vst v23;
	v28 =	vmul.f32 v8, v62;
	v63 =	vld [tilespmem:s9+$0xFFFFFFE0]  }
0x233: {  	v17 =	vmul.f32 v2, v21;
	[tilespmem:s11+$0xFFFFFE80] =	vst v25;
	v23 =	vld [tilespmem:s9+$0xFFFFFE40];
	v27 =	vmul.f32 v9, v27  }
0x234: {  	v21 =	vmul.f32 v4, v26;
	[tilespmem:s11+$0xFFFFFED0] =	vst v28;
	v25 =	vld [tilespmem:s9+$0xFFFFFE90];
	v26 =	vmul.f32 v5, v22  }
0x235: {  	v22 =	vmul.f32 v3, v24;
	[tilespmem:s11+$0xFFFFFF20] =	vst v27;
	v24 =	vld [tilespmem:s9+$0xFFFFFEE0];
	v28 =	vmul.f32 v13, v30  }
0x236: {  	v15 =	vmul.f32 v29, v15;
	[tilespmem:s11+$0xFFFFFDF0] =	vst v26;
	v26 =	vld [tilespmem:s9+$0xFFFFFF30];
	v29 =	vmul.f32 v11, v31  }
0x237: {  	s13 =	simm.s32 $0x14900;
	s12 =	simm.s32 $0x10;
	v19 =	vmul.f32 v61, v19;
	[tilespmem:s11+$0xFFFFFF70] =	vst v28;
	v27 =	vld [tilespmem:s9+$0xFFFFFE00];
	v28 =	vmul.f32 v14, v63  }
.LBB2_11:
0x238: {  	v30 =	vld [tilespmem:s13+$0x0];
	[tilespmem:s11+$0xFFFFFD90] =	vst v29;
	v23 =	vmul.f32 v6, v23;
	s10 =	sadd.s32 $0x80, s10  }
0x239: {  	s12 =	sadd.s32 $0x8, s12;
	v29 =	vld [tilespmem:s10+$0x0];
	v25 =	vmul.f32 v7, v25;
	[tilespmem:s11+$0xFFFFFFE0] =	vst v28  }
0x23a: {  	p0 =	slt.u32 s12, $0x70;
	[tilespmem:s11+$0xFFFFFE40] =	vst v23;
	v23 =	vmul.f32 v8, v24;
	v24 =	vld [tilespmem:s9+$0xFFFFFFF0]  }
0x23b: {  	v28 =	vld [tilespmem:s10+$0xFFFFFF90];
	[tilespmem:s11+$0xFFFFFE90] =	vst v25;
	v25 =	vmul.f32 v9, v26  }
0x23c: {  	v26 =	vld [tilespmem:s13+$0xFFFFFE20];
	v27 =	vmul.f32 v5, v27;
	[tilespmem:s11+$0xFFFFFEE0] =	vst v23  }
0x23d: {  	v23 =	vld [tilespmem:s10+$0xFFFFFFA0];
	[tilespmem:s11+$0xFFFFFF30] =	vst v25  }
0x23e: {  	v25 =	vld [tilespmem:s13+$0xFFFFFE70];
	v29 =	vadd.f32 v29, v30;
	[tilespmem:s11+$0xFFFFFE00] =	vst v27  }
0x23f: {  	v27 =	vld [tilespmem:s10+$0xFFFFFFB0];
	v14 =	vmul.f32 v24, v14;
	[tilespmem:s8+$0xFFFFFEF0] =	vst v17  }
0x240: {  	v17 =	vld [tilespmem:s13+$0xFFFFFEC0];
	v24 =	vmul.f32 $2.000000030e-01, v29;
	[tilespmem:s8+$0xFFFFFF40] =	vst v21  }
0x241: {  	v21 =	vld [tilespmem:s10+$0xFFFFFFC0];
	[tilespmem:s11+$0xFFFFFFF0] =	vst v14  }
0x242: {  	v14 =	vadd.f32 v23, v26;
	v23 =	vld [tilespmem:s13+$0xFFFFFF10];
	v24 =	vmax.f32 v29, v24;
	[tilespmem:s8+$0xFFFFFF90] =	vst v22  }
0x243: {  	v22 =	vld [tilespmem:s10+$0xFFFFFFD0];
	v24 =	vsub.f32 v24, v1;
	[tilespmem:s8+$0xFFFFFDC0] =	vst v19  }
0x244: {  	v19 =	vmul.f32 $2.000000030e-01, v14;
	v25 =	vadd.f32 v27, v25;
	v26 =	vld [tilespmem:s13+$0xFFFFFF60];
	[tilespmem:s8+$0xFFFFFE10] =	vst v20  }
0x245: {  	v20 =	vld [tilespmem:s10+$0xFFFFFFE0];
	v24 =	vmul.f32 $1.442695020e+00, v24;
	[tilespmem:s8+$0xFFFFFE60] =	vst v12  }
0x246: {  	v12 =	vmax.f32 v14, v19;
	v14 =	vmul.f32 $2.000000030e-01, v25;
	v17 =	vadd.f32 v21, v17;
	v19 =	vld [tilespmem:s13+$0xFFFFFFB0];
	[tilespmem:s8+$0xFFFFFEB0] =	vst v15  }
0x247: {  	v12 =	vsub.f32 v12, v1;
	v15 =	vld [tilespmem:s10+$0xFFFFFFF0];
	(erf) = vpow2.f32 v24;
	[tilespmem:s22+$0xFFFFFF00] =	vst v18  }
0x248: {  	v18 =	vld [tilespmem:s13+$0xFFFFFDD0];
	v14 =	vmax.f32 v25, v14;
	v21 =	vmul.f32 $2.000000030e-01, v17;
	v22 =	vadd.f32 v22, v23;
	[tilespmem:s22+$0xFFFFFF50] =	vst v16  }
0x249: {  	v12 =	vmul.f32 $1.442695020e+00, v12;
	v14 =	vsub.f32 v14, v1;
	v16 =	vld [tilespmem:s9+$0xFFFFFDA0];
	[tilespmem:s22+$0xFFFFFFA0] =	vst v10;
	s22 =	smov.u32 s8;
	s8 =	smov.u32 s11  }
0x24a: {  	v10 =	vmax.f32 v17, v21;
	v17 =	vmul.f32 $2.000000030e-01, v22;
	v20 =	vadd.f32 v20, v26;
	v21 =	vld [tilespmem:s9+$0xFFFFFF80]  }
0x24b: {  	v14 =	vmul.f32 $1.442695020e+00, v14;
	v10 =	vsub.f32 v10, v1;
	(erf) = vpow2.f32 v12;
	v12 =	vld [tilespmem:s9+$0xFFFFFE50]  }
0x24c: {  	v17 =	vmax.f32 v22, v17;
	v22 =	vmul.f32 $2.000000030e-01, v20;
	v15 =	vadd.f32 v15, v19;
	v19 =	vld [tilespmem:s9+$0xFFFFFEA0]  }
0x24d: {  	v18 =	vadd.f32 v28, v18;
	v10 =	vmul.f32 $1.442695020e+00, v10;
	v17 =	vsub.f32 v17, v1;
	v23 =	vld [tilespmem:s9+$0xFFFFFEF0]  }
0x24e: {  	v20 =	vmax.f32 v20, v22;
	v22 =	vmul.f32 $2.000000030e-01, v15;
	(erf) = vpow2.f32 v14;
	v24 =	vld [tilespmem:s9+$0xFFFFFF40]  }
0x24f: {  	v25 =	vmul.f32 $2.000000030e-01, v18;
	v17 =	vmul.f32 $1.442695020e+00, v17;
	v20 =	vsub.f32 v20, v1;
	v26 =	vld [tilespmem:s9+$0xFFFFFE10]  }
0x250: {  	s11 =	sadd.s32 $0x280, s11;
	v15 =	vmax.f32 v15, v22;
	(erf) = vpow2.f32 v10;
	v14 =	vpop (erf);
	v10 =	vmul.f32 v11, v16;
	v16 =	vld [tilespmem:s23+$0xFFFFFF00]  }
0x251: {  	v18 =	vmax.f32 v18, v25;
	v20 =	vmul.f32 $1.442695020e+00, v20;
	v15 =	vsub.f32 v15, v1;
	[tilespmem:s11+$0x0] =	vst v14;
	v22 =	vld [tilespmem:s23+$0xFFFFFF50]  }
0x252: {  	v27 =	vsub.f32 v18, v1;
	v25 =	vld [tilespmem:s13+$0xFFFFFFC0];
	(erf) = vpow2.f32 v17;
	[tilespmem:s8+$0xFFFFFDA0] =	vst v10;
	v10 =	vmul.f32 v13, v21  }
0x253: {  	v15 =	vmul.f32 $1.442695020e+00, v15;
	(erf) = vpow2.f32 v20;
	v20 =	vld [tilespmem:s9+$0xFFFFFDB0]  }
0x254: {  	v12 =	vmul.f32 v6, v12;
	v17 =	vmul.f32 $1.442695020e+00, v27;
	v18 =	vpop (erf);
	[tilespmem:s8+$0xFFFFFF80] =	vst v10;
	v10 =	vld [tilespmem:s23+$0xFFFFFFA0];
	s23 =	smov.u32 s9;
	s9 =	smov.u32 s13  }
0x255: {  	[tilespmem:s11+$0xFFFFFE20] =	vst v18;
	(erf) = vpow2.f32 v15;
	v15 =	vmul.f32 v7, v19;
	v19 =	vld [tilespmem:s23+$0xFFFFFF90]  }
0x256: {  	v27 =	vld [tilespmem:s13+$0xFFFFFDE0];
	(erf) = vpow2.f32 v17;
	[tilespmem:s8+$0xFFFFFE50] =	vst v12;
	v17 =	vmul.f32 v8, v23  }
0x257: {  	v21 =	vmul.f32 v9, v24;
	v12 =	vmul.f32 v14, v25;
	v23 =	vpop (erf);
	v25 =	vld [tilespmem:s23+$0xFFFFFE60];
	[tilespmem:s8+$0xFFFFFEA0] =	vst v15  }
0x258: {  	[tilespmem:s11+$0xFFFFFE70] =	vst v23;
	v15 =	vmul.f32 v11, v20;
	v20 =	vmul.f32 v26, v5;
	v24 =	vld [tilespmem:s23+$0xFFFFFEB0];
	v5 =	vmov v18  }
0x259: {  	v18 =	vmul.f32 v16, v2;
	v16 =	vmul.f32 v22, v4;
	v2 =	vmov v8;
	v26 =	vld [tilespmem:s13+$0xFFFFFE30];
	[tilespmem:s11+$0xFFFFFFC0] =	vst v12;
	v28 =	vpop (erf)  }
0x25a: {  	v4 =	vmovc v9;
	v10 =	vmul.f32 v10, v3;
	v3 =	vmov v13;
	[tilespmem:s11+$0xFFFFFEC0] =	vst v28;
	v29 =	vld [tilespmem:s13+$0xFFFFFFD0];
	v22 =	vmul.f32 v13, v19  }
0x25b: {  	v30 =	vmul.f32 v5, v27;
	v19 =	vld [tilespmem:s13+$0xFFFFFE80];
	v8 =	vpop (erf);
	[tilespmem:s8+$0xFFFFFDB0] =	vst v15  }
0x25c: {  	[tilespmem:s11+$0xFFFFFF10] =	vst v8;
	v9 =	vpop (erf);
	v27 =	vld [tilespmem:s23+$0xFFFFFDC0];
	v12 =	vmul.f32 v25, v6;
	v6 =	vmov v23  }
0x25d: {  	v23 =	vld [tilespmem:s13+$0xFFFFFED0];
	[tilespmem:s11+$0xFFFFFF60] =	vst v9;
	v15 =	vmul.f32 v24, v7;
	v7 =	vmov v28  }
0x25e: {  	[tilespmem:s11+$0xFFFFFDE0] =	vst v30;
	v24 =	vmul.f32 v6, v26;
	v25 =	vld [tilespmem:s13+$0xFFFFFF20];
	v13 =	vpop (erf)  }
0x25f: {  	v26 =	vld [tilespmem:s13+$0xFFFFFDF0];
	[tilespmem:s11+$0xFFFFFFB0] =	vst v13;
	v28 =	vmul.f32 v14, v29;
	v29 =	vpop (erf)  }
0x260: {  	[tilespmem:s11+$0xFFFFFDD0] =	vst v29;
	v30 =	vmul.f32 v7, v19;
	v31 =	vld [tilespmem:s13+$0xFFFFFF70]  }
0x261: {  	v32 =	vld [tilespmem:s13+$0xFFFFFD90];
	[tilespmem:s11+$0xFFFFFFD0] =	vst v28;
	v19 =	vmul.f32 v27, v11;
	v11 =	vmov v29  }
0x262: {  	[tilespmem:s11+$0xFFFFFE30] =	vst v24;
	v24 =	vmul.f32 v8, v23;
	v28 =	vld [tilespmem:s13+$0xFFFFFFE0]  }
.Ltmp6:
0x263: {  	v23 =	vld [tilespmem:s13+$0xFFFFFE40];
	[tilespmem:s11+$0xFFFFFE80] =	vst v30;
	v27 =	vmul.f32 v9, v25;
	(pc) =	sbr.rel @p0 .LBB2_11-.Ltmp6, $4  }
0x264: {  	v26 =	vmul.f32 v5, v26;
	v25 =	vld [tilespmem:s13+$0xFFFFFE90];
	[tilespmem:s11+$0xFFFFFED0] =	vst v24  }
0x265: {  	v24 =	vld [tilespmem:s13+$0xFFFFFEE0];
	[tilespmem:s11+$0xFFFFFF20] =	vst v27;
	v30 =	vmul.f32 v13, v31  }
0x266: {  	v29 =	vmul.f32 v11, v32;
	[tilespmem:s11+$0xFFFFFDF0] =	vst v26;
	v26 =	vld [tilespmem:s13+$0xFFFFFF30]  }
0x267: {  	s13 =	sadd.s32 $0x280, s13;
	v27 =	vld [tilespmem:s9+$0xFFFFFE00];
	[tilespmem:s11+$0xFFFFFF70] =	vst v30;
	v28 =	vmul.f32 v14, v28  }
0x268: {  	[tilespmem:s11+$0xFFFFFD90] =	vst v29  }
0x269: {  	[tilespmem:s8+$0xFFFFFEF0] =	vst v17  }
0x26a: {  	[tilespmem:s8+$0xFFFFFF40] =	vst v21  }
0x26b: {  	[tilespmem:s8+$0xFFFFFF90] =	vst v22  }
0x26c: {  	[tilespmem:s8+$0xFFFFFDC0] =	vst v19  }
0x26d: {  	[tilespmem:s8+$0xFFFFFE10] =	vst v20  }
0x26e: {  	[tilespmem:s8+$0xFFFFFE60] =	vst v12  }
0x26f: {  	[tilespmem:s8+$0xFFFFFEB0] =	vst v15  }
0x270: {  	[tilespmem:s22+$0xFFFFFF00] =	vst v18  }
0x271: {  	[tilespmem:s11+$0xFFFFFFE0] =	vst v28  }
0x272: {  	v23 =	vmul.f32 v6, v23;
	[tilespmem:s22+$0xFFFFFF50] =	vst v16;
	v37 =	vld [tilespmem:s9+$0xFFFFFFF0]  }
0x273: {  	[tilespmem:s22+$0xFFFFFFA0] =	vst v10;
	v25 =	vmul.f32 v7, v25;
	v39 =	vld [tilespmem:s9+$0xFFFFFDA0]  }
0x274: {  	v41 =	vld [tilespmem:s9+$0xFFFFFF80];
	[tilespmem:s11+$0xFFFFFE40] =	vst v23;
	v36 =	vmul.f32 v8, v24  }
0x275: {  	v53 =	vld [tilespmem:s23+$0xFFFFFF00];
	[tilespmem:s11+$0xFFFFFE90] =	vst v25;
	v38 =	vmul.f32 v9, v26  }
0x276: {  	v54 =	vld [tilespmem:s23+$0xFFFFFF50];
	v27 =	vmul.f32 v5, v27;
	[tilespmem:s11+$0xFFFFFEE0] =	vst v36  }
0x277: {  	v42 =	vld [tilespmem:s9+$0xFFFFFE50];
	[tilespmem:s11+$0xFFFFFF30] =	vst v38;
	v14 =	vmul.f32 v37, v14  }
0x278: {  	v43 =	vld [tilespmem:s9+$0xFFFFFEA0];
	[tilespmem:s11+$0xFFFFFE00] =	vst v27;
	v40 =	vmul.f32 v11, v39  }
0x279: {  	v44 =	vld [tilespmem:s9+$0xFFFFFEF0];
	[tilespmem:s11+$0xFFFFFFF0] =	vst v14;
	v14 =	vmul.f32 v13, v41  }
0x27a: {  	v45 =	vld [tilespmem:s9+$0xFFFFFF40];
	v2 =	vmul.f32 v53, v2;
	[tilespmem:s11+$0xFFFFFDA0] =	vst v40  }
0x27b: {  	v4 =	vmul.f32 v54, v4;
	v17 =	vld [tilespmem:s9+$0xFFFFFDB0];
	[tilespmem:s11+$0xFFFFFF80] =	vst v14  }
0x27c: {  	v46 =	vmul.f32 v6, v42;
	[tilespmem:s8+$0xFFFFFF00] =	vst v2;
	v47 =	vld [tilespmem:s9+$0xFFFFFF90]  }
0x27d: {  	v56 =	vld [tilespmem:s23+$0xFFFFFFA0];
	[tilespmem:s8+$0xFFFFFF50] =	vst v4;
	v12 =	vmul.f32 v7, v43  }
0x27e: {  	v49 =	vld [tilespmem:s9+$0xFFFFFE10];
	[tilespmem:s11+$0xFFFFFE50] =	vst v46;
	v50 =	vmul.f32 v8, v44  }
0x27f: {  	v51 =	vld [tilespmem:s9+$0xFFFFFE60];
	[tilespmem:s11+$0xFFFFFEA0] =	vst v12;
	v52 =	vmul.f32 v9, v45  }
0x280: {  	v12 =	vld [tilespmem:s9+$0xFFFFFEB0];
	[tilespmem:s11+$0xFFFFFEF0] =	vst v50;
	v17 =	vmul.f32 v11, v17  }
0x281: {  	[tilespmem:s11+$0xFFFFFF40] =	vst v52;
	v59 =	vld [tilespmem:s9+$0xFFFFFF00];
	v19 =	vmul.f32 v13, v47  }
0x282: {  	v3 =	vmul.f32 v56, v3;
	v61 =	vld [tilespmem:s9+$0xFFFFFF50];
	[tilespmem:s11+$0xFFFFFDB0] =	vst v17  }
0x283: {  	v57 =	vmul.f32 v49, v5;
	v48 =	vld [tilespmem:s9+$0xFFFFFDC0];
	[tilespmem:s11+$0xFFFFFF90] =	vst v19  }
0x284: {  	[tilespmem:s8+$0xFFFFFFA0] =	vst v3;
	v58 =	vmul.f32 v51, v6;
	v62 =	vld [tilespmem:s9+$0xFFFFFFA0]  }
0x285: {  	[tilespmem:s11+$0xFFFFFE10] =	vst v57;
	v60 =	vmul.f32 v12, v7  }
0x286: {  	[tilespmem:s11+$0xFFFFFE60] =	vst v58;
	v2 =	vmul.f32 v59, v8  }
0x287: {  	[tilespmem:s11+$0xFFFFFEB0] =	vst v60;
	v3 =	vmul.f32 v61, v9  }
0x288: {  	[tilespmem:s11+$0xFFFFFF00] =	vst v2;
	v55 =	vmul.f32 v48, v11  }
0x289: {  	[tilespmem:s11+$0xFFFFFF50] =	vst v3;
	v63 =	vmul.f32 v62, v13  }
0x28a: {  	[tilespmem:s11+$0xFFFFFDC0] =	vst v55  }
0x28b: {  	s8 =	simm.s32 $0x0;
	s9 =	simm.s32 $0x17570;
	[tilespmem:s11+$0xFFFFFFA0] =	vst v63  }
.LBB2_13:
0x28c: {  	s10 =	sshra.s32 s8, $0x2;
	v3 =	vld [tilespmem:s9+$0x0]  }
0x28d: {  	v2 =	vld [tilespmem:s10+$0x164D0];
	_ =	sdelay $0x4  }
0x28e: {  	v2 =	vadd.f32 v3, v2;
	_ =	sdelay $0x1  }
0x28f: {  	v3 =	vmul.f32 $2.000000030e-01, v2;
	_ =	sdelay $0x1  }
0x290: {  	v2 =	vmax.f32 v2, v3  }
0x291: {  	v2 =	vsub.f32 v2, v1;
	_ =	sdelay $0x1  }
0x292: {  	v2 =	vmul.f32 $1.442695020e+00, v2;
	_ =	sdelay $0x1  }
0x293: {  	(erf) = vpow2.f32 v2;
	_ =	sdelay $0x4  }
0x294: {  	v2 =	vld [tilespmem:s10+$0x16490]  }
0x295: {  	v3 =	vld [tilespmem:s10+$0x164A0]  }
0x296: {  	v4 =	vld [tilespmem:s10+$0x164B0]  }
0x297: {  	v6 =	vld [tilespmem:s10+$0x164C0]  }
0x298: {  	v5 =	vpop (erf)  }
0x299: {  	p0 =	sne.s32 s8, $0x500;
	v2 =	vmul.f32 v5, v2  }
.Ltmp7:
0x29a: {  	v3 =	vmul.f32 v5, v3;
	[tilespmem:s10+$0x1C290] =	vst v5;
	(pc) =	sbr.rel @p0 .LBB2_13-.Ltmp7, $4  }
0x29b: {  	[tilespmem:s10+$0x1C250] =	vst v2;
	v2 =	vmul.f32 v5, v4  }
0x29c: {  	[tilespmem:s10+$0x1C260] =	vst v3;
	v3 =	vmul.f32 v6, v5  }
0x29d: {  	[tilespmem:s10+$0x1C270] =	vst v2  }
0x29e: {  	s9 =	sadd.s32 $0x10, s9;
	s8 =	sadd.s32 $0x140, s8;
	[tilespmem:s10+$0x1C280] =	vst v3  }
.Ltmp8:
0x29f: {  	(pc) =	sbr.rel @p1 .LBB2_16-.Ltmp8, $2  }
0x2a0: {  	_ =	sdelay $0x2  }
0x2a1: {  	s0 =	sadd.s32 $0xF080, s0  }
0x2a2: {  	s8 =	sadd.s32 $0xC980, s30  }
0x2a3: {  	[tilespmem:s29], [sflag:$0x2] =	stream.indirect.gather [hbm4b:s5+s24], $0x50, s8, s24, $0xb8;
	[tilespmem:$0x1C3F0] =	vst v63  }
.Ltmp9:
0x2a4: {  	_ = 	snop;
	(pc) =	sbr.rel .LBB2_6-.Ltmp9, $4  }
0x2a5: {  	s30 =	sadd.s32 $0xF180, s30  }
0x2a6: {  	[tilespmem:s31], [sflag:$0x2] =	stream.indirect.gather [hbm4b:s6+s24], $0x10, s30, s24, $0xb8;
	[tilespmem:$0x1C3F0] =	vst v63  }
0x2a7: {  	s28 =	sadd.s32 $0x1, s28  }
0x2a8: {  	[spmem:s3] =	stream.indirect.scatter.add.f32 [tilespmem:s21], [sflag:$0x4], $0x50, s0, s24, $0xb8;
	[tilespmem:$0x1C3F0] =	vst v63  }
.LBB2_17:
0x2a9: {  	_ =	sfence.sel $0x180000  }
0x2aa: {  	[bflag:$0x0] =	sbarrier.arrive $0xFFFF  }
0x2ab: {  	_ =	strace $0x90000047  }
0x2ac: {  	s0 =	stileid.u32;
	[bflag:$0x2] =	sbarrier.arrive $0xFFFF  }
0x2ad: {  	p0 =	sne.s32 s0, $0x0;
	s0 =	rddreg [dreg:$0x3]  }
0x2ae: {  	s0 =	sadd.s32 @!p0 $0x100000, s0  }
0x2af: {  	[sflag:s0] =	ssyncadd.tile.s32 @!p0 $0x1;
	_ =	shalt  }
.Lfunc_end2:
_tile_overlayer_lowered:
.L_overlay_start_2:
0x2b0: {  	(tag) =	ssettag $0x2  }
0x2b1: {  	s0 =	rddreg [dreg:$0x0];
	s2 =	stileid.u32  }
0x2b2: {  	s1 =	rddreg [dreg:$0x1];
	p0 =	sne.s32 s2, $0x0  }
0x2b3: {  	s3 =	rddreg [dreg:$0x2];
	[bflag:$0x3] =	sbarrier.arrive $0xFFFF;
	s2 =	simm.s32 @!p0 $0x1C05  }
0x2b4: {  	[timem:s3], [sflag:s2] =	dma.local @!p0 [hbm:s0], s1  }
0x2b5: {  	s0 =	simm.s32 @!p0 $0x5  }
0x2b6: {  	_ =	swait.ge @!p0 [sflag:s0], s1  }
0x2b7: {  	s1 =	ssub.s32 @!p0 $0x0, s1;
	[sflag:s0] =	ssyncset.done @!p0 $0x0  }
0x2b8: {  	[sflag:s0] =	ssyncadd.s32 @!p0 s1  }
0x2b9: {  	[bflag:$0x3] =	sbarrier.arrive $0xFFFF  }
0x2ba: {  	_ =	shalt  }

</sc_bundles>
